<compile_context>
chip_gen: v7x
topology: tpu7x:2x2x1
jax: 0.10.2.dev20260603
libtpu: 0.0.44.dev20260713+nightly
codegen_flags: <defaults>
</compile_context>

<pallas_src>
import functools

import jax
import jax.numpy as jnp
from jax import lax
from jax.experimental import pallas as pl
from jax.experimental.pallas import tpu as pltpu
from jax.experimental.pallas import tpu_sc as plsc

NUM_USERS = 1000000
NUM_TEAMS = 1000
EMBED_DIM = 32
BATCH = 16384

_info = plsc.get_sparse_core_info()
_NC, _NS = _info.num_cores, _info.num_subcores
_NW = _NC * _NS
_BPW = BATCH // _NW

_TAIL_LO = (NUM_USERS // 128) * 128
_SZ0 = (_TAIL_LO // 128 // _NW) * 128
_SZ31 = _TAIL_LO - (_NW - 1) * _SZ0
_CW = 1024
_CSH = 10
_FH = 16
_NPASS = EMBED_DIM // _FH
_QCAP = 640
_NSTREAM = _QCAP // 128
_OUT_ROWS = BATCH + 2 * 128
_BCAP = 48
_NCH = _SZ31 // _CW
_TAILBK = _NCH

_mesh = plsc.VectorSubcoreMesh(core_axis_name="c", subcore_axis_name="s")


def _i16(x):
    return jnp.full((16,), x, dtype=jnp.int32)


@functools.partial(
    pl.kernel,
    mesh=_mesh,
    out_type=jax.ShapeDtypeStruct((_OUT_ROWS, 128), jnp.float32),
    compiler_params=pltpu.CompilerParams(needs_layout_passes=False),
    scratch_types=[
        pltpu.VMEM((8, 128), jnp.int32),
        pltpu.VMEM((8, 128), jnp.int32),
        pltpu.VMEM((_QCAP,), jnp.int32),
        pltpu.VMEM((_NSTREAM, 128), jnp.int32),
        pltpu.VMEM((_QCAP,), jnp.int32),
        pltpu.VMEM((2, _FH, _CW), jnp.float32),
        pltpu.VMEM((EMBED_DIM, 64), jnp.float32),
        pltpu.VMEM((_QCAP, 128), jnp.float32),
        pltpu.VMEM((_NCH + 1, _BCAP), jnp.int32),
        pltpu.SemaphoreType.DMA,
        pltpu.SemaphoreType.DMA,
    ],
)
def _scan_lookup(uidx_hbm, tidx_hbm, utabT_hbm, ttabT_hbm, tailT_hbm, out_hbm,
                 up_v, tp_v, qu_v, qb_v, qt_v, chunk_v, tail_v, ans_v,
                 bpack_v, sem, sem2):
    wid = lax.axis_index("s") * _NC + lax.axis_index("c")
    gbase = wid * _SZ0
    lo16 = _i16(gbase)
    hi16 = jnp.where(_i16(wid) == _i16(_NW - 1),
                     _i16(_TAIL_LO), _i16(gbase + _SZ0))
    blo16 = _i16(wid * _BPW)
    bhi16 = _i16(wid * _BPW + _BPW)
    tail16 = _i16(_TAIL_LO)
    iota = lax.iota(jnp.int32, 16)

    def init_q(s, _):
        for h in range(8):
            qb_v[s, pl.ds(h * 16, 16)] = _i16(BATCH + wid * 8) + (iota & 7)
            qu_v[pl.ds(s * 128 + h * 16, 16)] = _i16(-1)
        return 0

    lax.fori_loop(0, _NSTREAM, init_q, 0)

    def piece(p8, base16):
        def group(i, b16c):
            gr = i >> 3
            gc = i & 7
            u16 = up_v[gr, pl.ds(gc * 16, 16)]
            t16 = tp_v[gr, pl.ds(gc * 16, 16)]
            b16 = _i16(p8 * 1024) + _i16(i * 16) + iota
            m_main = (u16 >= lo16) & (u16 < hi16)
            m_tail = (u16 >= tail16) & (b16 >= blo16) & (b16 < bhi16)
            m = m_main | m_tail
            pos = b16c + plsc.cumsum(m.astype(jnp.int32)) - 1
            pos = jnp.minimum(pos, _QCAP - 2)
            plsc.store_scatter(qu_v, [pos], u16, mask=m)
            plsc.store_scatter(qt_v, [pos], t16, mask=m)
            plsc.store_scatter(qb_v, [pos >> 7, pos & 127], b16, mask=m)
            return b16c + plsc.all_reduce_population_count(m)

        pltpu.sync_copy(uidx_hbm.at[pl.ds(p8 * 8, 8)], up_v)
        pltpu.sync_copy(tidx_hbm.at[pl.ds(p8 * 8, 8)], tp_v)
        return lax.fori_loop(0, 64, group, base16)

    @pl.loop(0, 16, init_carry=_i16(0))
    def base16(p8, carry):
        return piece(p8, carry)

    def init_b(bk, _):
        for h in range(_BCAP // 16):
            bpack_v[bk, pl.ds(h * 16, 16)] = _i16((_QCAP - 1) << _CSH)
        return 0

    lax.fori_loop(0, _NCH + 1, init_b, 0)

    @pl.loop(0, _NCH)
    def _bucket(bk):
        def bkt(qg, cnt16):
            u16 = qu_v[pl.ds(qg * 16, 16)]
            rel = u16 - lo16
            m = ((rel >> _CSH) == _i16(bk)) & (u16 >= lo16) & (u16 < hi16)
            pos = jnp.minimum(cnt16 + plsc.cumsum(m.astype(jnp.int32)) - 1,
                              _BCAP - 1)
            slot = _i16(qg * 16) + iota
            plsc.store_scatter(bpack_v, [_i16(bk), pos],
                               (rel - _i16(bk * _CW)) | (slot << _CSH), mask=m)
            return cnt16 + plsc.all_reduce_population_count(m)

        lax.fori_loop(0, _QCAP // 16, bkt, _i16(0))

    def tailbkt(qg, cnt16):
        u16 = qu_v[pl.ds(qg * 16, 16)]
        m = u16 >= tail16
        pos = jnp.minimum(cnt16 + plsc.cumsum(m.astype(jnp.int32)) - 1,
                          _BCAP - 1)
        slot = _i16(qg * 16) + iota
        plsc.store_scatter(bpack_v, [_i16(_TAILBK), pos],
                           (u16 - tail16) | (slot << _CSH), mask=m)
        return cnt16 + plsc.all_reduce_population_count(m)

    lax.fori_loop(0, _QCAP // 16, tailbkt, _i16(0))

    pltpu.sync_copy(tailT_hbm, tail_v)

    def team_pass(p):
        def grp(qg, _):
            tcol = jnp.clip(qt_v[pl.ds(qg * 16, 16)], 0, _CW - 1)
            slot = _i16(qg * 16) + iota
            for f in range(_FH):
                v16 = plsc.load_gather(chunk_v, [_i16(0), _i16(f), tcol])
                plsc.store_scatter(ans_v, [slot, _i16(EMBED_DIM + p * _FH + f)], v16)
            return 0

        pltpu.sync_copy(ttabT_hbm.at[pl.ds(p * _FH, _FH)], chunk_v.at[0])
        lax.fori_loop(0, _QCAP // 16, grp, 0)

    def tail_pass():
        def grp(g, _):
            pk = bpack_v[_TAILBK, pl.ds(g * 16, 16)]
            col = pk & 63
            slot = pk >> _CSH
            for f in range(EMBED_DIM):
                v16 = plsc.load_gather(tail_v, [_i16(f), col])
                plsc.store_scatter(ans_v, [slot, _i16(f)], v16)
            return 0

        lax.fori_loop(0, _BCAP // 16, grp, 0)

    tail_pass()

    def scan_pass(p):
        def src(bk):
            return utabT_hbm.at[pl.ds(p * _FH, _FH),
                                pl.ds(gbase + bk * _CW, _CW)]

        def extract(bk, b):
            def grp(g, _):
                pk = bpack_v[bk, pl.ds(g * 16, 16)]
                col = pk & (_CW - 1)
                slot = pk >> _CSH
                for f in range(_FH):
                    v16 = plsc.load_gather(chunk_v, [_i16(b), _i16(f), col])
                    plsc.store_scatter(ans_v, [slot, _i16(p * _FH + f)], v16)
                return 0

            lax.fori_loop(0, _BCAP // 16, grp, 0)

        pltpu.async_copy(src(0), chunk_v.at[0], sem)

        @pl.loop(0, _NCH - 1, step=2)
        def _ring(k):
            pltpu.async_copy(src(k + 1), chunk_v.at[1], sem2)
            pltpu.make_async_copy(src(k), chunk_v.at[0], sem).wait()
            extract(k, 0)
            pltpu.async_copy(src(k + 2), chunk_v.at[0], sem)
            pltpu.make_async_copy(src(k + 1), chunk_v.at[1], sem2).wait()
            extract(k + 1, 1)

        pltpu.make_async_copy(src(_NCH - 1), chunk_v.at[0], sem).wait()
        extract(_NCH - 1, 0)

    for p in range(_NPASS):
        team_pass(p)
        scan_pass(p)

    copies = []
    for s in range(_NSTREAM):
        copies.append(pltpu.async_copy(
            ans_v.at[pl.ds(s * 128, 128)], out_hbm.at[qb_v.at[s]], sem))
    for c in copies:
        c.wait()


def kernel(user, favourite_team, user_table, team_table):
    u2 = user.astype(jnp.int32).reshape(128, 128)
    t2 = favourite_team.astype(jnp.int32).reshape(128, 128)
    utabT = user_table.T
    ttabT = jnp.pad(team_table.T, ((0, 0), (0, _CW - NUM_TEAMS)))
    tailT = user_table.T[:, _TAIL_LO:]
    out = _scan_lookup(u2, t2, utabT, ttabT, tailT)
    return out[:BATCH, :2 * EMBED_DIM]

# --- scband reference (transcript-rebuilt; emitter-appended) ---
"""Pipeline reference for scband-user-model-3307124818729 (READ-ONLY COPY).

The authoritative reference and input builder live on the scoring server;
editing this copy changes nothing except your own understanding.
"""

import jax, jax.numpy as jnp
import numpy as np

NUM_USERS = 1000000
NUM_TEAMS = 1000
EMBED_DIM = 32
BATCH = 16384

def setup_inputs(seed: int = 0) -> dict:
    key = jax.random.key(seed)
    k1, k2, k3, k4 = jax.random.split(key, 4)
    user = jax.random.randint(k1, (BATCH,), 0, NUM_USERS, dtype=jnp.int64) if jax.config.jax_enable_x64 else jax.random.randint(k1, (BATCH,), 0, NUM_USERS, dtype=jnp.int32)
    favourite_team = jax.random.randint(k2, (BATCH,), 0, NUM_TEAMS, dtype=jnp.int32)
    # Keras Embedding default init: uniform(-0.05, 0.05)
    user_table = jax.random.uniform(k3, (NUM_USERS, EMBED_DIM), dtype=jnp.float32, minval=-0.05, maxval=0.05)
    team_table = jax.random.uniform(k4, (NUM_TEAMS, EMBED_DIM), dtype=jnp.float32, minval=-0.05, maxval=0.05)
    return {"user": user, "favourite_team": favourite_team, "user_table": user_table, "team_table": team_table}

def reference(user, favourite_team, user_table, team_table):
    # tf.concat([user_embedding(user), team_embedding(team)], axis=1)
    u = jnp.take(user_table, user, axis=0)          # [B, 32]
    t = jnp.take(team_table, favourite_team, axis=0)  # [B, 32]
    return jnp.concatenate([u, t], axis=1)           # [B, 64]

if __name__ == "__main__":
    import jax
    _d = setup_inputs()
    print(jax.jit(kernel)(*tuple(_d.values())))

</pallas_src>

<mosaic_0001>
#map = affine_map<(d0, d1) -> (0, 0)>
module attributes {stable_mosaic.version = 14 : i64} {
  func.func @_scan_lookup(%arg0: i32, %arg1: i32, %arg2: memref<128x128xi32, #tpu.memory_space<hbm>>, %arg3: memref<128x128xi32, #tpu.memory_space<hbm>>, %arg4: memref<32x1000000xf32, #tpu.memory_space<hbm>>, %arg5: memref<32x1024xf32, #tpu.memory_space<hbm>>, %arg6: memref<32x64xf32, #tpu.memory_space<hbm>>, %arg7: memref<16640x128xf32, #tpu.memory_space<hbm>>, %arg8: memref<8x128xi32, #tpu.memory_space<vmem>>, %arg9: memref<8x128xi32, #tpu.memory_space<vmem>>, %arg10: memref<640xi32, #tpu.memory_space<vmem>>, %arg11: memref<5x128xi32, #tpu.memory_space<vmem>>, %arg12: memref<640xi32, #tpu.memory_space<vmem>>, %arg13: memref<2x16x1024xf32, #tpu.memory_space<vmem>>, %arg14: memref<32x64xf32, #tpu.memory_space<vmem>>, %arg15: memref<640x128xf32, #tpu.memory_space<vmem>>, %arg16: memref<32x48xi32, #tpu.memory_space<vmem>>, %arg17: memref<!tpu.dma_semaphore, #tpu.memory_space<semaphore_mem>>, %arg18: memref<!tpu.dma_semaphore, #tpu.memory_space<semaphore_mem>>) attributes {dimension_semantics = [#tpu.dimension_semantics<core_parallel>, #tpu.dimension_semantics<subcore_parallel>], iteration_bounds = array<i64: 2, 16>, scalar_prefetch = 0 : i64, scratch_operands = 11 : i64, tpu.core_type = #tpu.core_type<sc_vector_subcore>, window_params = [{transform_indices = #map}, {transform_indices = #map}, {transform_indices = #map}, {transform_indices = #map}, {transform_indices = #map}, {transform_indices = #map}]} {
    %mul3A = arith.constant 2 : i32
    %mul3A_0 = arith.muli %arg1, %mul3A : i32
    %add3A = arith.addi %mul3A_0, %arg0 : i32
    %mul3A_1 = arith.constant 31232 : i32
    %mul3A_2 = arith.muli %add3A, %mul3A_1 : i32
    %broadcast_in_dim3A = vector.broadcast %mul3A_2 : i32 to vector<16xi32>
    %broadcast_in_dim3A_3 = vector.broadcast %add3A : i32 to vector<16xi32>
    %broadcast_in_dim3A_4 = arith.constant 31 : i32
    %broadcast_in_dim3A_5 = vector.broadcast %broadcast_in_dim3A_4 : i32 to vector<16xi32>
    %eq3A = arith.cmpi eq, %broadcast_in_dim3A_3, %broadcast_in_dim3A_5 : vector<16xi32>
    %broadcast_in_dim3A_6 = arith.constant 999936 : i32
    %broadcast_in_dim3A_7 = vector.broadcast %broadcast_in_dim3A_6 : i32 to vector<16xi32>
    %add3A_8 = arith.constant 31232 : i32
    %add3A_9 = arith.addi %mul3A_2, %add3A_8 : i32
    %broadcast_in_dim3A_10 = vector.broadcast %add3A_9 : i32 to vector<16xi32>
    %select_n3A = arith.select %eq3A, %broadcast_in_dim3A_7, %broadcast_in_dim3A_10 : vector<16xi1>, vector<16xi32>
    %mul3A_11 = arith.constant 512 : i32
    %mul3A_12 = arith.muli %add3A, %mul3A_11 : i32
    %broadcast_in_dim3A_13 = vector.broadcast %mul3A_12 : i32 to vector<16xi32>
    %mul3A_14 = arith.constant 512 : i32
    %mul3A_15 = arith.muli %add3A, %mul3A_14 : i32
    %add3A_16 = arith.constant 512 : i32
    %add3A_17 = arith.addi %mul3A_15, %add3A_16 : i32
    %broadcast_in_dim3A_18 = vector.broadcast %add3A_17 : i32 to vector<16xi32>
    %broadcast_in_dim3A_19 = arith.constant 999936 : i32
    %broadcast_in_dim3A_20 = vector.broadcast %broadcast_in_dim3A_19 : i32 to vector<16xi32>
    %iota3A = tpu.iota {dimensions = array<i32: 0>} : vector<16xi32>
    %scan3A = arith.constant 0 : i32
    %scan3A_21 = arith.constant 0 : i32
    %scan3A_22 = arith.constant 5 : i32
    %scan3A_23 = arith.addi %scan3A_21, %scan3A_22 : i32
    %scan3A_24 = arith.constant 1 : i32
    %scan3A_25 = scf.for %scan3A_259 = %scan3A_21 to %scan3A_23 step %scan3A_24 iter_args(%scan3A_260 = %scan3A) -> (i32)  : i32 {
      %mul3A_261 = arith.constant 8 : i32
      %mul3A_262 = arith.muli %add3A, %mul3A_261 : i32
      %add3A_263 = arith.constant 16384 : i32
      %add3A_264 = arith.addi %add3A_263, %mul3A_262 : i32
      %broadcast_in_dim3A_265 = vector.broadcast %add3A_264 : i32 to vector<16xi32>
      %and3A = arith.constant 7 : i32
      %and3A_266 = vector.broadcast %and3A : i32 to vector<16xi32>
      %and3A_267 = arith.andi %iota3A, %and3A_266 : vector<16xi32>
      %add3A_268 = arith.addi %broadcast_in_dim3A_265, %and3A_267 : vector<16xi32>
      %swap3A = arith.index_cast %scan3A_259 : i32 to index
      %swap3A_269 = arith.constant 0 : index
      %swap3A_270 = tpu.vector_load %arg11[%swap3A, %swap3A_269] {strides = array<i32>} : memref<5x128xi32, #tpu.memory_space<vmem>>, vector<16xi32>,
      tpu.vector_store %arg11[%swap3A, %swap3A_269], %add3A_268 {strides = array<i32>} : memref<5x128xi32, #tpu.memory_space<vmem>>, vector<16xi32>,
      %broadcast_in_dim3A_271 = arith.constant -1 : i32
      %broadcast_in_dim3A_272 = vector.broadcast %broadcast_in_dim3A_271 : i32 to vector<16xi32>
      %mul3A_273 = arith.constant 128 : i32
      %mul3A_274 = arith.muli %scan3A_259, %mul3A_273 : i32
      %add3A_275 = arith.constant 0 : i32
      %add3A_276 = arith.addi %mul3A_274, %add3A_275 : i32
      %swap3A_277 = arith.index_cast %add3A_276 : i32 to index
      %swap3A_278 = tpu.vector_load %arg10[%swap3A_277] {strides = array<i32>} : memref<640xi32, #tpu.memory_space<vmem>>, vector<16xi32>,
      tpu.vector_store %arg10[%swap3A_277], %broadcast_in_dim3A_272 {strides = array<i32>} : memref<640xi32, #tpu.memory_space<vmem>>, vector<16xi32>,
      %mul3A_279 = arith.constant 8 : i32
      %mul3A_280 = arith.muli %add3A, %mul3A_279 : i32
      %add3A_281 = arith.constant 16384 : i32
      %add3A_282 = arith.addi %add3A_281, %mul3A_280 : i32
      %broadcast_in_dim3A_283 = vector.broadcast %add3A_282 : i32 to vector<16xi32>
      %and3A_284 = arith.constant 7 : i32
      %and3A_285 = vector.broadcast %and3A_284 : i32 to vector<16xi32>
      %and3A_286 = arith.andi %iota3A, %and3A_285 : vector<16xi32>
      %add3A_287 = arith.addi %broadcast_in_dim3A_283, %and3A_286 : vector<16xi32>
      %swap3A_288 = arith.index_cast %scan3A_259 : i32 to index
      %swap3A_289 = arith.constant 16 : index
      %swap3A_290 = tpu.vector_load %arg11[%swap3A_288, %swap3A_289] {strides = array<i32>} : memref<5x128xi32, #tpu.memory_space<vmem>>, vector<16xi32>,
      tpu.vector_store %arg11[%swap3A_288, %swap3A_289], %add3A_287 {strides = array<i32>} : memref<5x128xi32, #tpu.memory_space<vmem>>, vector<16xi32>,
      %broadcast_in_dim3A_291 = arith.constant -1 : i32
      %broadcast_in_dim3A_292 = vector.broadcast %broadcast_in_dim3A_291 : i32 to vector<16xi32>
      %mul3A_293 = arith.constant 128 : i32
      %mul3A_294 = arith.muli %scan3A_259, %mul3A_293 : i32
      %add3A_295 = arith.constant 16 : i32
      %add3A_296 = arith.addi %mul3A_294, %add3A_295 : i32
      %swap3A_297 = arith.index_cast %add3A_296 : i32 to index
      %swap3A_298 = tpu.vector_load %arg10[%swap3A_297] {strides = array<i32>} : memref<640xi32, #tpu.memory_space<vmem>>, vector<16xi32>,
      tpu.vector_store %arg10[%swap3A_297], %broadcast_in_dim3A_292 {strides = array<i32>} : memref<640xi32, #tpu.memory_space<vmem>>, vector<16xi32>,
      %mul3A_299 = arith.constant 8 : i32
      %mul3A_300 = arith.muli %add3A, %mul3A_299 : i32
      %add3A_301 = arith.constant 16384 : i32
      %add3A_302 = arith.addi %add3A_301, %mul3A_300 : i32
      %broadcast_in_dim3A_303 = vector.broadcast %add3A_302 : i32 to vector<16xi32>
      %and3A_304 = arith.constant 7 : i32
      %and3A_305 = vector.broadcast %and3A_304 : i32 to vector<16xi32>
      %and3A_306 = arith.andi %iota3A, %and3A_305 : vector<16xi32>
      %add3A_307 = arith.addi %broadcast_in_dim3A_303, %and3A_306 : vector<16xi32>
      %swap3A_308 = arith.index_cast %scan3A_259 : i32 to index
      %swap3A_309 = arith.constant 32 : index
      %swap3A_310 = tpu.vector_load %arg11[%swap3A_308, %swap3A_309] {strides = array<i32>} : memref<5x128xi32, #tpu.memory_space<vmem>>, vector<16xi32>,
      tpu.vector_store %arg11[%swap3A_308, %swap3A_309], %add3A_307 {strides = array<i32>} : memref<5x128xi32, #tpu.memory_space<vmem>>, vector<16xi32>,
      %broadcast_in_dim3A_311 = arith.constant -1 : i32
      %broadcast_in_dim3A_312 = vector.broadcast %broadcast_in_dim3A_311 : i32 to vector<16xi32>
      %mul3A_313 = arith.constant 128 : i32
      %mul3A_314 = arith.muli %scan3A_259, %mul3A_313 : i32
      %add3A_315 = arith.constant 32 : i32
      %add3A_316 = arith.addi %mul3A_314, %add3A_315 : i32
      %swap3A_317 = arith.index_cast %add3A_316 : i32 to index
      %swap3A_318 = tpu.vector_load %arg10[%swap3A_317] {strides = array<i32>} : memref<640xi32, #tpu.memory_space<vmem>>, vector<16xi32>,
      tpu.vector_store %arg10[%swap3A_317], %broadcast_in_dim3A_312 {strides = array<i32>} : memref<640xi32, #tpu.memory_space<vmem>>, vector<16xi32>,
      %mul3A_319 = arith.constant 8 : i32
      %mul3A_320 = arith.muli %add3A, %mul3A_319 : i32
      %add3A_321 = arith.constant 16384 : i32
      %add3A_322 = arith.addi %add3A_321, %mul3A_320 : i32
      %broadcast_in_dim3A_323 = vector.broadcast %add3A_322 : i32 to vector<16xi32>
      %and3A_324 = arith.constant 7 : i32
      %and3A_325 = vector.broadcast %and3A_324 : i32 to vector<16xi32>
      %and3A_326 = arith.andi %iota3A, %and3A_325 : vector<16xi32>
      %add3A_327 = arith.addi %broadcast_in_dim3A_323, %and3A_326 : vector<16xi32>
      %swap3A_328 = arith.index_cast %scan3A_259 : i32 to index
      %swap3A_329 = arith.constant 48 : index
      %swap3A_330 = tpu.vector_load %arg11[%swap3A_328, %swap3A_329] {strides = array<i32>} : memref<5x128xi32, #tpu.memory_space<vmem>>, vector<16xi32>,
      tpu.vector_store %arg11[%swap3A_328, %swap3A_329], %add3A_327 {strides = array<i32>} : memref<5x128xi32, #tpu.memory_space<vmem>>, vector<16xi32>,
      %broadcast_in_dim3A_331 = arith.constant -1 : i32
      %broadcast_in_dim3A_332 = vector.broadcast %broadcast_in_dim3A_331 : i32 to vector<16xi32>
      %mul3A_333 = arith.constant 128 : i32
      %mul3A_334 = arith.muli %scan3A_259, %mul3A_333 : i32
      %add3A_335 = arith.constant 48 : i32
      %add3A_336 = arith.addi %mul3A_334, %add3A_335 : i32
      %swap3A_337 = arith.index_cast %add3A_336 : i32 to index
      %swap3A_338 = tpu.vector_load %arg10[%swap3A_337] {strides = array<i32>} : memref<640xi32, #tpu.memory_space<vmem>>, vector<16xi32>,
      tpu.vector_store %arg10[%swap3A_337], %broadcast_in_dim3A_332 {strides = array<i32>} : memref<640xi32, #tpu.memory_space<vmem>>, vector<16xi32>,
      %mul3A_339 = arith.constant 8 : i32
      %mul3A_340 = arith.muli %add3A, %mul3A_339 : i32
      %add3A_341 = arith.constant 16384 : i32
      %add3A_342 = arith.addi %add3A_341, %mul3A_340 : i32
      %broadcast_in_dim3A_343 = vector.broadcast %add3A_342 : i32 to vector<16xi32>
      %and3A_344 = arith.constant 7 : i32
      %and3A_345 = vector.broadcast %and3A_344 : i32 to vector<16xi32>
      %and3A_346 = arith.andi %iota3A, %and3A_345 : vector<16xi32>
      %add3A_347 = arith.addi %broadcast_in_dim3A_343, %and3A_346 : vector<16xi32>
      %swap3A_348 = arith.index_cast %scan3A_259 : i32 to index
      %swap3A_349 = arith.constant 64 : index
      %swap3A_350 = tpu.vector_load %arg11[%swap3A_348, %swap3A_349] {strides = array<i32>} : memref<5x128xi32, #tpu.memory_space<vmem>>, vector<16xi32>,
      tpu.vector_store %arg11[%swap3A_348, %swap3A_349], %add3A_347 {strides = array<i32>} : memref<5x128xi32, #tpu.memory_space<vmem>>, vector<16xi32>,
      %broadcast_in_dim3A_351 = arith.constant -1 : i32
      %broadcast_in_dim3A_352 = vector.broadcast %broadcast_in_dim3A_351 : i32 to vector<16xi32>
      %mul3A_353 = arith.constant 128 : i32
      %mul3A_354 = arith.muli %scan3A_259, %mul3A_353 : i32
      %add3A_355 = arith.constant 64 : i32
      %add3A_356 = arith.addi %mul3A_354, %add3A_355 : i32
      %swap3A_357 = arith.index_cast %add3A_356 : i32 to index
      %swap3A_358 = tpu.vector_load %arg10[%swap3A_357] {strides = array<i32>} : memref<640xi32, #tpu.memory_space<vmem>>, vector<16xi32>,
      tpu.vector_store %arg10[%swap3A_357], %broadcast_in_dim3A_352 {strides = array<i32>} : memref<640xi32, #tpu.memory_space<vmem>>, vector<16xi32>,
      %mul3A_359 = arith.constant 8 : i32
      %mul3A_360 = arith.muli %add3A, %mul3A_359 : i32
      %add3A_361 = arith.constant 16384 : i32
      %add3A_362 = arith.addi %add3A_361, %mul3A_360 : i32
      %broadcast_in_dim3A_363 = vector.broadcast %add3A_362 : i32 to vector<16xi32>
      %and3A_364 = arith.constant 7 : i32
      %and3A_365 = vector.broadcast %and3A_364 : i32 to vector<16xi32>
      %and3A_366 = arith.andi %iota3A, %and3A_365 : vector<16xi32>
      %add3A_367 = arith.addi %broadcast_in_dim3A_363, %and3A_366 : vector<16xi32>
      %swap3A_368 = arith.index_cast %scan3A_259 : i32 to index
      %swap3A_369 = arith.constant 80 : index
      %swap3A_370 = tpu.vector_load %arg11[%swap3A_368, %swap3A_369] {strides = array<i32>} : memref<5x128xi32, #tpu.memory_space<vmem>>, vector<16xi32>,
      tpu.vector_store %arg11[%swap3A_368, %swap3A_369], %add3A_367 {strides = array<i32>} : memref<5x128xi32, #tpu.memory_space<vmem>>, vector<16xi32>,
      %broadcast_in_dim3A_371 = arith.constant -1 : i32
      %broadcast_in_dim3A_372 = vector.broadcast %broadcast_in_dim3A_371 : i32 to vector<16xi32>
      %mul3A_373 = arith.constant 128 : i32
      %mul3A_374 = arith.muli %scan3A_259, %mul3A_373 : i32
      %add3A_375 = arith.constant 80 : i32
      %add3A_376 = arith.addi %mul3A_374, %add3A_375 : i32
      %swap3A_377 = arith.index_cast %add3A_376 : i32 to index
      %swap3A_378 = tpu.vector_load %arg10[%swap3A_377] {strides = array<i32>} : memref<640xi32, #tpu.memory_space<vmem>>, vector<16xi32>,
      tpu.vector_store %arg10[%swap3A_377], %broadcast_in_dim3A_372 {strides = array<i32>} : memref<640xi32, #tpu.memory_space<vmem>>, vector<16xi32>,
      %mul3A_379 = arith.constant 8 : i32
      %mul3A_380 = arith.muli %add3A, %mul3A_379 : i32
      %add3A_381 = arith.constant 16384 : i32
      %add3A_382 = arith.addi %add3A_381, %mul3A_380 : i32
      %broadcast_in_dim3A_383 = vector.broadcast %add3A_382 : i32 to vector<16xi32>
      %and3A_384 = arith.constant 7 : i32
      %and3A_385 = vector.broadcast %and3A_384 : i32 to vector<16xi32>
      %and3A_386 = arith.andi %iota3A, %and3A_385 : vector<16xi32>
      %add3A_387 = arith.addi %broadcast_in_dim3A_383, %and3A_386 : vector<16xi32>
      %swap3A_388 = arith.index_cast %scan3A_259 : i32 to index
      %swap3A_389 = arith.constant 96 : index
      %swap3A_390 = tpu.vector_load %arg11[%swap3A_388, %swap3A_389] {strides = array<i32>} : memref<5x128xi32, #tpu.memory_space<vmem>>, vector<16xi32>,
      tpu.vector_store %arg11[%swap3A_388, %swap3A_389], %add3A_387 {strides = array<i32>} : memref<5x128xi32, #tpu.memory_space<vmem>>, vector<16xi32>,
      %broadcast_in_dim3A_391 = arith.constant -1 : i32
      %broadcast_in_dim3A_392 = vector.broadcast %broadcast_in_dim3A_391 : i32 to vector<16xi32>
      %mul3A_393 = arith.constant 128 : i32
      %mul3A_394 = arith.muli %scan3A_259, %mul3A_393 : i32
      %add3A_395 = arith.constant 96 : i32
      %add3A_396 = arith.addi %mul3A_394, %add3A_395 : i32
      %swap3A_397 = arith.index_cast %add3A_396 : i32 to index
      %swap3A_398 = tpu.vector_load %arg10[%swap3A_397] {strides = array<i32>} : memref<640xi32, #tpu.memory_space<vmem>>, vector<16xi32>,
      tpu.vector_store %arg10[%swap3A_397], %broadcast_in_dim3A_392 {strides = array<i32>} : memref<640xi32, #tpu.memory_space<vmem>>, vector<16xi32>,
      %mul3A_399 = arith.constant 8 : i32
      %mul3A_400 = arith.muli %add3A, %mul3A_399 : i32
      %add3A_401 = arith.constant 16384 : i32
      %add3A_402 = arith.addi %add3A_401, %mul3A_400 : i32
      %broadcast_in_dim3A_403 = vector.broadcast %add3A_402 : i32 to vector<16xi32>
      %and3A_404 = arith.constant 7 : i32
      %and3A_405 = vector.broadcast %and3A_404 : i32 to vector<16xi32>
      %and3A_406 = arith.andi %iota3A, %and3A_405 : vector<16xi32>
      %add3A_407 = arith.addi %broadcast_in_dim3A_403, %and3A_406 : vector<16xi32>
      %swap3A_408 = arith.index_cast %scan3A_259 : i32 to index
      %swap3A_409 = arith.constant 112 : index
      %swap3A_410 = tpu.vector_load %arg11[%swap3A_408, %swap3A_409] {strides = array<i32>} : memref<5x128xi32, #tpu.memory_space<vmem>>, vector<16xi32>,
      tpu.vector_store %arg11[%swap3A_408, %swap3A_409], %add3A_407 {strides = array<i32>} : memref<5x128xi32, #tpu.memory_space<vmem>>, vector<16xi32>,
      %broadcast_in_dim3A_411 = arith.constant -1 : i32
      %broadcast_in_dim3A_412 = vector.broadcast %broadcast_in_dim3A_411 : i32 to vector<16xi32>
      %mul3A_413 = arith.constant 128 : i32
      %mul3A_414 = arith.muli %scan3A_259, %mul3A_413 : i32
      %add3A_415 = arith.constant 112 : i32
      %add3A_416 = arith.addi %mul3A_414, %add3A_415 : i32
      %swap3A_417 = arith.index_cast %add3A_416 : i32 to index
      %swap3A_418 = tpu.vector_load %arg10[%swap3A_417] {strides = array<i32>} : memref<640xi32, #tpu.memory_space<vmem>>, vector<16xi32>,
      tpu.vector_store %arg10[%swap3A_417], %broadcast_in_dim3A_412 {strides = array<i32>} : memref<640xi32, #tpu.memory_space<vmem>>, vector<16xi32>,
      %scan3A_419 = arith.constant 0 : i32
      scf.yield %scan3A_419 : i32
    }
    %scan3A_26 = arith.constant 5 : i32
    %broadcast_in_dim3A_27 = arith.constant 0 : i32
    %broadcast_in_dim3A_28 = vector.broadcast %broadcast_in_dim3A_27 : i32 to vector<16xi32>
    %scan3A_29 = arith.constant 0 : i32
    %scan3A_30 = arith.constant 16 : i32
    %scan3A_31 = arith.addi %scan3A_29, %scan3A_30 : i32
    %scan3A_32 = arith.constant 1 : i32
    %scan3A_33 = scf.for %scan3A_259 = %scan3A_29 to %scan3A_31 step %scan3A_32 iter_args(%scan3A_260 = %broadcast_in_dim3A_28) -> (vector<16xi32>)  : i32 {
      %mul3A_261 = arith.constant 1 : i32
      %mul3A_262 = arith.muli %scan3A_259, %mul3A_261 : i32
      %add3A_263 = arith.constant 0 : i32
      %add3A_264 = arith.addi %add3A_263, %mul3A_262 : i32
      %mul3A_265 = arith.constant 8 : i32
      %mul3A_266 = arith.muli %add3A_264, %mul3A_265 : i32
      "tpu.region"() ({
        %run_scoped3A_275 = tpu.sem_alloc : memref<!tpu.dma_semaphore, #tpu.memory_space<semaphore_mem>>
        %dma_start3A_276 = arith.constant 0 : i32
        %dma_start3A_277 = tpu.memref_slice %arg2[%mul3A_266, %dma_start3A_276] : memref<128x128xi32, #tpu.memory_space<hbm>> -> memref<8x128xi32, #tpu.memory_space<hbm>>
        %dma_start3A_278 = arith.constant 0 : i32
        %dma_start3A_279 = tpu.memref_slice %arg2[%mul3A_266, %dma_start3A_278] : memref<128x128xi32, #tpu.memory_space<hbm>> -> memref<8x128xi32, #tpu.memory_space<hbm>>
        tpu.enqueue_dma source(%dma_start3A_279 : memref<8x128xi32, #tpu.memory_space<hbm>>) target(%arg8 : memref<8x128xi32, #tpu.memory_space<vmem>>) target_semaphore(%run_scoped3A_275 : memref<!tpu.dma_semaphore, #tpu.memory_space<semaphore_mem>>)
        %dma_wait3A_280 = arith.constant 0 : i32
        %dma_wait3A_281 = tpu.memref_slice %arg2[%mul3A_266, %dma_wait3A_280] : memref<128x128xi32, #tpu.memory_space<hbm>> -> memref<8x128xi32, #tpu.memory_space<hbm>>
        %dma_wait3A_282 = arith.constant 0 : i32
        %dma_wait3A_283 = tpu.memref_slice %arg2[%mul3A_266, %dma_wait3A_282] : memref<128x128xi32, #tpu.memory_space<hbm>> -> memref<8x128xi32, #tpu.memory_space<hbm>>
        tpu.wait_dma2 semaphore(%run_scoped3A_275 : memref<!tpu.dma_semaphore, #tpu.memory_space<semaphore_mem>>) src(%dma_wait3A_283 : memref<8x128xi32, #tpu.memory_space<hbm>>) dst(%arg8 : memref<8x128xi32, #tpu.memory_space<vmem>>)
        tpu.yield
      }) : () -> ()
      %mul3A_267 = arith.constant 8 : i32
      %mul3A_268 = arith.muli %add3A_264, %mul3A_267 : i32
      "tpu.region"() ({
        %run_scoped3A_275 = tpu.sem_alloc : memref<!tpu.dma_semaphore, #tpu.memory_space<semaphore_mem>>
        %dma_start3A_276 = arith.constant 0 : i32
        %dma_start3A_277 = tpu.memref_slice %arg3[%mul3A_268, %dma_start3A_276] : memref<128x128xi32, #tpu.memory_space<hbm>> -> memref<8x128xi32, #tpu.memory_space<hbm>>
        %dma_start3A_278 = arith.constant 0 : i32
        %dma_start3A_279 = tpu.memref_slice %arg3[%mul3A_268, %dma_start3A_278] : memref<128x128xi32, #tpu.memory_space<hbm>> -> memref<8x128xi32, #tpu.memory_space<hbm>>
        tpu.enqueue_dma source(%dma_start3A_279 : memref<8x128xi32, #tpu.memory_space<hbm>>) target(%arg9 : memref<8x128xi32, #tpu.memory_space<vmem>>) target_semaphore(%run_scoped3A_275 : memref<!tpu.dma_semaphore, #tpu.memory_space<semaphore_mem>>)
        %dma_wait3A_280 = arith.constant 0 : i32
        %dma_wait3A_281 = tpu.memref_slice %arg3[%mul3A_268, %dma_wait3A_280] : memref<128x128xi32, #tpu.memory_space<hbm>> -> memref<8x128xi32, #tpu.memory_space<hbm>>
        %dma_wait3A_282 = arith.constant 0 : i32
        %dma_wait3A_283 = tpu.memref_slice %arg3[%mul3A_268, %dma_wait3A_282] : memref<128x128xi32, #tpu.memory_space<hbm>> -> memref<8x128xi32, #tpu.memory_space<hbm>>
        tpu.wait_dma2 semaphore(%run_scoped3A_275 : memref<!tpu.dma_semaphore, #tpu.memory_space<semaphore_mem>>) src(%dma_wait3A_283 : memref<8x128xi32, #tpu.memory_space<hbm>>) dst(%arg9 : memref<8x128xi32, #tpu.memory_space<vmem>>)
        tpu.yield
      }) : () -> ()
      %scan3A_269 = arith.constant 0 : i32
      %scan3A_270 = arith.constant 64 : i32
      %scan3A_271 = arith.addi %scan3A_269, %scan3A_270 : i32
      %scan3A_272 = arith.constant 1 : i32
      %scan3A_273 = scf.for %scan3A_275 = %scan3A_269 to %scan3A_271 step %scan3A_272 iter_args(%scan3A_276 = %scan3A_260) -> (vector<16xi32>)  : i32 {
        %shift_right_arithmetic3A = arith.constant 3 : i32
        %shift_right_arithmetic3A_277 = arith.shrsi %scan3A_275, %shift_right_arithmetic3A : i32
        %and3A = arith.constant 7 : i32
        %and3A_278 = arith.andi %scan3A_275, %and3A : i32
        %mul3A_279 = arith.constant 16 : i32
        %mul3A_280 = arith.muli %and3A_278, %mul3A_279 : i32
        %get3A = arith.index_cast %shift_right_arithmetic3A_277 : i32 to index
        %get3A_281 = arith.index_cast %mul3A_280 : i32 to index
        %get3A_282 = tpu.vector_load %arg8[%get3A, %get3A_281] {strides = array<i32>} : memref<8x128xi32, #tpu.memory_space<vmem>>, vector<16xi32>,
        %mul3A_283 = arith.constant 16 : i32
        %mul3A_284 = arith.muli %and3A_278, %mul3A_283 : i32
        %get3A_285 = arith.index_cast %shift_right_arithmetic3A_277 : i32 to index
        %get3A_286 = arith.index_cast %mul3A_284 : i32 to index
        %get3A_287 = tpu.vector_load %arg9[%get3A_285, %get3A_286] {strides = array<i32>} : memref<8x128xi32, #tpu.memory_space<vmem>>, vector<16xi32>,
        %mul3A_288 = arith.constant 1024 : i32
        %mul3A_289 = arith.muli %add3A_264, %mul3A_288 : i32
        %broadcast_in_dim3A_290 = vector.broadcast %mul3A_289 : i32 to vector<16xi32>
        %mul3A_291 = arith.constant 16 : i32
        %mul3A_292 = arith.muli %scan3A_275, %mul3A_291 : i32
        %broadcast_in_dim3A_293 = vector.broadcast %mul3A_292 : i32 to vector<16xi32>
        %add3A_294 = arith.addi %broadcast_in_dim3A_290, %broadcast_in_dim3A_293 : vector<16xi32>
        %add3A_295 = arith.addi %add3A_294, %iota3A : vector<16xi32>
        %ge3A = arith.cmpi sge, %get3A_282, %broadcast_in_dim3A : vector<16xi32>
        %lt3A = arith.cmpi slt, %get3A_282, %select_n3A : vector<16xi32>
        %and3A_296 = arith.andi %ge3A, %lt3A : vector<16xi1>
        %ge3A_297 = arith.cmpi sge, %get3A_282, %broadcast_in_dim3A_20 : vector<16xi32>
        %ge3A_298 = arith.cmpi sge, %add3A_295, %broadcast_in_dim3A_13 : vector<16xi32>
        %and3A_299 = arith.andi %ge3A_297, %ge3A_298 : vector<16xi1>
        %lt3A_300 = arith.cmpi slt, %add3A_295, %broadcast_in_dim3A_18 : vector<16xi32>
        %and3A_301 = arith.andi %and3A_299, %lt3A_300 : vector<16xi1>
        %or3A = arith.ori %and3A_296, %and3A_301 : vector<16xi1>
        %convert_element_type3A = arith.extui %or3A : vector<16xi1> to vector<16xi32>
        %broadcast_in_dim3A_302 = arith.constant true
        %broadcast_in_dim3A_303 = vector.broadcast %broadcast_in_dim3A_302 : i1 to vector<16xi1>
        %masked_cumsum3A = tpu.scan <sum>, %convert_element_type3A masked %broadcast_in_dim3A_303 : vector<16xi32>, vector<16xi1> -> vector<16xi32>
        %add3A_304 = arith.addi %scan3A_276, %masked_cumsum3A : vector<16xi32>
        %sub3A = arith.constant 1 : i32
        %sub3A_305 = vector.broadcast %sub3A : i32 to vector<16xi32>
        %sub3A_306 = arith.subi %add3A_304, %sub3A_305 : vector<16xi32>
        %min3A = arith.constant 638 : i32
        %min3A_307 = vector.broadcast %min3A : i32 to vector<16xi32>
        %min3A_308 = arith.minsi %sub3A_306, %min3A_307 : vector<16xi32>
        tpu.vector_store_idx %arg10[%min3A_308], %get3A_282 masked %or3A : memref<640xi32, #tpu.memory_space<vmem>>[vector<16xi32>], vector<16xi32>, vector<16xi1>
        tpu.vector_store_idx %arg12[%min3A_308], %get3A_287 masked %or3A : memref<640xi32, #tpu.memory_space<vmem>>[vector<16xi32>], vector<16xi32>, vector<16xi1>
        %shift_right_arithmetic3A_309 = arith.constant 7 : i32
        %shift_right_arithmetic3A_310 = vector.broadcast %shift_right_arithmetic3A_309 : i32 to vector<16xi32>
        %shift_right_arithmetic3A_311 = arith.shrsi %min3A_308, %shift_right_arithmetic3A_310 : vector<16xi32>
        %and3A_312 = arith.constant 127 : i32
        %and3A_313 = vector.broadcast %and3A_312 : i32 to vector<16xi32>
        %and3A_314 = arith.andi %min3A_308, %and3A_313 : vector<16xi32>
        tpu.vector_store_idx %arg11[%shift_right_arithmetic3A_311, %and3A_314], %add3A_295 masked %or3A : memref<5x128xi32, #tpu.memory_space<vmem>>[vector<16xi32>, vector<16xi32>], vector<16xi32>, vector<16xi1>
        %all_reduce_population_count3A = tpu.all_reduce %or3A {dim = 0 : i64, kind = #tpu.reduction_kind<sum>} : vector<16xi1> -> vector<16xi32>
        %add3A_315 = arith.addi %scan3A_276, %all_reduce_population_count3A : vector<16xi32>
        scf.yield %add3A_315 : vector<16xi32>
      }
      %scan3A_274 = arith.constant 64 : i32
      scf.yield %scan3A_273 : vector<16xi32>
    }
    %scan3A_34 = arith.constant 16 : i32
    %scan3A_35 = arith.constant 0 : i32
    %scan3A_36 = arith.constant 0 : i32
    %scan3A_37 = arith.constant 32 : i32
    %scan3A_38 = arith.addi %scan3A_36, %scan3A_37 : i32
    %scan3A_39 = arith.constant 1 : i32
    %scan3A_40 = scf.for %scan3A_259 = %scan3A_36 to %scan3A_38 step %scan3A_39 iter_args(%scan3A_260 = %scan3A_35) -> (i32)  : i32 {
      %broadcast_in_dim3A_261 = arith.constant 654336 : i32
      %broadcast_in_dim3A_262 = vector.broadcast %broadcast_in_dim3A_261 : i32 to vector<16xi32>
      %swap3A = arith.index_cast %scan3A_259 : i32 to index
      %swap3A_263 = arith.constant 0 : index
      %swap3A_264 = tpu.vector_load %arg16[%swap3A, %swap3A_263] {strides = array<i32>} : memref<32x48xi32, #tpu.memory_space<vmem>>, vector<16xi32>,
      tpu.vector_store %arg16[%swap3A, %swap3A_263], %broadcast_in_dim3A_262 {strides = array<i32>} : memref<32x48xi32, #tpu.memory_space<vmem>>, vector<16xi32>,
      %broadcast_in_dim3A_265 = arith.constant 654336 : i32
      %broadcast_in_dim3A_266 = vector.broadcast %broadcast_in_dim3A_265 : i32 to vector<16xi32>
      %swap3A_267 = arith.index_cast %scan3A_259 : i32 to index
      %swap3A_268 = arith.constant 16 : index
      %swap3A_269 = tpu.vector_load %arg16[%swap3A_267, %swap3A_268] {strides = array<i32>} : memref<32x48xi32, #tpu.memory_space<vmem>>, vector<16xi32>,
      tpu.vector_store %arg16[%swap3A_267, %swap3A_268], %broadcast_in_dim3A_266 {strides = array<i32>} : memref<32x48xi32, #tpu.memory_space<vmem>>, vector<16xi32>,
      %broadcast_in_dim3A_270 = arith.constant 654336 : i32
      %broadcast_in_dim3A_271 = vector.broadcast %broadcast_in_dim3A_270 : i32 to vector<16xi32>
      %swap3A_272 = arith.index_cast %scan3A_259 : i32 to index
      %swap3A_273 = arith.constant 32 : index
      %swap3A_274 = tpu.vector_load %arg16[%swap3A_272, %swap3A_273] {strides = array<i32>} : memref<32x48xi32, #tpu.memory_space<vmem>>, vector<16xi32>,
      tpu.vector_store %arg16[%swap3A_272, %swap3A_273], %broadcast_in_dim3A_271 {strides = array<i32>} : memref<32x48xi32, #tpu.memory_space<vmem>>, vector<16xi32>,
      %scan3A_275 = arith.constant 0 : i32
      scf.yield %scan3A_275 : i32
    }
    %scan3A_41 = arith.constant 32 : i32
    %scan3A_42 = arith.constant 0 : i32
    %scan3A_43 = arith.constant 31 : i32
    %scan3A_44 = arith.addi %scan3A_42, %scan3A_43 : i32
    %scan3A_45 = arith.constant 1 : i32
    scf.for %scan3A_259 = %scan3A_42 to %scan3A_44 step %scan3A_45  : i32 {
      %mul3A_260 = arith.constant 1 : i32
      %mul3A_261 = arith.muli %scan3A_259, %mul3A_260 : i32
      %add3A_262 = arith.constant 0 : i32
      %add3A_263 = arith.addi %add3A_262, %mul3A_261 : i32
      %broadcast_in_dim3A_264 = arith.constant 0 : i32
      %broadcast_in_dim3A_265 = vector.broadcast %broadcast_in_dim3A_264 : i32 to vector<16xi32>
      %scan3A_266 = arith.constant 0 : i32
      %scan3A_267 = arith.constant 40 : i32
      %scan3A_268 = arith.addi %scan3A_266, %scan3A_267 : i32
      %scan3A_269 = arith.constant 1 : i32
      %scan3A_270 = scf.for %scan3A_272 = %scan3A_266 to %scan3A_268 step %scan3A_269 iter_args(%scan3A_273 = %broadcast_in_dim3A_265) -> (vector<16xi32>)  : i32 {
        %mul3A_274 = arith.constant 16 : i32
        %mul3A_275 = arith.muli %scan3A_272, %mul3A_274 : i32
        %get3A = arith.index_cast %mul3A_275 : i32 to index
        %get3A_276 = tpu.vector_load %arg10[%get3A] {strides = array<i32>} : memref<640xi32, #tpu.memory_space<vmem>>, vector<16xi32>,
        %sub3A = arith.subi %get3A_276, %broadcast_in_dim3A : vector<16xi32>
        %shift_right_arithmetic3A = arith.constant 10 : i32
        %shift_right_arithmetic3A_277 = vector.broadcast %shift_right_arithmetic3A : i32 to vector<16xi32>
        %shift_right_arithmetic3A_278 = arith.shrsi %sub3A, %shift_right_arithmetic3A_277 : vector<16xi32>
        %broadcast_in_dim3A_279 = vector.broadcast %add3A_263 : i32 to vector<16xi32>
        %eq3A_280 = arith.cmpi eq, %shift_right_arithmetic3A_278, %broadcast_in_dim3A_279 : vector<16xi32>
        %ge3A = arith.cmpi sge, %get3A_276, %broadcast_in_dim3A : vector<16xi32>
        %and3A = arith.andi %eq3A_280, %ge3A : vector<16xi1>
        %lt3A = arith.cmpi slt, %get3A_276, %select_n3A : vector<16xi32>
        %and3A_281 = arith.andi %and3A, %lt3A : vector<16xi1>
        %convert_element_type3A = arith.extui %and3A_281 : vector<16xi1> to vector<16xi32>
        %broadcast_in_dim3A_282 = arith.constant true
        %broadcast_in_dim3A_283 = vector.broadcast %broadcast_in_dim3A_282 : i1 to vector<16xi1>
        %masked_cumsum3A = tpu.scan <sum>, %convert_element_type3A masked %broadcast_in_dim3A_283 : vector<16xi32>, vector<16xi1> -> vector<16xi32>
        %add3A_284 = arith.addi %scan3A_273, %masked_cumsum3A : vector<16xi32>
        %sub3A_285 = arith.constant 1 : i32
        %sub3A_286 = vector.broadcast %sub3A_285 : i32 to vector<16xi32>
        %sub3A_287 = arith.subi %add3A_284, %sub3A_286 : vector<16xi32>
        %min3A = arith.constant 47 : i32
        %min3A_288 = vector.broadcast %min3A : i32 to vector<16xi32>
        %min3A_289 = arith.minsi %sub3A_287, %min3A_288 : vector<16xi32>
        %mul3A_290 = arith.constant 16 : i32
        %mul3A_291 = arith.muli %scan3A_272, %mul3A_290 : i32
        %broadcast_in_dim3A_292 = vector.broadcast %mul3A_291 : i32 to vector<16xi32>
        %add3A_293 = arith.addi %broadcast_in_dim3A_292, %iota3A : vector<16xi32>
        %broadcast_in_dim3A_294 = vector.broadcast %add3A_263 : i32 to vector<16xi32>
        %mul3A_295 = arith.constant 1024 : i32
        %mul3A_296 = arith.muli %add3A_263, %mul3A_295 : i32
        %broadcast_in_dim3A_297 = vector.broadcast %mul3A_296 : i32 to vector<16xi32>
        %sub3A_298 = arith.subi %sub3A, %broadcast_in_dim3A_297 : vector<16xi32>
        %shift_left3A = arith.constant 10 : i32
        %shift_left3A_299 = vector.broadcast %shift_left3A : i32 to vector<16xi32>
        %shift_left3A_300 = arith.shli %add3A_293, %shift_left3A_299 : vector<16xi32>
        %or3A = arith.ori %sub3A_298, %shift_left3A_300 : vector<16xi32>
        tpu.vector_store_idx %arg16[%broadcast_in_dim3A_294, %min3A_289], %or3A masked %and3A_281 : memref<32x48xi32, #tpu.memory_space<vmem>>[vector<16xi32>, vector<16xi32>], vector<16xi32>, vector<16xi1>
        %all_reduce_population_count3A = tpu.all_reduce %and3A_281 {dim = 0 : i64, kind = #tpu.reduction_kind<sum>} : vector<16xi1> -> vector<16xi32>
        %add3A_301 = arith.addi %scan3A_273, %all_reduce_population_count3A : vector<16xi32>
        scf.yield %add3A_301 : vector<16xi32>
      }
      %scan3A_271 = arith.constant 40 : i32
    }
    %scan3A_46 = arith.constant 31 : i32
    %broadcast_in_dim3A_47 = arith.constant 0 : i32
    %broadcast_in_dim3A_48 = vector.broadcast %broadcast_in_dim3A_47 : i32 to vector<16xi32>
    %scan3A_49 = arith.constant 0 : i32
    %scan3A_50 = arith.constant 40 : i32
    %scan3A_51 = arith.addi %scan3A_49, %scan3A_50 : i32
    %scan3A_52 = arith.constant 1 : i32
    %scan3A_53 = scf.for %scan3A_259 = %scan3A_49 to %scan3A_51 step %scan3A_52 iter_args(%scan3A_260 = %broadcast_in_dim3A_48) -> (vector<16xi32>)  : i32 {
      %mul3A_261 = arith.constant 16 : i32
      %mul3A_262 = arith.muli %scan3A_259, %mul3A_261 : i32
      %get3A = arith.index_cast %mul3A_262 : i32 to index
      %get3A_263 = tpu.vector_load %arg10[%get3A] {strides = array<i32>} : memref<640xi32, #tpu.memory_space<vmem>>, vector<16xi32>,
      %ge3A = arith.cmpi sge, %get3A_263, %broadcast_in_dim3A_20 : vector<16xi32>
      %convert_element_type3A = arith.extui %ge3A : vector<16xi1> to vector<16xi32>
      %broadcast_in_dim3A_264 = arith.constant true
      %broadcast_in_dim3A_265 = vector.broadcast %broadcast_in_dim3A_264 : i1 to vector<16xi1>
      %masked_cumsum3A = tpu.scan <sum>, %convert_element_type3A masked %broadcast_in_dim3A_265 : vector<16xi32>, vector<16xi1> -> vector<16xi32>
      %add3A_266 = arith.addi %scan3A_260, %masked_cumsum3A : vector<16xi32>
      %sub3A = arith.constant 1 : i32
      %sub3A_267 = vector.broadcast %sub3A : i32 to vector<16xi32>
      %sub3A_268 = arith.subi %add3A_266, %sub3A_267 : vector<16xi32>
      %min3A = arith.constant 47 : i32
      %min3A_269 = vector.broadcast %min3A : i32 to vector<16xi32>
      %min3A_270 = arith.minsi %sub3A_268, %min3A_269 : vector<16xi32>
      %mul3A_271 = arith.constant 16 : i32
      %mul3A_272 = arith.muli %scan3A_259, %mul3A_271 : i32
      %broadcast_in_dim3A_273 = vector.broadcast %mul3A_272 : i32 to vector<16xi32>
      %add3A_274 = arith.addi %broadcast_in_dim3A_273, %iota3A : vector<16xi32>
      %broadcast_in_dim3A_275 = arith.constant 31 : i32
      %broadcast_in_dim3A_276 = vector.broadcast %broadcast_in_dim3A_275 : i32 to vector<16xi32>
      %sub3A_277 = arith.subi %get3A_263, %broadcast_in_dim3A_20 : vector<16xi32>
      %shift_left3A = arith.constant 10 : i32
      %shift_left3A_278 = vector.broadcast %shift_left3A : i32 to vector<16xi32>
      %shift_left3A_279 = arith.shli %add3A_274, %shift_left3A_278 : vector<16xi32>
      %or3A = arith.ori %sub3A_277, %shift_left3A_279 : vector<16xi32>
      tpu.vector_store_idx %arg16[%broadcast_in_dim3A_276, %min3A_270], %or3A masked %ge3A : memref<32x48xi32, #tpu.memory_space<vmem>>[vector<16xi32>, vector<16xi32>], vector<16xi32>, vector<16xi1>
      %all_reduce_population_count3A = tpu.all_reduce %ge3A {dim = 0 : i64, kind = #tpu.reduction_kind<sum>} : vector<16xi1> -> vector<16xi32>
      %add3A_280 = arith.addi %scan3A_260, %all_reduce_population_count3A : vector<16xi32>
      scf.yield %add3A_280 : vector<16xi32>
    }
    %scan3A_54 = arith.constant 40 : i32
    "tpu.region"() ({
      %run_scoped3A_259 = tpu.sem_alloc : memref<!tpu.dma_semaphore, #tpu.memory_space<semaphore_mem>>
      tpu.enqueue_dma source(%arg6 : memref<32x64xf32, #tpu.memory_space<hbm>>) target(%arg14 : memref<32x64xf32, #tpu.memory_space<vmem>>) target_semaphore(%run_scoped3A_259 : memref<!tpu.dma_semaphore, #tpu.memory_space<semaphore_mem>>)
      tpu.wait_dma2 semaphore(%run_scoped3A_259 : memref<!tpu.dma_semaphore, #tpu.memory_space<semaphore_mem>>) src(%arg6 : memref<32x64xf32, #tpu.memory_space<hbm>>) dst(%arg14 : memref<32x64xf32, #tpu.memory_space<vmem>>)
      tpu.yield
    }) : () -> ()
    %scan3A_55 = arith.constant 0 : i32
    %scan3A_56 = arith.constant 0 : i32
    %scan3A_57 = arith.constant 3 : i32
    %scan3A_58 = arith.addi %scan3A_56, %scan3A_57 : i32
    %scan3A_59 = arith.constant 1 : i32
    %scan3A_60 = scf.for %scan3A_259 = %scan3A_56 to %scan3A_58 step %scan3A_59 iter_args(%scan3A_260 = %scan3A_55) -> (i32)  : i32 {
      %mul3A_261 = arith.constant 16 : i32
      %mul3A_262 = arith.muli %scan3A_259, %mul3A_261 : i32
      %get3A = arith.constant 31 : i32
      %get3A_263 = arith.index_cast %get3A : i32 to index
      %get3A_264 = arith.index_cast %mul3A_262 : i32 to index
      %get3A_265 = tpu.vector_load %arg16[%get3A_263, %get3A_264] {strides = array<i32>} : memref<32x48xi32, #tpu.memory_space<vmem>>, vector<16xi32>,
      %and3A = arith.constant 63 : i32
      %and3A_266 = vector.broadcast %and3A : i32 to vector<16xi32>
      %and3A_267 = arith.andi %get3A_265, %and3A_266 : vector<16xi32>
      %shift_right_arithmetic3A = arith.constant 10 : i32
      %shift_right_arithmetic3A_268 = vector.broadcast %shift_right_arithmetic3A : i32 to vector<16xi32>
      %shift_right_arithmetic3A_269 = arith.shrsi %get3A_265, %shift_right_arithmetic3A_268 : vector<16xi32>
      %broadcast_in_dim3A_270 = arith.constant 0 : i32
      %broadcast_in_dim3A_271 = vector.broadcast %broadcast_in_dim3A_270 : i32 to vector<16xi32>
      %gather3A = tpu.vector_load_idx %arg14[%broadcast_in_dim3A_271, %and3A_267] : memref<32x64xf32, #tpu.memory_space<vmem>>[vector<16xi32>, vector<16xi32>], vector<16xf32>,
      %broadcast_in_dim3A_272 = arith.constant 0 : i32
      %broadcast_in_dim3A_273 = vector.broadcast %broadcast_in_dim3A_272 : i32 to vector<16xi32>
      tpu.vector_store_idx %arg15[%shift_right_arithmetic3A_269, %broadcast_in_dim3A_273], %gather3A : memref<640x128xf32, #tpu.memory_space<vmem>>[vector<16xi32>, vector<16xi32>], vector<16xf32>,
      %broadcast_in_dim3A_274 = arith.constant 1 : i32
      %broadcast_in_dim3A_275 = vector.broadcast %broadcast_in_dim3A_274 : i32 to vector<16xi32>
      %gather3A_276 = tpu.vector_load_idx %arg14[%broadcast_in_dim3A_275, %and3A_267] : memref<32x64xf32, #tpu.memory_space<vmem>>[vector<16xi32>, vector<16xi32>], vector<16xf32>,
      %broadcast_in_dim3A_277 = arith.constant 1 : i32
      %broadcast_in_dim3A_278 = vector.broadcast %broadcast_in_dim3A_277 : i32 to vector<16xi32>
      tpu.vector_store_idx %arg15[%shift_right_arithmetic3A_269, %broadcast_in_dim3A_278], %gather3A_276 : memref<640x128xf32, #tpu.memory_space<vmem>>[vector<16xi32>, vector<16xi32>], vector<16xf32>,
      %broadcast_in_dim3A_279 = arith.constant 2 : i32
      %broadcast_in_dim3A_280 = vector.broadcast %broadcast_in_dim3A_279 : i32 to vector<16xi32>
      %gather3A_281 = tpu.vector_load_idx %arg14[%broadcast_in_dim3A_280, %and3A_267] : memref<32x64xf32, #tpu.memory_space<vmem>>[vector<16xi32>, vector<16xi32>], vector<16xf32>,
      %broadcast_in_dim3A_282 = arith.constant 2 : i32
      %broadcast_in_dim3A_283 = vector.broadcast %broadcast_in_dim3A_282 : i32 to vector<16xi32>
      tpu.vector_store_idx %arg15[%shift_right_arithmetic3A_269, %broadcast_in_dim3A_283], %gather3A_281 : memref<640x128xf32, #tpu.memory_space<vmem>>[vector<16xi32>, vector<16xi32>], vector<16xf32>,
      %broadcast_in_dim3A_284 = arith.constant 3 : i32
      %broadcast_in_dim3A_285 = vector.broadcast %broadcast_in_dim3A_284 : i32 to vector<16xi32>
      %gather3A_286 = tpu.vector_load_idx %arg14[%broadcast_in_dim3A_285, %and3A_267] : memref<32x64xf32, #tpu.memory_space<vmem>>[vector<16xi32>, vector<16xi32>], vector<16xf32>,
      %broadcast_in_dim3A_287 = arith.constant 3 : i32
      %broadcast_in_dim3A_288 = vector.broadcast %broadcast_in_dim3A_287 : i32 to vector<16xi32>
      tpu.vector_store_idx %arg15[%shift_right_arithmetic3A_269, %broadcast_in_dim3A_288], %gather3A_286 : memref<640x128xf32, #tpu.memory_space<vmem>>[vector<16xi32>, vector<16xi32>], vector<16xf32>,
      %broadcast_in_dim3A_289 = arith.constant 4 : i32
      %broadcast_in_dim3A_290 = vector.broadcast %broadcast_in_dim3A_289 : i32 to vector<16xi32>
      %gather3A_291 = tpu.vector_load_idx %arg14[%broadcast_in_dim3A_290, %and3A_267] : memref<32x64xf32, #tpu.memory_space<vmem>>[vector<16xi32>, vector<16xi32>], vector<16xf32>,
      %broadcast_in_dim3A_292 = arith.constant 4 : i32
      %broadcast_in_dim3A_293 = vector.broadcast %broadcast_in_dim3A_292 : i32 to vector<16xi32>
      tpu.vector_store_idx %arg15[%shift_right_arithmetic3A_269, %broadcast_in_dim3A_293], %gather3A_291 : memref<640x128xf32, #tpu.memory_space<vmem>>[vector<16xi32>, vector<16xi32>], vector<16xf32>,
      %broadcast_in_dim3A_294 = arith.constant 5 : i32
      %broadcast_in_dim3A_295 = vector.broadcast %broadcast_in_dim3A_294 : i32 to vector<16xi32>
      %gather3A_296 = tpu.vector_load_idx %arg14[%broadcast_in_dim3A_295, %and3A_267] : memref<32x64xf32, #tpu.memory_space<vmem>>[vector<16xi32>, vector<16xi32>], vector<16xf32>,
      %broadcast_in_dim3A_297 = arith.constant 5 : i32
      %broadcast_in_dim3A_298 = vector.broadcast %broadcast_in_dim3A_297 : i32 to vector<16xi32>
      tpu.vector_store_idx %arg15[%shift_right_arithmetic3A_269, %broadcast_in_dim3A_298], %gather3A_296 : memref<640x128xf32, #tpu.memory_space<vmem>>[vector<16xi32>, vector<16xi32>], vector<16xf32>,
      %broadcast_in_dim3A_299 = arith.constant 6 : i32
      %broadcast_in_dim3A_300 = vector.broadcast %broadcast_in_dim3A_299 : i32 to vector<16xi32>
      %gather3A_301 = tpu.vector_load_idx %arg14[%broadcast_in_dim3A_300, %and3A_267] : memref<32x64xf32, #tpu.memory_space<vmem>>[vector<16xi32>, vector<16xi32>], vector<16xf32>,
      %broadcast_in_dim3A_302 = arith.constant 6 : i32
      %broadcast_in_dim3A_303 = vector.broadcast %broadcast_in_dim3A_302 : i32 to vector<16xi32>
      tpu.vector_store_idx %arg15[%shift_right_arithmetic3A_269, %broadcast_in_dim3A_303], %gather3A_301 : memref<640x128xf32, #tpu.memory_space<vmem>>[vector<16xi32>, vector<16xi32>], vector<16xf32>,
      %broadcast_in_dim3A_304 = arith.constant 7 : i32
      %broadcast_in_dim3A_305 = vector.broadcast %broadcast_in_dim3A_304 : i32 to vector<16xi32>
      %gather3A_306 = tpu.vector_load_idx %arg14[%broadcast_in_dim3A_305, %and3A_267] : memref<32x64xf32, #tpu.memory_space<vmem>>[vector<16xi32>, vector<16xi32>], vector<16xf32>,
      %broadcast_in_dim3A_307 = arith.constant 7 : i32
      %broadcast_in_dim3A_308 = vector.broadcast %broadcast_in_dim3A_307 : i32 to vector<16xi32>
      tpu.vector_store_idx %arg15[%shift_right_arithmetic3A_269, %broadcast_in_dim3A_308], %gather3A_306 : memref<640x128xf32, #tpu.memory_space<vmem>>[vector<16xi32>, vector<16xi32>], vector<16xf32>,
      %broadcast_in_dim3A_309 = arith.constant 8 : i32
      %broadcast_in_dim3A_310 = vector.broadcast %broadcast_in_dim3A_309 : i32 to vector<16xi32>
      %gather3A_311 = tpu.vector_load_idx %arg14[%broadcast_in_dim3A_310, %and3A_267] : memref<32x64xf32, #tpu.memory_space<vmem>>[vector<16xi32>, vector<16xi32>], vector<16xf32>,
      %broadcast_in_dim3A_312 = arith.constant 8 : i32
      %broadcast_in_dim3A_313 = vector.broadcast %broadcast_in_dim3A_312 : i32 to vector<16xi32>
      tpu.vector_store_idx %arg15[%shift_right_arithmetic3A_269, %broadcast_in_dim3A_313], %gather3A_311 : memref<640x128xf32, #tpu.memory_space<vmem>>[vector<16xi32>, vector<16xi32>], vector<16xf32>,
      %broadcast_in_dim3A_314 = arith.constant 9 : i32
      %broadcast_in_dim3A_315 = vector.broadcast %broadcast_in_dim3A_314 : i32 to vector<16xi32>
      %gather3A_316 = tpu.vector_load_idx %arg14[%broadcast_in_dim3A_315, %and3A_267] : memref<32x64xf32, #tpu.memory_space<vmem>>[vector<16xi32>, vector<16xi32>], vector<16xf32>,
      %broadcast_in_dim3A_317 = arith.constant 9 : i32
      %broadcast_in_dim3A_318 = vector.broadcast %broadcast_in_dim3A_317 : i32 to vector<16xi32>
      tpu.vector_store_idx %arg15[%shift_right_arithmetic3A_269, %broadcast_in_dim3A_318], %gather3A_316 : memref<640x128xf32, #tpu.memory_space<vmem>>[vector<16xi32>, vector<16xi32>], vector<16xf32>,
      %broadcast_in_dim3A_319 = arith.constant 10 : i32
      %broadcast_in_dim3A_320 = vector.broadcast %broadcast_in_dim3A_319 : i32 to vector<16xi32>
      %gather3A_321 = tpu.vector_load_idx %arg14[%broadcast_in_dim3A_320, %and3A_267] : memref<32x64xf32, #tpu.memory_space<vmem>>[vector<16xi32>, vector<16xi32>], vector<16xf32>,
      %broadcast_in_dim3A_322 = arith.constant 10 : i32
      %broadcast_in_dim3A_323 = vector.broadcast %broadcast_in_dim3A_322 : i32 to vector<16xi32>
      tpu.vector_store_idx %arg15[%shift_right_arithmetic3A_269, %broadcast_in_dim3A_323], %gather3A_321 : memref<640x128xf32, #tpu.memory_space<vmem>>[vector<16xi32>, vector<16xi32>], vector<16xf32>,
      %broadcast_in_dim3A_324 = arith.constant 11 : i32
      %broadcast_in_dim3A_325 = vector.broadcast %broadcast_in_dim3A_324 : i32 to vector<16xi32>
      %gather3A_326 = tpu.vector_load_idx %arg14[%broadcast_in_dim3A_325, %and3A_267] : memref<32x64xf32, #tpu.memory_space<vmem>>[vector<16xi32>, vector<16xi32>], vector<16xf32>,
      %broadcast_in_dim3A_327 = arith.constant 11 : i32
      %broadcast_in_dim3A_328 = vector.broadcast %broadcast_in_dim3A_327 : i32 to vector<16xi32>
      tpu.vector_store_idx %arg15[%shift_right_arithmetic3A_269, %broadcast_in_dim3A_328], %gather3A_326 : memref<640x128xf32, #tpu.memory_space<vmem>>[vector<16xi32>, vector<16xi32>], vector<16xf32>,
      %broadcast_in_dim3A_329 = arith.constant 12 : i32
      %broadcast_in_dim3A_330 = vector.broadcast %broadcast_in_dim3A_329 : i32 to vector<16xi32>
      %gather3A_331 = tpu.vector_load_idx %arg14[%broadcast_in_dim3A_330, %and3A_267] : memref<32x64xf32, #tpu.memory_space<vmem>>[vector<16xi32>, vector<16xi32>], vector<16xf32>,
      %broadcast_in_dim3A_332 = arith.constant 12 : i32
      %broadcast_in_dim3A_333 = vector.broadcast %broadcast_in_dim3A_332 : i32 to vector<16xi32>
      tpu.vector_store_idx %arg15[%shift_right_arithmetic3A_269, %broadcast_in_dim3A_333], %gather3A_331 : memref<640x128xf32, #tpu.memory_space<vmem>>[vector<16xi32>, vector<16xi32>], vector<16xf32>,
      %broadcast_in_dim3A_334 = arith.constant 13 : i32
      %broadcast_in_dim3A_335 = vector.broadcast %broadcast_in_dim3A_334 : i32 to vector<16xi32>
      %gather3A_336 = tpu.vector_load_idx %arg14[%broadcast_in_dim3A_335, %and3A_267] : memref<32x64xf32, #tpu.memory_space<vmem>>[vector<16xi32>, vector<16xi32>], vector<16xf32>,
      %broadcast_in_dim3A_337 = arith.constant 13 : i32
      %broadcast_in_dim3A_338 = vector.broadcast %broadcast_in_dim3A_337 : i32 to vector<16xi32>
      tpu.vector_store_idx %arg15[%shift_right_arithmetic3A_269, %broadcast_in_dim3A_338], %gather3A_336 : memref<640x128xf32, #tpu.memory_space<vmem>>[vector<16xi32>, vector<16xi32>], vector<16xf32>,
      %broadcast_in_dim3A_339 = arith.constant 14 : i32
      %broadcast_in_dim3A_340 = vector.broadcast %broadcast_in_dim3A_339 : i32 to vector<16xi32>
      %gather3A_341 = tpu.vector_load_idx %arg14[%broadcast_in_dim3A_340, %and3A_267] : memref<32x64xf32, #tpu.memory_space<vmem>>[vector<16xi32>, vector<16xi32>], vector<16xf32>,
      %broadcast_in_dim3A_342 = arith.constant 14 : i32
      %broadcast_in_dim3A_343 = vector.broadcast %broadcast_in_dim3A_342 : i32 to vector<16xi32>
      tpu.vector_store_idx %arg15[%shift_right_arithmetic3A_269, %broadcast_in_dim3A_343], %gather3A_341 : memref<640x128xf32, #tpu.memory_space<vmem>>[vector<16xi32>, vector<16xi32>], vector<16xf32>,
      %broadcast_in_dim3A_344 = arith.constant 15 : i32
      %broadcast_in_dim3A_345 = vector.broadcast %broadcast_in_dim3A_344 : i32 to vector<16xi32>
      %gather3A_346 = tpu.vector_load_idx %arg14[%broadcast_in_dim3A_345, %and3A_267] : memref<32x64xf32, #tpu.memory_space<vmem>>[vector<16xi32>, vector<16xi32>], vector<16xf32>,
      %broadcast_in_dim3A_347 = arith.constant 15 : i32
      %broadcast_in_dim3A_348 = vector.broadcast %broadcast_in_dim3A_347 : i32 to vector<16xi32>
      tpu.vector_store_idx %arg15[%shift_right_arithmetic3A_269, %broadcast_in_dim3A_348], %gather3A_346 : memref<640x128xf32, #tpu.memory_space<vmem>>[vector<16xi32>, vector<16xi32>], vector<16xf32>,
      %broadcast_in_dim3A_349 = arith.constant 16 : i32
      %broadcast_in_dim3A_350 = vector.broadcast %broadcast_in_dim3A_349 : i32 to vector<16xi32>
      %gather3A_351 = tpu.vector_load_idx %arg14[%broadcast_in_dim3A_350, %and3A_267] : memref<32x64xf32, #tpu.memory_space<vmem>>[vector<16xi32>, vector<16xi32>], vector<16xf32>,
      %broadcast_in_dim3A_352 = arith.constant 16 : i32
      %broadcast_in_dim3A_353 = vector.broadcast %broadcast_in_dim3A_352 : i32 to vector<16xi32>
      tpu.vector_store_idx %arg15[%shift_right_arithmetic3A_269, %broadcast_in_dim3A_353], %gather3A_351 : memref<640x128xf32, #tpu.memory_space<vmem>>[vector<16xi32>, vector<16xi32>], vector<16xf32>,
      %broadcast_in_dim3A_354 = arith.constant 17 : i32
      %broadcast_in_dim3A_355 = vector.broadcast %broadcast_in_dim3A_354 : i32 to vector<16xi32>
      %gather3A_356 = tpu.vector_load_idx %arg14[%broadcast_in_dim3A_355, %and3A_267] : memref<32x64xf32, #tpu.memory_space<vmem>>[vector<16xi32>, vector<16xi32>], vector<16xf32>,
      %broadcast_in_dim3A_357 = arith.constant 17 : i32
      %broadcast_in_dim3A_358 = vector.broadcast %broadcast_in_dim3A_357 : i32 to vector<16xi32>
      tpu.vector_store_idx %arg15[%shift_right_arithmetic3A_269, %broadcast_in_dim3A_358], %gather3A_356 : memref<640x128xf32, #tpu.memory_space<vmem>>[vector<16xi32>, vector<16xi32>], vector<16xf32>,
      %broadcast_in_dim3A_359 = arith.constant 18 : i32
      %broadcast_in_dim3A_360 = vector.broadcast %broadcast_in_dim3A_359 : i32 to vector<16xi32>
      %gather3A_361 = tpu.vector_load_idx %arg14[%broadcast_in_dim3A_360, %and3A_267] : memref<32x64xf32, #tpu.memory_space<vmem>>[vector<16xi32>, vector<16xi32>], vector<16xf32>,
      %broadcast_in_dim3A_362 = arith.constant 18 : i32
      %broadcast_in_dim3A_363 = vector.broadcast %broadcast_in_dim3A_362 : i32 to vector<16xi32>
      tpu.vector_store_idx %arg15[%shift_right_arithmetic3A_269, %broadcast_in_dim3A_363], %gather3A_361 : memref<640x128xf32, #tpu.memory_space<vmem>>[vector<16xi32>, vector<16xi32>], vector<16xf32>,
      %broadcast_in_dim3A_364 = arith.constant 19 : i32
      %broadcast_in_dim3A_365 = vector.broadcast %broadcast_in_dim3A_364 : i32 to vector<16xi32>
      %gather3A_366 = tpu.vector_load_idx %arg14[%broadcast_in_dim3A_365, %and3A_267] : memref<32x64xf32, #tpu.memory_space<vmem>>[vector<16xi32>, vector<16xi32>], vector<16xf32>,
      %broadcast_in_dim3A_367 = arith.constant 19 : i32
      %broadcast_in_dim3A_368 = vector.broadcast %broadcast_in_dim3A_367 : i32 to vector<16xi32>
      tpu.vector_store_idx %arg15[%shift_right_arithmetic3A_269, %broadcast_in_dim3A_368], %gather3A_366 : memref<640x128xf32, #tpu.memory_space<vmem>>[vector<16xi32>, vector<16xi32>], vector<16xf32>,
      %broadcast_in_dim3A_369 = arith.constant 20 : i32
      %broadcast_in_dim3A_370 = vector.broadcast %broadcast_in_dim3A_369 : i32 to vector<16xi32>
      %gather3A_371 = tpu.vector_load_idx %arg14[%broadcast_in_dim3A_370, %and3A_267] : memref<32x64xf32, #tpu.memory_space<vmem>>[vector<16xi32>, vector<16xi32>], vector<16xf32>,
      %broadcast_in_dim3A_372 = arith.constant 20 : i32
      %broadcast_in_dim3A_373 = vector.broadcast %broadcast_in_dim3A_372 : i32 to vector<16xi32>
      tpu.vector_store_idx %arg15[%shift_right_arithmetic3A_269, %broadcast_in_dim3A_373], %gather3A_371 : memref<640x128xf32, #tpu.memory_space<vmem>>[vector<16xi32>, vector<16xi32>], vector<16xf32>,
      %broadcast_in_dim3A_374 = arith.constant 21 : i32
      %broadcast_in_dim3A_375 = vector.broadcast %broadcast_in_dim3A_374 : i32 to vector<16xi32>
      %gather3A_376 = tpu.vector_load_idx %arg14[%broadcast_in_dim3A_375, %and3A_267] : memref<32x64xf32, #tpu.memory_space<vmem>>[vector<16xi32>, vector<16xi32>], vector<16xf32>,
      %broadcast_in_dim3A_377 = arith.constant 21 : i32
      %broadcast_in_dim3A_378 = vector.broadcast %broadcast_in_dim3A_377 : i32 to vector<16xi32>
      tpu.vector_store_idx %arg15[%shift_right_arithmetic3A_269, %broadcast_in_dim3A_378], %gather3A_376 : memref<640x128xf32, #tpu.memory_space<vmem>>[vector<16xi32>, vector<16xi32>], vector<16xf32>,
      %broadcast_in_dim3A_379 = arith.constant 22 : i32
      %broadcast_in_dim3A_380 = vector.broadcast %broadcast_in_dim3A_379 : i32 to vector<16xi32>
      %gather3A_381 = tpu.vector_load_idx %arg14[%broadcast_in_dim3A_380, %and3A_267] : memref<32x64xf32, #tpu.memory_space<vmem>>[vector<16xi32>, vector<16xi32>], vector<16xf32>,
      %broadcast_in_dim3A_382 = arith.constant 22 : i32
      %broadcast_in_dim3A_383 = vector.broadcast %broadcast_in_dim3A_382 : i32 to vector<16xi32>
      tpu.vector_store_idx %arg15[%shift_right_arithmetic3A_269, %broadcast_in_dim3A_383], %gather3A_381 : memref<640x128xf32, #tpu.memory_space<vmem>>[vector<16xi32>, vector<16xi32>], vector<16xf32>,
      %broadcast_in_dim3A_384 = arith.constant 23 : i32
      %broadcast_in_dim3A_385 = vector.broadcast %broadcast_in_dim3A_384 : i32 to vector<16xi32>
      %gather3A_386 = tpu.vector_load_idx %arg14[%broadcast_in_dim3A_385, %and3A_267] : memref<32x64xf32, #tpu.memory_space<vmem>>[vector<16xi32>, vector<16xi32>], vector<16xf32>,
      %broadcast_in_dim3A_387 = arith.constant 23 : i32
      %broadcast_in_dim3A_388 = vector.broadcast %broadcast_in_dim3A_387 : i32 to vector<16xi32>
      tpu.vector_store_idx %arg15[%shift_right_arithmetic3A_269, %broadcast_in_dim3A_388], %gather3A_386 : memref<640x128xf32, #tpu.memory_space<vmem>>[vector<16xi32>, vector<16xi32>], vector<16xf32>,
      %broadcast_in_dim3A_389 = arith.constant 24 : i32
      %broadcast_in_dim3A_390 = vector.broadcast %broadcast_in_dim3A_389 : i32 to vector<16xi32>
      %gather3A_391 = tpu.vector_load_idx %arg14[%broadcast_in_dim3A_390, %and3A_267] : memref<32x64xf32, #tpu.memory_space<vmem>>[vector<16xi32>, vector<16xi32>], vector<16xf32>,
      %broadcast_in_dim3A_392 = arith.constant 24 : i32
      %broadcast_in_dim3A_393 = vector.broadcast %broadcast_in_dim3A_392 : i32 to vector<16xi32>
      tpu.vector_store_idx %arg15[%shift_right_arithmetic3A_269, %broadcast_in_dim3A_393], %gather3A_391 : memref<640x128xf32, #tpu.memory_space<vmem>>[vector<16xi32>, vector<16xi32>], vector<16xf32>,
      %broadcast_in_dim3A_394 = arith.constant 25 : i32
      %broadcast_in_dim3A_395 = vector.broadcast %broadcast_in_dim3A_394 : i32 to vector<16xi32>
      %gather3A_396 = tpu.vector_load_idx %arg14[%broadcast_in_dim3A_395, %and3A_267] : memref<32x64xf32, #tpu.memory_space<vmem>>[vector<16xi32>, vector<16xi32>], vector<16xf32>,
      %broadcast_in_dim3A_397 = arith.constant 25 : i32
      %broadcast_in_dim3A_398 = vector.broadcast %broadcast_in_dim3A_397 : i32 to vector<16xi32>
      tpu.vector_store_idx %arg15[%shift_right_arithmetic3A_269, %broadcast_in_dim3A_398], %gather3A_396 : memref<640x128xf32, #tpu.memory_space<vmem>>[vector<16xi32>, vector<16xi32>], vector<16xf32>,
      %broadcast_in_dim3A_399 = arith.constant 26 : i32
      %broadcast_in_dim3A_400 = vector.broadcast %broadcast_in_dim3A_399 : i32 to vector<16xi32>
      %gather3A_401 = tpu.vector_load_idx %arg14[%broadcast_in_dim3A_400, %and3A_267] : memref<32x64xf32, #tpu.memory_space<vmem>>[vector<16xi32>, vector<16xi32>], vector<16xf32>,
      %broadcast_in_dim3A_402 = arith.constant 26 : i32
      %broadcast_in_dim3A_403 = vector.broadcast %broadcast_in_dim3A_402 : i32 to vector<16xi32>
      tpu.vector_store_idx %arg15[%shift_right_arithmetic3A_269, %broadcast_in_dim3A_403], %gather3A_401 : memref<640x128xf32, #tpu.memory_space<vmem>>[vector<16xi32>, vector<16xi32>], vector<16xf32>,
      %broadcast_in_dim3A_404 = arith.constant 27 : i32
      %broadcast_in_dim3A_405 = vector.broadcast %broadcast_in_dim3A_404 : i32 to vector<16xi32>
      %gather3A_406 = tpu.vector_load_idx %arg14[%broadcast_in_dim3A_405, %and3A_267] : memref<32x64xf32, #tpu.memory_space<vmem>>[vector<16xi32>, vector<16xi32>], vector<16xf32>,
      %broadcast_in_dim3A_407 = arith.constant 27 : i32
      %broadcast_in_dim3A_408 = vector.broadcast %broadcast_in_dim3A_407 : i32 to vector<16xi32>
      tpu.vector_store_idx %arg15[%shift_right_arithmetic3A_269, %broadcast_in_dim3A_408], %gather3A_406 : memref<640x128xf32, #tpu.memory_space<vmem>>[vector<16xi32>, vector<16xi32>], vector<16xf32>,
      %broadcast_in_dim3A_409 = arith.constant 28 : i32
      %broadcast_in_dim3A_410 = vector.broadcast %broadcast_in_dim3A_409 : i32 to vector<16xi32>
      %gather3A_411 = tpu.vector_load_idx %arg14[%broadcast_in_dim3A_410, %and3A_267] : memref<32x64xf32, #tpu.memory_space<vmem>>[vector<16xi32>, vector<16xi32>], vector<16xf32>,
      %broadcast_in_dim3A_412 = arith.constant 28 : i32
      %broadcast_in_dim3A_413 = vector.broadcast %broadcast_in_dim3A_412 : i32 to vector<16xi32>
      tpu.vector_store_idx %arg15[%shift_right_arithmetic3A_269, %broadcast_in_dim3A_413], %gather3A_411 : memref<640x128xf32, #tpu.memory_space<vmem>>[vector<16xi32>, vector<16xi32>], vector<16xf32>,
      %broadcast_in_dim3A_414 = arith.constant 29 : i32
      %broadcast_in_dim3A_415 = vector.broadcast %broadcast_in_dim3A_414 : i32 to vector<16xi32>
      %gather3A_416 = tpu.vector_load_idx %arg14[%broadcast_in_dim3A_415, %and3A_267] : memref<32x64xf32, #tpu.memory_space<vmem>>[vector<16xi32>, vector<16xi32>], vector<16xf32>,
      %broadcast_in_dim3A_417 = arith.constant 29 : i32
      %broadcast_in_dim3A_418 = vector.broadcast %broadcast_in_dim3A_417 : i32 to vector<16xi32>
      tpu.vector_store_idx %arg15[%shift_right_arithmetic3A_269, %broadcast_in_dim3A_418], %gather3A_416 : memref<640x128xf32, #tpu.memory_space<vmem>>[vector<16xi32>, vector<16xi32>], vector<16xf32>,
      %broadcast_in_dim3A_419 = arith.constant 30 : i32
      %broadcast_in_dim3A_420 = vector.broadcast %broadcast_in_dim3A_419 : i32 to vector<16xi32>
      %gather3A_421 = tpu.vector_load_idx %arg14[%broadcast_in_dim3A_420, %and3A_267] : memref<32x64xf32, #tpu.memory_space<vmem>>[vector<16xi32>, vector<16xi32>], vector<16xf32>,
      %broadcast_in_dim3A_422 = arith.constant 30 : i32
      %broadcast_in_dim3A_423 = vector.broadcast %broadcast_in_dim3A_422 : i32 to vector<16xi32>
      tpu.vector_store_idx %arg15[%shift_right_arithmetic3A_269, %broadcast_in_dim3A_423], %gather3A_421 : memref<640x128xf32, #tpu.memory_space<vmem>>[vector<16xi32>, vector<16xi32>], vector<16xf32>,
      %broadcast_in_dim3A_424 = arith.constant 31 : i32
      %broadcast_in_dim3A_425 = vector.broadcast %broadcast_in_dim3A_424 : i32 to vector<16xi32>
      %gather3A_426 = tpu.vector_load_idx %arg14[%broadcast_in_dim3A_425, %and3A_267] : memref<32x64xf32, #tpu.memory_space<vmem>>[vector<16xi32>, vector<16xi32>], vector<16xf32>,
      %broadcast_in_dim3A_427 = arith.constant 31 : i32
      %broadcast_in_dim3A_428 = vector.broadcast %broadcast_in_dim3A_427 : i32 to vector<16xi32>
      tpu.vector_store_idx %arg15[%shift_right_arithmetic3A_269, %broadcast_in_dim3A_428], %gather3A_426 : memref<640x128xf32, #tpu.memory_space<vmem>>[vector<16xi32>, vector<16xi32>], vector<16xf32>,
      %scan3A_429 = arith.constant 0 : i32
      scf.yield %scan3A_429 : i32
    }
    %scan3A_61 = arith.constant 3 : i32
    %run_scoped3A = arith.constant 0 : i32
    "tpu.region"() ({
      %run_scoped3A_259 = tpu.sem_alloc : memref<!tpu.dma_semaphore, #tpu.memory_space<semaphore_mem>>
      %dma_start3A_260 = arith.constant 0 : i32
      %dma_start3A_261 = arith.constant 0 : i32
      %dma_start3A_262 = tpu.memref_slice %arg13[%run_scoped3A, %dma_start3A_260, %dma_start3A_261] : memref<2x16x1024xf32, #tpu.memory_space<vmem>> -> memref<1x16x1024xf32, #tpu.memory_space<vmem>>
      %dma_start3A_263 = tpu.memref_squeeze %dma_start3A_262 : memref<1x16x1024xf32, #tpu.memory_space<vmem>> -> memref<16x1024xf32, #tpu.memory_space<vmem>>
      %dma_start3A_264 = arith.constant 0 : i32
      %dma_start3A_265 = arith.constant 0 : i32
      %dma_start3A_266 = tpu.memref_slice %arg5[%dma_start3A_264, %dma_start3A_265] : memref<32x1024xf32, #tpu.memory_space<hbm>> -> memref<16x1024xf32, #tpu.memory_space<hbm>>
      %dma_start3A_267 = arith.constant 0 : i32
      %dma_start3A_268 = arith.constant 0 : i32
      %dma_start3A_269 = tpu.memref_slice %arg13[%run_scoped3A, %dma_start3A_267, %dma_start3A_268] : memref<2x16x1024xf32, #tpu.memory_space<vmem>> -> memref<1x16x1024xf32, #tpu.memory_space<vmem>>
      %dma_start3A_270 = tpu.memref_squeeze %dma_start3A_269 : memref<1x16x1024xf32, #tpu.memory_space<vmem>> -> memref<16x1024xf32, #tpu.memory_space<vmem>>
      %dma_start3A_271 = arith.constant 0 : i32
      %dma_start3A_272 = arith.constant 0 : i32
      %dma_start3A_273 = tpu.memref_slice %arg5[%dma_start3A_271, %dma_start3A_272] : memref<32x1024xf32, #tpu.memory_space<hbm>> -> memref<16x1024xf32, #tpu.memory_space<hbm>>
      tpu.enqueue_dma source(%dma_start3A_273 : memref<16x1024xf32, #tpu.memory_space<hbm>>) target(%dma_start3A_270 : memref<16x1024xf32, #tpu.memory_space<vmem>>) target_semaphore(%run_scoped3A_259 : memref<!tpu.dma_semaphore, #tpu.memory_space<semaphore_mem>>)
      %dma_wait3A_274 = arith.constant 0 : i32
      %dma_wait3A_275 = arith.constant 0 : i32
      %dma_wait3A_276 = tpu.memref_slice %arg13[%run_scoped3A, %dma_wait3A_274, %dma_wait3A_275] : memref<2x16x1024xf32, #tpu.memory_space<vmem>> -> memref<1x16x1024xf32, #tpu.memory_space<vmem>>
      %dma_wait3A_277 = tpu.memref_squeeze %dma_wait3A_276 : memref<1x16x1024xf32, #tpu.memory_space<vmem>> -> memref<16x1024xf32, #tpu.memory_space<vmem>>
      %dma_wait3A_278 = arith.constant 0 : i32
      %dma_wait3A_279 = arith.constant 0 : i32
      %dma_wait3A_280 = tpu.memref_slice %arg5[%dma_wait3A_278, %dma_wait3A_279] : memref<32x1024xf32, #tpu.memory_space<hbm>> -> memref<16x1024xf32, #tpu.memory_space<hbm>>
      %dma_wait3A_281 = arith.constant 0 : i32
      %dma_wait3A_282 = arith.constant 0 : i32
      %dma_wait3A_283 = tpu.memref_slice %arg13[%run_scoped3A, %dma_wait3A_281, %dma_wait3A_282] : memref<2x16x1024xf32, #tpu.memory_space<vmem>> -> memref<1x16x1024xf32, #tpu.memory_space<vmem>>
      %dma_wait3A_284 = tpu.memref_squeeze %dma_wait3A_283 : memref<1x16x1024xf32, #tpu.memory_space<vmem>> -> memref<16x1024xf32, #tpu.memory_space<vmem>>
      %dma_wait3A_285 = arith.constant 0 : i32
      %dma_wait3A_286 = arith.constant 0 : i32
      %dma_wait3A_287 = tpu.memref_slice %arg5[%dma_wait3A_285, %dma_wait3A_286] : memref<32x1024xf32, #tpu.memory_space<hbm>> -> memref<16x1024xf32, #tpu.memory_space<hbm>>
      tpu.wait_dma2 semaphore(%run_scoped3A_259 : memref<!tpu.dma_semaphore, #tpu.memory_space<semaphore_mem>>) src(%dma_wait3A_287 : memref<16x1024xf32, #tpu.memory_space<hbm>>) dst(%dma_wait3A_284 : memref<16x1024xf32, #tpu.memory_space<vmem>>)
      tpu.yield
    }) : () -> ()
    %scan3A_62 = arith.constant 0 : i32
    %scan3A_63 = arith.constant 0 : i32
    %scan3A_64 = arith.constant 40 : i32
    %scan3A_65 = arith.addi %scan3A_63, %scan3A_64 : i32
    %scan3A_66 = arith.constant 1 : i32
    %scan3A_67 = scf.for %scan3A_259 = %scan3A_63 to %scan3A_65 step %scan3A_66 iter_args(%scan3A_260 = %scan3A_62) -> (i32)  : i32 {
      %mul3A_261 = arith.constant 16 : i32
      %mul3A_262 = arith.muli %scan3A_259, %mul3A_261 : i32
      %get3A = arith.index_cast %mul3A_262 : i32 to index
      %get3A_263 = tpu.vector_load %arg12[%get3A] {strides = array<i32>} : memref<640xi32, #tpu.memory_space<vmem>>, vector<16xi32>,
      %jit3A = arith.constant 0 : i32
      %jit3A_264 = arith.constant 1023 : i32
      %max3A = vector.broadcast %jit3A : i32 to vector<16xi32>
      %max3A_265 = arith.maxsi %max3A, %get3A_263 : vector<16xi32>
      %min3A = vector.broadcast %jit3A_264 : i32 to vector<16xi32>
      %min3A_266 = arith.minsi %min3A, %max3A_265 : vector<16xi32>
      %mul3A_267 = arith.constant 16 : i32
      %mul3A_268 = arith.muli %scan3A_259, %mul3A_267 : i32
      %broadcast_in_dim3A_269 = vector.broadcast %mul3A_268 : i32 to vector<16xi32>
      %add3A_270 = arith.addi %broadcast_in_dim3A_269, %iota3A : vector<16xi32>
      %broadcast_in_dim3A_271 = arith.constant 0 : i32
      %broadcast_in_dim3A_272 = vector.broadcast %broadcast_in_dim3A_271 : i32 to vector<16xi32>
      %broadcast_in_dim3A_273 = arith.constant 0 : i32
      %broadcast_in_dim3A_274 = vector.broadcast %broadcast_in_dim3A_273 : i32 to vector<16xi32>
      %gather3A = tpu.vector_load_idx %arg13[%broadcast_in_dim3A_272, %broadcast_in_dim3A_274, %min3A_266] : memref<2x16x1024xf32, #tpu.memory_space<vmem>>[vector<16xi32>, vector<16xi32>, vector<16xi32>], vector<16xf32>,
      %broadcast_in_dim3A_275 = arith.constant 32 : i32
      %broadcast_in_dim3A_276 = vector.broadcast %broadcast_in_dim3A_275 : i32 to vector<16xi32>
      tpu.vector_store_idx %arg15[%add3A_270, %broadcast_in_dim3A_276], %gather3A : memref<640x128xf32, #tpu.memory_space<vmem>>[vector<16xi32>, vector<16xi32>], vector<16xf32>,
      %broadcast_in_dim3A_277 = arith.constant 0 : i32
      %broadcast_in_dim3A_278 = vector.broadcast %broadcast_in_dim3A_277 : i32 to vector<16xi32>
      %broadcast_in_dim3A_279 = arith.constant 1 : i32
      %broadcast_in_dim3A_280 = vector.broadcast %broadcast_in_dim3A_279 : i32 to vector<16xi32>
      %gather3A_281 = tpu.vector_load_idx %arg13[%broadcast_in_dim3A_278, %broadcast_in_dim3A_280, %min3A_266] : memref<2x16x1024xf32, #tpu.memory_space<vmem>>[vector<16xi32>, vector<16xi32>, vector<16xi32>], vector<16xf32>,
      %broadcast_in_dim3A_282 = arith.constant 33 : i32
      %broadcast_in_dim3A_283 = vector.broadcast %broadcast_in_dim3A_282 : i32 to vector<16xi32>
      tpu.vector_store_idx %arg15[%add3A_270, %broadcast_in_dim3A_283], %gather3A_281 : memref<640x128xf32, #tpu.memory_space<vmem>>[vector<16xi32>, vector<16xi32>], vector<16xf32>,
      %broadcast_in_dim3A_284 = arith.constant 0 : i32
      %broadcast_in_dim3A_285 = vector.broadcast %broadcast_in_dim3A_284 : i32 to vector<16xi32>
      %broadcast_in_dim3A_286 = arith.constant 2 : i32
      %broadcast_in_dim3A_287 = vector.broadcast %broadcast_in_dim3A_286 : i32 to vector<16xi32>
      %gather3A_288 = tpu.vector_load_idx %arg13[%broadcast_in_dim3A_285, %broadcast_in_dim3A_287, %min3A_266] : memref<2x16x1024xf32, #tpu.memory_space<vmem>>[vector<16xi32>, vector<16xi32>, vector<16xi32>], vector<16xf32>,
      %broadcast_in_dim3A_289 = arith.constant 34 : i32
      %broadcast_in_dim3A_290 = vector.broadcast %broadcast_in_dim3A_289 : i32 to vector<16xi32>
      tpu.vector_store_idx %arg15[%add3A_270, %broadcast_in_dim3A_290], %gather3A_288 : memref<640x128xf32, #tpu.memory_space<vmem>>[vector<16xi32>, vector<16xi32>], vector<16xf32>,
      %broadcast_in_dim3A_291 = arith.constant 0 : i32
      %broadcast_in_dim3A_292 = vector.broadcast %broadcast_in_dim3A_291 : i32 to vector<16xi32>
      %broadcast_in_dim3A_293 = arith.constant 3 : i32
      %broadcast_in_dim3A_294 = vector.broadcast %broadcast_in_dim3A_293 : i32 to vector<16xi32>
      %gather3A_295 = tpu.vector_load_idx %arg13[%broadcast_in_dim3A_292, %broadcast_in_dim3A_294, %min3A_266] : memref<2x16x1024xf32, #tpu.memory_space<vmem>>[vector<16xi32>, vector<16xi32>, vector<16xi32>], vector<16xf32>,
      %broadcast_in_dim3A_296 = arith.constant 35 : i32
      %broadcast_in_dim3A_297 = vector.broadcast %broadcast_in_dim3A_296 : i32 to vector<16xi32>
      tpu.vector_store_idx %arg15[%add3A_270, %broadcast_in_dim3A_297], %gather3A_295 : memref<640x128xf32, #tpu.memory_space<vmem>>[vector<16xi32>, vector<16xi32>], vector<16xf32>,
      %broadcast_in_dim3A_298 = arith.constant 0 : i32
      %broadcast_in_dim3A_299 = vector.broadcast %broadcast_in_dim3A_298 : i32 to vector<16xi32>
      %broadcast_in_dim3A_300 = arith.constant 4 : i32
      %broadcast_in_dim3A_301 = vector.broadcast %broadcast_in_dim3A_300 : i32 to vector<16xi32>
      %gather3A_302 = tpu.vector_load_idx %arg13[%broadcast_in_dim3A_299, %broadcast_in_dim3A_301, %min3A_266] : memref<2x16x1024xf32, #tpu.memory_space<vmem>>[vector<16xi32>, vector<16xi32>, vector<16xi32>], vector<16xf32>,
      %broadcast_in_dim3A_303 = arith.constant 36 : i32
      %broadcast_in_dim3A_304 = vector.broadcast %broadcast_in_dim3A_303 : i32 to vector<16xi32>
      tpu.vector_store_idx %arg15[%add3A_270, %broadcast_in_dim3A_304], %gather3A_302 : memref<640x128xf32, #tpu.memory_space<vmem>>[vector<16xi32>, vector<16xi32>], vector<16xf32>,
      %broadcast_in_dim3A_305 = arith.constant 0 : i32
      %broadcast_in_dim3A_306 = vector.broadcast %broadcast_in_dim3A_305 : i32 to vector<16xi32>
      %broadcast_in_dim3A_307 = arith.constant 5 : i32
      %broadcast_in_dim3A_308 = vector.broadcast %broadcast_in_dim3A_307 : i32 to vector<16xi32>
      %gather3A_309 = tpu.vector_load_idx %arg13[%broadcast_in_dim3A_306, %broadcast_in_dim3A_308, %min3A_266] : memref<2x16x1024xf32, #tpu.memory_space<vmem>>[vector<16xi32>, vector<16xi32>, vector<16xi32>], vector<16xf32>,
      %broadcast_in_dim3A_310 = arith.constant 37 : i32
      %broadcast_in_dim3A_311 = vector.broadcast %broadcast_in_dim3A_310 : i32 to vector<16xi32>
      tpu.vector_store_idx %arg15[%add3A_270, %broadcast_in_dim3A_311], %gather3A_309 : memref<640x128xf32, #tpu.memory_space<vmem>>[vector<16xi32>, vector<16xi32>], vector<16xf32>,
      %broadcast_in_dim3A_312 = arith.constant 0 : i32
      %broadcast_in_dim3A_313 = vector.broadcast %broadcast_in_dim3A_312 : i32 to vector<16xi32>
      %broadcast_in_dim3A_314 = arith.constant 6 : i32
      %broadcast_in_dim3A_315 = vector.broadcast %broadcast_in_dim3A_314 : i32 to vector<16xi32>
      %gather3A_316 = tpu.vector_load_idx %arg13[%broadcast_in_dim3A_313, %broadcast_in_dim3A_315, %min3A_266] : memref<2x16x1024xf32, #tpu.memory_space<vmem>>[vector<16xi32>, vector<16xi32>, vector<16xi32>], vector<16xf32>,
      %broadcast_in_dim3A_317 = arith.constant 38 : i32
      %broadcast_in_dim3A_318 = vector.broadcast %broadcast_in_dim3A_317 : i32 to vector<16xi32>
      tpu.vector_store_idx %arg15[%add3A_270, %broadcast_in_dim3A_318], %gather3A_316 : memref<640x128xf32, #tpu.memory_space<vmem>>[vector<16xi32>, vector<16xi32>], vector<16xf32>,
      %broadcast_in_dim3A_319 = arith.constant 0 : i32
      %broadcast_in_dim3A_320 = vector.broadcast %broadcast_in_dim3A_319 : i32 to vector<16xi32>
      %broadcast_in_dim3A_321 = arith.constant 7 : i32
      %broadcast_in_dim3A_322 = vector.broadcast %broadcast_in_dim3A_321 : i32 to vector<16xi32>
      %gather3A_323 = tpu.vector_load_idx %arg13[%broadcast_in_dim3A_320, %broadcast_in_dim3A_322, %min3A_266] : memref<2x16x1024xf32, #tpu.memory_space<vmem>>[vector<16xi32>, vector<16xi32>, vector<16xi32>], vector<16xf32>,
      %broadcast_in_dim3A_324 = arith.constant 39 : i32
      %broadcast_in_dim3A_325 = vector.broadcast %broadcast_in_dim3A_324 : i32 to vector<16xi32>
      tpu.vector_store_idx %arg15[%add3A_270, %broadcast_in_dim3A_325], %gather3A_323 : memref<640x128xf32, #tpu.memory_space<vmem>>[vector<16xi32>, vector<16xi32>], vector<16xf32>,
      %broadcast_in_dim3A_326 = arith.constant 0 : i32
      %broadcast_in_dim3A_327 = vector.broadcast %broadcast_in_dim3A_326 : i32 to vector<16xi32>
      %broadcast_in_dim3A_328 = arith.constant 8 : i32
      %broadcast_in_dim3A_329 = vector.broadcast %broadcast_in_dim3A_328 : i32 to vector<16xi32>
      %gather3A_330 = tpu.vector_load_idx %arg13[%broadcast_in_dim3A_327, %broadcast_in_dim3A_329, %min3A_266] : memref<2x16x1024xf32, #tpu.memory_space<vmem>>[vector<16xi32>, vector<16xi32>, vector<16xi32>], vector<16xf32>,
      %broadcast_in_dim3A_331 = arith.constant 40 : i32
      %broadcast_in_dim3A_332 = vector.broadcast %broadcast_in_dim3A_331 : i32 to vector<16xi32>
      tpu.vector_store_idx %arg15[%add3A_270, %broadcast_in_dim3A_332], %gather3A_330 : memref<640x128xf32, #tpu.memory_space<vmem>>[vector<16xi32>, vector<16xi32>], vector<16xf32>,
      %broadcast_in_dim3A_333 = arith.constant 0 : i32
      %broadcast_in_dim3A_334 = vector.broadcast %broadcast_in_dim3A_333 : i32 to vector<16xi32>
      %broadcast_in_dim3A_335 = arith.constant 9 : i32
      %broadcast_in_dim3A_336 = vector.broadcast %broadcast_in_dim3A_335 : i32 to vector<16xi32>
      %gather3A_337 = tpu.vector_load_idx %arg13[%broadcast_in_dim3A_334, %broadcast_in_dim3A_336, %min3A_266] : memref<2x16x1024xf32, #tpu.memory_space<vmem>>[vector<16xi32>, vector<16xi32>, vector<16xi32>], vector<16xf32>,
      %broadcast_in_dim3A_338 = arith.constant 41 : i32
      %broadcast_in_dim3A_339 = vector.broadcast %broadcast_in_dim3A_338 : i32 to vector<16xi32>
      tpu.vector_store_idx %arg15[%add3A_270, %broadcast_in_dim3A_339], %gather3A_337 : memref<640x128xf32, #tpu.memory_space<vmem>>[vector<16xi32>, vector<16xi32>], vector<16xf32>,
      %broadcast_in_dim3A_340 = arith.constant 0 : i32
      %broadcast_in_dim3A_341 = vector.broadcast %broadcast_in_dim3A_340 : i32 to vector<16xi32>
      %broadcast_in_dim3A_342 = arith.constant 10 : i32
      %broadcast_in_dim3A_343 = vector.broadcast %broadcast_in_dim3A_342 : i32 to vector<16xi32>
      %gather3A_344 = tpu.vector_load_idx %arg13[%broadcast_in_dim3A_341, %broadcast_in_dim3A_343, %min3A_266] : memref<2x16x1024xf32, #tpu.memory_space<vmem>>[vector<16xi32>, vector<16xi32>, vector<16xi32>], vector<16xf32>,
      %broadcast_in_dim3A_345 = arith.constant 42 : i32
      %broadcast_in_dim3A_346 = vector.broadcast %broadcast_in_dim3A_345 : i32 to vector<16xi32>
      tpu.vector_store_idx %arg15[%add3A_270, %broadcast_in_dim3A_346], %gather3A_344 : memref<640x128xf32, #tpu.memory_space<vmem>>[vector<16xi32>, vector<16xi32>], vector<16xf32>,
      %broadcast_in_dim3A_347 = arith.constant 0 : i32
      %broadcast_in_dim3A_348 = vector.broadcast %broadcast_in_dim3A_347 : i32 to vector<16xi32>
      %broadcast_in_dim3A_349 = arith.constant 11 : i32
      %broadcast_in_dim3A_350 = vector.broadcast %broadcast_in_dim3A_349 : i32 to vector<16xi32>
      %gather3A_351 = tpu.vector_load_idx %arg13[%broadcast_in_dim3A_348, %broadcast_in_dim3A_350, %min3A_266] : memref<2x16x1024xf32, #tpu.memory_space<vmem>>[vector<16xi32>, vector<16xi32>, vector<16xi32>], vector<16xf32>,
      %broadcast_in_dim3A_352 = arith.constant 43 : i32
      %broadcast_in_dim3A_353 = vector.broadcast %broadcast_in_dim3A_352 : i32 to vector<16xi32>
      tpu.vector_store_idx %arg15[%add3A_270, %broadcast_in_dim3A_353], %gather3A_351 : memref<640x128xf32, #tpu.memory_space<vmem>>[vector<16xi32>, vector<16xi32>], vector<16xf32>,
      %broadcast_in_dim3A_354 = arith.constant 0 : i32
      %broadcast_in_dim3A_355 = vector.broadcast %broadcast_in_dim3A_354 : i32 to vector<16xi32>
      %broadcast_in_dim3A_356 = arith.constant 12 : i32
      %broadcast_in_dim3A_357 = vector.broadcast %broadcast_in_dim3A_356 : i32 to vector<16xi32>
      %gather3A_358 = tpu.vector_load_idx %arg13[%broadcast_in_dim3A_355, %broadcast_in_dim3A_357, %min3A_266] : memref<2x16x1024xf32, #tpu.memory_space<vmem>>[vector<16xi32>, vector<16xi32>, vector<16xi32>], vector<16xf32>,
      %broadcast_in_dim3A_359 = arith.constant 44 : i32
      %broadcast_in_dim3A_360 = vector.broadcast %broadcast_in_dim3A_359 : i32 to vector<16xi32>
      tpu.vector_store_idx %arg15[%add3A_270, %broadcast_in_dim3A_360], %gather3A_358 : memref<640x128xf32, #tpu.memory_space<vmem>>[vector<16xi32>, vector<16xi32>], vector<16xf32>,
      %broadcast_in_dim3A_361 = arith.constant 0 : i32
      %broadcast_in_dim3A_362 = vector.broadcast %broadcast_in_dim3A_361 : i32 to vector<16xi32>
      %broadcast_in_dim3A_363 = arith.constant 13 : i32
      %broadcast_in_dim3A_364 = vector.broadcast %broadcast_in_dim3A_363 : i32 to vector<16xi32>
      %gather3A_365 = tpu.vector_load_idx %arg13[%broadcast_in_dim3A_362, %broadcast_in_dim3A_364, %min3A_266] : memref<2x16x1024xf32, #tpu.memory_space<vmem>>[vector<16xi32>, vector<16xi32>, vector<16xi32>], vector<16xf32>,
      %broadcast_in_dim3A_366 = arith.constant 45 : i32
      %broadcast_in_dim3A_367 = vector.broadcast %broadcast_in_dim3A_366 : i32 to vector<16xi32>
      tpu.vector_store_idx %arg15[%add3A_270, %broadcast_in_dim3A_367], %gather3A_365 : memref<640x128xf32, #tpu.memory_space<vmem>>[vector<16xi32>, vector<16xi32>], vector<16xf32>,
      %broadcast_in_dim3A_368 = arith.constant 0 : i32
      %broadcast_in_dim3A_369 = vector.broadcast %broadcast_in_dim3A_368 : i32 to vector<16xi32>
      %broadcast_in_dim3A_370 = arith.constant 14 : i32
      %broadcast_in_dim3A_371 = vector.broadcast %broadcast_in_dim3A_370 : i32 to vector<16xi32>
      %gather3A_372 = tpu.vector_load_idx %arg13[%broadcast_in_dim3A_369, %broadcast_in_dim3A_371, %min3A_266] : memref<2x16x1024xf32, #tpu.memory_space<vmem>>[vector<16xi32>, vector<16xi32>, vector<16xi32>], vector<16xf32>,
      %broadcast_in_dim3A_373 = arith.constant 46 : i32
      %broadcast_in_dim3A_374 = vector.broadcast %broadcast_in_dim3A_373 : i32 to vector<16xi32>
      tpu.vector_store_idx %arg15[%add3A_270, %broadcast_in_dim3A_374], %gather3A_372 : memref<640x128xf32, #tpu.memory_space<vmem>>[vector<16xi32>, vector<16xi32>], vector<16xf32>,
      %broadcast_in_dim3A_375 = arith.constant 0 : i32
      %broadcast_in_dim3A_376 = vector.broadcast %broadcast_in_dim3A_375 : i32 to vector<16xi32>
      %broadcast_in_dim3A_377 = arith.constant 15 : i32
      %broadcast_in_dim3A_378 = vector.broadcast %broadcast_in_dim3A_377 : i32 to vector<16xi32>
      %gather3A_379 = tpu.vector_load_idx %arg13[%broadcast_in_dim3A_376, %broadcast_in_dim3A_378, %min3A_266] : memref<2x16x1024xf32, #tpu.memory_space<vmem>>[vector<16xi32>, vector<16xi32>, vector<16xi32>], vector<16xf32>,
      %broadcast_in_dim3A_380 = arith.constant 47 : i32
      %broadcast_in_dim3A_381 = vector.broadcast %broadcast_in_dim3A_380 : i32 to vector<16xi32>
      tpu.vector_store_idx %arg15[%add3A_270, %broadcast_in_dim3A_381], %gather3A_379 : memref<640x128xf32, #tpu.memory_space<vmem>>[vector<16xi32>, vector<16xi32>], vector<16xf32>,
      %scan3A_382 = arith.constant 0 : i32
      scf.yield %scan3A_382 : i32
    }
    %scan3A_68 = arith.constant 40 : i32
    %add3A_69 = arith.constant 0 : i32
    %add3A_70 = arith.addi %mul3A_2, %add3A_69 : i32
    %dma_start3A = arith.constant 0 : i32
    %dma_start3A_71 = arith.constant 0 : i32
    %dma_start3A_72 = arith.constant 0 : i32
    %dma_start3A_73 = tpu.memref_slice %arg13[%dma_start3A, %dma_start3A_71, %dma_start3A_72] : memref<2x16x1024xf32, #tpu.memory_space<vmem>> -> memref<1x16x1024xf32, #tpu.memory_space<vmem>>
    %dma_start3A_74 = tpu.memref_squeeze %dma_start3A_73 : memref<1x16x1024xf32, #tpu.memory_space<vmem>> -> memref<16x1024xf32, #tpu.memory_space<vmem>>
    %dma_start3A_75 = arith.constant 0 : i32
    %dma_start3A_76 = tpu.memref_slice %arg4[%dma_start3A_75, %add3A_70] : memref<32x1000000xf32, #tpu.memory_space<hbm>> -> memref<16x1024xf32, #tpu.memory_space<hbm>>
    %dma_start3A_77 = arith.constant 0 : i32
    %dma_start3A_78 = arith.constant 0 : i32
    %dma_start3A_79 = tpu.memref_slice %arg13[%dma_start3A, %dma_start3A_77, %dma_start3A_78] : memref<2x16x1024xf32, #tpu.memory_space<vmem>> -> memref<1x16x1024xf32, #tpu.memory_space<vmem>>
    %dma_start3A_80 = tpu.memref_squeeze %dma_start3A_79 : memref<1x16x1024xf32, #tpu.memory_space<vmem>> -> memref<16x1024xf32, #tpu.memory_space<vmem>>
    %dma_start3A_81 = arith.constant 0 : i32
    %dma_start3A_82 = tpu.memref_slice %arg4[%dma_start3A_81, %add3A_70] : memref<32x1000000xf32, #tpu.memory_space<hbm>> -> memref<16x1024xf32, #tpu.memory_space<hbm>>
    tpu.enqueue_dma source(%dma_start3A_82 : memref<16x1024xf32, #tpu.memory_space<hbm>>) target(%dma_start3A_80 : memref<16x1024xf32, #tpu.memory_space<vmem>>) target_semaphore(%arg17 : memref<!tpu.dma_semaphore, #tpu.memory_space<semaphore_mem>>)
    %scan3A_83 = arith.constant 0 : i32
    %scan3A_84 = arith.constant 15 : i32
    %scan3A_85 = arith.addi %scan3A_83, %scan3A_84 : i32
    %scan3A_86 = arith.constant 1 : i32
    scf.for %scan3A_259 = %scan3A_83 to %scan3A_85 step %scan3A_86  : i32 {
      %mul3A_260 = arith.constant 2 : i32
      %mul3A_261 = arith.muli %scan3A_259, %mul3A_260 : i32
      %add3A_262 = arith.constant 0 : i32
      %add3A_263 = arith.addi %add3A_262, %mul3A_261 : i32
      %add3A_264 = arith.constant 1 : i32
      %add3A_265 = arith.addi %add3A_263, %add3A_264 : i32
      %mul3A_266 = arith.constant 1024 : i32
      %mul3A_267 = arith.muli %add3A_265, %mul3A_266 : i32
      %add3A_268 = arith.addi %mul3A_2, %mul3A_267 : i32
      %dma_start3A_269 = arith.constant 1 : i32
      %dma_start3A_270 = arith.constant 0 : i32
      %dma_start3A_271 = arith.constant 0 : i32
      %dma_start3A_272 = tpu.memref_slice %arg13[%dma_start3A_269, %dma_start3A_270, %dma_start3A_271] : memref<2x16x1024xf32, #tpu.memory_space<vmem>> -> memref<1x16x1024xf32, #tpu.memory_space<vmem>>
      %dma_start3A_273 = tpu.memref_squeeze %dma_start3A_272 : memref<1x16x1024xf32, #tpu.memory_space<vmem>> -> memref<16x1024xf32, #tpu.memory_space<vmem>>
      %dma_start3A_274 = arith.constant 0 : i32
      %dma_start3A_275 = tpu.memref_slice %arg4[%dma_start3A_274, %add3A_268] : memref<32x1000000xf32, #tpu.memory_space<hbm>> -> memref<16x1024xf32, #tpu.memory_space<hbm>>
      %dma_start3A_276 = arith.constant 0 : i32
      %dma_start3A_277 = arith.constant 0 : i32
      %dma_start3A_278 = tpu.memref_slice %arg13[%dma_start3A_269, %dma_start3A_276, %dma_start3A_277] : memref<2x16x1024xf32, #tpu.memory_space<vmem>> -> memref<1x16x1024xf32, #tpu.memory_space<vmem>>
      %dma_start3A_279 = tpu.memref_squeeze %dma_start3A_278 : memref<1x16x1024xf32, #tpu.memory_space<vmem>> -> memref<16x1024xf32, #tpu.memory_space<vmem>>
      %dma_start3A_280 = arith.constant 0 : i32
      %dma_start3A_281 = tpu.memref_slice %arg4[%dma_start3A_280, %add3A_268] : memref<32x1000000xf32, #tpu.memory_space<hbm>> -> memref<16x1024xf32, #tpu.memory_space<hbm>>
      tpu.enqueue_dma source(%dma_start3A_281 : memref<16x1024xf32, #tpu.memory_space<hbm>>) target(%dma_start3A_279 : memref<16x1024xf32, #tpu.memory_space<vmem>>) target_semaphore(%arg18 : memref<!tpu.dma_semaphore, #tpu.memory_space<semaphore_mem>>)
      %mul3A_282 = arith.constant 1024 : i32
      %mul3A_283 = arith.muli %add3A_263, %mul3A_282 : i32
      %add3A_284 = arith.addi %mul3A_2, %mul3A_283 : i32
      %dma_wait3A_285 = arith.constant 0 : i32
      %dma_wait3A_286 = arith.constant 0 : i32
      %dma_wait3A_287 = arith.constant 0 : i32
      %dma_wait3A_288 = tpu.memref_slice %arg13[%dma_wait3A_285, %dma_wait3A_286, %dma_wait3A_287] : memref<2x16x1024xf32, #tpu.memory_space<vmem>> -> memref<1x16x1024xf32, #tpu.memory_space<vmem>>
      %dma_wait3A_289 = tpu.memref_squeeze %dma_wait3A_288 : memref<1x16x1024xf32, #tpu.memory_space<vmem>> -> memref<16x1024xf32, #tpu.memory_space<vmem>>
      %dma_wait3A_290 = arith.constant 0 : i32
      %dma_wait3A_291 = tpu.memref_slice %arg4[%dma_wait3A_290, %add3A_284] : memref<32x1000000xf32, #tpu.memory_space<hbm>> -> memref<16x1024xf32, #tpu.memory_space<hbm>>
      %dma_wait3A_292 = arith.constant 0 : i32
      %dma_wait3A_293 = arith.constant 0 : i32
      %dma_wait3A_294 = tpu.memref_slice %arg13[%dma_wait3A_285, %dma_wait3A_292, %dma_wait3A_293] : memref<2x16x1024xf32, #tpu.memory_space<vmem>> -> memref<1x16x1024xf32, #tpu.memory_space<vmem>>
      %dma_wait3A_295 = tpu.memref_squeeze %dma_wait3A_294 : memref<1x16x1024xf32, #tpu.memory_space<vmem>> -> memref<16x1024xf32, #tpu.memory_space<vmem>>
      %dma_wait3A_296 = arith.constant 0 : i32
      %dma_wait3A_297 = tpu.memref_slice %arg4[%dma_wait3A_296, %add3A_284] : memref<32x1000000xf32, #tpu.memory_space<hbm>> -> memref<16x1024xf32, #tpu.memory_space<hbm>>
      tpu.wait_dma2 semaphore(%arg17 : memref<!tpu.dma_semaphore, #tpu.memory_space<semaphore_mem>>) src(%dma_wait3A_297 : memref<16x1024xf32, #tpu.memory_space<hbm>>) dst(%dma_wait3A_295 : memref<16x1024xf32, #tpu.memory_space<vmem>>)
      %scan3A_298 = arith.constant 0 : i32
      %scan3A_299 = arith.constant 0 : i32
      %scan3A_300 = arith.constant 3 : i32
      %scan3A_301 = arith.addi %scan3A_299, %scan3A_300 : i32
      %scan3A_302 = arith.constant 1 : i32
      %scan3A_303 = scf.for %scan3A_350 = %scan3A_299 to %scan3A_301 step %scan3A_302 iter_args(%scan3A_351 = %scan3A_298) -> (i32)  : i32 {
        %mul3A_352 = arith.constant 16 : i32
        %mul3A_353 = arith.muli %scan3A_350, %mul3A_352 : i32
        %get3A = arith.index_cast %add3A_263 : i32 to index
        %get3A_354 = arith.index_cast %mul3A_353 : i32 to index
        %get3A_355 = tpu.vector_load %arg16[%get3A, %get3A_354] {strides = array<i32>} : memref<32x48xi32, #tpu.memory_space<vmem>>, vector<16xi32>,
        %and3A = arith.constant 1023 : i32
        %and3A_356 = vector.broadcast %and3A : i32 to vector<16xi32>
        %and3A_357 = arith.andi %get3A_355, %and3A_356 : vector<16xi32>
        %shift_right_arithmetic3A = arith.constant 10 : i32
        %shift_right_arithmetic3A_358 = vector.broadcast %shift_right_arithmetic3A : i32 to vector<16xi32>
        %shift_right_arithmetic3A_359 = arith.shrsi %get3A_355, %shift_right_arithmetic3A_358 : vector<16xi32>
        %broadcast_in_dim3A_360 = arith.constant 0 : i32
        %broadcast_in_dim3A_361 = vector.broadcast %broadcast_in_dim3A_360 : i32 to vector<16xi32>
        %broadcast_in_dim3A_362 = arith.constant 0 : i32
        %broadcast_in_dim3A_363 = vector.broadcast %broadcast_in_dim3A_362 : i32 to vector<16xi32>
        %gather3A = tpu.vector_load_idx %arg13[%broadcast_in_dim3A_361, %broadcast_in_dim3A_363, %and3A_357] : memref<2x16x1024xf32, #tpu.memory_space<vmem>>[vector<16xi32>, vector<16xi32>, vector<16xi32>], vector<16xf32>,
        %broadcast_in_dim3A_364 = arith.constant 0 : i32
        %broadcast_in_dim3A_365 = vector.broadcast %broadcast_in_dim3A_364 : i32 to vector<16xi32>
        tpu.vector_store_idx %arg15[%shift_right_arithmetic3A_359, %broadcast_in_dim3A_365], %gather3A : memref<640x128xf32, #tpu.memory_space<vmem>>[vector<16xi32>, vector<16xi32>], vector<16xf32>,
        %broadcast_in_dim3A_366 = arith.constant 0 : i32
        %broadcast_in_dim3A_367 = vector.broadcast %broadcast_in_dim3A_366 : i32 to vector<16xi32>
        %broadcast_in_dim3A_368 = arith.constant 1 : i32
        %broadcast_in_dim3A_369 = vector.broadcast %broadcast_in_dim3A_368 : i32 to vector<16xi32>
        %gather3A_370 = tpu.vector_load_idx %arg13[%broadcast_in_dim3A_367, %broadcast_in_dim3A_369, %and3A_357] : memref<2x16x1024xf32, #tpu.memory_space<vmem>>[vector<16xi32>, vector<16xi32>, vector<16xi32>], vector<16xf32>,
        %broadcast_in_dim3A_371 = arith.constant 1 : i32
        %broadcast_in_dim3A_372 = vector.broadcast %broadcast_in_dim3A_371 : i32 to vector<16xi32>
        tpu.vector_store_idx %arg15[%shift_right_arithmetic3A_359, %broadcast_in_dim3A_372], %gather3A_370 : memref<640x128xf32, #tpu.memory_space<vmem>>[vector<16xi32>, vector<16xi32>], vector<16xf32>,
        %broadcast_in_dim3A_373 = arith.constant 0 : i32
        %broadcast_in_dim3A_374 = vector.broadcast %broadcast_in_dim3A_373 : i32 to vector<16xi32>
        %broadcast_in_dim3A_375 = arith.constant 2 : i32
        %broadcast_in_dim3A_376 = vector.broadcast %broadcast_in_dim3A_375 : i32 to vector<16xi32>
        %gather3A_377 = tpu.vector_load_idx %arg13[%broadcast_in_dim3A_374, %broadcast_in_dim3A_376, %and3A_357] : memref<2x16x1024xf32, #tpu.memory_space<vmem>>[vector<16xi32>, vector<16xi32>, vector<16xi32>], vector<16xf32>,
        %broadcast_in_dim3A_378 = arith.constant 2 : i32
        %broadcast_in_dim3A_379 = vector.broadcast %broadcast_in_dim3A_378 : i32 to vector<16xi32>
        tpu.vector_store_idx %arg15[%shift_right_arithmetic3A_359, %broadcast_in_dim3A_379], %gather3A_377 : memref<640x128xf32, #tpu.memory_space<vmem>>[vector<16xi32>, vector<16xi32>], vector<16xf32>,
        %broadcast_in_dim3A_380 = arith.constant 0 : i32
        %broadcast_in_dim3A_381 = vector.broadcast %broadcast_in_dim3A_380 : i32 to vector<16xi32>
        %broadcast_in_dim3A_382 = arith.constant 3 : i32
        %broadcast_in_dim3A_383 = vector.broadcast %broadcast_in_dim3A_382 : i32 to vector<16xi32>
        %gather3A_384 = tpu.vector_load_idx %arg13[%broadcast_in_dim3A_381, %broadcast_in_dim3A_383, %and3A_357] : memref<2x16x1024xf32, #tpu.memory_space<vmem>>[vector<16xi32>, vector<16xi32>, vector<16xi32>], vector<16xf32>,
        %broadcast_in_dim3A_385 = arith.constant 3 : i32
        %broadcast_in_dim3A_386 = vector.broadcast %broadcast_in_dim3A_385 : i32 to vector<16xi32>
        tpu.vector_store_idx %arg15[%shift_right_arithmetic3A_359, %broadcast_in_dim3A_386], %gather3A_384 : memref<640x128xf32, #tpu.memory_space<vmem>>[vector<16xi32>, vector<16xi32>], vector<16xf32>,
        %broadcast_in_dim3A_387 = arith.constant 0 : i32
        %broadcast_in_dim3A_388 = vector.broadcast %broadcast_in_dim3A_387 : i32 to vector<16xi32>
        %broadcast_in_dim3A_389 = arith.constant 4 : i32
        %broadcast_in_dim3A_390 = vector.broadcast %broadcast_in_dim3A_389 : i32 to vector<16xi32>
        %gather3A_391 = tpu.vector_load_idx %arg13[%broadcast_in_dim3A_388, %broadcast_in_dim3A_390, %and3A_357] : memref<2x16x1024xf32, #tpu.memory_space<vmem>>[vector<16xi32>, vector<16xi32>, vector<16xi32>], vector<16xf32>,
        %broadcast_in_dim3A_392 = arith.constant 4 : i32
        %broadcast_in_dim3A_393 = vector.broadcast %broadcast_in_dim3A_392 : i32 to vector<16xi32>
        tpu.vector_store_idx %arg15[%shift_right_arithmetic3A_359, %broadcast_in_dim3A_393], %gather3A_391 : memref<640x128xf32, #tpu.memory_space<vmem>>[vector<16xi32>, vector<16xi32>], vector<16xf32>,
        %broadcast_in_dim3A_394 = arith.constant 0 : i32
        %broadcast_in_dim3A_395 = vector.broadcast %broadcast_in_dim3A_394 : i32 to vector<16xi32>
        %broadcast_in_dim3A_396 = arith.constant 5 : i32
        %broadcast_in_dim3A_397 = vector.broadcast %broadcast_in_dim3A_396 : i32 to vector<16xi32>
        %gather3A_398 = tpu.vector_load_idx %arg13[%broadcast_in_dim3A_395, %broadcast_in_dim3A_397, %and3A_357] : memref<2x16x1024xf32, #tpu.memory_space<vmem>>[vector<16xi32>, vector<16xi32>, vector<16xi32>], vector<16xf32>,
        %broadcast_in_dim3A_399 = arith.constant 5 : i32
        %broadcast_in_dim3A_400 = vector.broadcast %broadcast_in_dim3A_399 : i32 to vector<16xi32>
        tpu.vector_store_idx %arg15[%shift_right_arithmetic3A_359, %broadcast_in_dim3A_400], %gather3A_398 : memref<640x128xf32, #tpu.memory_space<vmem>>[vector<16xi32>, vector<16xi32>], vector<16xf32>,
        %broadcast_in_dim3A_401 = arith.constant 0 : i32
        %broadcast_in_dim3A_402 = vector.broadcast %broadcast_in_dim3A_401 : i32 to vector<16xi32>
        %broadcast_in_dim3A_403 = arith.constant 6 : i32
        %broadcast_in_dim3A_404 = vector.broadcast %broadcast_in_dim3A_403 : i32 to vector<16xi32>
        %gather3A_405 = tpu.vector_load_idx %arg13[%broadcast_in_dim3A_402, %broadcast_in_dim3A_404, %and3A_357] : memref<2x16x1024xf32, #tpu.memory_space<vmem>>[vector<16xi32>, vector<16xi32>, vector<16xi32>], vector<16xf32>,
        %broadcast_in_dim3A_406 = arith.constant 6 : i32
        %broadcast_in_dim3A_407 = vector.broadcast %broadcast_in_dim3A_406 : i32 to vector<16xi32>
        tpu.vector_store_idx %arg15[%shift_right_arithmetic3A_359, %broadcast_in_dim3A_407], %gather3A_405 : memref<640x128xf32, #tpu.memory_space<vmem>>[vector<16xi32>, vector<16xi32>], vector<16xf32>,
        %broadcast_in_dim3A_408 = arith.constant 0 : i32
        %broadcast_in_dim3A_409 = vector.broadcast %broadcast_in_dim3A_408 : i32 to vector<16xi32>
        %broadcast_in_dim3A_410 = arith.constant 7 : i32
        %broadcast_in_dim3A_411 = vector.broadcast %broadcast_in_dim3A_410 : i32 to vector<16xi32>
        %gather3A_412 = tpu.vector_load_idx %arg13[%broadcast_in_dim3A_409, %broadcast_in_dim3A_411, %and3A_357] : memref<2x16x1024xf32, #tpu.memory_space<vmem>>[vector<16xi32>, vector<16xi32>, vector<16xi32>], vector<16xf32>,
        %broadcast_in_dim3A_413 = arith.constant 7 : i32
        %broadcast_in_dim3A_414 = vector.broadcast %broadcast_in_dim3A_413 : i32 to vector<16xi32>
        tpu.vector_store_idx %arg15[%shift_right_arithmetic3A_359, %broadcast_in_dim3A_414], %gather3A_412 : memref<640x128xf32, #tpu.memory_space<vmem>>[vector<16xi32>, vector<16xi32>], vector<16xf32>,
        %broadcast_in_dim3A_415 = arith.constant 0 : i32
        %broadcast_in_dim3A_416 = vector.broadcast %broadcast_in_dim3A_415 : i32 to vector<16xi32>
        %broadcast_in_dim3A_417 = arith.constant 8 : i32
        %broadcast_in_dim3A_418 = vector.broadcast %broadcast_in_dim3A_417 : i32 to vector<16xi32>
        %gather3A_419 = tpu.vector_load_idx %arg13[%broadcast_in_dim3A_416, %broadcast_in_dim3A_418, %and3A_357] : memref<2x16x1024xf32, #tpu.memory_space<vmem>>[vector<16xi32>, vector<16xi32>, vector<16xi32>], vector<16xf32>,
        %broadcast_in_dim3A_420 = arith.constant 8 : i32
        %broadcast_in_dim3A_421 = vector.broadcast %broadcast_in_dim3A_420 : i32 to vector<16xi32>
        tpu.vector_store_idx %arg15[%shift_right_arithmetic3A_359, %broadcast_in_dim3A_421], %gather3A_419 : memref<640x128xf32, #tpu.memory_space<vmem>>[vector<16xi32>, vector<16xi32>], vector<16xf32>,
        %broadcast_in_dim3A_422 = arith.constant 0 : i32
        %broadcast_in_dim3A_423 = vector.broadcast %broadcast_in_dim3A_422 : i32 to vector<16xi32>
        %broadcast_in_dim3A_424 = arith.constant 9 : i32
        %broadcast_in_dim3A_425 = vector.broadcast %broadcast_in_dim3A_424 : i32 to vector<16xi32>
        %gather3A_426 = tpu.vector_load_idx %arg13[%broadcast_in_dim3A_423, %broadcast_in_dim3A_425, %and3A_357] : memref<2x16x1024xf32, #tpu.memory_space<vmem>>[vector<16xi32>, vector<16xi32>, vector<16xi32>], vector<16xf32>,
        %broadcast_in_dim3A_427 = arith.constant 9 : i32
        %broadcast_in_dim3A_428 = vector.broadcast %broadcast_in_dim3A_427 : i32 to vector<16xi32>
        tpu.vector_store_idx %arg15[%shift_right_arithmetic3A_359, %broadcast_in_dim3A_428], %gather3A_426 : memref<640x128xf32, #tpu.memory_space<vmem>>[vector<16xi32>, vector<16xi32>], vector<16xf32>,
        %broadcast_in_dim3A_429 = arith.constant 0 : i32
        %broadcast_in_dim3A_430 = vector.broadcast %broadcast_in_dim3A_429 : i32 to vector<16xi32>
        %broadcast_in_dim3A_431 = arith.constant 10 : i32
        %broadcast_in_dim3A_432 = vector.broadcast %broadcast_in_dim3A_431 : i32 to vector<16xi32>
        %gather3A_433 = tpu.vector_load_idx %arg13[%broadcast_in_dim3A_430, %broadcast_in_dim3A_432, %and3A_357] : memref<2x16x1024xf32, #tpu.memory_space<vmem>>[vector<16xi32>, vector<16xi32>, vector<16xi32>], vector<16xf32>,
        %broadcast_in_dim3A_434 = arith.constant 10 : i32
        %broadcast_in_dim3A_435 = vector.broadcast %broadcast_in_dim3A_434 : i32 to vector<16xi32>
        tpu.vector_store_idx %arg15[%shift_right_arithmetic3A_359, %broadcast_in_dim3A_435], %gather3A_433 : memref<640x128xf32, #tpu.memory_space<vmem>>[vector<16xi32>, vector<16xi32>], vector<16xf32>,
        %broadcast_in_dim3A_436 = arith.constant 0 : i32
        %broadcast_in_dim3A_437 = vector.broadcast %broadcast_in_dim3A_436 : i32 to vector<16xi32>
        %broadcast_in_dim3A_438 = arith.constant 11 : i32
        %broadcast_in_dim3A_439 = vector.broadcast %broadcast_in_dim3A_438 : i32 to vector<16xi32>
        %gather3A_440 = tpu.vector_load_idx %arg13[%broadcast_in_dim3A_437, %broadcast_in_dim3A_439, %and3A_357] : memref<2x16x1024xf32, #tpu.memory_space<vmem>>[vector<16xi32>, vector<16xi32>, vector<16xi32>], vector<16xf32>,
        %broadcast_in_dim3A_441 = arith.constant 11 : i32
        %broadcast_in_dim3A_442 = vector.broadcast %broadcast_in_dim3A_441 : i32 to vector<16xi32>
        tpu.vector_store_idx %arg15[%shift_right_arithmetic3A_359, %broadcast_in_dim3A_442], %gather3A_440 : memref<640x128xf32, #tpu.memory_space<vmem>>[vector<16xi32>, vector<16xi32>], vector<16xf32>,
        %broadcast_in_dim3A_443 = arith.constant 0 : i32
        %broadcast_in_dim3A_444 = vector.broadcast %broadcast_in_dim3A_443 : i32 to vector<16xi32>
        %broadcast_in_dim3A_445 = arith.constant 12 : i32
        %broadcast_in_dim3A_446 = vector.broadcast %broadcast_in_dim3A_445 : i32 to vector<16xi32>
        %gather3A_447 = tpu.vector_load_idx %arg13[%broadcast_in_dim3A_444, %broadcast_in_dim3A_446, %and3A_357] : memref<2x16x1024xf32, #tpu.memory_space<vmem>>[vector<16xi32>, vector<16xi32>, vector<16xi32>], vector<16xf32>,
        %broadcast_in_dim3A_448 = arith.constant 12 : i32
        %broadcast_in_dim3A_449 = vector.broadcast %broadcast_in_dim3A_448 : i32 to vector<16xi32>
        tpu.vector_store_idx %arg15[%shift_right_arithmetic3A_359, %broadcast_in_dim3A_449], %gather3A_447 : memref<640x128xf32, #tpu.memory_space<vmem>>[vector<16xi32>, vector<16xi32>], vector<16xf32>,
        %broadcast_in_dim3A_450 = arith.constant 0 : i32
        %broadcast_in_dim3A_451 = vector.broadcast %broadcast_in_dim3A_450 : i32 to vector<16xi32>
        %broadcast_in_dim3A_452 = arith.constant 13 : i32
        %broadcast_in_dim3A_453 = vector.broadcast %broadcast_in_dim3A_452 : i32 to vector<16xi32>
        %gather3A_454 = tpu.vector_load_idx %arg13[%broadcast_in_dim3A_451, %broadcast_in_dim3A_453, %and3A_357] : memref<2x16x1024xf32, #tpu.memory_space<vmem>>[vector<16xi32>, vector<16xi32>, vector<16xi32>], vector<16xf32>,
        %broadcast_in_dim3A_455 = arith.constant 13 : i32
        %broadcast_in_dim3A_456 = vector.broadcast %broadcast_in_dim3A_455 : i32 to vector<16xi32>
        tpu.vector_store_idx %arg15[%shift_right_arithmetic3A_359, %broadcast_in_dim3A_456], %gather3A_454 : memref<640x128xf32, #tpu.memory_space<vmem>>[vector<16xi32>, vector<16xi32>], vector<16xf32>,
        %broadcast_in_dim3A_457 = arith.constant 0 : i32
        %broadcast_in_dim3A_458 = vector.broadcast %broadcast_in_dim3A_457 : i32 to vector<16xi32>
        %broadcast_in_dim3A_459 = arith.constant 14 : i32
        %broadcast_in_dim3A_460 = vector.broadcast %broadcast_in_dim3A_459 : i32 to vector<16xi32>
        %gather3A_461 = tpu.vector_load_idx %arg13[%broadcast_in_dim3A_458, %broadcast_in_dim3A_460, %and3A_357] : memref<2x16x1024xf32, #tpu.memory_space<vmem>>[vector<16xi32>, vector<16xi32>, vector<16xi32>], vector<16xf32>,
        %broadcast_in_dim3A_462 = arith.constant 14 : i32
        %broadcast_in_dim3A_463 = vector.broadcast %broadcast_in_dim3A_462 : i32 to vector<16xi32>
        tpu.vector_store_idx %arg15[%shift_right_arithmetic3A_359, %broadcast_in_dim3A_463], %gather3A_461 : memref<640x128xf32, #tpu.memory_space<vmem>>[vector<16xi32>, vector<16xi32>], vector<16xf32>,
        %broadcast_in_dim3A_464 = arith.constant 0 : i32
        %broadcast_in_dim3A_465 = vector.broadcast %broadcast_in_dim3A_464 : i32 to vector<16xi32>
        %broadcast_in_dim3A_466 = arith.constant 15 : i32
        %broadcast_in_dim3A_467 = vector.broadcast %broadcast_in_dim3A_466 : i32 to vector<16xi32>
        %gather3A_468 = tpu.vector_load_idx %arg13[%broadcast_in_dim3A_465, %broadcast_in_dim3A_467, %and3A_357] : memref<2x16x1024xf32, #tpu.memory_space<vmem>>[vector<16xi32>, vector<16xi32>, vector<16xi32>], vector<16xf32>,
        %broadcast_in_dim3A_469 = arith.constant 15 : i32
        %broadcast_in_dim3A_470 = vector.broadcast %broadcast_in_dim3A_469 : i32 to vector<16xi32>
        tpu.vector_store_idx %arg15[%shift_right_arithmetic3A_359, %broadcast_in_dim3A_470], %gather3A_468 : memref<640x128xf32, #tpu.memory_space<vmem>>[vector<16xi32>, vector<16xi32>], vector<16xf32>,
        %scan3A_471 = arith.constant 0 : i32
        scf.yield %scan3A_471 : i32
      }
      %scan3A_304 = arith.constant 3 : i32
      %add3A_305 = arith.constant 2 : i32
      %add3A_306 = arith.addi %add3A_263, %add3A_305 : i32
      %mul3A_307 = arith.constant 1024 : i32
      %mul3A_308 = arith.muli %add3A_306, %mul3A_307 : i32
      %add3A_309 = arith.addi %mul3A_2, %mul3A_308 : i32
      %dma_start3A_310 = arith.constant 0 : i32
      %dma_start3A_311 = arith.constant 0 : i32
      %dma_start3A_312 = arith.constant 0 : i32
      %dma_start3A_313 = tpu.memref_slice %arg13[%dma_start3A_310, %dma_start3A_311, %dma_start3A_312] : memref<2x16x1024xf32, #tpu.memory_space<vmem>> -> memref<1x16x1024xf32, #tpu.memory_space<vmem>>
      %dma_start3A_314 = tpu.memref_squeeze %dma_start3A_313 : memref<1x16x1024xf32, #tpu.memory_space<vmem>> -> memref<16x1024xf32, #tpu.memory_space<vmem>>
      %dma_start3A_315 = arith.constant 0 : i32
      %dma_start3A_316 = tpu.memref_slice %arg4[%dma_start3A_315, %add3A_309] : memref<32x1000000xf32, #tpu.memory_space<hbm>> -> memref<16x1024xf32, #tpu.memory_space<hbm>>
      %dma_start3A_317 = arith.constant 0 : i32
      %dma_start3A_318 = arith.constant 0 : i32
      %dma_start3A_319 = tpu.memref_slice %arg13[%dma_start3A_310, %dma_start3A_317, %dma_start3A_318] : memref<2x16x1024xf32, #tpu.memory_space<vmem>> -> memref<1x16x1024xf32, #tpu.memory_space<vmem>>
      %dma_start3A_320 = tpu.memref_squeeze %dma_start3A_319 : memref<1x16x1024xf32, #tpu.memory_space<vmem>> -> memref<16x1024xf32, #tpu.memory_space<vmem>>
      %dma_start3A_321 = arith.constant 0 : i32
      %dma_start3A_322 = tpu.memref_slice %arg4[%dma_start3A_321, %add3A_309] : memref<32x1000000xf32, #tpu.memory_space<hbm>> -> memref<16x1024xf32, #tpu.memory_space<hbm>>
      tpu.enqueue_dma source(%dma_start3A_322 : memref<16x1024xf32, #tpu.memory_space<hbm>>) target(%dma_start3A_320 : memref<16x1024xf32, #tpu.memory_space<vmem>>) target_semaphore(%arg17 : memref<!tpu.dma_semaphore, #tpu.memory_space<semaphore_mem>>)
      %add3A_323 = arith.constant 1 : i32
      %add3A_324 = arith.addi %add3A_263, %add3A_323 : i32
      %mul3A_325 = arith.constant 1024 : i32
      %mul3A_326 = arith.muli %add3A_324, %mul3A_325 : i32
      %add3A_327 = arith.addi %mul3A_2, %mul3A_326 : i32
      %dma_wait3A_328 = arith.constant 1 : i32
      %dma_wait3A_329 = arith.constant 0 : i32
      %dma_wait3A_330 = arith.constant 0 : i32
      %dma_wait3A_331 = tpu.memref_slice %arg13[%dma_wait3A_328, %dma_wait3A_329, %dma_wait3A_330] : memref<2x16x1024xf32, #tpu.memory_space<vmem>> -> memref<1x16x1024xf32, #tpu.memory_space<vmem>>
      %dma_wait3A_332 = tpu.memref_squeeze %dma_wait3A_331 : memref<1x16x1024xf32, #tpu.memory_space<vmem>> -> memref<16x1024xf32, #tpu.memory_space<vmem>>
      %dma_wait3A_333 = arith.constant 0 : i32
      %dma_wait3A_334 = tpu.memref_slice %arg4[%dma_wait3A_333, %add3A_327] : memref<32x1000000xf32, #tpu.memory_space<hbm>> -> memref<16x1024xf32, #tpu.memory_space<hbm>>
      %dma_wait3A_335 = arith.constant 0 : i32
      %dma_wait3A_336 = arith.constant 0 : i32
      %dma_wait3A_337 = tpu.memref_slice %arg13[%dma_wait3A_328, %dma_wait3A_335, %dma_wait3A_336] : memref<2x16x1024xf32, #tpu.memory_space<vmem>> -> memref<1x16x1024xf32, #tpu.memory_space<vmem>>
      %dma_wait3A_338 = tpu.memref_squeeze %dma_wait3A_337 : memref<1x16x1024xf32, #tpu.memory_space<vmem>> -> memref<16x1024xf32, #tpu.memory_space<vmem>>
      %dma_wait3A_339 = arith.constant 0 : i32
      %dma_wait3A_340 = tpu.memref_slice %arg4[%dma_wait3A_339, %add3A_327] : memref<32x1000000xf32, #tpu.memory_space<hbm>> -> memref<16x1024xf32, #tpu.memory_space<hbm>>
      tpu.wait_dma2 semaphore(%arg18 : memref<!tpu.dma_semaphore, #tpu.memory_space<semaphore_mem>>) src(%dma_wait3A_340 : memref<16x1024xf32, #tpu.memory_space<hbm>>) dst(%dma_wait3A_338 : memref<16x1024xf32, #tpu.memory_space<vmem>>)
      %add3A_341 = arith.constant 1 : i32
      %add3A_342 = arith.addi %add3A_263, %add3A_341 : i32
      %scan3A_343 = arith.constant 0 : i32
      %scan3A_344 = arith.constant 0 : i32
      %scan3A_345 = arith.constant 3 : i32
      %scan3A_346 = arith.addi %scan3A_344, %scan3A_345 : i32
      %scan3A_347 = arith.constant 1 : i32
      %scan3A_348 = scf.for %scan3A_350 = %scan3A_344 to %scan3A_346 step %scan3A_347 iter_args(%scan3A_351 = %scan3A_343) -> (i32)  : i32 {
        %mul3A_352 = arith.constant 16 : i32
        %mul3A_353 = arith.muli %scan3A_350, %mul3A_352 : i32
        %get3A = arith.index_cast %add3A_342 : i32 to index
        %get3A_354 = arith.index_cast %mul3A_353 : i32 to index
        %get3A_355 = tpu.vector_load %arg16[%get3A, %get3A_354] {strides = array<i32>} : memref<32x48xi32, #tpu.memory_space<vmem>>, vector<16xi32>,
        %and3A = arith.constant 1023 : i32
        %and3A_356 = vector.broadcast %and3A : i32 to vector<16xi32>
        %and3A_357 = arith.andi %get3A_355, %and3A_356 : vector<16xi32>
        %shift_right_arithmetic3A = arith.constant 10 : i32
        %shift_right_arithmetic3A_358 = vector.broadcast %shift_right_arithmetic3A : i32 to vector<16xi32>
        %shift_right_arithmetic3A_359 = arith.shrsi %get3A_355, %shift_right_arithmetic3A_358 : vector<16xi32>
        %broadcast_in_dim3A_360 = arith.constant 1 : i32
        %broadcast_in_dim3A_361 = vector.broadcast %broadcast_in_dim3A_360 : i32 to vector<16xi32>
        %broadcast_in_dim3A_362 = arith.constant 0 : i32
        %broadcast_in_dim3A_363 = vector.broadcast %broadcast_in_dim3A_362 : i32 to vector<16xi32>
        %gather3A = tpu.vector_load_idx %arg13[%broadcast_in_dim3A_361, %broadcast_in_dim3A_363, %and3A_357] : memref<2x16x1024xf32, #tpu.memory_space<vmem>>[vector<16xi32>, vector<16xi32>, vector<16xi32>], vector<16xf32>,
        %broadcast_in_dim3A_364 = arith.constant 0 : i32
        %broadcast_in_dim3A_365 = vector.broadcast %broadcast_in_dim3A_364 : i32 to vector<16xi32>
        tpu.vector_store_idx %arg15[%shift_right_arithmetic3A_359, %broadcast_in_dim3A_365], %gather3A : memref<640x128xf32, #tpu.memory_space<vmem>>[vector<16xi32>, vector<16xi32>], vector<16xf32>,
        %broadcast_in_dim3A_366 = arith.constant 1 : i32
        %broadcast_in_dim3A_367 = vector.broadcast %broadcast_in_dim3A_366 : i32 to vector<16xi32>
        %broadcast_in_dim3A_368 = arith.constant 1 : i32
        %broadcast_in_dim3A_369 = vector.broadcast %broadcast_in_dim3A_368 : i32 to vector<16xi32>
        %gather3A_370 = tpu.vector_load_idx %arg13[%broadcast_in_dim3A_367, %broadcast_in_dim3A_369, %and3A_357] : memref<2x16x1024xf32, #tpu.memory_space<vmem>>[vector<16xi32>, vector<16xi32>, vector<16xi32>], vector<16xf32>,
        %broadcast_in_dim3A_371 = arith.constant 1 : i32
        %broadcast_in_dim3A_372 = vector.broadcast %broadcast_in_dim3A_371 : i32 to vector<16xi32>
        tpu.vector_store_idx %arg15[%shift_right_arithmetic3A_359, %broadcast_in_dim3A_372], %gather3A_370 : memref<640x128xf32, #tpu.memory_space<vmem>>[vector<16xi32>, vector<16xi32>], vector<16xf32>,
        %broadcast_in_dim3A_373 = arith.constant 1 : i32
        %broadcast_in_dim3A_374 = vector.broadcast %broadcast_in_dim3A_373 : i32 to vector<16xi32>
        %broadcast_in_dim3A_375 = arith.constant 2 : i32
        %broadcast_in_dim3A_376 = vector.broadcast %broadcast_in_dim3A_375 : i32 to vector<16xi32>
        %gather3A_377 = tpu.vector_load_idx %arg13[%broadcast_in_dim3A_374, %broadcast_in_dim3A_376, %and3A_357] : memref<2x16x1024xf32, #tpu.memory_space<vmem>>[vector<16xi32>, vector<16xi32>, vector<16xi32>], vector<16xf32>,
        %broadcast_in_dim3A_378 = arith.constant 2 : i32
        %broadcast_in_dim3A_379 = vector.broadcast %broadcast_in_dim3A_378 : i32 to vector<16xi32>
        tpu.vector_store_idx %arg15[%shift_right_arithmetic3A_359, %broadcast_in_dim3A_379], %gather3A_377 : memref<640x128xf32, #tpu.memory_space<vmem>>[vector<16xi32>, vector<16xi32>], vector<16xf32>,
        %broadcast_in_dim3A_380 = arith.constant 1 : i32
        %broadcast_in_dim3A_381 = vector.broadcast %broadcast_in_dim3A_380 : i32 to vector<16xi32>
        %broadcast_in_dim3A_382 = arith.constant 3 : i32
        %broadcast_in_dim3A_383 = vector.broadcast %broadcast_in_dim3A_382 : i32 to vector<16xi32>
        %gather3A_384 = tpu.vector_load_idx %arg13[%broadcast_in_dim3A_381, %broadcast_in_dim3A_383, %and3A_357] : memref<2x16x1024xf32, #tpu.memory_space<vmem>>[vector<16xi32>, vector<16xi32>, vector<16xi32>], vector<16xf32>,
        %broadcast_in_dim3A_385 = arith.constant 3 : i32
        %broadcast_in_dim3A_386 = vector.broadcast %broadcast_in_dim3A_385 : i32 to vector<16xi32>
        tpu.vector_store_idx %arg15[%shift_right_arithmetic3A_359, %broadcast_in_dim3A_386], %gather3A_384 : memref<640x128xf32, #tpu.memory_space<vmem>>[vector<16xi32>, vector<16xi32>], vector<16xf32>,
        %broadcast_in_dim3A_387 = arith.constant 1 : i32
        %broadcast_in_dim3A_388 = vector.broadcast %broadcast_in_dim3A_387 : i32 to vector<16xi32>
        %broadcast_in_dim3A_389 = arith.constant 4 : i32
        %broadcast_in_dim3A_390 = vector.broadcast %broadcast_in_dim3A_389 : i32 to vector<16xi32>
        %gather3A_391 = tpu.vector_load_idx %arg13[%broadcast_in_dim3A_388, %broadcast_in_dim3A_390, %and3A_357] : memref<2x16x1024xf32, #tpu.memory_space<vmem>>[vector<16xi32>, vector<16xi32>, vector<16xi32>], vector<16xf32>,
        %broadcast_in_dim3A_392 = arith.constant 4 : i32
        %broadcast_in_dim3A_393 = vector.broadcast %broadcast_in_dim3A_392 : i32 to vector<16xi32>
        tpu.vector_store_idx %arg15[%shift_right_arithmetic3A_359, %broadcast_in_dim3A_393], %gather3A_391 : memref<640x128xf32, #tpu.memory_space<vmem>>[vector<16xi32>, vector<16xi32>], vector<16xf32>,
        %broadcast_in_dim3A_394 = arith.constant 1 : i32
        %broadcast_in_dim3A_395 = vector.broadcast %broadcast_in_dim3A_394 : i32 to vector<16xi32>
        %broadcast_in_dim3A_396 = arith.constant 5 : i32
        %broadcast_in_dim3A_397 = vector.broadcast %broadcast_in_dim3A_396 : i32 to vector<16xi32>
        %gather3A_398 = tpu.vector_load_idx %arg13[%broadcast_in_dim3A_395, %broadcast_in_dim3A_397, %and3A_357] : memref<2x16x1024xf32, #tpu.memory_space<vmem>>[vector<16xi32>, vector<16xi32>, vector<16xi32>], vector<16xf32>,
        %broadcast_in_dim3A_399 = arith.constant 5 : i32
        %broadcast_in_dim3A_400 = vector.broadcast %broadcast_in_dim3A_399 : i32 to vector<16xi32>
        tpu.vector_store_idx %arg15[%shift_right_arithmetic3A_359, %broadcast_in_dim3A_400], %gather3A_398 : memref<640x128xf32, #tpu.memory_space<vmem>>[vector<16xi32>, vector<16xi32>], vector<16xf32>,
        %broadcast_in_dim3A_401 = arith.constant 1 : i32
        %broadcast_in_dim3A_402 = vector.broadcast %broadcast_in_dim3A_401 : i32 to vector<16xi32>
        %broadcast_in_dim3A_403 = arith.constant 6 : i32
        %broadcast_in_dim3A_404 = vector.broadcast %broadcast_in_dim3A_403 : i32 to vector<16xi32>
        %gather3A_405 = tpu.vector_load_idx %arg13[%broadcast_in_dim3A_402, %broadcast_in_dim3A_404, %and3A_357] : memref<2x16x1024xf32, #tpu.memory_space<vmem>>[vector<16xi32>, vector<16xi32>, vector<16xi32>], vector<16xf32>,
        %broadcast_in_dim3A_406 = arith.constant 6 : i32
        %broadcast_in_dim3A_407 = vector.broadcast %broadcast_in_dim3A_406 : i32 to vector<16xi32>
        tpu.vector_store_idx %arg15[%shift_right_arithmetic3A_359, %broadcast_in_dim3A_407], %gather3A_405 : memref<640x128xf32, #tpu.memory_space<vmem>>[vector<16xi32>, vector<16xi32>], vector<16xf32>,
        %broadcast_in_dim3A_408 = arith.constant 1 : i32
        %broadcast_in_dim3A_409 = vector.broadcast %broadcast_in_dim3A_408 : i32 to vector<16xi32>
        %broadcast_in_dim3A_410 = arith.constant 7 : i32
        %broadcast_in_dim3A_411 = vector.broadcast %broadcast_in_dim3A_410 : i32 to vector<16xi32>
        %gather3A_412 = tpu.vector_load_idx %arg13[%broadcast_in_dim3A_409, %broadcast_in_dim3A_411, %and3A_357] : memref<2x16x1024xf32, #tpu.memory_space<vmem>>[vector<16xi32>, vector<16xi32>, vector<16xi32>], vector<16xf32>,
        %broadcast_in_dim3A_413 = arith.constant 7 : i32
        %broadcast_in_dim3A_414 = vector.broadcast %broadcast_in_dim3A_413 : i32 to vector<16xi32>
        tpu.vector_store_idx %arg15[%shift_right_arithmetic3A_359, %broadcast_in_dim3A_414], %gather3A_412 : memref<640x128xf32, #tpu.memory_space<vmem>>[vector<16xi32>, vector<16xi32>], vector<16xf32>,
        %broadcast_in_dim3A_415 = arith.constant 1 : i32
        %broadcast_in_dim3A_416 = vector.broadcast %broadcast_in_dim3A_415 : i32 to vector<16xi32>
        %broadcast_in_dim3A_417 = arith.constant 8 : i32
        %broadcast_in_dim3A_418 = vector.broadcast %broadcast_in_dim3A_417 : i32 to vector<16xi32>
        %gather3A_419 = tpu.vector_load_idx %arg13[%broadcast_in_dim3A_416, %broadcast_in_dim3A_418, %and3A_357] : memref<2x16x1024xf32, #tpu.memory_space<vmem>>[vector<16xi32>, vector<16xi32>, vector<16xi32>], vector<16xf32>,
        %broadcast_in_dim3A_420 = arith.constant 8 : i32
        %broadcast_in_dim3A_421 = vector.broadcast %broadcast_in_dim3A_420 : i32 to vector<16xi32>
        tpu.vector_store_idx %arg15[%shift_right_arithmetic3A_359, %broadcast_in_dim3A_421], %gather3A_419 : memref<640x128xf32, #tpu.memory_space<vmem>>[vector<16xi32>, vector<16xi32>], vector<16xf32>,
        %broadcast_in_dim3A_422 = arith.constant 1 : i32
        %broadcast_in_dim3A_423 = vector.broadcast %broadcast_in_dim3A_422 : i32 to vector<16xi32>
        %broadcast_in_dim3A_424 = arith.constant 9 : i32
        %broadcast_in_dim3A_425 = vector.broadcast %broadcast_in_dim3A_424 : i32 to vector<16xi32>
        %gather3A_426 = tpu.vector_load_idx %arg13[%broadcast_in_dim3A_423, %broadcast_in_dim3A_425, %and3A_357] : memref<2x16x1024xf32, #tpu.memory_space<vmem>>[vector<16xi32>, vector<16xi32>, vector<16xi32>], vector<16xf32>,
        %broadcast_in_dim3A_427 = arith.constant 9 : i32
        %broadcast_in_dim3A_428 = vector.broadcast %broadcast_in_dim3A_427 : i32 to vector<16xi32>
        tpu.vector_store_idx %arg15[%shift_right_arithmetic3A_359, %broadcast_in_dim3A_428], %gather3A_426 : memref<640x128xf32, #tpu.memory_space<vmem>>[vector<16xi32>, vector<16xi32>], vector<16xf32>,
        %broadcast_in_dim3A_429 = arith.constant 1 : i32
        %broadcast_in_dim3A_430 = vector.broadcast %broadcast_in_dim3A_429 : i32 to vector<16xi32>
        %broadcast_in_dim3A_431 = arith.constant 10 : i32
        %broadcast_in_dim3A_432 = vector.broadcast %broadcast_in_dim3A_431 : i32 to vector<16xi32>
        %gather3A_433 = tpu.vector_load_idx %arg13[%broadcast_in_dim3A_430, %broadcast_in_dim3A_432, %and3A_357] : memref<2x16x1024xf32, #tpu.memory_space<vmem>>[vector<16xi32>, vector<16xi32>, vector<16xi32>], vector<16xf32>,
        %broadcast_in_dim3A_434 = arith.constant 10 : i32
        %broadcast_in_dim3A_435 = vector.broadcast %broadcast_in_dim3A_434 : i32 to vector<16xi32>
        tpu.vector_store_idx %arg15[%shift_right_arithmetic3A_359, %broadcast_in_dim3A_435], %gather3A_433 : memref<640x128xf32, #tpu.memory_space<vmem>>[vector<16xi32>, vector<16xi32>], vector<16xf32>,
        %broadcast_in_dim3A_436 = arith.constant 1 : i32
        %broadcast_in_dim3A_437 = vector.broadcast %broadcast_in_dim3A_436 : i32 to vector<16xi32>
        %broadcast_in_dim3A_438 = arith.constant 11 : i32
        %broadcast_in_dim3A_439 = vector.broadcast %broadcast_in_dim3A_438 : i32 to vector<16xi32>
        %gather3A_440 = tpu.vector_load_idx %arg13[%broadcast_in_dim3A_437, %broadcast_in_dim3A_439, %and3A_357] : memref<2x16x1024xf32, #tpu.memory_space<vmem>>[vector<16xi32>, vector<16xi32>, vector<16xi32>], vector<16xf32>,
        %broadcast_in_dim3A_441 = arith.constant 11 : i32
        %broadcast_in_dim3A_442 = vector.broadcast %broadcast_in_dim3A_441 : i32 to vector<16xi32>
        tpu.vector_store_idx %arg15[%shift_right_arithmetic3A_359, %broadcast_in_dim3A_442], %gather3A_440 : memref<640x128xf32, #tpu.memory_space<vmem>>[vector<16xi32>, vector<16xi32>], vector<16xf32>,
        %broadcast_in_dim3A_443 = arith.constant 1 : i32
        %broadcast_in_dim3A_444 = vector.broadcast %broadcast_in_dim3A_443 : i32 to vector<16xi32>
        %broadcast_in_dim3A_445 = arith.constant 12 : i32
        %broadcast_in_dim3A_446 = vector.broadcast %broadcast_in_dim3A_445 : i32 to vector<16xi32>
        %gather3A_447 = tpu.vector_load_idx %arg13[%broadcast_in_dim3A_444, %broadcast_in_dim3A_446, %and3A_357] : memref<2x16x1024xf32, #tpu.memory_space<vmem>>[vector<16xi32>, vector<16xi32>, vector<16xi32>], vector<16xf32>,
        %broadcast_in_dim3A_448 = arith.constant 12 : i32
        %broadcast_in_dim3A_449 = vector.broadcast %broadcast_in_dim3A_448 : i32 to vector<16xi32>
        tpu.vector_store_idx %arg15[%shift_right_arithmetic3A_359, %broadcast_in_dim3A_449], %gather3A_447 : memref<640x128xf32, #tpu.memory_space<vmem>>[vector<16xi32>, vector<16xi32>], vector<16xf32>,
        %broadcast_in_dim3A_450 = arith.constant 1 : i32
        %broadcast_in_dim3A_451 = vector.broadcast %broadcast_in_dim3A_450 : i32 to vector<16xi32>
        %broadcast_in_dim3A_452 = arith.constant 13 : i32
        %broadcast_in_dim3A_453 = vector.broadcast %broadcast_in_dim3A_452 : i32 to vector<16xi32>
        %gather3A_454 = tpu.vector_load_idx %arg13[%broadcast_in_dim3A_451, %broadcast_in_dim3A_453, %and3A_357] : memref<2x16x1024xf32, #tpu.memory_space<vmem>>[vector<16xi32>, vector<16xi32>, vector<16xi32>], vector<16xf32>,
        %broadcast_in_dim3A_455 = arith.constant 13 : i32
        %broadcast_in_dim3A_456 = vector.broadcast %broadcast_in_dim3A_455 : i32 to vector<16xi32>
        tpu.vector_store_idx %arg15[%shift_right_arithmetic3A_359, %broadcast_in_dim3A_456], %gather3A_454 : memref<640x128xf32, #tpu.memory_space<vmem>>[vector<16xi32>, vector<16xi32>], vector<16xf32>,
        %broadcast_in_dim3A_457 = arith.constant 1 : i32
        %broadcast_in_dim3A_458 = vector.broadcast %broadcast_in_dim3A_457 : i32 to vector<16xi32>
        %broadcast_in_dim3A_459 = arith.constant 14 : i32
        %broadcast_in_dim3A_460 = vector.broadcast %broadcast_in_dim3A_459 : i32 to vector<16xi32>
        %gather3A_461 = tpu.vector_load_idx %arg13[%broadcast_in_dim3A_458, %broadcast_in_dim3A_460, %and3A_357] : memref<2x16x1024xf32, #tpu.memory_space<vmem>>[vector<16xi32>, vector<16xi32>, vector<16xi32>], vector<16xf32>,
        %broadcast_in_dim3A_462 = arith.constant 14 : i32
        %broadcast_in_dim3A_463 = vector.broadcast %broadcast_in_dim3A_462 : i32 to vector<16xi32>
        tpu.vector_store_idx %arg15[%shift_right_arithmetic3A_359, %broadcast_in_dim3A_463], %gather3A_461 : memref<640x128xf32, #tpu.memory_space<vmem>>[vector<16xi32>, vector<16xi32>], vector<16xf32>,
        %broadcast_in_dim3A_464 = arith.constant 1 : i32
        %broadcast_in_dim3A_465 = vector.broadcast %broadcast_in_dim3A_464 : i32 to vector<16xi32>
        %broadcast_in_dim3A_466 = arith.constant 15 : i32
        %broadcast_in_dim3A_467 = vector.broadcast %broadcast_in_dim3A_466 : i32 to vector<16xi32>
        %gather3A_468 = tpu.vector_load_idx %arg13[%broadcast_in_dim3A_465, %broadcast_in_dim3A_467, %and3A_357] : memref<2x16x1024xf32, #tpu.memory_space<vmem>>[vector<16xi32>, vector<16xi32>, vector<16xi32>], vector<16xf32>,
        %broadcast_in_dim3A_469 = arith.constant 15 : i32
        %broadcast_in_dim3A_470 = vector.broadcast %broadcast_in_dim3A_469 : i32 to vector<16xi32>
        tpu.vector_store_idx %arg15[%shift_right_arithmetic3A_359, %broadcast_in_dim3A_470], %gather3A_468 : memref<640x128xf32, #tpu.memory_space<vmem>>[vector<16xi32>, vector<16xi32>], vector<16xf32>,
        %scan3A_471 = arith.constant 0 : i32
        scf.yield %scan3A_471 : i32
      }
      %scan3A_349 = arith.constant 3 : i32
    }
    %scan3A_87 = arith.constant 15 : i32
    %add3A_88 = arith.constant 30720 : i32
    %add3A_89 = arith.addi %mul3A_2, %add3A_88 : i32
    %dma_wait3A = arith.constant 0 : i32
    %dma_wait3A_90 = arith.constant 0 : i32
    %dma_wait3A_91 = arith.constant 0 : i32
    %dma_wait3A_92 = tpu.memref_slice %arg13[%dma_wait3A, %dma_wait3A_90, %dma_wait3A_91] : memref<2x16x1024xf32, #tpu.memory_space<vmem>> -> memref<1x16x1024xf32, #tpu.memory_space<vmem>>
    %dma_wait3A_93 = tpu.memref_squeeze %dma_wait3A_92 : memref<1x16x1024xf32, #tpu.memory_space<vmem>> -> memref<16x1024xf32, #tpu.memory_space<vmem>>
    %dma_wait3A_94 = arith.constant 0 : i32
    %dma_wait3A_95 = tpu.memref_slice %arg4[%dma_wait3A_94, %add3A_89] : memref<32x1000000xf32, #tpu.memory_space<hbm>> -> memref<16x1024xf32, #tpu.memory_space<hbm>>
    %dma_wait3A_96 = arith.constant 0 : i32
    %dma_wait3A_97 = arith.constant 0 : i32
    %dma_wait3A_98 = tpu.memref_slice %arg13[%dma_wait3A, %dma_wait3A_96, %dma_wait3A_97] : memref<2x16x1024xf32, #tpu.memory_space<vmem>> -> memref<1x16x1024xf32, #tpu.memory_space<vmem>>
    %dma_wait3A_99 = tpu.memref_squeeze %dma_wait3A_98 : memref<1x16x1024xf32, #tpu.memory_space<vmem>> -> memref<16x1024xf32, #tpu.memory_space<vmem>>
    %dma_wait3A_100 = arith.constant 0 : i32
    %dma_wait3A_101 = tpu.memref_slice %arg4[%dma_wait3A_100, %add3A_89] : memref<32x1000000xf32, #tpu.memory_space<hbm>> -> memref<16x1024xf32, #tpu.memory_space<hbm>>
    tpu.wait_dma2 semaphore(%arg17 : memref<!tpu.dma_semaphore, #tpu.memory_space<semaphore_mem>>) src(%dma_wait3A_101 : memref<16x1024xf32, #tpu.memory_space<hbm>>) dst(%dma_wait3A_99 : memref<16x1024xf32, #tpu.memory_space<vmem>>)
    %scan3A_102 = arith.constant 0 : i32
    %scan3A_103 = arith.constant 0 : i32
    %scan3A_104 = arith.constant 3 : i32
    %scan3A_105 = arith.addi %scan3A_103, %scan3A_104 : i32
    %scan3A_106 = arith.constant 1 : i32
    %scan3A_107 = scf.for %scan3A_259 = %scan3A_103 to %scan3A_105 step %scan3A_106 iter_args(%scan3A_260 = %scan3A_102) -> (i32)  : i32 {
      %mul3A_261 = arith.constant 16 : i32
      %mul3A_262 = arith.muli %scan3A_259, %mul3A_261 : i32
      %get3A = arith.constant 30 : i32
      %get3A_263 = arith.index_cast %get3A : i32 to index
      %get3A_264 = arith.index_cast %mul3A_262 : i32 to index
      %get3A_265 = tpu.vector_load %arg16[%get3A_263, %get3A_264] {strides = array<i32>} : memref<32x48xi32, #tpu.memory_space<vmem>>, vector<16xi32>,
      %and3A = arith.constant 1023 : i32
      %and3A_266 = vector.broadcast %and3A : i32 to vector<16xi32>
      %and3A_267 = arith.andi %get3A_265, %and3A_266 : vector<16xi32>
      %shift_right_arithmetic3A = arith.constant 10 : i32
      %shift_right_arithmetic3A_268 = vector.broadcast %shift_right_arithmetic3A : i32 to vector<16xi32>
      %shift_right_arithmetic3A_269 = arith.shrsi %get3A_265, %shift_right_arithmetic3A_268 : vector<16xi32>
      %broadcast_in_dim3A_270 = arith.constant 0 : i32
      %broadcast_in_dim3A_271 = vector.broadcast %broadcast_in_dim3A_270 : i32 to vector<16xi32>
      %broadcast_in_dim3A_272 = arith.constant 0 : i32
      %broadcast_in_dim3A_273 = vector.broadcast %broadcast_in_dim3A_272 : i32 to vector<16xi32>
      %gather3A = tpu.vector_load_idx %arg13[%broadcast_in_dim3A_271, %broadcast_in_dim3A_273, %and3A_267] : memref<2x16x1024xf32, #tpu.memory_space<vmem>>[vector<16xi32>, vector<16xi32>, vector<16xi32>], vector<16xf32>,
      %broadcast_in_dim3A_274 = arith.constant 0 : i32
      %broadcast_in_dim3A_275 = vector.broadcast %broadcast_in_dim3A_274 : i32 to vector<16xi32>
      tpu.vector_store_idx %arg15[%shift_right_arithmetic3A_269, %broadcast_in_dim3A_275], %gather3A : memref<640x128xf32, #tpu.memory_space<vmem>>[vector<16xi32>, vector<16xi32>], vector<16xf32>,
      %broadcast_in_dim3A_276 = arith.constant 0 : i32
      %broadcast_in_dim3A_277 = vector.broadcast %broadcast_in_dim3A_276 : i32 to vector<16xi32>
      %broadcast_in_dim3A_278 = arith.constant 1 : i32
      %broadcast_in_dim3A_279 = vector.broadcast %broadcast_in_dim3A_278 : i32 to vector<16xi32>
      %gather3A_280 = tpu.vector_load_idx %arg13[%broadcast_in_dim3A_277, %broadcast_in_dim3A_279, %and3A_267] : memref<2x16x1024xf32, #tpu.memory_space<vmem>>[vector<16xi32>, vector<16xi32>, vector<16xi32>], vector<16xf32>,
      %broadcast_in_dim3A_281 = arith.constant 1 : i32
      %broadcast_in_dim3A_282 = vector.broadcast %broadcast_in_dim3A_281 : i32 to vector<16xi32>
      tpu.vector_store_idx %arg15[%shift_right_arithmetic3A_269, %broadcast_in_dim3A_282], %gather3A_280 : memref<640x128xf32, #tpu.memory_space<vmem>>[vector<16xi32>, vector<16xi32>], vector<16xf32>,
      %broadcast_in_dim3A_283 = arith.constant 0 : i32
      %broadcast_in_dim3A_284 = vector.broadcast %broadcast_in_dim3A_283 : i32 to vector<16xi32>
      %broadcast_in_dim3A_285 = arith.constant 2 : i32
      %broadcast_in_dim3A_286 = vector.broadcast %broadcast_in_dim3A_285 : i32 to vector<16xi32>
      %gather3A_287 = tpu.vector_load_idx %arg13[%broadcast_in_dim3A_284, %broadcast_in_dim3A_286, %and3A_267] : memref<2x16x1024xf32, #tpu.memory_space<vmem>>[vector<16xi32>, vector<16xi32>, vector<16xi32>], vector<16xf32>,
      %broadcast_in_dim3A_288 = arith.constant 2 : i32
      %broadcast_in_dim3A_289 = vector.broadcast %broadcast_in_dim3A_288 : i32 to vector<16xi32>
      tpu.vector_store_idx %arg15[%shift_right_arithmetic3A_269, %broadcast_in_dim3A_289], %gather3A_287 : memref<640x128xf32, #tpu.memory_space<vmem>>[vector<16xi32>, vector<16xi32>], vector<16xf32>,
      %broadcast_in_dim3A_290 = arith.constant 0 : i32
      %broadcast_in_dim3A_291 = vector.broadcast %broadcast_in_dim3A_290 : i32 to vector<16xi32>
      %broadcast_in_dim3A_292 = arith.constant 3 : i32
      %broadcast_in_dim3A_293 = vector.broadcast %broadcast_in_dim3A_292 : i32 to vector<16xi32>
      %gather3A_294 = tpu.vector_load_idx %arg13[%broadcast_in_dim3A_291, %broadcast_in_dim3A_293, %and3A_267] : memref<2x16x1024xf32, #tpu.memory_space<vmem>>[vector<16xi32>, vector<16xi32>, vector<16xi32>], vector<16xf32>,
      %broadcast_in_dim3A_295 = arith.constant 3 : i32
      %broadcast_in_dim3A_296 = vector.broadcast %broadcast_in_dim3A_295 : i32 to vector<16xi32>
      tpu.vector_store_idx %arg15[%shift_right_arithmetic3A_269, %broadcast_in_dim3A_296], %gather3A_294 : memref<640x128xf32, #tpu.memory_space<vmem>>[vector<16xi32>, vector<16xi32>], vector<16xf32>,
      %broadcast_in_dim3A_297 = arith.constant 0 : i32
      %broadcast_in_dim3A_298 = vector.broadcast %broadcast_in_dim3A_297 : i32 to vector<16xi32>
      %broadcast_in_dim3A_299 = arith.constant 4 : i32
      %broadcast_in_dim3A_300 = vector.broadcast %broadcast_in_dim3A_299 : i32 to vector<16xi32>
      %gather3A_301 = tpu.vector_load_idx %arg13[%broadcast_in_dim3A_298, %broadcast_in_dim3A_300, %and3A_267] : memref<2x16x1024xf32, #tpu.memory_space<vmem>>[vector<16xi32>, vector<16xi32>, vector<16xi32>], vector<16xf32>,
      %broadcast_in_dim3A_302 = arith.constant 4 : i32
      %broadcast_in_dim3A_303 = vector.broadcast %broadcast_in_dim3A_302 : i32 to vector<16xi32>
      tpu.vector_store_idx %arg15[%shift_right_arithmetic3A_269, %broadcast_in_dim3A_303], %gather3A_301 : memref<640x128xf32, #tpu.memory_space<vmem>>[vector<16xi32>, vector<16xi32>], vector<16xf32>,
      %broadcast_in_dim3A_304 = arith.constant 0 : i32
      %broadcast_in_dim3A_305 = vector.broadcast %broadcast_in_dim3A_304 : i32 to vector<16xi32>
      %broadcast_in_dim3A_306 = arith.constant 5 : i32
      %broadcast_in_dim3A_307 = vector.broadcast %broadcast_in_dim3A_306 : i32 to vector<16xi32>
      %gather3A_308 = tpu.vector_load_idx %arg13[%broadcast_in_dim3A_305, %broadcast_in_dim3A_307, %and3A_267] : memref<2x16x1024xf32, #tpu.memory_space<vmem>>[vector<16xi32>, vector<16xi32>, vector<16xi32>], vector<16xf32>,
      %broadcast_in_dim3A_309 = arith.constant 5 : i32
      %broadcast_in_dim3A_310 = vector.broadcast %broadcast_in_dim3A_309 : i32 to vector<16xi32>
      tpu.vector_store_idx %arg15[%shift_right_arithmetic3A_269, %broadcast_in_dim3A_310], %gather3A_308 : memref<640x128xf32, #tpu.memory_space<vmem>>[vector<16xi32>, vector<16xi32>], vector<16xf32>,
      %broadcast_in_dim3A_311 = arith.constant 0 : i32
      %broadcast_in_dim3A_312 = vector.broadcast %broadcast_in_dim3A_311 : i32 to vector<16xi32>
      %broadcast_in_dim3A_313 = arith.constant 6 : i32
      %broadcast_in_dim3A_314 = vector.broadcast %broadcast_in_dim3A_313 : i32 to vector<16xi32>
      %gather3A_315 = tpu.vector_load_idx %arg13[%broadcast_in_dim3A_312, %broadcast_in_dim3A_314, %and3A_267] : memref<2x16x1024xf32, #tpu.memory_space<vmem>>[vector<16xi32>, vector<16xi32>, vector<16xi32>], vector<16xf32>,
      %broadcast_in_dim3A_316 = arith.constant 6 : i32
      %broadcast_in_dim3A_317 = vector.broadcast %broadcast_in_dim3A_316 : i32 to vector<16xi32>
      tpu.vector_store_idx %arg15[%shift_right_arithmetic3A_269, %broadcast_in_dim3A_317], %gather3A_315 : memref<640x128xf32, #tpu.memory_space<vmem>>[vector<16xi32>, vector<16xi32>], vector<16xf32>,
      %broadcast_in_dim3A_318 = arith.constant 0 : i32
      %broadcast_in_dim3A_319 = vector.broadcast %broadcast_in_dim3A_318 : i32 to vector<16xi32>
      %broadcast_in_dim3A_320 = arith.constant 7 : i32
      %broadcast_in_dim3A_321 = vector.broadcast %broadcast_in_dim3A_320 : i32 to vector<16xi32>
      %gather3A_322 = tpu.vector_load_idx %arg13[%broadcast_in_dim3A_319, %broadcast_in_dim3A_321, %and3A_267] : memref<2x16x1024xf32, #tpu.memory_space<vmem>>[vector<16xi32>, vector<16xi32>, vector<16xi32>], vector<16xf32>,
      %broadcast_in_dim3A_323 = arith.constant 7 : i32
      %broadcast_in_dim3A_324 = vector.broadcast %broadcast_in_dim3A_323 : i32 to vector<16xi32>
      tpu.vector_store_idx %arg15[%shift_right_arithmetic3A_269, %broadcast_in_dim3A_324], %gather3A_322 : memref<640x128xf32, #tpu.memory_space<vmem>>[vector<16xi32>, vector<16xi32>], vector<16xf32>,
      %broadcast_in_dim3A_325 = arith.constant 0 : i32
      %broadcast_in_dim3A_326 = vector.broadcast %broadcast_in_dim3A_325 : i32 to vector<16xi32>
      %broadcast_in_dim3A_327 = arith.constant 8 : i32
      %broadcast_in_dim3A_328 = vector.broadcast %broadcast_in_dim3A_327 : i32 to vector<16xi32>
      %gather3A_329 = tpu.vector_load_idx %arg13[%broadcast_in_dim3A_326, %broadcast_in_dim3A_328, %and3A_267] : memref<2x16x1024xf32, #tpu.memory_space<vmem>>[vector<16xi32>, vector<16xi32>, vector<16xi32>], vector<16xf32>,
      %broadcast_in_dim3A_330 = arith.constant 8 : i32
      %broadcast_in_dim3A_331 = vector.broadcast %broadcast_in_dim3A_330 : i32 to vector<16xi32>
      tpu.vector_store_idx %arg15[%shift_right_arithmetic3A_269, %broadcast_in_dim3A_331], %gather3A_329 : memref<640x128xf32, #tpu.memory_space<vmem>>[vector<16xi32>, vector<16xi32>], vector<16xf32>,
      %broadcast_in_dim3A_332 = arith.constant 0 : i32
      %broadcast_in_dim3A_333 = vector.broadcast %broadcast_in_dim3A_332 : i32 to vector<16xi32>
      %broadcast_in_dim3A_334 = arith.constant 9 : i32
      %broadcast_in_dim3A_335 = vector.broadcast %broadcast_in_dim3A_334 : i32 to vector<16xi32>
      %gather3A_336 = tpu.vector_load_idx %arg13[%broadcast_in_dim3A_333, %broadcast_in_dim3A_335, %and3A_267] : memref<2x16x1024xf32, #tpu.memory_space<vmem>>[vector<16xi32>, vector<16xi32>, vector<16xi32>], vector<16xf32>,
      %broadcast_in_dim3A_337 = arith.constant 9 : i32
      %broadcast_in_dim3A_338 = vector.broadcast %broadcast_in_dim3A_337 : i32 to vector<16xi32>
      tpu.vector_store_idx %arg15[%shift_right_arithmetic3A_269, %broadcast_in_dim3A_338], %gather3A_336 : memref<640x128xf32, #tpu.memory_space<vmem>>[vector<16xi32>, vector<16xi32>], vector<16xf32>,
      %broadcast_in_dim3A_339 = arith.constant 0 : i32
      %broadcast_in_dim3A_340 = vector.broadcast %broadcast_in_dim3A_339 : i32 to vector<16xi32>
      %broadcast_in_dim3A_341 = arith.constant 10 : i32
      %broadcast_in_dim3A_342 = vector.broadcast %broadcast_in_dim3A_341 : i32 to vector<16xi32>
      %gather3A_343 = tpu.vector_load_idx %arg13[%broadcast_in_dim3A_340, %broadcast_in_dim3A_342, %and3A_267] : memref<2x16x1024xf32, #tpu.memory_space<vmem>>[vector<16xi32>, vector<16xi32>, vector<16xi32>], vector<16xf32>,
      %broadcast_in_dim3A_344 = arith.constant 10 : i32
      %broadcast_in_dim3A_345 = vector.broadcast %broadcast_in_dim3A_344 : i32 to vector<16xi32>
      tpu.vector_store_idx %arg15[%shift_right_arithmetic3A_269, %broadcast_in_dim3A_345], %gather3A_343 : memref<640x128xf32, #tpu.memory_space<vmem>>[vector<16xi32>, vector<16xi32>], vector<16xf32>,
      %broadcast_in_dim3A_346 = arith.constant 0 : i32
      %broadcast_in_dim3A_347 = vector.broadcast %broadcast_in_dim3A_346 : i32 to vector<16xi32>
      %broadcast_in_dim3A_348 = arith.constant 11 : i32
      %broadcast_in_dim3A_349 = vector.broadcast %broadcast_in_dim3A_348 : i32 to vector<16xi32>
      %gather3A_350 = tpu.vector_load_idx %arg13[%broadcast_in_dim3A_347, %broadcast_in_dim3A_349, %and3A_267] : memref<2x16x1024xf32, #tpu.memory_space<vmem>>[vector<16xi32>, vector<16xi32>, vector<16xi32>], vector<16xf32>,
      %broadcast_in_dim3A_351 = arith.constant 11 : i32
      %broadcast_in_dim3A_352 = vector.broadcast %broadcast_in_dim3A_351 : i32 to vector<16xi32>
      tpu.vector_store_idx %arg15[%shift_right_arithmetic3A_269, %broadcast_in_dim3A_352], %gather3A_350 : memref<640x128xf32, #tpu.memory_space<vmem>>[vector<16xi32>, vector<16xi32>], vector<16xf32>,
      %broadcast_in_dim3A_353 = arith.constant 0 : i32
      %broadcast_in_dim3A_354 = vector.broadcast %broadcast_in_dim3A_353 : i32 to vector<16xi32>
      %broadcast_in_dim3A_355 = arith.constant 12 : i32
      %broadcast_in_dim3A_356 = vector.broadcast %broadcast_in_dim3A_355 : i32 to vector<16xi32>
      %gather3A_357 = tpu.vector_load_idx %arg13[%broadcast_in_dim3A_354, %broadcast_in_dim3A_356, %and3A_267] : memref<2x16x1024xf32, #tpu.memory_space<vmem>>[vector<16xi32>, vector<16xi32>, vector<16xi32>], vector<16xf32>,
      %broadcast_in_dim3A_358 = arith.constant 12 : i32
      %broadcast_in_dim3A_359 = vector.broadcast %broadcast_in_dim3A_358 : i32 to vector<16xi32>
      tpu.vector_store_idx %arg15[%shift_right_arithmetic3A_269, %broadcast_in_dim3A_359], %gather3A_357 : memref<640x128xf32, #tpu.memory_space<vmem>>[vector<16xi32>, vector<16xi32>], vector<16xf32>,
      %broadcast_in_dim3A_360 = arith.constant 0 : i32
      %broadcast_in_dim3A_361 = vector.broadcast %broadcast_in_dim3A_360 : i32 to vector<16xi32>
      %broadcast_in_dim3A_362 = arith.constant 13 : i32
      %broadcast_in_dim3A_363 = vector.broadcast %broadcast_in_dim3A_362 : i32 to vector<16xi32>
      %gather3A_364 = tpu.vector_load_idx %arg13[%broadcast_in_dim3A_361, %broadcast_in_dim3A_363, %and3A_267] : memref<2x16x1024xf32, #tpu.memory_space<vmem>>[vector<16xi32>, vector<16xi32>, vector<16xi32>], vector<16xf32>,
      %broadcast_in_dim3A_365 = arith.constant 13 : i32
      %broadcast_in_dim3A_366 = vector.broadcast %broadcast_in_dim3A_365 : i32 to vector<16xi32>
      tpu.vector_store_idx %arg15[%shift_right_arithmetic3A_269, %broadcast_in_dim3A_366], %gather3A_364 : memref<640x128xf32, #tpu.memory_space<vmem>>[vector<16xi32>, vector<16xi32>], vector<16xf32>,
      %broadcast_in_dim3A_367 = arith.constant 0 : i32
      %broadcast_in_dim3A_368 = vector.broadcast %broadcast_in_dim3A_367 : i32 to vector<16xi32>
      %broadcast_in_dim3A_369 = arith.constant 14 : i32
      %broadcast_in_dim3A_370 = vector.broadcast %broadcast_in_dim3A_369 : i32 to vector<16xi32>
      %gather3A_371 = tpu.vector_load_idx %arg13[%broadcast_in_dim3A_368, %broadcast_in_dim3A_370, %and3A_267] : memref<2x16x1024xf32, #tpu.memory_space<vmem>>[vector<16xi32>, vector<16xi32>, vector<16xi32>], vector<16xf32>,
      %broadcast_in_dim3A_372 = arith.constant 14 : i32
      %broadcast_in_dim3A_373 = vector.broadcast %broadcast_in_dim3A_372 : i32 to vector<16xi32>
      tpu.vector_store_idx %arg15[%shift_right_arithmetic3A_269, %broadcast_in_dim3A_373], %gather3A_371 : memref<640x128xf32, #tpu.memory_space<vmem>>[vector<16xi32>, vector<16xi32>], vector<16xf32>,
      %broadcast_in_dim3A_374 = arith.constant 0 : i32
      %broadcast_in_dim3A_375 = vector.broadcast %broadcast_in_dim3A_374 : i32 to vector<16xi32>
      %broadcast_in_dim3A_376 = arith.constant 15 : i32
      %broadcast_in_dim3A_377 = vector.broadcast %broadcast_in_dim3A_376 : i32 to vector<16xi32>
      %gather3A_378 = tpu.vector_load_idx %arg13[%broadcast_in_dim3A_375, %broadcast_in_dim3A_377, %and3A_267] : memref<2x16x1024xf32, #tpu.memory_space<vmem>>[vector<16xi32>, vector<16xi32>, vector<16xi32>], vector<16xf32>,
      %broadcast_in_dim3A_379 = arith.constant 15 : i32
      %broadcast_in_dim3A_380 = vector.broadcast %broadcast_in_dim3A_379 : i32 to vector<16xi32>
      tpu.vector_store_idx %arg15[%shift_right_arithmetic3A_269, %broadcast_in_dim3A_380], %gather3A_378 : memref<640x128xf32, #tpu.memory_space<vmem>>[vector<16xi32>, vector<16xi32>], vector<16xf32>,
      %scan3A_381 = arith.constant 0 : i32
      scf.yield %scan3A_381 : i32
    }
    %scan3A_108 = arith.constant 3 : i32
    %run_scoped3A_109 = arith.constant 0 : i32
    "tpu.region"() ({
      %run_scoped3A_259 = tpu.sem_alloc : memref<!tpu.dma_semaphore, #tpu.memory_space<semaphore_mem>>
      %dma_start3A_260 = arith.constant 0 : i32
      %dma_start3A_261 = arith.constant 0 : i32
      %dma_start3A_262 = tpu.memref_slice %arg13[%run_scoped3A_109, %dma_start3A_260, %dma_start3A_261] : memref<2x16x1024xf32, #tpu.memory_space<vmem>> -> memref<1x16x1024xf32, #tpu.memory_space<vmem>>
      %dma_start3A_263 = tpu.memref_squeeze %dma_start3A_262 : memref<1x16x1024xf32, #tpu.memory_space<vmem>> -> memref<16x1024xf32, #tpu.memory_space<vmem>>
      %dma_start3A_264 = arith.constant 16 : i32
      %dma_start3A_265 = arith.constant 0 : i32
      %dma_start3A_266 = tpu.memref_slice %arg5[%dma_start3A_264, %dma_start3A_265] : memref<32x1024xf32, #tpu.memory_space<hbm>> -> memref<16x1024xf32, #tpu.memory_space<hbm>>
      %dma_start3A_267 = arith.constant 0 : i32
      %dma_start3A_268 = arith.constant 0 : i32
      %dma_start3A_269 = tpu.memref_slice %arg13[%run_scoped3A_109, %dma_start3A_267, %dma_start3A_268] : memref<2x16x1024xf32, #tpu.memory_space<vmem>> -> memref<1x16x1024xf32, #tpu.memory_space<vmem>>
      %dma_start3A_270 = tpu.memref_squeeze %dma_start3A_269 : memref<1x16x1024xf32, #tpu.memory_space<vmem>> -> memref<16x1024xf32, #tpu.memory_space<vmem>>
      %dma_start3A_271 = arith.constant 16 : i32
      %dma_start3A_272 = arith.constant 0 : i32
      %dma_start3A_273 = tpu.memref_slice %arg5[%dma_start3A_271, %dma_start3A_272] : memref<32x1024xf32, #tpu.memory_space<hbm>> -> memref<16x1024xf32, #tpu.memory_space<hbm>>
      tpu.enqueue_dma source(%dma_start3A_273 : memref<16x1024xf32, #tpu.memory_space<hbm>>) target(%dma_start3A_270 : memref<16x1024xf32, #tpu.memory_space<vmem>>) target_semaphore(%run_scoped3A_259 : memref<!tpu.dma_semaphore, #tpu.memory_space<semaphore_mem>>)
      %dma_wait3A_274 = arith.constant 0 : i32
      %dma_wait3A_275 = arith.constant 0 : i32
      %dma_wait3A_276 = tpu.memref_slice %arg13[%run_scoped3A_109, %dma_wait3A_274, %dma_wait3A_275] : memref<2x16x1024xf32, #tpu.memory_space<vmem>> -> memref<1x16x1024xf32, #tpu.memory_space<vmem>>
      %dma_wait3A_277 = tpu.memref_squeeze %dma_wait3A_276 : memref<1x16x1024xf32, #tpu.memory_space<vmem>> -> memref<16x1024xf32, #tpu.memory_space<vmem>>
      %dma_wait3A_278 = arith.constant 16 : i32
      %dma_wait3A_279 = arith.constant 0 : i32
      %dma_wait3A_280 = tpu.memref_slice %arg5[%dma_wait3A_278, %dma_wait3A_279] : memref<32x1024xf32, #tpu.memory_space<hbm>> -> memref<16x1024xf32, #tpu.memory_space<hbm>>
      %dma_wait3A_281 = arith.constant 0 : i32
      %dma_wait3A_282 = arith.constant 0 : i32
      %dma_wait3A_283 = tpu.memref_slice %arg13[%run_scoped3A_109, %dma_wait3A_281, %dma_wait3A_282] : memref<2x16x1024xf32, #tpu.memory_space<vmem>> -> memref<1x16x1024xf32, #tpu.memory_space<vmem>>
      %dma_wait3A_284 = tpu.memref_squeeze %dma_wait3A_283 : memref<1x16x1024xf32, #tpu.memory_space<vmem>> -> memref<16x1024xf32, #tpu.memory_space<vmem>>
      %dma_wait3A_285 = arith.constant 16 : i32
      %dma_wait3A_286 = arith.constant 0 : i32
      %dma_wait3A_287 = tpu.memref_slice %arg5[%dma_wait3A_285, %dma_wait3A_286] : memref<32x1024xf32, #tpu.memory_space<hbm>> -> memref<16x1024xf32, #tpu.memory_space<hbm>>
      tpu.wait_dma2 semaphore(%run_scoped3A_259 : memref<!tpu.dma_semaphore, #tpu.memory_space<semaphore_mem>>) src(%dma_wait3A_287 : memref<16x1024xf32, #tpu.memory_space<hbm>>) dst(%dma_wait3A_284 : memref<16x1024xf32, #tpu.memory_space<vmem>>)
      tpu.yield
    }) : () -> ()
    %scan3A_110 = arith.constant 0 : i32
    %scan3A_111 = arith.constant 0 : i32
    %scan3A_112 = arith.constant 40 : i32
    %scan3A_113 = arith.addi %scan3A_111, %scan3A_112 : i32
    %scan3A_114 = arith.constant 1 : i32
    %scan3A_115 = scf.for %scan3A_259 = %scan3A_111 to %scan3A_113 step %scan3A_114 iter_args(%scan3A_260 = %scan3A_110) -> (i32)  : i32 {
      %mul3A_261 = arith.constant 16 : i32
      %mul3A_262 = arith.muli %scan3A_259, %mul3A_261 : i32
      %get3A = arith.index_cast %mul3A_262 : i32 to index
      %get3A_263 = tpu.vector_load %arg12[%get3A] {strides = array<i32>} : memref<640xi32, #tpu.memory_space<vmem>>, vector<16xi32>,
      %jit3A = arith.constant 0 : i32
      %jit3A_264 = arith.constant 1023 : i32
      %max3A = vector.broadcast %jit3A : i32 to vector<16xi32>
      %max3A_265 = arith.maxsi %max3A, %get3A_263 : vector<16xi32>
      %min3A = vector.broadcast %jit3A_264 : i32 to vector<16xi32>
      %min3A_266 = arith.minsi %min3A, %max3A_265 : vector<16xi32>
      %mul3A_267 = arith.constant 16 : i32
      %mul3A_268 = arith.muli %scan3A_259, %mul3A_267 : i32
      %broadcast_in_dim3A_269 = vector.broadcast %mul3A_268 : i32 to vector<16xi32>
      %add3A_270 = arith.addi %broadcast_in_dim3A_269, %iota3A : vector<16xi32>
      %broadcast_in_dim3A_271 = arith.constant 0 : i32
      %broadcast_in_dim3A_272 = vector.broadcast %broadcast_in_dim3A_271 : i32 to vector<16xi32>
      %broadcast_in_dim3A_273 = arith.constant 0 : i32
      %broadcast_in_dim3A_274 = vector.broadcast %broadcast_in_dim3A_273 : i32 to vector<16xi32>
      %gather3A = tpu.vector_load_idx %arg13[%broadcast_in_dim3A_272, %broadcast_in_dim3A_274, %min3A_266] : memref<2x16x1024xf32, #tpu.memory_space<vmem>>[vector<16xi32>, vector<16xi32>, vector<16xi32>], vector<16xf32>,
      %broadcast_in_dim3A_275 = arith.constant 48 : i32
      %broadcast_in_dim3A_276 = vector.broadcast %broadcast_in_dim3A_275 : i32 to vector<16xi32>
      tpu.vector_store_idx %arg15[%add3A_270, %broadcast_in_dim3A_276], %gather3A : memref<640x128xf32, #tpu.memory_space<vmem>>[vector<16xi32>, vector<16xi32>], vector<16xf32>,
      %broadcast_in_dim3A_277 = arith.constant 0 : i32
      %broadcast_in_dim3A_278 = vector.broadcast %broadcast_in_dim3A_277 : i32 to vector<16xi32>
      %broadcast_in_dim3A_279 = arith.constant 1 : i32
      %broadcast_in_dim3A_280 = vector.broadcast %broadcast_in_dim3A_279 : i32 to vector<16xi32>
      %gather3A_281 = tpu.vector_load_idx %arg13[%broadcast_in_dim3A_278, %broadcast_in_dim3A_280, %min3A_266] : memref<2x16x1024xf32, #tpu.memory_space<vmem>>[vector<16xi32>, vector<16xi32>, vector<16xi32>], vector<16xf32>,
      %broadcast_in_dim3A_282 = arith.constant 49 : i32
      %broadcast_in_dim3A_283 = vector.broadcast %broadcast_in_dim3A_282 : i32 to vector<16xi32>
      tpu.vector_store_idx %arg15[%add3A_270, %broadcast_in_dim3A_283], %gather3A_281 : memref<640x128xf32, #tpu.memory_space<vmem>>[vector<16xi32>, vector<16xi32>], vector<16xf32>,
      %broadcast_in_dim3A_284 = arith.constant 0 : i32
      %broadcast_in_dim3A_285 = vector.broadcast %broadcast_in_dim3A_284 : i32 to vector<16xi32>
      %broadcast_in_dim3A_286 = arith.constant 2 : i32
      %broadcast_in_dim3A_287 = vector.broadcast %broadcast_in_dim3A_286 : i32 to vector<16xi32>
      %gather3A_288 = tpu.vector_load_idx %arg13[%broadcast_in_dim3A_285, %broadcast_in_dim3A_287, %min3A_266] : memref<2x16x1024xf32, #tpu.memory_space<vmem>>[vector<16xi32>, vector<16xi32>, vector<16xi32>], vector<16xf32>,
      %broadcast_in_dim3A_289 = arith.constant 50 : i32
      %broadcast_in_dim3A_290 = vector.broadcast %broadcast_in_dim3A_289 : i32 to vector<16xi32>
      tpu.vector_store_idx %arg15[%add3A_270, %broadcast_in_dim3A_290], %gather3A_288 : memref<640x128xf32, #tpu.memory_space<vmem>>[vector<16xi32>, vector<16xi32>], vector<16xf32>,
      %broadcast_in_dim3A_291 = arith.constant 0 : i32
      %broadcast_in_dim3A_292 = vector.broadcast %broadcast_in_dim3A_291 : i32 to vector<16xi32>
      %broadcast_in_dim3A_293 = arith.constant 3 : i32
      %broadcast_in_dim3A_294 = vector.broadcast %broadcast_in_dim3A_293 : i32 to vector<16xi32>
      %gather3A_295 = tpu.vector_load_idx %arg13[%broadcast_in_dim3A_292, %broadcast_in_dim3A_294, %min3A_266] : memref<2x16x1024xf32, #tpu.memory_space<vmem>>[vector<16xi32>, vector<16xi32>, vector<16xi32>], vector<16xf32>,
      %broadcast_in_dim3A_296 = arith.constant 51 : i32
      %broadcast_in_dim3A_297 = vector.broadcast %broadcast_in_dim3A_296 : i32 to vector<16xi32>
      tpu.vector_store_idx %arg15[%add3A_270, %broadcast_in_dim3A_297], %gather3A_295 : memref<640x128xf32, #tpu.memory_space<vmem>>[vector<16xi32>, vector<16xi32>], vector<16xf32>,
      %broadcast_in_dim3A_298 = arith.constant 0 : i32
      %broadcast_in_dim3A_299 = vector.broadcast %broadcast_in_dim3A_298 : i32 to vector<16xi32>
      %broadcast_in_dim3A_300 = arith.constant 4 : i32
      %broadcast_in_dim3A_301 = vector.broadcast %broadcast_in_dim3A_300 : i32 to vector<16xi32>
      %gather3A_302 = tpu.vector_load_idx %arg13[%broadcast_in_dim3A_299, %broadcast_in_dim3A_301, %min3A_266] : memref<2x16x1024xf32, #tpu.memory_space<vmem>>[vector<16xi32>, vector<16xi32>, vector<16xi32>], vector<16xf32>,
      %broadcast_in_dim3A_303 = arith.constant 52 : i32
      %broadcast_in_dim3A_304 = vector.broadcast %broadcast_in_dim3A_303 : i32 to vector<16xi32>
      tpu.vector_store_idx %arg15[%add3A_270, %broadcast_in_dim3A_304], %gather3A_302 : memref<640x128xf32, #tpu.memory_space<vmem>>[vector<16xi32>, vector<16xi32>], vector<16xf32>,
      %broadcast_in_dim3A_305 = arith.constant 0 : i32
      %broadcast_in_dim3A_306 = vector.broadcast %broadcast_in_dim3A_305 : i32 to vector<16xi32>
      %broadcast_in_dim3A_307 = arith.constant 5 : i32
      %broadcast_in_dim3A_308 = vector.broadcast %broadcast_in_dim3A_307 : i32 to vector<16xi32>
      %gather3A_309 = tpu.vector_load_idx %arg13[%broadcast_in_dim3A_306, %broadcast_in_dim3A_308, %min3A_266] : memref<2x16x1024xf32, #tpu.memory_space<vmem>>[vector<16xi32>, vector<16xi32>, vector<16xi32>], vector<16xf32>,
      %broadcast_in_dim3A_310 = arith.constant 53 : i32
      %broadcast_in_dim3A_311 = vector.broadcast %broadcast_in_dim3A_310 : i32 to vector<16xi32>
      tpu.vector_store_idx %arg15[%add3A_270, %broadcast_in_dim3A_311], %gather3A_309 : memref<640x128xf32, #tpu.memory_space<vmem>>[vector<16xi32>, vector<16xi32>], vector<16xf32>,
      %broadcast_in_dim3A_312 = arith.constant 0 : i32
      %broadcast_in_dim3A_313 = vector.broadcast %broadcast_in_dim3A_312 : i32 to vector<16xi32>
      %broadcast_in_dim3A_314 = arith.constant 6 : i32
      %broadcast_in_dim3A_315 = vector.broadcast %broadcast_in_dim3A_314 : i32 to vector<16xi32>
      %gather3A_316 = tpu.vector_load_idx %arg13[%broadcast_in_dim3A_313, %broadcast_in_dim3A_315, %min3A_266] : memref<2x16x1024xf32, #tpu.memory_space<vmem>>[vector<16xi32>, vector<16xi32>, vector<16xi32>], vector<16xf32>,
      %broadcast_in_dim3A_317 = arith.constant 54 : i32
      %broadcast_in_dim3A_318 = vector.broadcast %broadcast_in_dim3A_317 : i32 to vector<16xi32>
      tpu.vector_store_idx %arg15[%add3A_270, %broadcast_in_dim3A_318], %gather3A_316 : memref<640x128xf32, #tpu.memory_space<vmem>>[vector<16xi32>, vector<16xi32>], vector<16xf32>,
      %broadcast_in_dim3A_319 = arith.constant 0 : i32
      %broadcast_in_dim3A_320 = vector.broadcast %broadcast_in_dim3A_319 : i32 to vector<16xi32>
      %broadcast_in_dim3A_321 = arith.constant 7 : i32
      %broadcast_in_dim3A_322 = vector.broadcast %broadcast_in_dim3A_321 : i32 to vector<16xi32>
      %gather3A_323 = tpu.vector_load_idx %arg13[%broadcast_in_dim3A_320, %broadcast_in_dim3A_322, %min3A_266] : memref<2x16x1024xf32, #tpu.memory_space<vmem>>[vector<16xi32>, vector<16xi32>, vector<16xi32>], vector<16xf32>,
      %broadcast_in_dim3A_324 = arith.constant 55 : i32
      %broadcast_in_dim3A_325 = vector.broadcast %broadcast_in_dim3A_324 : i32 to vector<16xi32>
      tpu.vector_store_idx %arg15[%add3A_270, %broadcast_in_dim3A_325], %gather3A_323 : memref<640x128xf32, #tpu.memory_space<vmem>>[vector<16xi32>, vector<16xi32>], vector<16xf32>,
      %broadcast_in_dim3A_326 = arith.constant 0 : i32
      %broadcast_in_dim3A_327 = vector.broadcast %broadcast_in_dim3A_326 : i32 to vector<16xi32>
      %broadcast_in_dim3A_328 = arith.constant 8 : i32
      %broadcast_in_dim3A_329 = vector.broadcast %broadcast_in_dim3A_328 : i32 to vector<16xi32>
      %gather3A_330 = tpu.vector_load_idx %arg13[%broadcast_in_dim3A_327, %broadcast_in_dim3A_329, %min3A_266] : memref<2x16x1024xf32, #tpu.memory_space<vmem>>[vector<16xi32>, vector<16xi32>, vector<16xi32>], vector<16xf32>,
      %broadcast_in_dim3A_331 = arith.constant 56 : i32
      %broadcast_in_dim3A_332 = vector.broadcast %broadcast_in_dim3A_331 : i32 to vector<16xi32>
      tpu.vector_store_idx %arg15[%add3A_270, %broadcast_in_dim3A_332], %gather3A_330 : memref<640x128xf32, #tpu.memory_space<vmem>>[vector<16xi32>, vector<16xi32>], vector<16xf32>,
      %broadcast_in_dim3A_333 = arith.constant 0 : i32
      %broadcast_in_dim3A_334 = vector.broadcast %broadcast_in_dim3A_333 : i32 to vector<16xi32>
      %broadcast_in_dim3A_335 = arith.constant 9 : i32
      %broadcast_in_dim3A_336 = vector.broadcast %broadcast_in_dim3A_335 : i32 to vector<16xi32>
      %gather3A_337 = tpu.vector_load_idx %arg13[%broadcast_in_dim3A_334, %broadcast_in_dim3A_336, %min3A_266] : memref<2x16x1024xf32, #tpu.memory_space<vmem>>[vector<16xi32>, vector<16xi32>, vector<16xi32>], vector<16xf32>,
      %broadcast_in_dim3A_338 = arith.constant 57 : i32
      %broadcast_in_dim3A_339 = vector.broadcast %broadcast_in_dim3A_338 : i32 to vector<16xi32>
      tpu.vector_store_idx %arg15[%add3A_270, %broadcast_in_dim3A_339], %gather3A_337 : memref<640x128xf32, #tpu.memory_space<vmem>>[vector<16xi32>, vector<16xi32>], vector<16xf32>,
      %broadcast_in_dim3A_340 = arith.constant 0 : i32
      %broadcast_in_dim3A_341 = vector.broadcast %broadcast_in_dim3A_340 : i32 to vector<16xi32>
      %broadcast_in_dim3A_342 = arith.constant 10 : i32
      %broadcast_in_dim3A_343 = vector.broadcast %broadcast_in_dim3A_342 : i32 to vector<16xi32>
      %gather3A_344 = tpu.vector_load_idx %arg13[%broadcast_in_dim3A_341, %broadcast_in_dim3A_343, %min3A_266] : memref<2x16x1024xf32, #tpu.memory_space<vmem>>[vector<16xi32>, vector<16xi32>, vector<16xi32>], vector<16xf32>,
      %broadcast_in_dim3A_345 = arith.constant 58 : i32
      %broadcast_in_dim3A_346 = vector.broadcast %broadcast_in_dim3A_345 : i32 to vector<16xi32>
      tpu.vector_store_idx %arg15[%add3A_270, %broadcast_in_dim3A_346], %gather3A_344 : memref<640x128xf32, #tpu.memory_space<vmem>>[vector<16xi32>, vector<16xi32>], vector<16xf32>,
      %broadcast_in_dim3A_347 = arith.constant 0 : i32
      %broadcast_in_dim3A_348 = vector.broadcast %broadcast_in_dim3A_347 : i32 to vector<16xi32>
      %broadcast_in_dim3A_349 = arith.constant 11 : i32
      %broadcast_in_dim3A_350 = vector.broadcast %broadcast_in_dim3A_349 : i32 to vector<16xi32>
      %gather3A_351 = tpu.vector_load_idx %arg13[%broadcast_in_dim3A_348, %broadcast_in_dim3A_350, %min3A_266] : memref<2x16x1024xf32, #tpu.memory_space<vmem>>[vector<16xi32>, vector<16xi32>, vector<16xi32>], vector<16xf32>,
      %broadcast_in_dim3A_352 = arith.constant 59 : i32
      %broadcast_in_dim3A_353 = vector.broadcast %broadcast_in_dim3A_352 : i32 to vector<16xi32>
      tpu.vector_store_idx %arg15[%add3A_270, %broadcast_in_dim3A_353], %gather3A_351 : memref<640x128xf32, #tpu.memory_space<vmem>>[vector<16xi32>, vector<16xi32>], vector<16xf32>,
      %broadcast_in_dim3A_354 = arith.constant 0 : i32
      %broadcast_in_dim3A_355 = vector.broadcast %broadcast_in_dim3A_354 : i32 to vector<16xi32>
      %broadcast_in_dim3A_356 = arith.constant 12 : i32
      %broadcast_in_dim3A_357 = vector.broadcast %broadcast_in_dim3A_356 : i32 to vector<16xi32>
      %gather3A_358 = tpu.vector_load_idx %arg13[%broadcast_in_dim3A_355, %broadcast_in_dim3A_357, %min3A_266] : memref<2x16x1024xf32, #tpu.memory_space<vmem>>[vector<16xi32>, vector<16xi32>, vector<16xi32>], vector<16xf32>,
      %broadcast_in_dim3A_359 = arith.constant 60 : i32
      %broadcast_in_dim3A_360 = vector.broadcast %broadcast_in_dim3A_359 : i32 to vector<16xi32>
      tpu.vector_store_idx %arg15[%add3A_270, %broadcast_in_dim3A_360], %gather3A_358 : memref<640x128xf32, #tpu.memory_space<vmem>>[vector<16xi32>, vector<16xi32>], vector<16xf32>,
      %broadcast_in_dim3A_361 = arith.constant 0 : i32
      %broadcast_in_dim3A_362 = vector.broadcast %broadcast_in_dim3A_361 : i32 to vector<16xi32>
      %broadcast_in_dim3A_363 = arith.constant 13 : i32
      %broadcast_in_dim3A_364 = vector.broadcast %broadcast_in_dim3A_363 : i32 to vector<16xi32>
      %gather3A_365 = tpu.vector_load_idx %arg13[%broadcast_in_dim3A_362, %broadcast_in_dim3A_364, %min3A_266] : memref<2x16x1024xf32, #tpu.memory_space<vmem>>[vector<16xi32>, vector<16xi32>, vector<16xi32>], vector<16xf32>,
      %broadcast_in_dim3A_366 = arith.constant 61 : i32
      %broadcast_in_dim3A_367 = vector.broadcast %broadcast_in_dim3A_366 : i32 to vector<16xi32>
      tpu.vector_store_idx %arg15[%add3A_270, %broadcast_in_dim3A_367], %gather3A_365 : memref<640x128xf32, #tpu.memory_space<vmem>>[vector<16xi32>, vector<16xi32>], vector<16xf32>,
      %broadcast_in_dim3A_368 = arith.constant 0 : i32
      %broadcast_in_dim3A_369 = vector.broadcast %broadcast_in_dim3A_368 : i32 to vector<16xi32>
      %broadcast_in_dim3A_370 = arith.constant 14 : i32
      %broadcast_in_dim3A_371 = vector.broadcast %broadcast_in_dim3A_370 : i32 to vector<16xi32>
      %gather3A_372 = tpu.vector_load_idx %arg13[%broadcast_in_dim3A_369, %broadcast_in_dim3A_371, %min3A_266] : memref<2x16x1024xf32, #tpu.memory_space<vmem>>[vector<16xi32>, vector<16xi32>, vector<16xi32>], vector<16xf32>,
      %broadcast_in_dim3A_373 = arith.constant 62 : i32
      %broadcast_in_dim3A_374 = vector.broadcast %broadcast_in_dim3A_373 : i32 to vector<16xi32>
      tpu.vector_store_idx %arg15[%add3A_270, %broadcast_in_dim3A_374], %gather3A_372 : memref<640x128xf32, #tpu.memory_space<vmem>>[vector<16xi32>, vector<16xi32>], vector<16xf32>,
      %broadcast_in_dim3A_375 = arith.constant 0 : i32
      %broadcast_in_dim3A_376 = vector.broadcast %broadcast_in_dim3A_375 : i32 to vector<16xi32>
      %broadcast_in_dim3A_377 = arith.constant 15 : i32
      %broadcast_in_dim3A_378 = vector.broadcast %broadcast_in_dim3A_377 : i32 to vector<16xi32>
      %gather3A_379 = tpu.vector_load_idx %arg13[%broadcast_in_dim3A_376, %broadcast_in_dim3A_378, %min3A_266] : memref<2x16x1024xf32, #tpu.memory_space<vmem>>[vector<16xi32>, vector<16xi32>, vector<16xi32>], vector<16xf32>,
      %broadcast_in_dim3A_380 = arith.constant 63 : i32
      %broadcast_in_dim3A_381 = vector.broadcast %broadcast_in_dim3A_380 : i32 to vector<16xi32>
      tpu.vector_store_idx %arg15[%add3A_270, %broadcast_in_dim3A_381], %gather3A_379 : memref<640x128xf32, #tpu.memory_space<vmem>>[vector<16xi32>, vector<16xi32>], vector<16xf32>,
      %scan3A_382 = arith.constant 0 : i32
      scf.yield %scan3A_382 : i32
    }
    %scan3A_116 = arith.constant 40 : i32
    %add3A_117 = arith.constant 0 : i32
    %add3A_118 = arith.addi %mul3A_2, %add3A_117 : i32
    %dma_start3A_119 = arith.constant 0 : i32
    %dma_start3A_120 = arith.constant 0 : i32
    %dma_start3A_121 = arith.constant 0 : i32
    %dma_start3A_122 = tpu.memref_slice %arg13[%dma_start3A_119, %dma_start3A_120, %dma_start3A_121] : memref<2x16x1024xf32, #tpu.memory_space<vmem>> -> memref<1x16x1024xf32, #tpu.memory_space<vmem>>
    %dma_start3A_123 = tpu.memref_squeeze %dma_start3A_122 : memref<1x16x1024xf32, #tpu.memory_space<vmem>> -> memref<16x1024xf32, #tpu.memory_space<vmem>>
    %dma_start3A_124 = arith.constant 16 : i32
    %dma_start3A_125 = tpu.memref_slice %arg4[%dma_start3A_124, %add3A_118] : memref<32x1000000xf32, #tpu.memory_space<hbm>> -> memref<16x1024xf32, #tpu.memory_space<hbm>>
    %dma_start3A_126 = arith.constant 0 : i32
    %dma_start3A_127 = arith.constant 0 : i32
    %dma_start3A_128 = tpu.memref_slice %arg13[%dma_start3A_119, %dma_start3A_126, %dma_start3A_127] : memref<2x16x1024xf32, #tpu.memory_space<vmem>> -> memref<1x16x1024xf32, #tpu.memory_space<vmem>>
    %dma_start3A_129 = tpu.memref_squeeze %dma_start3A_128 : memref<1x16x1024xf32, #tpu.memory_space<vmem>> -> memref<16x1024xf32, #tpu.memory_space<vmem>>
    %dma_start3A_130 = arith.constant 16 : i32
    %dma_start3A_131 = tpu.memref_slice %arg4[%dma_start3A_130, %add3A_118] : memref<32x1000000xf32, #tpu.memory_space<hbm>> -> memref<16x1024xf32, #tpu.memory_space<hbm>>
    tpu.enqueue_dma source(%dma_start3A_131 : memref<16x1024xf32, #tpu.memory_space<hbm>>) target(%dma_start3A_129 : memref<16x1024xf32, #tpu.memory_space<vmem>>) target_semaphore(%arg17 : memref<!tpu.dma_semaphore, #tpu.memory_space<semaphore_mem>>)
    %scan3A_132 = arith.constant 0 : i32
    %scan3A_133 = arith.constant 15 : i32
    %scan3A_134 = arith.addi %scan3A_132, %scan3A_133 : i32
    %scan3A_135 = arith.constant 1 : i32
    scf.for %scan3A_259 = %scan3A_132 to %scan3A_134 step %scan3A_135  : i32 {
      %mul3A_260 = arith.constant 2 : i32
      %mul3A_261 = arith.muli %scan3A_259, %mul3A_260 : i32
      %add3A_262 = arith.constant 0 : i32
      %add3A_263 = arith.addi %add3A_262, %mul3A_261 : i32
      %add3A_264 = arith.constant 1 : i32
      %add3A_265 = arith.addi %add3A_263, %add3A_264 : i32
      %mul3A_266 = arith.constant 1024 : i32
      %mul3A_267 = arith.muli %add3A_265, %mul3A_266 : i32
      %add3A_268 = arith.addi %mul3A_2, %mul3A_267 : i32
      %dma_start3A_269 = arith.constant 1 : i32
      %dma_start3A_270 = arith.constant 0 : i32
      %dma_start3A_271 = arith.constant 0 : i32
      %dma_start3A_272 = tpu.memref_slice %arg13[%dma_start3A_269, %dma_start3A_270, %dma_start3A_271] : memref<2x16x1024xf32, #tpu.memory_space<vmem>> -> memref<1x16x1024xf32, #tpu.memory_space<vmem>>
      %dma_start3A_273 = tpu.memref_squeeze %dma_start3A_272 : memref<1x16x1024xf32, #tpu.memory_space<vmem>> -> memref<16x1024xf32, #tpu.memory_space<vmem>>
      %dma_start3A_274 = arith.constant 16 : i32
      %dma_start3A_275 = tpu.memref_slice %arg4[%dma_start3A_274, %add3A_268] : memref<32x1000000xf32, #tpu.memory_space<hbm>> -> memref<16x1024xf32, #tpu.memory_space<hbm>>
      %dma_start3A_276 = arith.constant 0 : i32
      %dma_start3A_277 = arith.constant 0 : i32
      %dma_start3A_278 = tpu.memref_slice %arg13[%dma_start3A_269, %dma_start3A_276, %dma_start3A_277] : memref<2x16x1024xf32, #tpu.memory_space<vmem>> -> memref<1x16x1024xf32, #tpu.memory_space<vmem>>
      %dma_start3A_279 = tpu.memref_squeeze %dma_start3A_278 : memref<1x16x1024xf32, #tpu.memory_space<vmem>> -> memref<16x1024xf32, #tpu.memory_space<vmem>>
      %dma_start3A_280 = arith.constant 16 : i32
      %dma_start3A_281 = tpu.memref_slice %arg4[%dma_start3A_280, %add3A_268] : memref<32x1000000xf32, #tpu.memory_space<hbm>> -> memref<16x1024xf32, #tpu.memory_space<hbm>>
      tpu.enqueue_dma source(%dma_start3A_281 : memref<16x1024xf32, #tpu.memory_space<hbm>>) target(%dma_start3A_279 : memref<16x1024xf32, #tpu.memory_space<vmem>>) target_semaphore(%arg18 : memref<!tpu.dma_semaphore, #tpu.memory_space<semaphore_mem>>)
      %mul3A_282 = arith.constant 1024 : i32
      %mul3A_283 = arith.muli %add3A_263, %mul3A_282 : i32
      %add3A_284 = arith.addi %mul3A_2, %mul3A_283 : i32
      %dma_wait3A_285 = arith.constant 0 : i32
      %dma_wait3A_286 = arith.constant 0 : i32
      %dma_wait3A_287 = arith.constant 0 : i32
      %dma_wait3A_288 = tpu.memref_slice %arg13[%dma_wait3A_285, %dma_wait3A_286, %dma_wait3A_287] : memref<2x16x1024xf32, #tpu.memory_space<vmem>> -> memref<1x16x1024xf32, #tpu.memory_space<vmem>>
      %dma_wait3A_289 = tpu.memref_squeeze %dma_wait3A_288 : memref<1x16x1024xf32, #tpu.memory_space<vmem>> -> memref<16x1024xf32, #tpu.memory_space<vmem>>
      %dma_wait3A_290 = arith.constant 16 : i32
      %dma_wait3A_291 = tpu.memref_slice %arg4[%dma_wait3A_290, %add3A_284] : memref<32x1000000xf32, #tpu.memory_space<hbm>> -> memref<16x1024xf32, #tpu.memory_space<hbm>>
      %dma_wait3A_292 = arith.constant 0 : i32
      %dma_wait3A_293 = arith.constant 0 : i32
      %dma_wait3A_294 = tpu.memref_slice %arg13[%dma_wait3A_285, %dma_wait3A_292, %dma_wait3A_293] : memref<2x16x1024xf32, #tpu.memory_space<vmem>> -> memref<1x16x1024xf32, #tpu.memory_space<vmem>>
      %dma_wait3A_295 = tpu.memref_squeeze %dma_wait3A_294 : memref<1x16x1024xf32, #tpu.memory_space<vmem>> -> memref<16x1024xf32, #tpu.memory_space<vmem>>
      %dma_wait3A_296 = arith.constant 16 : i32
      %dma_wait3A_297 = tpu.memref_slice %arg4[%dma_wait3A_296, %add3A_284] : memref<32x1000000xf32, #tpu.memory_space<hbm>> -> memref<16x1024xf32, #tpu.memory_space<hbm>>
      tpu.wait_dma2 semaphore(%arg17 : memref<!tpu.dma_semaphore, #tpu.memory_space<semaphore_mem>>) src(%dma_wait3A_297 : memref<16x1024xf32, #tpu.memory_space<hbm>>) dst(%dma_wait3A_295 : memref<16x1024xf32, #tpu.memory_space<vmem>>)
      %scan3A_298 = arith.constant 0 : i32
      %scan3A_299 = arith.constant 0 : i32
      %scan3A_300 = arith.constant 3 : i32
      %scan3A_301 = arith.addi %scan3A_299, %scan3A_300 : i32
      %scan3A_302 = arith.constant 1 : i32
      %scan3A_303 = scf.for %scan3A_350 = %scan3A_299 to %scan3A_301 step %scan3A_302 iter_args(%scan3A_351 = %scan3A_298) -> (i32)  : i32 {
        %mul3A_352 = arith.constant 16 : i32
        %mul3A_353 = arith.muli %scan3A_350, %mul3A_352 : i32
        %get3A = arith.index_cast %add3A_263 : i32 to index
        %get3A_354 = arith.index_cast %mul3A_353 : i32 to index
        %get3A_355 = tpu.vector_load %arg16[%get3A, %get3A_354] {strides = array<i32>} : memref<32x48xi32, #tpu.memory_space<vmem>>, vector<16xi32>,
        %and3A = arith.constant 1023 : i32
        %and3A_356 = vector.broadcast %and3A : i32 to vector<16xi32>
        %and3A_357 = arith.andi %get3A_355, %and3A_356 : vector<16xi32>
        %shift_right_arithmetic3A = arith.constant 10 : i32
        %shift_right_arithmetic3A_358 = vector.broadcast %shift_right_arithmetic3A : i32 to vector<16xi32>
        %shift_right_arithmetic3A_359 = arith.shrsi %get3A_355, %shift_right_arithmetic3A_358 : vector<16xi32>
        %broadcast_in_dim3A_360 = arith.constant 0 : i32
        %broadcast_in_dim3A_361 = vector.broadcast %broadcast_in_dim3A_360 : i32 to vector<16xi32>
        %broadcast_in_dim3A_362 = arith.constant 0 : i32
        %broadcast_in_dim3A_363 = vector.broadcast %broadcast_in_dim3A_362 : i32 to vector<16xi32>
        %gather3A = tpu.vector_load_idx %arg13[%broadcast_in_dim3A_361, %broadcast_in_dim3A_363, %and3A_357] : memref<2x16x1024xf32, #tpu.memory_space<vmem>>[vector<16xi32>, vector<16xi32>, vector<16xi32>], vector<16xf32>,
        %broadcast_in_dim3A_364 = arith.constant 16 : i32
        %broadcast_in_dim3A_365 = vector.broadcast %broadcast_in_dim3A_364 : i32 to vector<16xi32>
        tpu.vector_store_idx %arg15[%shift_right_arithmetic3A_359, %broadcast_in_dim3A_365], %gather3A : memref<640x128xf32, #tpu.memory_space<vmem>>[vector<16xi32>, vector<16xi32>], vector<16xf32>,
        %broadcast_in_dim3A_366 = arith.constant 0 : i32
        %broadcast_in_dim3A_367 = vector.broadcast %broadcast_in_dim3A_366 : i32 to vector<16xi32>
        %broadcast_in_dim3A_368 = arith.constant 1 : i32
        %broadcast_in_dim3A_369 = vector.broadcast %broadcast_in_dim3A_368 : i32 to vector<16xi32>
        %gather3A_370 = tpu.vector_load_idx %arg13[%broadcast_in_dim3A_367, %broadcast_in_dim3A_369, %and3A_357] : memref<2x16x1024xf32, #tpu.memory_space<vmem>>[vector<16xi32>, vector<16xi32>, vector<16xi32>], vector<16xf32>,
        %broadcast_in_dim3A_371 = arith.constant 17 : i32
        %broadcast_in_dim3A_372 = vector.broadcast %broadcast_in_dim3A_371 : i32 to vector<16xi32>
        tpu.vector_store_idx %arg15[%shift_right_arithmetic3A_359, %broadcast_in_dim3A_372], %gather3A_370 : memref<640x128xf32, #tpu.memory_space<vmem>>[vector<16xi32>, vector<16xi32>], vector<16xf32>,
        %broadcast_in_dim3A_373 = arith.constant 0 : i32
        %broadcast_in_dim3A_374 = vector.broadcast %broadcast_in_dim3A_373 : i32 to vector<16xi32>
        %broadcast_in_dim3A_375 = arith.constant 2 : i32
        %broadcast_in_dim3A_376 = vector.broadcast %broadcast_in_dim3A_375 : i32 to vector<16xi32>
        %gather3A_377 = tpu.vector_load_idx %arg13[%broadcast_in_dim3A_374, %broadcast_in_dim3A_376, %and3A_357] : memref<2x16x1024xf32, #tpu.memory_space<vmem>>[vector<16xi32>, vector<16xi32>, vector<16xi32>], vector<16xf32>,
        %broadcast_in_dim3A_378 = arith.constant 18 : i32
        %broadcast_in_dim3A_379 = vector.broadcast %broadcast_in_dim3A_378 : i32 to vector<16xi32>
        tpu.vector_store_idx %arg15[%shift_right_arithmetic3A_359, %broadcast_in_dim3A_379], %gather3A_377 : memref<640x128xf32, #tpu.memory_space<vmem>>[vector<16xi32>, vector<16xi32>], vector<16xf32>,
        %broadcast_in_dim3A_380 = arith.constant 0 : i32
        %broadcast_in_dim3A_381 = vector.broadcast %broadcast_in_dim3A_380 : i32 to vector<16xi32>
        %broadcast_in_dim3A_382 = arith.constant 3 : i32
        %broadcast_in_dim3A_383 = vector.broadcast %broadcast_in_dim3A_382 : i32 to vector<16xi32>
        %gather3A_384 = tpu.vector_load_idx %arg13[%broadcast_in_dim3A_381, %broadcast_in_dim3A_383, %and3A_357] : memref<2x16x1024xf32, #tpu.memory_space<vmem>>[vector<16xi32>, vector<16xi32>, vector<16xi32>], vector<16xf32>,
        %broadcast_in_dim3A_385 = arith.constant 19 : i32
        %broadcast_in_dim3A_386 = vector.broadcast %broadcast_in_dim3A_385 : i32 to vector<16xi32>
        tpu.vector_store_idx %arg15[%shift_right_arithmetic3A_359, %broadcast_in_dim3A_386], %gather3A_384 : memref<640x128xf32, #tpu.memory_space<vmem>>[vector<16xi32>, vector<16xi32>], vector<16xf32>,
        %broadcast_in_dim3A_387 = arith.constant 0 : i32
        %broadcast_in_dim3A_388 = vector.broadcast %broadcast_in_dim3A_387 : i32 to vector<16xi32>
        %broadcast_in_dim3A_389 = arith.constant 4 : i32
        %broadcast_in_dim3A_390 = vector.broadcast %broadcast_in_dim3A_389 : i32 to vector<16xi32>
        %gather3A_391 = tpu.vector_load_idx %arg13[%broadcast_in_dim3A_388, %broadcast_in_dim3A_390, %and3A_357] : memref<2x16x1024xf32, #tpu.memory_space<vmem>>[vector<16xi32>, vector<16xi32>, vector<16xi32>], vector<16xf32>,
        %broadcast_in_dim3A_392 = arith.constant 20 : i32
        %broadcast_in_dim3A_393 = vector.broadcast %broadcast_in_dim3A_392 : i32 to vector<16xi32>
        tpu.vector_store_idx %arg15[%shift_right_arithmetic3A_359, %broadcast_in_dim3A_393], %gather3A_391 : memref<640x128xf32, #tpu.memory_space<vmem>>[vector<16xi32>, vector<16xi32>], vector<16xf32>,
        %broadcast_in_dim3A_394 = arith.constant 0 : i32
        %broadcast_in_dim3A_395 = vector.broadcast %broadcast_in_dim3A_394 : i32 to vector<16xi32>
        %broadcast_in_dim3A_396 = arith.constant 5 : i32
        %broadcast_in_dim3A_397 = vector.broadcast %broadcast_in_dim3A_396 : i32 to vector<16xi32>
        %gather3A_398 = tpu.vector_load_idx %arg13[%broadcast_in_dim3A_395, %broadcast_in_dim3A_397, %and3A_357] : memref<2x16x1024xf32, #tpu.memory_space<vmem>>[vector<16xi32>, vector<16xi32>, vector<16xi32>], vector<16xf32>,
        %broadcast_in_dim3A_399 = arith.constant 21 : i32
        %broadcast_in_dim3A_400 = vector.broadcast %broadcast_in_dim3A_399 : i32 to vector<16xi32>
        tpu.vector_store_idx %arg15[%shift_right_arithmetic3A_359, %broadcast_in_dim3A_400], %gather3A_398 : memref<640x128xf32, #tpu.memory_space<vmem>>[vector<16xi32>, vector<16xi32>], vector<16xf32>,
        %broadcast_in_dim3A_401 = arith.constant 0 : i32
        %broadcast_in_dim3A_402 = vector.broadcast %broadcast_in_dim3A_401 : i32 to vector<16xi32>
        %broadcast_in_dim3A_403 = arith.constant 6 : i32
        %broadcast_in_dim3A_404 = vector.broadcast %broadcast_in_dim3A_403 : i32 to vector<16xi32>
        %gather3A_405 = tpu.vector_load_idx %arg13[%broadcast_in_dim3A_402, %broadcast_in_dim3A_404, %and3A_357] : memref<2x16x1024xf32, #tpu.memory_space<vmem>>[vector<16xi32>, vector<16xi32>, vector<16xi32>], vector<16xf32>,
        %broadcast_in_dim3A_406 = arith.constant 22 : i32
        %broadcast_in_dim3A_407 = vector.broadcast %broadcast_in_dim3A_406 : i32 to vector<16xi32>
        tpu.vector_store_idx %arg15[%shift_right_arithmetic3A_359, %broadcast_in_dim3A_407], %gather3A_405 : memref<640x128xf32, #tpu.memory_space<vmem>>[vector<16xi32>, vector<16xi32>], vector<16xf32>,
        %broadcast_in_dim3A_408 = arith.constant 0 : i32
        %broadcast_in_dim3A_409 = vector.broadcast %broadcast_in_dim3A_408 : i32 to vector<16xi32>
        %broadcast_in_dim3A_410 = arith.constant 7 : i32
        %broadcast_in_dim3A_411 = vector.broadcast %broadcast_in_dim3A_410 : i32 to vector<16xi32>
        %gather3A_412 = tpu.vector_load_idx %arg13[%broadcast_in_dim3A_409, %broadcast_in_dim3A_411, %and3A_357] : memref<2x16x1024xf32, #tpu.memory_space<vmem>>[vector<16xi32>, vector<16xi32>, vector<16xi32>], vector<16xf32>,
        %broadcast_in_dim3A_413 = arith.constant 23 : i32
        %broadcast_in_dim3A_414 = vector.broadcast %broadcast_in_dim3A_413 : i32 to vector<16xi32>
        tpu.vector_store_idx %arg15[%shift_right_arithmetic3A_359, %broadcast_in_dim3A_414], %gather3A_412 : memref<640x128xf32, #tpu.memory_space<vmem>>[vector<16xi32>, vector<16xi32>], vector<16xf32>,
        %broadcast_in_dim3A_415 = arith.constant 0 : i32
        %broadcast_in_dim3A_416 = vector.broadcast %broadcast_in_dim3A_415 : i32 to vector<16xi32>
        %broadcast_in_dim3A_417 = arith.constant 8 : i32
        %broadcast_in_dim3A_418 = vector.broadcast %broadcast_in_dim3A_417 : i32 to vector<16xi32>
        %gather3A_419 = tpu.vector_load_idx %arg13[%broadcast_in_dim3A_416, %broadcast_in_dim3A_418, %and3A_357] : memref<2x16x1024xf32, #tpu.memory_space<vmem>>[vector<16xi32>, vector<16xi32>, vector<16xi32>], vector<16xf32>,
        %broadcast_in_dim3A_420 = arith.constant 24 : i32
        %broadcast_in_dim3A_421 = vector.broadcast %broadcast_in_dim3A_420 : i32 to vector<16xi32>
        tpu.vector_store_idx %arg15[%shift_right_arithmetic3A_359, %broadcast_in_dim3A_421], %gather3A_419 : memref<640x128xf32, #tpu.memory_space<vmem>>[vector<16xi32>, vector<16xi32>], vector<16xf32>,
        %broadcast_in_dim3A_422 = arith.constant 0 : i32
        %broadcast_in_dim3A_423 = vector.broadcast %broadcast_in_dim3A_422 : i32 to vector<16xi32>
        %broadcast_in_dim3A_424 = arith.constant 9 : i32
        %broadcast_in_dim3A_425 = vector.broadcast %broadcast_in_dim3A_424 : i32 to vector<16xi32>
        %gather3A_426 = tpu.vector_load_idx %arg13[%broadcast_in_dim3A_423, %broadcast_in_dim3A_425, %and3A_357] : memref<2x16x1024xf32, #tpu.memory_space<vmem>>[vector<16xi32>, vector<16xi32>, vector<16xi32>], vector<16xf32>,
        %broadcast_in_dim3A_427 = arith.constant 25 : i32
        %broadcast_in_dim3A_428 = vector.broadcast %broadcast_in_dim3A_427 : i32 to vector<16xi32>
        tpu.vector_store_idx %arg15[%shift_right_arithmetic3A_359, %broadcast_in_dim3A_428], %gather3A_426 : memref<640x128xf32, #tpu.memory_space<vmem>>[vector<16xi32>, vector<16xi32>], vector<16xf32>,
        %broadcast_in_dim3A_429 = arith.constant 0 : i32
        %broadcast_in_dim3A_430 = vector.broadcast %broadcast_in_dim3A_429 : i32 to vector<16xi32>
        %broadcast_in_dim3A_431 = arith.constant 10 : i32
        %broadcast_in_dim3A_432 = vector.broadcast %broadcast_in_dim3A_431 : i32 to vector<16xi32>
        %gather3A_433 = tpu.vector_load_idx %arg13[%broadcast_in_dim3A_430, %broadcast_in_dim3A_432, %and3A_357] : memref<2x16x1024xf32, #tpu.memory_space<vmem>>[vector<16xi32>, vector<16xi32>, vector<16xi32>], vector<16xf32>,
        %broadcast_in_dim3A_434 = arith.constant 26 : i32
        %broadcast_in_dim3A_435 = vector.broadcast %broadcast_in_dim3A_434 : i32 to vector<16xi32>
        tpu.vector_store_idx %arg15[%shift_right_arithmetic3A_359, %broadcast_in_dim3A_435], %gather3A_433 : memref<640x128xf32, #tpu.memory_space<vmem>>[vector<16xi32>, vector<16xi32>], vector<16xf32>,
        %broadcast_in_dim3A_436 = arith.constant 0 : i32
        %broadcast_in_dim3A_437 = vector.broadcast %broadcast_in_dim3A_436 : i32 to vector<16xi32>
        %broadcast_in_dim3A_438 = arith.constant 11 : i32
        %broadcast_in_dim3A_439 = vector.broadcast %broadcast_in_dim3A_438 : i32 to vector<16xi32>
        %gather3A_440 = tpu.vector_load_idx %arg13[%broadcast_in_dim3A_437, %broadcast_in_dim3A_439, %and3A_357] : memref<2x16x1024xf32, #tpu.memory_space<vmem>>[vector<16xi32>, vector<16xi32>, vector<16xi32>], vector<16xf32>,
        %broadcast_in_dim3A_441 = arith.constant 27 : i32
        %broadcast_in_dim3A_442 = vector.broadcast %broadcast_in_dim3A_441 : i32 to vector<16xi32>
        tpu.vector_store_idx %arg15[%shift_right_arithmetic3A_359, %broadcast_in_dim3A_442], %gather3A_440 : memref<640x128xf32, #tpu.memory_space<vmem>>[vector<16xi32>, vector<16xi32>], vector<16xf32>,
        %broadcast_in_dim3A_443 = arith.constant 0 : i32
        %broadcast_in_dim3A_444 = vector.broadcast %broadcast_in_dim3A_443 : i32 to vector<16xi32>
        %broadcast_in_dim3A_445 = arith.constant 12 : i32
        %broadcast_in_dim3A_446 = vector.broadcast %broadcast_in_dim3A_445 : i32 to vector<16xi32>
        %gather3A_447 = tpu.vector_load_idx %arg13[%broadcast_in_dim3A_444, %broadcast_in_dim3A_446, %and3A_357] : memref<2x16x1024xf32, #tpu.memory_space<vmem>>[vector<16xi32>, vector<16xi32>, vector<16xi32>], vector<16xf32>,
        %broadcast_in_dim3A_448 = arith.constant 28 : i32
        %broadcast_in_dim3A_449 = vector.broadcast %broadcast_in_dim3A_448 : i32 to vector<16xi32>
        tpu.vector_store_idx %arg15[%shift_right_arithmetic3A_359, %broadcast_in_dim3A_449], %gather3A_447 : memref<640x128xf32, #tpu.memory_space<vmem>>[vector<16xi32>, vector<16xi32>], vector<16xf32>,
        %broadcast_in_dim3A_450 = arith.constant 0 : i32
        %broadcast_in_dim3A_451 = vector.broadcast %broadcast_in_dim3A_450 : i32 to vector<16xi32>
        %broadcast_in_dim3A_452 = arith.constant 13 : i32
        %broadcast_in_dim3A_453 = vector.broadcast %broadcast_in_dim3A_452 : i32 to vector<16xi32>
        %gather3A_454 = tpu.vector_load_idx %arg13[%broadcast_in_dim3A_451, %broadcast_in_dim3A_453, %and3A_357] : memref<2x16x1024xf32, #tpu.memory_space<vmem>>[vector<16xi32>, vector<16xi32>, vector<16xi32>], vector<16xf32>,
        %broadcast_in_dim3A_455 = arith.constant 29 : i32
        %broadcast_in_dim3A_456 = vector.broadcast %broadcast_in_dim3A_455 : i32 to vector<16xi32>
        tpu.vector_store_idx %arg15[%shift_right_arithmetic3A_359, %broadcast_in_dim3A_456], %gather3A_454 : memref<640x128xf32, #tpu.memory_space<vmem>>[vector<16xi32>, vector<16xi32>], vector<16xf32>,
        %broadcast_in_dim3A_457 = arith.constant 0 : i32
        %broadcast_in_dim3A_458 = vector.broadcast %broadcast_in_dim3A_457 : i32 to vector<16xi32>
        %broadcast_in_dim3A_459 = arith.constant 14 : i32
        %broadcast_in_dim3A_460 = vector.broadcast %broadcast_in_dim3A_459 : i32 to vector<16xi32>
        %gather3A_461 = tpu.vector_load_idx %arg13[%broadcast_in_dim3A_458, %broadcast_in_dim3A_460, %and3A_357] : memref<2x16x1024xf32, #tpu.memory_space<vmem>>[vector<16xi32>, vector<16xi32>, vector<16xi32>], vector<16xf32>,
        %broadcast_in_dim3A_462 = arith.constant 30 : i32
        %broadcast_in_dim3A_463 = vector.broadcast %broadcast_in_dim3A_462 : i32 to vector<16xi32>
        tpu.vector_store_idx %arg15[%shift_right_arithmetic3A_359, %broadcast_in_dim3A_463], %gather3A_461 : memref<640x128xf32, #tpu.memory_space<vmem>>[vector<16xi32>, vector<16xi32>], vector<16xf32>,
        %broadcast_in_dim3A_464 = arith.constant 0 : i32
        %broadcast_in_dim3A_465 = vector.broadcast %broadcast_in_dim3A_464 : i32 to vector<16xi32>
        %broadcast_in_dim3A_466 = arith.constant 15 : i32
        %broadcast_in_dim3A_467 = vector.broadcast %broadcast_in_dim3A_466 : i32 to vector<16xi32>
        %gather3A_468 = tpu.vector_load_idx %arg13[%broadcast_in_dim3A_465, %broadcast_in_dim3A_467, %and3A_357] : memref<2x16x1024xf32, #tpu.memory_space<vmem>>[vector<16xi32>, vector<16xi32>, vector<16xi32>], vector<16xf32>,
        %broadcast_in_dim3A_469 = arith.constant 31 : i32
        %broadcast_in_dim3A_470 = vector.broadcast %broadcast_in_dim3A_469 : i32 to vector<16xi32>
        tpu.vector_store_idx %arg15[%shift_right_arithmetic3A_359, %broadcast_in_dim3A_470], %gather3A_468 : memref<640x128xf32, #tpu.memory_space<vmem>>[vector<16xi32>, vector<16xi32>], vector<16xf32>,
        %scan3A_471 = arith.constant 0 : i32
        scf.yield %scan3A_471 : i32
      }
      %scan3A_304 = arith.constant 3 : i32
      %add3A_305 = arith.constant 2 : i32
      %add3A_306 = arith.addi %add3A_263, %add3A_305 : i32
      %mul3A_307 = arith.constant 1024 : i32
      %mul3A_308 = arith.muli %add3A_306, %mul3A_307 : i32
      %add3A_309 = arith.addi %mul3A_2, %mul3A_308 : i32
      %dma_start3A_310 = arith.constant 0 : i32
      %dma_start3A_311 = arith.constant 0 : i32
      %dma_start3A_312 = arith.constant 0 : i32
      %dma_start3A_313 = tpu.memref_slice %arg13[%dma_start3A_310, %dma_start3A_311, %dma_start3A_312] : memref<2x16x1024xf32, #tpu.memory_space<vmem>> -> memref<1x16x1024xf32, #tpu.memory_space<vmem>>
      %dma_start3A_314 = tpu.memref_squeeze %dma_start3A_313 : memref<1x16x1024xf32, #tpu.memory_space<vmem>> -> memref<16x1024xf32, #tpu.memory_space<vmem>>
      %dma_start3A_315 = arith.constant 16 : i32
      %dma_start3A_316 = tpu.memref_slice %arg4[%dma_start3A_315, %add3A_309] : memref<32x1000000xf32, #tpu.memory_space<hbm>> -> memref<16x1024xf32, #tpu.memory_space<hbm>>
      %dma_start3A_317 = arith.constant 0 : i32
      %dma_start3A_318 = arith.constant 0 : i32
      %dma_start3A_319 = tpu.memref_slice %arg13[%dma_start3A_310, %dma_start3A_317, %dma_start3A_318] : memref<2x16x1024xf32, #tpu.memory_space<vmem>> -> memref<1x16x1024xf32, #tpu.memory_space<vmem>>
      %dma_start3A_320 = tpu.memref_squeeze %dma_start3A_319 : memref<1x16x1024xf32, #tpu.memory_space<vmem>> -> memref<16x1024xf32, #tpu.memory_space<vmem>>
      %dma_start3A_321 = arith.constant 16 : i32
      %dma_start3A_322 = tpu.memref_slice %arg4[%dma_start3A_321, %add3A_309] : memref<32x1000000xf32, #tpu.memory_space<hbm>> -> memref<16x1024xf32, #tpu.memory_space<hbm>>
      tpu.enqueue_dma source(%dma_start3A_322 : memref<16x1024xf32, #tpu.memory_space<hbm>>) target(%dma_start3A_320 : memref<16x1024xf32, #tpu.memory_space<vmem>>) target_semaphore(%arg17 : memref<!tpu.dma_semaphore, #tpu.memory_space<semaphore_mem>>)
      %add3A_323 = arith.constant 1 : i32
      %add3A_324 = arith.addi %add3A_263, %add3A_323 : i32
      %mul3A_325 = arith.constant 1024 : i32
      %mul3A_326 = arith.muli %add3A_324, %mul3A_325 : i32
      %add3A_327 = arith.addi %mul3A_2, %mul3A_326 : i32
      %dma_wait3A_328 = arith.constant 1 : i32
      %dma_wait3A_329 = arith.constant 0 : i32
      %dma_wait3A_330 = arith.constant 0 : i32
      %dma_wait3A_331 = tpu.memref_slice %arg13[%dma_wait3A_328, %dma_wait3A_329, %dma_wait3A_330] : memref<2x16x1024xf32, #tpu.memory_space<vmem>> -> memref<1x16x1024xf32, #tpu.memory_space<vmem>>
      %dma_wait3A_332 = tpu.memref_squeeze %dma_wait3A_331 : memref<1x16x1024xf32, #tpu.memory_space<vmem>> -> memref<16x1024xf32, #tpu.memory_space<vmem>>
      %dma_wait3A_333 = arith.constant 16 : i32
      %dma_wait3A_334 = tpu.memref_slice %arg4[%dma_wait3A_333, %add3A_327] : memref<32x1000000xf32, #tpu.memory_space<hbm>> -> memref<16x1024xf32, #tpu.memory_space<hbm>>
      %dma_wait3A_335 = arith.constant 0 : i32
      %dma_wait3A_336 = arith.constant 0 : i32
      %dma_wait3A_337 = tpu.memref_slice %arg13[%dma_wait3A_328, %dma_wait3A_335, %dma_wait3A_336] : memref<2x16x1024xf32, #tpu.memory_space<vmem>> -> memref<1x16x1024xf32, #tpu.memory_space<vmem>>
      %dma_wait3A_338 = tpu.memref_squeeze %dma_wait3A_337 : memref<1x16x1024xf32, #tpu.memory_space<vmem>> -> memref<16x1024xf32, #tpu.memory_space<vmem>>
      %dma_wait3A_339 = arith.constant 16 : i32
      %dma_wait3A_340 = tpu.memref_slice %arg4[%dma_wait3A_339, %add3A_327] : memref<32x1000000xf32, #tpu.memory_space<hbm>> -> memref<16x1024xf32, #tpu.memory_space<hbm>>
      tpu.wait_dma2 semaphore(%arg18 : memref<!tpu.dma_semaphore, #tpu.memory_space<semaphore_mem>>) src(%dma_wait3A_340 : memref<16x1024xf32, #tpu.memory_space<hbm>>) dst(%dma_wait3A_338 : memref<16x1024xf32, #tpu.memory_space<vmem>>)
      %add3A_341 = arith.constant 1 : i32
      %add3A_342 = arith.addi %add3A_263, %add3A_341 : i32
      %scan3A_343 = arith.constant 0 : i32
      %scan3A_344 = arith.constant 0 : i32
      %scan3A_345 = arith.constant 3 : i32
      %scan3A_346 = arith.addi %scan3A_344, %scan3A_345 : i32
      %scan3A_347 = arith.constant 1 : i32
      %scan3A_348 = scf.for %scan3A_350 = %scan3A_344 to %scan3A_346 step %scan3A_347 iter_args(%scan3A_351 = %scan3A_343) -> (i32)  : i32 {
        %mul3A_352 = arith.constant 16 : i32
        %mul3A_353 = arith.muli %scan3A_350, %mul3A_352 : i32
        %get3A = arith.index_cast %add3A_342 : i32 to index
        %get3A_354 = arith.index_cast %mul3A_353 : i32 to index
        %get3A_355 = tpu.vector_load %arg16[%get3A, %get3A_354] {strides = array<i32>} : memref<32x48xi32, #tpu.memory_space<vmem>>, vector<16xi32>,
        %and3A = arith.constant 1023 : i32
        %and3A_356 = vector.broadcast %and3A : i32 to vector<16xi32>
        %and3A_357 = arith.andi %get3A_355, %and3A_356 : vector<16xi32>
        %shift_right_arithmetic3A = arith.constant 10 : i32
        %shift_right_arithmetic3A_358 = vector.broadcast %shift_right_arithmetic3A : i32 to vector<16xi32>
        %shift_right_arithmetic3A_359 = arith.shrsi %get3A_355, %shift_right_arithmetic3A_358 : vector<16xi32>
        %broadcast_in_dim3A_360 = arith.constant 1 : i32
        %broadcast_in_dim3A_361 = vector.broadcast %broadcast_in_dim3A_360 : i32 to vector<16xi32>
        %broadcast_in_dim3A_362 = arith.constant 0 : i32
        %broadcast_in_dim3A_363 = vector.broadcast %broadcast_in_dim3A_362 : i32 to vector<16xi32>
        %gather3A = tpu.vector_load_idx %arg13[%broadcast_in_dim3A_361, %broadcast_in_dim3A_363, %and3A_357] : memref<2x16x1024xf32, #tpu.memory_space<vmem>>[vector<16xi32>, vector<16xi32>, vector<16xi32>], vector<16xf32>,
        %broadcast_in_dim3A_364 = arith.constant 16 : i32
        %broadcast_in_dim3A_365 = vector.broadcast %broadcast_in_dim3A_364 : i32 to vector<16xi32>
        tpu.vector_store_idx %arg15[%shift_right_arithmetic3A_359, %broadcast_in_dim3A_365], %gather3A : memref<640x128xf32, #tpu.memory_space<vmem>>[vector<16xi32>, vector<16xi32>], vector<16xf32>,
        %broadcast_in_dim3A_366 = arith.constant 1 : i32
        %broadcast_in_dim3A_367 = vector.broadcast %broadcast_in_dim3A_366 : i32 to vector<16xi32>
        %broadcast_in_dim3A_368 = arith.constant 1 : i32
        %broadcast_in_dim3A_369 = vector.broadcast %broadcast_in_dim3A_368 : i32 to vector<16xi32>
        %gather3A_370 = tpu.vector_load_idx %arg13[%broadcast_in_dim3A_367, %broadcast_in_dim3A_369, %and3A_357] : memref<2x16x1024xf32, #tpu.memory_space<vmem>>[vector<16xi32>, vector<16xi32>, vector<16xi32>], vector<16xf32>,
        %broadcast_in_dim3A_371 = arith.constant 17 : i32
        %broadcast_in_dim3A_372 = vector.broadcast %broadcast_in_dim3A_371 : i32 to vector<16xi32>
        tpu.vector_store_idx %arg15[%shift_right_arithmetic3A_359, %broadcast_in_dim3A_372], %gather3A_370 : memref<640x128xf32, #tpu.memory_space<vmem>>[vector<16xi32>, vector<16xi32>], vector<16xf32>,
        %broadcast_in_dim3A_373 = arith.constant 1 : i32
        %broadcast_in_dim3A_374 = vector.broadcast %broadcast_in_dim3A_373 : i32 to vector<16xi32>
        %broadcast_in_dim3A_375 = arith.constant 2 : i32
        %broadcast_in_dim3A_376 = vector.broadcast %broadcast_in_dim3A_375 : i32 to vector<16xi32>
        %gather3A_377 = tpu.vector_load_idx %arg13[%broadcast_in_dim3A_374, %broadcast_in_dim3A_376, %and3A_357] : memref<2x16x1024xf32, #tpu.memory_space<vmem>>[vector<16xi32>, vector<16xi32>, vector<16xi32>], vector<16xf32>,
        %broadcast_in_dim3A_378 = arith.constant 18 : i32
        %broadcast_in_dim3A_379 = vector.broadcast %broadcast_in_dim3A_378 : i32 to vector<16xi32>
        tpu.vector_store_idx %arg15[%shift_right_arithmetic3A_359, %broadcast_in_dim3A_379], %gather3A_377 : memref<640x128xf32, #tpu.memory_space<vmem>>[vector<16xi32>, vector<16xi32>], vector<16xf32>,
        %broadcast_in_dim3A_380 = arith.constant 1 : i32
        %broadcast_in_dim3A_381 = vector.broadcast %broadcast_in_dim3A_380 : i32 to vector<16xi32>
        %broadcast_in_dim3A_382 = arith.constant 3 : i32
        %broadcast_in_dim3A_383 = vector.broadcast %broadcast_in_dim3A_382 : i32 to vector<16xi32>
        %gather3A_384 = tpu.vector_load_idx %arg13[%broadcast_in_dim3A_381, %broadcast_in_dim3A_383, %and3A_357] : memref<2x16x1024xf32, #tpu.memory_space<vmem>>[vector<16xi32>, vector<16xi32>, vector<16xi32>], vector<16xf32>,
        %broadcast_in_dim3A_385 = arith.constant 19 : i32
        %broadcast_in_dim3A_386 = vector.broadcast %broadcast_in_dim3A_385 : i32 to vector<16xi32>
        tpu.vector_store_idx %arg15[%shift_right_arithmetic3A_359, %broadcast_in_dim3A_386], %gather3A_384 : memref<640x128xf32, #tpu.memory_space<vmem>>[vector<16xi32>, vector<16xi32>], vector<16xf32>,
        %broadcast_in_dim3A_387 = arith.constant 1 : i32
        %broadcast_in_dim3A_388 = vector.broadcast %broadcast_in_dim3A_387 : i32 to vector<16xi32>
        %broadcast_in_dim3A_389 = arith.constant 4 : i32
        %broadcast_in_dim3A_390 = vector.broadcast %broadcast_in_dim3A_389 : i32 to vector<16xi32>
        %gather3A_391 = tpu.vector_load_idx %arg13[%broadcast_in_dim3A_388, %broadcast_in_dim3A_390, %and3A_357] : memref<2x16x1024xf32, #tpu.memory_space<vmem>>[vector<16xi32>, vector<16xi32>, vector<16xi32>], vector<16xf32>,
        %broadcast_in_dim3A_392 = arith.constant 20 : i32
        %broadcast_in_dim3A_393 = vector.broadcast %broadcast_in_dim3A_392 : i32 to vector<16xi32>
        tpu.vector_store_idx %arg15[%shift_right_arithmetic3A_359, %broadcast_in_dim3A_393], %gather3A_391 : memref<640x128xf32, #tpu.memory_space<vmem>>[vector<16xi32>, vector<16xi32>], vector<16xf32>,
        %broadcast_in_dim3A_394 = arith.constant 1 : i32
        %broadcast_in_dim3A_395 = vector.broadcast %broadcast_in_dim3A_394 : i32 to vector<16xi32>
        %broadcast_in_dim3A_396 = arith.constant 5 : i32
        %broadcast_in_dim3A_397 = vector.broadcast %broadcast_in_dim3A_396 : i32 to vector<16xi32>
        %gather3A_398 = tpu.vector_load_idx %arg13[%broadcast_in_dim3A_395, %broadcast_in_dim3A_397, %and3A_357] : memref<2x16x1024xf32, #tpu.memory_space<vmem>>[vector<16xi32>, vector<16xi32>, vector<16xi32>], vector<16xf32>,
        %broadcast_in_dim3A_399 = arith.constant 21 : i32
        %broadcast_in_dim3A_400 = vector.broadcast %broadcast_in_dim3A_399 : i32 to vector<16xi32>
        tpu.vector_store_idx %arg15[%shift_right_arithmetic3A_359, %broadcast_in_dim3A_400], %gather3A_398 : memref<640x128xf32, #tpu.memory_space<vmem>>[vector<16xi32>, vector<16xi32>], vector<16xf32>,
        %broadcast_in_dim3A_401 = arith.constant 1 : i32
        %broadcast_in_dim3A_402 = vector.broadcast %broadcast_in_dim3A_401 : i32 to vector<16xi32>
        %broadcast_in_dim3A_403 = arith.constant 6 : i32
        %broadcast_in_dim3A_404 = vector.broadcast %broadcast_in_dim3A_403 : i32 to vector<16xi32>
        %gather3A_405 = tpu.vector_load_idx %arg13[%broadcast_in_dim3A_402, %broadcast_in_dim3A_404, %and3A_357] : memref<2x16x1024xf32, #tpu.memory_space<vmem>>[vector<16xi32>, vector<16xi32>, vector<16xi32>], vector<16xf32>,
        %broadcast_in_dim3A_406 = arith.constant 22 : i32
        %broadcast_in_dim3A_407 = vector.broadcast %broadcast_in_dim3A_406 : i32 to vector<16xi32>
        tpu.vector_store_idx %arg15[%shift_right_arithmetic3A_359, %broadcast_in_dim3A_407], %gather3A_405 : memref<640x128xf32, #tpu.memory_space<vmem>>[vector<16xi32>, vector<16xi32>], vector<16xf32>,
        %broadcast_in_dim3A_408 = arith.constant 1 : i32
        %broadcast_in_dim3A_409 = vector.broadcast %broadcast_in_dim3A_408 : i32 to vector<16xi32>
        %broadcast_in_dim3A_410 = arith.constant 7 : i32
        %broadcast_in_dim3A_411 = vector.broadcast %broadcast_in_dim3A_410 : i32 to vector<16xi32>
        %gather3A_412 = tpu.vector_load_idx %arg13[%broadcast_in_dim3A_409, %broadcast_in_dim3A_411, %and3A_357] : memref<2x16x1024xf32, #tpu.memory_space<vmem>>[vector<16xi32>, vector<16xi32>, vector<16xi32>], vector<16xf32>,
        %broadcast_in_dim3A_413 = arith.constant 23 : i32
        %broadcast_in_dim3A_414 = vector.broadcast %broadcast_in_dim3A_413 : i32 to vector<16xi32>
        tpu.vector_store_idx %arg15[%shift_right_arithmetic3A_359, %broadcast_in_dim3A_414], %gather3A_412 : memref<640x128xf32, #tpu.memory_space<vmem>>[vector<16xi32>, vector<16xi32>], vector<16xf32>,
        %broadcast_in_dim3A_415 = arith.constant 1 : i32
        %broadcast_in_dim3A_416 = vector.broadcast %broadcast_in_dim3A_415 : i32 to vector<16xi32>
        %broadcast_in_dim3A_417 = arith.constant 8 : i32
        %broadcast_in_dim3A_418 = vector.broadcast %broadcast_in_dim3A_417 : i32 to vector<16xi32>
        %gather3A_419 = tpu.vector_load_idx %arg13[%broadcast_in_dim3A_416, %broadcast_in_dim3A_418, %and3A_357] : memref<2x16x1024xf32, #tpu.memory_space<vmem>>[vector<16xi32>, vector<16xi32>, vector<16xi32>], vector<16xf32>,
        %broadcast_in_dim3A_420 = arith.constant 24 : i32
        %broadcast_in_dim3A_421 = vector.broadcast %broadcast_in_dim3A_420 : i32 to vector<16xi32>
        tpu.vector_store_idx %arg15[%shift_right_arithmetic3A_359, %broadcast_in_dim3A_421], %gather3A_419 : memref<640x128xf32, #tpu.memory_space<vmem>>[vector<16xi32>, vector<16xi32>], vector<16xf32>,
        %broadcast_in_dim3A_422 = arith.constant 1 : i32
        %broadcast_in_dim3A_423 = vector.broadcast %broadcast_in_dim3A_422 : i32 to vector<16xi32>
        %broadcast_in_dim3A_424 = arith.constant 9 : i32
        %broadcast_in_dim3A_425 = vector.broadcast %broadcast_in_dim3A_424 : i32 to vector<16xi32>
        %gather3A_426 = tpu.vector_load_idx %arg13[%broadcast_in_dim3A_423, %broadcast_in_dim3A_425, %and3A_357] : memref<2x16x1024xf32, #tpu.memory_space<vmem>>[vector<16xi32>, vector<16xi32>, vector<16xi32>], vector<16xf32>,
        %broadcast_in_dim3A_427 = arith.constant 25 : i32
        %broadcast_in_dim3A_428 = vector.broadcast %broadcast_in_dim3A_427 : i32 to vector<16xi32>
        tpu.vector_store_idx %arg15[%shift_right_arithmetic3A_359, %broadcast_in_dim3A_428], %gather3A_426 : memref<640x128xf32, #tpu.memory_space<vmem>>[vector<16xi32>, vector<16xi32>], vector<16xf32>,
        %broadcast_in_dim3A_429 = arith.constant 1 : i32
        %broadcast_in_dim3A_430 = vector.broadcast %broadcast_in_dim3A_429 : i32 to vector<16xi32>
        %broadcast_in_dim3A_431 = arith.constant 10 : i32
        %broadcast_in_dim3A_432 = vector.broadcast %broadcast_in_dim3A_431 : i32 to vector<16xi32>
        %gather3A_433 = tpu.vector_load_idx %arg13[%broadcast_in_dim3A_430, %broadcast_in_dim3A_432, %and3A_357] : memref<2x16x1024xf32, #tpu.memory_space<vmem>>[vector<16xi32>, vector<16xi32>, vector<16xi32>], vector<16xf32>,
        %broadcast_in_dim3A_434 = arith.constant 26 : i32
        %broadcast_in_dim3A_435 = vector.broadcast %broadcast_in_dim3A_434 : i32 to vector<16xi32>
        tpu.vector_store_idx %arg15[%shift_right_arithmetic3A_359, %broadcast_in_dim3A_435], %gather3A_433 : memref<640x128xf32, #tpu.memory_space<vmem>>[vector<16xi32>, vector<16xi32>], vector<16xf32>,
        %broadcast_in_dim3A_436 = arith.constant 1 : i32
        %broadcast_in_dim3A_437 = vector.broadcast %broadcast_in_dim3A_436 : i32 to vector<16xi32>
        %broadcast_in_dim3A_438 = arith.constant 11 : i32
        %broadcast_in_dim3A_439 = vector.broadcast %broadcast_in_dim3A_438 : i32 to vector<16xi32>
        %gather3A_440 = tpu.vector_load_idx %arg13[%broadcast_in_dim3A_437, %broadcast_in_dim3A_439, %and3A_357] : memref<2x16x1024xf32, #tpu.memory_space<vmem>>[vector<16xi32>, vector<16xi32>, vector<16xi32>], vector<16xf32>,
        %broadcast_in_dim3A_441 = arith.constant 27 : i32
        %broadcast_in_dim3A_442 = vector.broadcast %broadcast_in_dim3A_441 : i32 to vector<16xi32>
        tpu.vector_store_idx %arg15[%shift_right_arithmetic3A_359, %broadcast_in_dim3A_442], %gather3A_440 : memref<640x128xf32, #tpu.memory_space<vmem>>[vector<16xi32>, vector<16xi32>], vector<16xf32>,
        %broadcast_in_dim3A_443 = arith.constant 1 : i32
        %broadcast_in_dim3A_444 = vector.broadcast %broadcast_in_dim3A_443 : i32 to vector<16xi32>
        %broadcast_in_dim3A_445 = arith.constant 12 : i32
        %broadcast_in_dim3A_446 = vector.broadcast %broadcast_in_dim3A_445 : i32 to vector<16xi32>
        %gather3A_447 = tpu.vector_load_idx %arg13[%broadcast_in_dim3A_444, %broadcast_in_dim3A_446, %and3A_357] : memref<2x16x1024xf32, #tpu.memory_space<vmem>>[vector<16xi32>, vector<16xi32>, vector<16xi32>], vector<16xf32>,
        %broadcast_in_dim3A_448 = arith.constant 28 : i32
        %broadcast_in_dim3A_449 = vector.broadcast %broadcast_in_dim3A_448 : i32 to vector<16xi32>
        tpu.vector_store_idx %arg15[%shift_right_arithmetic3A_359, %broadcast_in_dim3A_449], %gather3A_447 : memref<640x128xf32, #tpu.memory_space<vmem>>[vector<16xi32>, vector<16xi32>], vector<16xf32>,
        %broadcast_in_dim3A_450 = arith.constant 1 : i32
        %broadcast_in_dim3A_451 = vector.broadcast %broadcast_in_dim3A_450 : i32 to vector<16xi32>
        %broadcast_in_dim3A_452 = arith.constant 13 : i32
        %broadcast_in_dim3A_453 = vector.broadcast %broadcast_in_dim3A_452 : i32 to vector<16xi32>
        %gather3A_454 = tpu.vector_load_idx %arg13[%broadcast_in_dim3A_451, %broadcast_in_dim3A_453, %and3A_357] : memref<2x16x1024xf32, #tpu.memory_space<vmem>>[vector<16xi32>, vector<16xi32>, vector<16xi32>], vector<16xf32>,
        %broadcast_in_dim3A_455 = arith.constant 29 : i32
        %broadcast_in_dim3A_456 = vector.broadcast %broadcast_in_dim3A_455 : i32 to vector<16xi32>
        tpu.vector_store_idx %arg15[%shift_right_arithmetic3A_359, %broadcast_in_dim3A_456], %gather3A_454 : memref<640x128xf32, #tpu.memory_space<vmem>>[vector<16xi32>, vector<16xi32>], vector<16xf32>,
        %broadcast_in_dim3A_457 = arith.constant 1 : i32
        %broadcast_in_dim3A_458 = vector.broadcast %broadcast_in_dim3A_457 : i32 to vector<16xi32>
        %broadcast_in_dim3A_459 = arith.constant 14 : i32
        %broadcast_in_dim3A_460 = vector.broadcast %broadcast_in_dim3A_459 : i32 to vector<16xi32>
        %gather3A_461 = tpu.vector_load_idx %arg13[%broadcast_in_dim3A_458, %broadcast_in_dim3A_460, %and3A_357] : memref<2x16x1024xf32, #tpu.memory_space<vmem>>[vector<16xi32>, vector<16xi32>, vector<16xi32>], vector<16xf32>,
        %broadcast_in_dim3A_462 = arith.constant 30 : i32
        %broadcast_in_dim3A_463 = vector.broadcast %broadcast_in_dim3A_462 : i32 to vector<16xi32>
        tpu.vector_store_idx %arg15[%shift_right_arithmetic3A_359, %broadcast_in_dim3A_463], %gather3A_461 : memref<640x128xf32, #tpu.memory_space<vmem>>[vector<16xi32>, vector<16xi32>], vector<16xf32>,
        %broadcast_in_dim3A_464 = arith.constant 1 : i32
        %broadcast_in_dim3A_465 = vector.broadcast %broadcast_in_dim3A_464 : i32 to vector<16xi32>
        %broadcast_in_dim3A_466 = arith.constant 15 : i32
        %broadcast_in_dim3A_467 = vector.broadcast %broadcast_in_dim3A_466 : i32 to vector<16xi32>
        %gather3A_468 = tpu.vector_load_idx %arg13[%broadcast_in_dim3A_465, %broadcast_in_dim3A_467, %and3A_357] : memref<2x16x1024xf32, #tpu.memory_space<vmem>>[vector<16xi32>, vector<16xi32>, vector<16xi32>], vector<16xf32>,
        %broadcast_in_dim3A_469 = arith.constant 31 : i32
        %broadcast_in_dim3A_470 = vector.broadcast %broadcast_in_dim3A_469 : i32 to vector<16xi32>
        tpu.vector_store_idx %arg15[%shift_right_arithmetic3A_359, %broadcast_in_dim3A_470], %gather3A_468 : memref<640x128xf32, #tpu.memory_space<vmem>>[vector<16xi32>, vector<16xi32>], vector<16xf32>,
        %scan3A_471 = arith.constant 0 : i32
        scf.yield %scan3A_471 : i32
      }
      %scan3A_349 = arith.constant 3 : i32
    }
    %scan3A_136 = arith.constant 15 : i32
    %add3A_137 = arith.constant 30720 : i32
    %add3A_138 = arith.addi %mul3A_2, %add3A_137 : i32
    %dma_wait3A_139 = arith.constant 0 : i32
    %dma_wait3A_140 = arith.constant 0 : i32
    %dma_wait3A_141 = arith.constant 0 : i32
    %dma_wait3A_142 = tpu.memref_slice %arg13[%dma_wait3A_139, %dma_wait3A_140, %dma_wait3A_141] : memref<2x16x1024xf32, #tpu.memory_space<vmem>> -> memref<1x16x1024xf32, #tpu.memory_space<vmem>>
    %dma_wait3A_143 = tpu.memref_squeeze %dma_wait3A_142 : memref<1x16x1024xf32, #tpu.memory_space<vmem>> -> memref<16x1024xf32, #tpu.memory_space<vmem>>
    %dma_wait3A_144 = arith.constant 16 : i32
    %dma_wait3A_145 = tpu.memref_slice %arg4[%dma_wait3A_144, %add3A_138] : memref<32x1000000xf32, #tpu.memory_space<hbm>> -> memref<16x1024xf32, #tpu.memory_space<hbm>>
    %dma_wait3A_146 = arith.constant 0 : i32
    %dma_wait3A_147 = arith.constant 0 : i32
    %dma_wait3A_148 = tpu.memref_slice %arg13[%dma_wait3A_139, %dma_wait3A_146, %dma_wait3A_147] : memref<2x16x1024xf32, #tpu.memory_space<vmem>> -> memref<1x16x1024xf32, #tpu.memory_space<vmem>>
    %dma_wait3A_149 = tpu.memref_squeeze %dma_wait3A_148 : memref<1x16x1024xf32, #tpu.memory_space<vmem>> -> memref<16x1024xf32, #tpu.memory_space<vmem>>
    %dma_wait3A_150 = arith.constant 16 : i32
    %dma_wait3A_151 = tpu.memref_slice %arg4[%dma_wait3A_150, %add3A_138] : memref<32x1000000xf32, #tpu.memory_space<hbm>> -> memref<16x1024xf32, #tpu.memory_space<hbm>>
    tpu.wait_dma2 semaphore(%arg17 : memref<!tpu.dma_semaphore, #tpu.memory_space<semaphore_mem>>) src(%dma_wait3A_151 : memref<16x1024xf32, #tpu.memory_space<hbm>>) dst(%dma_wait3A_149 : memref<16x1024xf32, #tpu.memory_space<vmem>>)
    %scan3A_152 = arith.constant 0 : i32
    %scan3A_153 = arith.constant 0 : i32
    %scan3A_154 = arith.constant 3 : i32
    %scan3A_155 = arith.addi %scan3A_153, %scan3A_154 : i32
    %scan3A_156 = arith.constant 1 : i32
    %scan3A_157 = scf.for %scan3A_259 = %scan3A_153 to %scan3A_155 step %scan3A_156 iter_args(%scan3A_260 = %scan3A_152) -> (i32)  : i32 {
      %mul3A_261 = arith.constant 16 : i32
      %mul3A_262 = arith.muli %scan3A_259, %mul3A_261 : i32
      %get3A = arith.constant 30 : i32
      %get3A_263 = arith.index_cast %get3A : i32 to index
      %get3A_264 = arith.index_cast %mul3A_262 : i32 to index
      %get3A_265 = tpu.vector_load %arg16[%get3A_263, %get3A_264] {strides = array<i32>} : memref<32x48xi32, #tpu.memory_space<vmem>>, vector<16xi32>,
      %and3A = arith.constant 1023 : i32
      %and3A_266 = vector.broadcast %and3A : i32 to vector<16xi32>
      %and3A_267 = arith.andi %get3A_265, %and3A_266 : vector<16xi32>
      %shift_right_arithmetic3A = arith.constant 10 : i32
      %shift_right_arithmetic3A_268 = vector.broadcast %shift_right_arithmetic3A : i32 to vector<16xi32>
      %shift_right_arithmetic3A_269 = arith.shrsi %get3A_265, %shift_right_arithmetic3A_268 : vector<16xi32>
      %broadcast_in_dim3A_270 = arith.constant 0 : i32
      %broadcast_in_dim3A_271 = vector.broadcast %broadcast_in_dim3A_270 : i32 to vector<16xi32>
      %broadcast_in_dim3A_272 = arith.constant 0 : i32
      %broadcast_in_dim3A_273 = vector.broadcast %broadcast_in_dim3A_272 : i32 to vector<16xi32>
      %gather3A = tpu.vector_load_idx %arg13[%broadcast_in_dim3A_271, %broadcast_in_dim3A_273, %and3A_267] : memref<2x16x1024xf32, #tpu.memory_space<vmem>>[vector<16xi32>, vector<16xi32>, vector<16xi32>], vector<16xf32>,
      %broadcast_in_dim3A_274 = arith.constant 16 : i32
      %broadcast_in_dim3A_275 = vector.broadcast %broadcast_in_dim3A_274 : i32 to vector<16xi32>
      tpu.vector_store_idx %arg15[%shift_right_arithmetic3A_269, %broadcast_in_dim3A_275], %gather3A : memref<640x128xf32, #tpu.memory_space<vmem>>[vector<16xi32>, vector<16xi32>], vector<16xf32>,
      %broadcast_in_dim3A_276 = arith.constant 0 : i32
      %broadcast_in_dim3A_277 = vector.broadcast %broadcast_in_dim3A_276 : i32 to vector<16xi32>
      %broadcast_in_dim3A_278 = arith.constant 1 : i32
      %broadcast_in_dim3A_279 = vector.broadcast %broadcast_in_dim3A_278 : i32 to vector<16xi32>
      %gather3A_280 = tpu.vector_load_idx %arg13[%broadcast_in_dim3A_277, %broadcast_in_dim3A_279, %and3A_267] : memref<2x16x1024xf32, #tpu.memory_space<vmem>>[vector<16xi32>, vector<16xi32>, vector<16xi32>], vector<16xf32>,
      %broadcast_in_dim3A_281 = arith.constant 17 : i32
      %broadcast_in_dim3A_282 = vector.broadcast %broadcast_in_dim3A_281 : i32 to vector<16xi32>
      tpu.vector_store_idx %arg15[%shift_right_arithmetic3A_269, %broadcast_in_dim3A_282], %gather3A_280 : memref<640x128xf32, #tpu.memory_space<vmem>>[vector<16xi32>, vector<16xi32>], vector<16xf32>,
      %broadcast_in_dim3A_283 = arith.constant 0 : i32
      %broadcast_in_dim3A_284 = vector.broadcast %broadcast_in_dim3A_283 : i32 to vector<16xi32>
      %broadcast_in_dim3A_285 = arith.constant 2 : i32
      %broadcast_in_dim3A_286 = vector.broadcast %broadcast_in_dim3A_285 : i32 to vector<16xi32>
      %gather3A_287 = tpu.vector_load_idx %arg13[%broadcast_in_dim3A_284, %broadcast_in_dim3A_286, %and3A_267] : memref<2x16x1024xf32, #tpu.memory_space<vmem>>[vector<16xi32>, vector<16xi32>, vector<16xi32>], vector<16xf32>,
      %broadcast_in_dim3A_288 = arith.constant 18 : i32
      %broadcast_in_dim3A_289 = vector.broadcast %broadcast_in_dim3A_288 : i32 to vector<16xi32>
      tpu.vector_store_idx %arg15[%shift_right_arithmetic3A_269, %broadcast_in_dim3A_289], %gather3A_287 : memref<640x128xf32, #tpu.memory_space<vmem>>[vector<16xi32>, vector<16xi32>], vector<16xf32>,
      %broadcast_in_dim3A_290 = arith.constant 0 : i32
      %broadcast_in_dim3A_291 = vector.broadcast %broadcast_in_dim3A_290 : i32 to vector<16xi32>
      %broadcast_in_dim3A_292 = arith.constant 3 : i32
      %broadcast_in_dim3A_293 = vector.broadcast %broadcast_in_dim3A_292 : i32 to vector<16xi32>
      %gather3A_294 = tpu.vector_load_idx %arg13[%broadcast_in_dim3A_291, %broadcast_in_dim3A_293, %and3A_267] : memref<2x16x1024xf32, #tpu.memory_space<vmem>>[vector<16xi32>, vector<16xi32>, vector<16xi32>], vector<16xf32>,
      %broadcast_in_dim3A_295 = arith.constant 19 : i32
      %broadcast_in_dim3A_296 = vector.broadcast %broadcast_in_dim3A_295 : i32 to vector<16xi32>
      tpu.vector_store_idx %arg15[%shift_right_arithmetic3A_269, %broadcast_in_dim3A_296], %gather3A_294 : memref<640x128xf32, #tpu.memory_space<vmem>>[vector<16xi32>, vector<16xi32>], vector<16xf32>,
      %broadcast_in_dim3A_297 = arith.constant 0 : i32
      %broadcast_in_dim3A_298 = vector.broadcast %broadcast_in_dim3A_297 : i32 to vector<16xi32>
      %broadcast_in_dim3A_299 = arith.constant 4 : i32
      %broadcast_in_dim3A_300 = vector.broadcast %broadcast_in_dim3A_299 : i32 to vector<16xi32>
      %gather3A_301 = tpu.vector_load_idx %arg13[%broadcast_in_dim3A_298, %broadcast_in_dim3A_300, %and3A_267] : memref<2x16x1024xf32, #tpu.memory_space<vmem>>[vector<16xi32>, vector<16xi32>, vector<16xi32>], vector<16xf32>,
      %broadcast_in_dim3A_302 = arith.constant 20 : i32
      %broadcast_in_dim3A_303 = vector.broadcast %broadcast_in_dim3A_302 : i32 to vector<16xi32>
      tpu.vector_store_idx %arg15[%shift_right_arithmetic3A_269, %broadcast_in_dim3A_303], %gather3A_301 : memref<640x128xf32, #tpu.memory_space<vmem>>[vector<16xi32>, vector<16xi32>], vector<16xf32>,
      %broadcast_in_dim3A_304 = arith.constant 0 : i32
      %broadcast_in_dim3A_305 = vector.broadcast %broadcast_in_dim3A_304 : i32 to vector<16xi32>
      %broadcast_in_dim3A_306 = arith.constant 5 : i32
      %broadcast_in_dim3A_307 = vector.broadcast %broadcast_in_dim3A_306 : i32 to vector<16xi32>
      %gather3A_308 = tpu.vector_load_idx %arg13[%broadcast_in_dim3A_305, %broadcast_in_dim3A_307, %and3A_267] : memref<2x16x1024xf32, #tpu.memory_space<vmem>>[vector<16xi32>, vector<16xi32>, vector<16xi32>], vector<16xf32>,
      %broadcast_in_dim3A_309 = arith.constant 21 : i32
      %broadcast_in_dim3A_310 = vector.broadcast %broadcast_in_dim3A_309 : i32 to vector<16xi32>
      tpu.vector_store_idx %arg15[%shift_right_arithmetic3A_269, %broadcast_in_dim3A_310], %gather3A_308 : memref<640x128xf32, #tpu.memory_space<vmem>>[vector<16xi32>, vector<16xi32>], vector<16xf32>,
      %broadcast_in_dim3A_311 = arith.constant 0 : i32
      %broadcast_in_dim3A_312 = vector.broadcast %broadcast_in_dim3A_311 : i32 to vector<16xi32>
      %broadcast_in_dim3A_313 = arith.constant 6 : i32
      %broadcast_in_dim3A_314 = vector.broadcast %broadcast_in_dim3A_313 : i32 to vector<16xi32>
      %gather3A_315 = tpu.vector_load_idx %arg13[%broadcast_in_dim3A_312, %broadcast_in_dim3A_314, %and3A_267] : memref<2x16x1024xf32, #tpu.memory_space<vmem>>[vector<16xi32>, vector<16xi32>, vector<16xi32>], vector<16xf32>,
      %broadcast_in_dim3A_316 = arith.constant 22 : i32
      %broadcast_in_dim3A_317 = vector.broadcast %broadcast_in_dim3A_316 : i32 to vector<16xi32>
      tpu.vector_store_idx %arg15[%shift_right_arithmetic3A_269, %broadcast_in_dim3A_317], %gather3A_315 : memref<640x128xf32, #tpu.memory_space<vmem>>[vector<16xi32>, vector<16xi32>], vector<16xf32>,
      %broadcast_in_dim3A_318 = arith.constant 0 : i32
      %broadcast_in_dim3A_319 = vector.broadcast %broadcast_in_dim3A_318 : i32 to vector<16xi32>
      %broadcast_in_dim3A_320 = arith.constant 7 : i32
      %broadcast_in_dim3A_321 = vector.broadcast %broadcast_in_dim3A_320 : i32 to vector<16xi32>
      %gather3A_322 = tpu.vector_load_idx %arg13[%broadcast_in_dim3A_319, %broadcast_in_dim3A_321, %and3A_267] : memref<2x16x1024xf32, #tpu.memory_space<vmem>>[vector<16xi32>, vector<16xi32>, vector<16xi32>], vector<16xf32>,
      %broadcast_in_dim3A_323 = arith.constant 23 : i32
      %broadcast_in_dim3A_324 = vector.broadcast %broadcast_in_dim3A_323 : i32 to vector<16xi32>
      tpu.vector_store_idx %arg15[%shift_right_arithmetic3A_269, %broadcast_in_dim3A_324], %gather3A_322 : memref<640x128xf32, #tpu.memory_space<vmem>>[vector<16xi32>, vector<16xi32>], vector<16xf32>,
      %broadcast_in_dim3A_325 = arith.constant 0 : i32
      %broadcast_in_dim3A_326 = vector.broadcast %broadcast_in_dim3A_325 : i32 to vector<16xi32>
      %broadcast_in_dim3A_327 = arith.constant 8 : i32
      %broadcast_in_dim3A_328 = vector.broadcast %broadcast_in_dim3A_327 : i32 to vector<16xi32>
      %gather3A_329 = tpu.vector_load_idx %arg13[%broadcast_in_dim3A_326, %broadcast_in_dim3A_328, %and3A_267] : memref<2x16x1024xf32, #tpu.memory_space<vmem>>[vector<16xi32>, vector<16xi32>, vector<16xi32>], vector<16xf32>,
      %broadcast_in_dim3A_330 = arith.constant 24 : i32
      %broadcast_in_dim3A_331 = vector.broadcast %broadcast_in_dim3A_330 : i32 to vector<16xi32>
      tpu.vector_store_idx %arg15[%shift_right_arithmetic3A_269, %broadcast_in_dim3A_331], %gather3A_329 : memref<640x128xf32, #tpu.memory_space<vmem>>[vector<16xi32>, vector<16xi32>], vector<16xf32>,
      %broadcast_in_dim3A_332 = arith.constant 0 : i32
      %broadcast_in_dim3A_333 = vector.broadcast %broadcast_in_dim3A_332 : i32 to vector<16xi32>
      %broadcast_in_dim3A_334 = arith.constant 9 : i32
      %broadcast_in_dim3A_335 = vector.broadcast %broadcast_in_dim3A_334 : i32 to vector<16xi32>
      %gather3A_336 = tpu.vector_load_idx %arg13[%broadcast_in_dim3A_333, %broadcast_in_dim3A_335, %and3A_267] : memref<2x16x1024xf32, #tpu.memory_space<vmem>>[vector<16xi32>, vector<16xi32>, vector<16xi32>], vector<16xf32>,
      %broadcast_in_dim3A_337 = arith.constant 25 : i32
      %broadcast_in_dim3A_338 = vector.broadcast %broadcast_in_dim3A_337 : i32 to vector<16xi32>
      tpu.vector_store_idx %arg15[%shift_right_arithmetic3A_269, %broadcast_in_dim3A_338], %gather3A_336 : memref<640x128xf32, #tpu.memory_space<vmem>>[vector<16xi32>, vector<16xi32>], vector<16xf32>,
      %broadcast_in_dim3A_339 = arith.constant 0 : i32
      %broadcast_in_dim3A_340 = vector.broadcast %broadcast_in_dim3A_339 : i32 to vector<16xi32>
      %broadcast_in_dim3A_341 = arith.constant 10 : i32
      %broadcast_in_dim3A_342 = vector.broadcast %broadcast_in_dim3A_341 : i32 to vector<16xi32>
      %gather3A_343 = tpu.vector_load_idx %arg13[%broadcast_in_dim3A_340, %broadcast_in_dim3A_342, %and3A_267] : memref<2x16x1024xf32, #tpu.memory_space<vmem>>[vector<16xi32>, vector<16xi32>, vector<16xi32>], vector<16xf32>,
      %broadcast_in_dim3A_344 = arith.constant 26 : i32
      %broadcast_in_dim3A_345 = vector.broadcast %broadcast_in_dim3A_344 : i32 to vector<16xi32>
      tpu.vector_store_idx %arg15[%shift_right_arithmetic3A_269, %broadcast_in_dim3A_345], %gather3A_343 : memref<640x128xf32, #tpu.memory_space<vmem>>[vector<16xi32>, vector<16xi32>], vector<16xf32>,
      %broadcast_in_dim3A_346 = arith.constant 0 : i32
      %broadcast_in_dim3A_347 = vector.broadcast %broadcast_in_dim3A_346 : i32 to vector<16xi32>
      %broadcast_in_dim3A_348 = arith.constant 11 : i32
      %broadcast_in_dim3A_349 = vector.broadcast %broadcast_in_dim3A_348 : i32 to vector<16xi32>
      %gather3A_350 = tpu.vector_load_idx %arg13[%broadcast_in_dim3A_347, %broadcast_in_dim3A_349, %and3A_267] : memref<2x16x1024xf32, #tpu.memory_space<vmem>>[vector<16xi32>, vector<16xi32>, vector<16xi32>], vector<16xf32>,
      %broadcast_in_dim3A_351 = arith.constant 27 : i32
      %broadcast_in_dim3A_352 = vector.broadcast %broadcast_in_dim3A_351 : i32 to vector<16xi32>
      tpu.vector_store_idx %arg15[%shift_right_arithmetic3A_269, %broadcast_in_dim3A_352], %gather3A_350 : memref<640x128xf32, #tpu.memory_space<vmem>>[vector<16xi32>, vector<16xi32>], vector<16xf32>,
      %broadcast_in_dim3A_353 = arith.constant 0 : i32
      %broadcast_in_dim3A_354 = vector.broadcast %broadcast_in_dim3A_353 : i32 to vector<16xi32>
      %broadcast_in_dim3A_355 = arith.constant 12 : i32
      %broadcast_in_dim3A_356 = vector.broadcast %broadcast_in_dim3A_355 : i32 to vector<16xi32>
      %gather3A_357 = tpu.vector_load_idx %arg13[%broadcast_in_dim3A_354, %broadcast_in_dim3A_356, %and3A_267] : memref<2x16x1024xf32, #tpu.memory_space<vmem>>[vector<16xi32>, vector<16xi32>, vector<16xi32>], vector<16xf32>,
      %broadcast_in_dim3A_358 = arith.constant 28 : i32
      %broadcast_in_dim3A_359 = vector.broadcast %broadcast_in_dim3A_358 : i32 to vector<16xi32>
      tpu.vector_store_idx %arg15[%shift_right_arithmetic3A_269, %broadcast_in_dim3A_359], %gather3A_357 : memref<640x128xf32, #tpu.memory_space<vmem>>[vector<16xi32>, vector<16xi32>], vector<16xf32>,
      %broadcast_in_dim3A_360 = arith.constant 0 : i32
      %broadcast_in_dim3A_361 = vector.broadcast %broadcast_in_dim3A_360 : i32 to vector<16xi32>
      %broadcast_in_dim3A_362 = arith.constant 13 : i32
      %broadcast_in_dim3A_363 = vector.broadcast %broadcast_in_dim3A_362 : i32 to vector<16xi32>
      %gather3A_364 = tpu.vector_load_idx %arg13[%broadcast_in_dim3A_361, %broadcast_in_dim3A_363, %and3A_267] : memref<2x16x1024xf32, #tpu.memory_space<vmem>>[vector<16xi32>, vector<16xi32>, vector<16xi32>], vector<16xf32>,
      %broadcast_in_dim3A_365 = arith.constant 29 : i32
      %broadcast_in_dim3A_366 = vector.broadcast %broadcast_in_dim3A_365 : i32 to vector<16xi32>
      tpu.vector_store_idx %arg15[%shift_right_arithmetic3A_269, %broadcast_in_dim3A_366], %gather3A_364 : memref<640x128xf32, #tpu.memory_space<vmem>>[vector<16xi32>, vector<16xi32>], vector<16xf32>,
      %broadcast_in_dim3A_367 = arith.constant 0 : i32
      %broadcast_in_dim3A_368 = vector.broadcast %broadcast_in_dim3A_367 : i32 to vector<16xi32>
      %broadcast_in_dim3A_369 = arith.constant 14 : i32
      %broadcast_in_dim3A_370 = vector.broadcast %broadcast_in_dim3A_369 : i32 to vector<16xi32>
      %gather3A_371 = tpu.vector_load_idx %arg13[%broadcast_in_dim3A_368, %broadcast_in_dim3A_370, %and3A_267] : memref<2x16x1024xf32, #tpu.memory_space<vmem>>[vector<16xi32>, vector<16xi32>, vector<16xi32>], vector<16xf32>,
      %broadcast_in_dim3A_372 = arith.constant 30 : i32
      %broadcast_in_dim3A_373 = vector.broadcast %broadcast_in_dim3A_372 : i32 to vector<16xi32>
      tpu.vector_store_idx %arg15[%shift_right_arithmetic3A_269, %broadcast_in_dim3A_373], %gather3A_371 : memref<640x128xf32, #tpu.memory_space<vmem>>[vector<16xi32>, vector<16xi32>], vector<16xf32>,
      %broadcast_in_dim3A_374 = arith.constant 0 : i32
      %broadcast_in_dim3A_375 = vector.broadcast %broadcast_in_dim3A_374 : i32 to vector<16xi32>
      %broadcast_in_dim3A_376 = arith.constant 15 : i32
      %broadcast_in_dim3A_377 = vector.broadcast %broadcast_in_dim3A_376 : i32 to vector<16xi32>
      %gather3A_378 = tpu.vector_load_idx %arg13[%broadcast_in_dim3A_375, %broadcast_in_dim3A_377, %and3A_267] : memref<2x16x1024xf32, #tpu.memory_space<vmem>>[vector<16xi32>, vector<16xi32>, vector<16xi32>], vector<16xf32>,
      %broadcast_in_dim3A_379 = arith.constant 31 : i32
      %broadcast_in_dim3A_380 = vector.broadcast %broadcast_in_dim3A_379 : i32 to vector<16xi32>
      tpu.vector_store_idx %arg15[%shift_right_arithmetic3A_269, %broadcast_in_dim3A_380], %gather3A_378 : memref<640x128xf32, #tpu.memory_space<vmem>>[vector<16xi32>, vector<16xi32>], vector<16xf32>,
      %scan3A_381 = arith.constant 0 : i32
      scf.yield %scan3A_381 : i32
    }
    %scan3A_158 = arith.constant 3 : i32
    %dma_start3A_159 = arith.constant 0 : i32
    %dma_start3A_160 = arith.constant 0 : i32
    %dma_start3A_161 = arith.constant 0 : i32
    %dma_start3A_162 = tpu.memref_slice %arg15[%dma_start3A_160, %dma_start3A_161] : memref<640x128xf32, #tpu.memory_space<vmem>> -> memref<128x128xf32, #tpu.memory_space<vmem>>
    %dma_start3A_163 = arith.constant 0 : i32
    %dma_start3A_164 = tpu.memref_slice %arg11[%dma_start3A_159, %dma_start3A_163] : memref<5x128xi32, #tpu.memory_space<vmem>> -> memref<1x128xi32, #tpu.memory_space<vmem>>
    %dma_start3A_165 = tpu.memref_squeeze %dma_start3A_164 : memref<1x128xi32, #tpu.memory_space<vmem>> -> memref<128xi32, #tpu.memory_space<vmem>>
    %dma_start3A_166 = arith.constant 0 : i32
    %dma_start3A_167 = arith.constant 0 : i32
    %dma_start3A_168 = tpu.memref_slice %arg7[%dma_start3A_166, %dma_start3A_167] : memref<16640x128xf32, #tpu.memory_space<hbm>> -> memref<16640x128xf32, #tpu.memory_space<hbm>>
    tpu.enqueue_indirect_dma source(%dma_start3A_162 : memref<128x128xf32, #tpu.memory_space<vmem>>) target(%dma_start3A_168 : memref<16640x128xf32, #tpu.memory_space<hbm>>) offsets(%dma_start3A_165 : memref<128xi32, #tpu.memory_space<vmem>>) semaphore(%arg17 : memref<!tpu.dma_semaphore, #tpu.memory_space<semaphore_mem>>)
    %dma_start3A_169 = arith.constant 1 : i32
    %dma_start3A_170 = arith.constant 128 : i32
    %dma_start3A_171 = arith.constant 0 : i32
    %dma_start3A_172 = tpu.memref_slice %arg15[%dma_start3A_170, %dma_start3A_171] : memref<640x128xf32, #tpu.memory_space<vmem>> -> memref<128x128xf32, #tpu.memory_space<vmem>>
    %dma_start3A_173 = arith.constant 0 : i32
    %dma_start3A_174 = tpu.memref_slice %arg11[%dma_start3A_169, %dma_start3A_173] : memref<5x128xi32, #tpu.memory_space<vmem>> -> memref<1x128xi32, #tpu.memory_space<vmem>>
    %dma_start3A_175 = tpu.memref_squeeze %dma_start3A_174 : memref<1x128xi32, #tpu.memory_space<vmem>> -> memref<128xi32, #tpu.memory_space<vmem>>
    %dma_start3A_176 = arith.constant 0 : i32
    %dma_start3A_177 = arith.constant 0 : i32
    %dma_start3A_178 = tpu.memref_slice %arg7[%dma_start3A_176, %dma_start3A_177] : memref<16640x128xf32, #tpu.memory_space<hbm>> -> memref<16640x128xf32, #tpu.memory_space<hbm>>
    tpu.enqueue_indirect_dma source(%dma_start3A_172 : memref<128x128xf32, #tpu.memory_space<vmem>>) target(%dma_start3A_178 : memref<16640x128xf32, #tpu.memory_space<hbm>>) offsets(%dma_start3A_175 : memref<128xi32, #tpu.memory_space<vmem>>) semaphore(%arg17 : memref<!tpu.dma_semaphore, #tpu.memory_space<semaphore_mem>>)
    %dma_start3A_179 = arith.constant 2 : i32
    %dma_start3A_180 = arith.constant 256 : i32
    %dma_start3A_181 = arith.constant 0 : i32
    %dma_start3A_182 = tpu.memref_slice %arg15[%dma_start3A_180, %dma_start3A_181] : memref<640x128xf32, #tpu.memory_space<vmem>> -> memref<128x128xf32, #tpu.memory_space<vmem>>
    %dma_start3A_183 = arith.constant 0 : i32
    %dma_start3A_184 = tpu.memref_slice %arg11[%dma_start3A_179, %dma_start3A_183] : memref<5x128xi32, #tpu.memory_space<vmem>> -> memref<1x128xi32, #tpu.memory_space<vmem>>
    %dma_start3A_185 = tpu.memref_squeeze %dma_start3A_184 : memref<1x128xi32, #tpu.memory_space<vmem>> -> memref<128xi32, #tpu.memory_space<vmem>>
    %dma_start3A_186 = arith.constant 0 : i32
    %dma_start3A_187 = arith.constant 0 : i32
    %dma_start3A_188 = tpu.memref_slice %arg7[%dma_start3A_186, %dma_start3A_187] : memref<16640x128xf32, #tpu.memory_space<hbm>> -> memref<16640x128xf32, #tpu.memory_space<hbm>>
    tpu.enqueue_indirect_dma source(%dma_start3A_182 : memref<128x128xf32, #tpu.memory_space<vmem>>) target(%dma_start3A_188 : memref<16640x128xf32, #tpu.memory_space<hbm>>) offsets(%dma_start3A_185 : memref<128xi32, #tpu.memory_space<vmem>>) semaphore(%arg17 : memref<!tpu.dma_semaphore, #tpu.memory_space<semaphore_mem>>)
    %dma_start3A_189 = arith.constant 3 : i32
    %dma_start3A_190 = arith.constant 384 : i32
    %dma_start3A_191 = arith.constant 0 : i32
    %dma_start3A_192 = tpu.memref_slice %arg15[%dma_start3A_190, %dma_start3A_191] : memref<640x128xf32, #tpu.memory_space<vmem>> -> memref<128x128xf32, #tpu.memory_space<vmem>>
    %dma_start3A_193 = arith.constant 0 : i32
    %dma_start3A_194 = tpu.memref_slice %arg11[%dma_start3A_189, %dma_start3A_193] : memref<5x128xi32, #tpu.memory_space<vmem>> -> memref<1x128xi32, #tpu.memory_space<vmem>>
    %dma_start3A_195 = tpu.memref_squeeze %dma_start3A_194 : memref<1x128xi32, #tpu.memory_space<vmem>> -> memref<128xi32, #tpu.memory_space<vmem>>
    %dma_start3A_196 = arith.constant 0 : i32
    %dma_start3A_197 = arith.constant 0 : i32
    %dma_start3A_198 = tpu.memref_slice %arg7[%dma_start3A_196, %dma_start3A_197] : memref<16640x128xf32, #tpu.memory_space<hbm>> -> memref<16640x128xf32, #tpu.memory_space<hbm>>
    tpu.enqueue_indirect_dma source(%dma_start3A_192 : memref<128x128xf32, #tpu.memory_space<vmem>>) target(%dma_start3A_198 : memref<16640x128xf32, #tpu.memory_space<hbm>>) offsets(%dma_start3A_195 : memref<128xi32, #tpu.memory_space<vmem>>) semaphore(%arg17 : memref<!tpu.dma_semaphore, #tpu.memory_space<semaphore_mem>>)
    %dma_start3A_199 = arith.constant 4 : i32
    %dma_start3A_200 = arith.constant 512 : i32
    %dma_start3A_201 = arith.constant 0 : i32
    %dma_start3A_202 = tpu.memref_slice %arg15[%dma_start3A_200, %dma_start3A_201] : memref<640x128xf32, #tpu.memory_space<vmem>> -> memref<128x128xf32, #tpu.memory_space<vmem>>
    %dma_start3A_203 = arith.constant 0 : i32
    %dma_start3A_204 = tpu.memref_slice %arg11[%dma_start3A_199, %dma_start3A_203] : memref<5x128xi32, #tpu.memory_space<vmem>> -> memref<1x128xi32, #tpu.memory_space<vmem>>
    %dma_start3A_205 = tpu.memref_squeeze %dma_start3A_204 : memref<1x128xi32, #tpu.memory_space<vmem>> -> memref<128xi32, #tpu.memory_space<vmem>>
    %dma_start3A_206 = arith.constant 0 : i32
    %dma_start3A_207 = arith.constant 0 : i32
    %dma_start3A_208 = tpu.memref_slice %arg7[%dma_start3A_206, %dma_start3A_207] : memref<16640x128xf32, #tpu.memory_space<hbm>> -> memref<16640x128xf32, #tpu.memory_space<hbm>>
    tpu.enqueue_indirect_dma source(%dma_start3A_202 : memref<128x128xf32, #tpu.memory_space<vmem>>) target(%dma_start3A_208 : memref<16640x128xf32, #tpu.memory_space<hbm>>) offsets(%dma_start3A_205 : memref<128xi32, #tpu.memory_space<vmem>>) semaphore(%arg17 : memref<!tpu.dma_semaphore, #tpu.memory_space<semaphore_mem>>)
    %dma_wait3A_209 = arith.constant 0 : i32
    %dma_wait3A_210 = arith.constant 0 : i32
    %dma_wait3A_211 = arith.constant 0 : i32
    %dma_wait3A_212 = tpu.memref_slice %arg15[%dma_wait3A_210, %dma_wait3A_211] : memref<640x128xf32, #tpu.memory_space<vmem>> -> memref<128x128xf32, #tpu.memory_space<vmem>>
    %dma_wait3A_213 = arith.constant 0 : i32
    %dma_wait3A_214 = tpu.memref_slice %arg11[%dma_wait3A_209, %dma_wait3A_213] : memref<5x128xi32, #tpu.memory_space<vmem>> -> memref<1x128xi32, #tpu.memory_space<vmem>>
    %dma_wait3A_215 = tpu.memref_squeeze %dma_wait3A_214 : memref<1x128xi32, #tpu.memory_space<vmem>> -> memref<128xi32, #tpu.memory_space<vmem>>
    %dma_wait3A_216 = arith.constant 0 : i32
    %dma_wait3A_217 = arith.constant 0 : i32
    %dma_wait3A_218 = tpu.memref_slice %arg7[%dma_wait3A_216, %dma_wait3A_217] : memref<16640x128xf32, #tpu.memory_space<hbm>> -> memref<16640x128xf32, #tpu.memory_space<hbm>>
    tpu.wait_indirect_dma semaphore(%arg17 : memref<!tpu.dma_semaphore, #tpu.memory_space<semaphore_mem>>) src(%dma_wait3A_212 : memref<128x128xf32, #tpu.memory_space<vmem>>) dst(%dma_wait3A_218 : memref<16640x128xf32, #tpu.memory_space<hbm>>)
    %dma_wait3A_219 = arith.constant 1 : i32
    %dma_wait3A_220 = arith.constant 128 : i32
    %dma_wait3A_221 = arith.constant 0 : i32
    %dma_wait3A_222 = tpu.memref_slice %arg15[%dma_wait3A_220, %dma_wait3A_221] : memref<640x128xf32, #tpu.memory_space<vmem>> -> memref<128x128xf32, #tpu.memory_space<vmem>>
    %dma_wait3A_223 = arith.constant 0 : i32
    %dma_wait3A_224 = tpu.memref_slice %arg11[%dma_wait3A_219, %dma_wait3A_223] : memref<5x128xi32, #tpu.memory_space<vmem>> -> memref<1x128xi32, #tpu.memory_space<vmem>>
    %dma_wait3A_225 = tpu.memref_squeeze %dma_wait3A_224 : memref<1x128xi32, #tpu.memory_space<vmem>> -> memref<128xi32, #tpu.memory_space<vmem>>
    %dma_wait3A_226 = arith.constant 0 : i32
    %dma_wait3A_227 = arith.constant 0 : i32
    %dma_wait3A_228 = tpu.memref_slice %arg7[%dma_wait3A_226, %dma_wait3A_227] : memref<16640x128xf32, #tpu.memory_space<hbm>> -> memref<16640x128xf32, #tpu.memory_space<hbm>>
    tpu.wait_indirect_dma semaphore(%arg17 : memref<!tpu.dma_semaphore, #tpu.memory_space<semaphore_mem>>) src(%dma_wait3A_222 : memref<128x128xf32, #tpu.memory_space<vmem>>) dst(%dma_wait3A_228 : memref<16640x128xf32, #tpu.memory_space<hbm>>)
    %dma_wait3A_229 = arith.constant 2 : i32
    %dma_wait3A_230 = arith.constant 256 : i32
    %dma_wait3A_231 = arith.constant 0 : i32
    %dma_wait3A_232 = tpu.memref_slice %arg15[%dma_wait3A_230, %dma_wait3A_231] : memref<640x128xf32, #tpu.memory_space<vmem>> -> memref<128x128xf32, #tpu.memory_space<vmem>>
    %dma_wait3A_233 = arith.constant 0 : i32
    %dma_wait3A_234 = tpu.memref_slice %arg11[%dma_wait3A_229, %dma_wait3A_233] : memref<5x128xi32, #tpu.memory_space<vmem>> -> memref<1x128xi32, #tpu.memory_space<vmem>>
    %dma_wait3A_235 = tpu.memref_squeeze %dma_wait3A_234 : memref<1x128xi32, #tpu.memory_space<vmem>> -> memref<128xi32, #tpu.memory_space<vmem>>
    %dma_wait3A_236 = arith.constant 0 : i32
    %dma_wait3A_237 = arith.constant 0 : i32
    %dma_wait3A_238 = tpu.memref_slice %arg7[%dma_wait3A_236, %dma_wait3A_237] : memref<16640x128xf32, #tpu.memory_space<hbm>> -> memref<16640x128xf32, #tpu.memory_space<hbm>>
    tpu.wait_indirect_dma semaphore(%arg17 : memref<!tpu.dma_semaphore, #tpu.memory_space<semaphore_mem>>) src(%dma_wait3A_232 : memref<128x128xf32, #tpu.memory_space<vmem>>) dst(%dma_wait3A_238 : memref<16640x128xf32, #tpu.memory_space<hbm>>)
    %dma_wait3A_239 = arith.constant 3 : i32
    %dma_wait3A_240 = arith.constant 384 : i32
    %dma_wait3A_241 = arith.constant 0 : i32
    %dma_wait3A_242 = tpu.memref_slice %arg15[%dma_wait3A_240, %dma_wait3A_241] : memref<640x128xf32, #tpu.memory_space<vmem>> -> memref<128x128xf32, #tpu.memory_space<vmem>>
    %dma_wait3A_243 = arith.constant 0 : i32
    %dma_wait3A_244 = tpu.memref_slice %arg11[%dma_wait3A_239, %dma_wait3A_243] : memref<5x128xi32, #tpu.memory_space<vmem>> -> memref<1x128xi32, #tpu.memory_space<vmem>>
    %dma_wait3A_245 = tpu.memref_squeeze %dma_wait3A_244 : memref<1x128xi32, #tpu.memory_space<vmem>> -> memref<128xi32, #tpu.memory_space<vmem>>
    %dma_wait3A_246 = arith.constant 0 : i32
    %dma_wait3A_247 = arith.constant 0 : i32
    %dma_wait3A_248 = tpu.memref_slice %arg7[%dma_wait3A_246, %dma_wait3A_247] : memref<16640x128xf32, #tpu.memory_space<hbm>> -> memref<16640x128xf32, #tpu.memory_space<hbm>>
    tpu.wait_indirect_dma semaphore(%arg17 : memref<!tpu.dma_semaphore, #tpu.memory_space<semaphore_mem>>) src(%dma_wait3A_242 : memref<128x128xf32, #tpu.memory_space<vmem>>) dst(%dma_wait3A_248 : memref<16640x128xf32, #tpu.memory_space<hbm>>)
    %dma_wait3A_249 = arith.constant 4 : i32
    %dma_wait3A_250 = arith.constant 512 : i32
    %dma_wait3A_251 = arith.constant 0 : i32
    %dma_wait3A_252 = tpu.memref_slice %arg15[%dma_wait3A_250, %dma_wait3A_251] : memref<640x128xf32, #tpu.memory_space<vmem>> -> memref<128x128xf32, #tpu.memory_space<vmem>>
    %dma_wait3A_253 = arith.constant 0 : i32
    %dma_wait3A_254 = tpu.memref_slice %arg11[%dma_wait3A_249, %dma_wait3A_253] : memref<5x128xi32, #tpu.memory_space<vmem>> -> memref<1x128xi32, #tpu.memory_space<vmem>>
    %dma_wait3A_255 = tpu.memref_squeeze %dma_wait3A_254 : memref<1x128xi32, #tpu.memory_space<vmem>> -> memref<128xi32, #tpu.memory_space<vmem>>
    %dma_wait3A_256 = arith.constant 0 : i32
    %dma_wait3A_257 = arith.constant 0 : i32
    %dma_wait3A_258 = tpu.memref_slice %arg7[%dma_wait3A_256, %dma_wait3A_257] : memref<16640x128xf32, #tpu.memory_space<hbm>> -> memref<16640x128xf32, #tpu.memory_space<hbm>>
    tpu.wait_indirect_dma semaphore(%arg17 : memref<!tpu.dma_semaphore, #tpu.memory_space<semaphore_mem>>) src(%dma_wait3A_252 : memref<128x128xf32, #tpu.memory_space<vmem>>) dst(%dma_wait3A_258 : memref<16640x128xf32, #tpu.memory_space<hbm>>)
    return
  }
}

</mosaic_0001>

<sc_bundles>
// kernel: kernel.3.cloned.1.call-start
scs
__scs_entry_jumppad:
0x0: {  	(pc) =	sbr.rel $0x88, $3  }
0x1: {  	(tag) =	ssettag $0x0;
	lr =	simm.s32 $0x1  }
0x2: {  	[smem:$0x3F9D] =	sst lr;
	_ =	strace $0xD0000000  }
0x3: {  	_ = 	snop  }
0x4: {  	_ = 	snop  }
0x5: {  	_ = 	snop  }
0x6: {  	_ = 	snop  }
0x7: {  	_ = 	snop  }
__scs_overlays_trampoline_lowered:
0x8: {  	[smem:$0x3FAC] =	sst s0  }
0x9: {  	[smem:$0x3FAD] =	sst s1  }
0xa: {  	[smem:$0x3FAE] =	sst s2  }
0xb: {  	[smem:$0x3FAF] =	sst s3  }
0xc: {  	[smem:$0x3FB0] =	sst s4  }
0xd: {  	[smem:$0x3FB1] =	sst s5  }
0xe: {  	[smem:$0x3FB2] =	sst s6  }
0xf: {  	[smem:$0x3FB3] =	sst s7  }
0x10: {  	[smem:$0x3FB4] =	sst s8  }
0x11: {  	[smem:$0x3FB5] =	sst s9;
	s0 =	simm.s32 @!p0 $0x0  }
0x12: {  	s1 =	sld [smem:$0x3F9B];
	s0 =	simm.s32 @p0 $0x1  }
0x13: {  	[smem:$0x3FB6] =	sst s0;
	s0 =	simm.s32 @!p1 $0x0  }
0x14: {  	s2 =	sld [smem:$0x3F9A];
	s0 =	simm.s32 @p1 $0x1  }
0x15: {  	[smem:$0x3FB7] =	sst s0;
	s0 =	simm.s32 @!p2 $0x0  }
0x16: {  	s3 =	sld [smem:$0x3FDB];
	s0 =	simm.s32 @p2 $0x1  }
0x17: {  	s4 =	simm.s32 $0x1BF5;
	[smem:$0x3FB9] =	sst s0  }
0x18: {  	s0 =	sld [smem:$0x3F9C];
	_ =	swait.ge [sflag:s4], $0x0  }
0x19: {  	s7 =	sld [smem:$0x3F9D]  }
0x1a: {  	s8 =	sadd.s32 $0xFFFFE003, lr  }
0x1b: {  	s9 =	sadd.s32 $0xFFFFFEF7, lr;
	s5 =	simm.s32 $0xFFFFFFFF;
	p2 =	slt.u32 s8, $0xFFFFF086  }
0x1c: {  	p1 =	slt.u32 s9, $0xF7A;
	s5 =	simm.s32 @!p2 $0x0  }
0x1d: {  	s5 =	simm.s32 @p1 $0x1;
	p0 =	seq.s32 s7, s2  }
0x1e: {  	s7 =	smul.u32 @!p0 $0xF7A, s2;
	p2 =	seq.s32 @!p0 s5, $0x0  }
0x1f: {  	s9 =	smul.u32 $0xF7A, s1;
	s8 =	simm.s32 @!p0 $0x1BF5;
	p2 =	por !p2, p0  }
0x20: {  	[sflag:s8] =	ssyncset.s32 @!p0 $0xFFFFF086;
	s6 =	sadd.s32 @!p0 s3, s7;
	s7 =	simm.s32 @!p0 $0x108  }
0x21: {  	s3 =	sadd.s32 s3, s9;
	s6 =	sadd.s32 @!p0 $0x88, s6;
	s7 =	simm.s32 @p2 $0x1082  }
0x22: {  	[simem:s7], [sflag:s8] =	dma.local @!p0 [hbm:s6], $0xF7A  }
0x23: {  	s9 =	sor.u32 $0xD0000000, s2;
	s6 =	simm.s32 $0x108;
	_ =	swait.ge @!p0 [sflag:s8], $0x0  }
0x24: {  	s3 =	sadd.s32 $0x88, s3;
	s6 =	simm.s32 @!p1 $0x1082;
	[sflag:s4] =	ssyncset.s32 $0xFFFFF086  }
0x25: {  	[simem:s6], [sflag:s4] =	dma.local [hbm:s3], $0xF7A  }
0x26: {  	[smem:$0x3F9D] =	sst s1;
	(tag) =	ssettag s2;
	_ =	strace s9  }
0x27: {  	s1 =	sld [smem:$0x3FAD]  }
0x28: {  	s2 =	sld [smem:$0x3FAE]  }
0x29: {  	s4 =	sld [smem:$0x3FB0]  }
0x2a: {  	p0 =	seq.s32 s5, $0x0;
	s5 =	sld [smem:$0x3FB1]  }
0x2b: {  	s6 =	sld [smem:$0x3FB2]  }
0x2c: {  	s7 =	sld [smem:$0x3FB3]  }
0x2d: {  	s3 =	simm.s32 $0x108;
	s8 =	sld [smem:$0x3FB4]  }
0x2e: {  	s3 =	simm.s32 @!p0 $0x1082;
	s9 =	sld [smem:$0x3FB5]  }
0x2f: {  	lr =	sadd.s32 s0, s3;
	s0 =	sld [smem:$0x3FAC]  }
0x30: {  	s3 =	sld [smem:$0x3FAF]  }
0x31: {  	[smem:$0x3FB8] =	sst s10  }
0x32: {  	s10 =	sld [smem:$0x3FB6];
	_ =	sdelay $0x3  }
0x33: {  	p0 =	seq.s32 s10, $0x1;
	s10 =	sld [smem:$0x3FB8];
	_ =	sdelay $0x3  }
0x34: {  	[smem:$0x3FB8] =	sst s10  }
0x35: {  	s10 =	sld [smem:$0x3FB7];
	_ =	sdelay $0x3  }
0x36: {  	p1 =	seq.s32 s10, $0x1;
	s10 =	sld [smem:$0x3FB8];
	_ =	sdelay $0x3  }
0x37: {  	[smem:$0x3FB8] =	sst s10  }
0x38: {  	s10 =	sld [smem:$0x3FB9]  }
0x39: {  	_ = 	snop;
	(pc) =	sbr.ind lr, $3  }
0x3a: {  	_ = 	snop  }
0x3b: {  	_ = 	snop  }
0x3c: {  	p2 =	seq.s32 s10, $0x1;
	s10 =	sld [smem:$0x3FB8]  }
0x3d: {  	_ =	shalt  }
0x3e: {  	_ =	shalt  }
0x3f: {  	_ =	shalt  }
0x40: {  	_ =	shalt  }
0x41: {  	_ =	shalt  }
0x42: {  	_ =	shalt  }
0x43: {  	_ =	shalt  }
0x44: {  	_ =	shalt  }
0x45: {  	_ =	shalt  }
0x46: {  	_ =	shalt  }
0x47: {  	_ =	shalt  }
0x48: {  	_ =	shalt  }
0x49: {  	_ =	shalt  }
0x4a: {  	_ =	shalt  }
0x4b: {  	_ =	shalt  }
0x4c: {  	_ =	shalt  }
0x4d: {  	_ =	shalt  }
0x4e: {  	_ =	shalt  }
0x4f: {  	_ =	shalt  }
0x50: {  	_ =	shalt  }
0x51: {  	_ =	shalt  }
0x52: {  	_ =	shalt  }
0x53: {  	_ =	shalt  }
0x54: {  	_ =	shalt  }
0x55: {  	_ =	shalt  }
0x56: {  	_ =	shalt  }
0x57: {  	_ =	shalt  }
0x58: {  	_ =	shalt  }
0x59: {  	_ =	shalt  }
0x5a: {  	_ =	shalt  }
0x5b: {  	_ =	shalt  }
0x5c: {  	_ =	shalt  }
0x5d: {  	_ =	shalt  }
0x5e: {  	_ =	shalt  }
0x5f: {  	_ =	shalt  }
0x60: {  	_ =	shalt  }
0x61: {  	_ =	shalt  }
0x62: {  	_ =	shalt  }
0x63: {  	_ =	shalt  }
0x64: {  	_ =	shalt  }
0x65: {  	_ =	shalt  }
0x66: {  	_ =	shalt  }
0x67: {  	_ =	shalt  }
0x68: {  	_ =	shalt  }
0x69: {  	_ =	shalt  }
0x6a: {  	_ =	shalt  }
0x6b: {  	_ =	shalt  }
0x6c: {  	_ =	shalt  }
0x6d: {  	_ =	shalt  }
0x6e: {  	_ =	shalt  }
0x6f: {  	_ =	shalt  }
0x70: {  	_ =	shalt  }
0x71: {  	_ =	shalt  }
0x72: {  	_ =	shalt  }
0x73: {  	_ =	shalt  }
0x74: {  	_ =	shalt  }
0x75: {  	_ =	shalt  }
0x76: {  	_ =	shalt  }
0x77: {  	_ =	shalt  }
0x78: {  	_ =	shalt  }
0x79: {  	_ =	shalt  }
0x7a: {  	_ =	shalt  }
0x7b: {  	_ =	shalt  }
0x7c: {  	_ =	shalt  }
0x7d: {  	_ =	shalt  }
0x7e: {  	_ =	shalt  }
0x7f: {  	_ =	shalt  }
0x80: {  	_ =	shalt  }
0x81: {  	_ =	shalt  }
0x82: {  	_ =	shalt  }
0x83: {  	_ =	shalt  }
0x84: {  	_ =	shalt  }
0x85: {  	_ =	shalt  }
0x86: {  	_ =	shalt  }
0x87: {  	_ =	shalt  }
.Lfunc_end0:
.L_simem_size_0:
called_computation_lowered:
.L_overlay_start_0:
0x88: {  	s2 =	sld [smem:$0x3FD9]  }
0x89: {  	s3 =	sld [smem:$0x3FFE];
	_ =	sdelay $0x1  }
0x8a: {  	s1 =	srdreg.scid  }
0x8b: {  	s0 =	sand.u32 $0x1, s1  }
0x8c: {  	s17 =	sshll.u32 s0, $0xA;
	s2 =	sadd.s32 s3, s2  }
0x8d: {  	s2 =	sadd.s32 s2, s17  }
0x8e: {  	[smem:$0x3FC4] =	sst s2  }
0x8f: {  	_ = 	snop  }
0x90: {  	s2 =	sld [smem:$0x3FC9]  }
0x91: {  	s18 =	sld [smem:$0x3FC8]  }
0x92: {  	s4 =	sld [smem:$0x3FC7]  }
0x93: {  	s5 =	sld [smem:$0x3FD0];
	(tm) =	ssettm $0x1  }
0x94: {  	s6 =	sld [smem:$0x3FFB];
	_ =	sdelay $0x3  }
0x95: {  	_ =	strace s6  }
0x96: {  	s6 =	sld [smem:$0x3FFC];
	_ =	sdelay $0x3  }
0x97: {  	_ =	strace s6  }
0x98: {  	s6 =	sld [smem:$0x3FFD];
	_ =	sdelay $0x3  }
0x99: {  	_ =	strace s6  }
0x9a: {  	_ =	strace $0x8FFFFFFF  }
0x9b: {  	s19 =	sld [smem:$0x3FDB];
	_ =	sdelay $0x1  }
0x9c: {  	s7 =	simm.s32 $_scs_section_size  }
0x9d: {  	s8 =	simm.s32 $_size__tile_overlayer_lowered;
	s9 =	simm.s32 $_tile_overlayer_lowered  }
0x9e: {  	s22 =	simm.s32 $0x1BFF;
	s21 =	sshll.u32 s9, $0x1;
	s6 =	sadd.s32 s7, s19  }
0x9f: {  	s10 =	simm.s32 $0x0;
	s20 =	sshll.u32 s8, $0x1;
	s8 =	sadd.s32 s21, s6  }
0xa0: {  	[timem:s10], [sflag:s22] =	dma.local [hbm:s8], s20  }
0xa1: {  	_ =	swait.ge [sflag:s22], s20  }
0xa2: {  	s7 =	ssub.s32 $0x0, s20;
	[sflag:s22] =	ssyncset.done $0x0  }
0xa3: {  	[sflag:s22] =	ssyncadd.s32 s7;
	_ =	sdelay $0x1  }
0xa4: {  	s23 =	simm.s32 $0x1B8B  }
0xa5: {  	_ =	swait.ge [sflag:s23], $0x1  }
0xa6: {  	[sflag:s23] =	ssyncset.done $0x0  }
0xa7: {  	s25 =	simm.s32 $0x1B8E;
	s24 =	sld [smem:$0x3FFE];
	[sflag:s23] =	ssyncadd.s32 $0xFFFFFFFF  }
0xa8: {  	s26 =	simm.s32 $execute0_lowered;
	[smem:$0x3FD2] =	sst s25  }
0xa9: {  	s8 =	sshll.u32 s26, $0x1;
	_ =	strace $0x80000046;
	[dreg:$0x1] =	wrdreg $0xFFFFFFFF  }
0xaa: {  	s28 =	simm.s32 $_size_execute0_lowered;
	s6 =	sadd.s32 s6, s8;
	[dreg:$0x0] =	wrdreg $0x0  }
0xab: {  	s8 =	sshll.u32 s28, $0x1;
	[dreg:$0x2] =	wrdreg s6  }
0xac: {  	[dreg:$0x3] =	wrdreg s8  }
0xad: {  	[dreg:$0x4] =	wrdreg $0xC0  }
0xae: {  	_ =	task [dreg:s10], $0x5FFFF  }
0xaf: {  	[dreg:$0x1] =	wrdreg $0xFFFFFFFF  }
0xb0: {  	[dreg:$0x0] =	wrdreg $0x60  }
0xb1: {  	[dreg:$0x2] =	wrdreg s2  }
0xb2: {  	[dreg:$0x3] =	wrdreg s18  }
0xb3: {  	[dreg:$0x4] =	wrdreg s4  }
0xb4: {  	[dreg:$0x5] =	wrdreg s5  }
0xb5: {  	[dreg:$0x6] =	wrdreg s24  }
0xb6: {  	[dreg:$0x7] =	wrdreg $0x9  }
0xb7: {  	_ =	task.clear_ibuf [dreg:s10], $0x8FFFF;
	_ =	strace $0x90000046  }
0xb8: {  	s29 =	simm.s32 $0x9;
	_ =	strace $0x80000048  }
0xb9: {  	_ =	swait.ge [sflag:s29], $0x1  }
0xba: {  	[sflag:s29] =	ssyncadd.s32 $0xFFFFFFFF  }
0xbb: {  	_ =	strace $0x90000048  }
0xbc: {  	_ =	sfence  }
0xbd: {  	s30 =	sld [smem:$0x0];
	_ =	sdelay $0x2  }
0xbe: {  	s31 =	sshll.u32 s1, $0xD;
	s1 =	sshrl.u32 s1, $0x2  }
0xbf: {  	s3 =	sand.u32 $0x4000, s31;
	s1 =	sadd.s32 s1, s30  }
0xc0: {  	s0 =	sor.u32 s3, s0;
	s1 =	sshll.u32 s1, $0x11  }
0xc1: {  	s0 =	sor.u32 s1, s0  }
0xc2: {  	s0 =	sadd.s32 $0x8F2B, s0  }
0xc3: {  	[sflag:s0] =	ssyncadd.remote.s32 $0x1  }
0xc4: {  	_ =	sfence.sel $0xFFFF  }
0xc5: {  	[dreg:$0x0] =	wrdreg $0xFFFFFFFF;
	(pc) =	sbr.abs _section_cstart, $3  }
0xc6: {  	[dreg:$0x1] =	wrdreg $0xFFFFFFFF  }
0xc7: {  	_ =	task.clear_ibuf [dreg:s10], $0x2FFFF;
	_ =	strace $0x9FFFFFFF  }
0xc8: {  	(tm) =	ssettm $0x7FFFFFFF  }
0xc9: {  	_ =	shalt  }
tec
execute0_lowered:
.L_overlay_start_1:
0x0: {  	(tag) =	ssettag $0x1  }
0x1: {  	s1 =	rddreg [dreg:$0x0]  }
0x2: {  	s2 =	rddreg [dreg:$0x1]  }
0x3: {  	s3 =	rddreg [dreg:$0x2]  }
0x4: {  	s13 =	rddreg [dreg:$0x3]  }
0x5: {  	s0 =	rddreg [dreg:$0x4]  }
0x6: {  	s6 =	simm.s32 $0x0;
	s4 =	srdreg.scid;
	s7 =	stileid.u32  }
0x7: {  	s17 =	simm.s32 $0x3;
	s18 =	simm.s32 $0x800;
	s19 =	simm.s32 $0xE80  }
0x8: {  	s20 =	simm.s32 $0xA80;
	s21 =	simm.s32 $0x1E100;
	s22 =	simm.s32 $0x9100  }
0x9: {  	s23 =	simm.s32 $0xA100;
	s24 =	simm.s32 $0x1100;
	s25 =	simm.s32 $0x2000  }
0xa: {  	s28 =	simm.s32 $0x5100;
	s29 =	simm.s32 $0x1;
	s30 =	simm.s32 $0x2  }
0xb: {  	[smem:$0x7FF] =	sst s6;
	s4 =	sand.u32 $0x1, s4;
	s7 =	sshll.u32 s7, $0x1  }
0xc: {  	s8 =	sadd.s32 $0x400, s0;
	s13 =	sadd.s32 $0x800, s13;
	_ =	strace $0x80000047  }
0xd: {  	s5 =	ssub.s32 $0x2, s4;
	[dreg:$0x6] =	wrdreg s8;
	s4 =	sor.u32 s4, s7  }
0xe: {  	s8 =	sadd.s32 $0x600, s0;
	[dreg:$0x8] =	wrdreg s13;
	s9 =	sshrl.u32 s5, $0x1  }
0xf: {  	p0 =	seq.s32 s4, $0x1F;
	s26 =	ssub.s32 s5, s9;
	s5 =	smul.u32 $0x7A00, s4  }
0x10: {  	s7 =	sshll.u32 s4, $0x9;
	s9 =	smul.u32 $0x3D000, s4;
	s4 =	sshll.u32 s4, $0x3  }
0x11: {  	v0 =	vlaneseq.u32;
	s31 =	sadd.s32 $0x200, s7;
	s4 =	sor.u32 $0x4000, s4;
	s16 =	smax.u32 s26, $0x1  }
0x12: {  	v6 =	vimm.s32 $0xFFFFFFFF;
	v7 =	vimm.s32 $0x0;
	s26 =	simm.s32 $0x7A1400;
	v3 =	vmov s31;
	s31 =	simm.s32 $0x80;
	s12 =	sshrl.u32 s9, $0x3  }
0x13: {  	v8 =	vimm.s32 $0x9FC00;
	v4 =	vand.u32 $0x7, v0;
	v9 =	vmul.u32 $0x400, v0;
	s11 =	sadd.s32 $0x7A00, s5;
	s10 =	sadd.s32 $0xF42800, s9;
	s12 =	sadd.s32 s3, s12  }
0x14: {  	v10 =	vmul.u32 $0x80, v0;
	v2 =	vmov s7;
	s15 =	sadd.s32 s5, s3;
	s14 =	sshrl.u32 s10, $0x3;
	v5 =	vmov s11;
	[dreg:$0x7] =	wrdreg s12  }
0x15: {  	v1 =	vmov s5;
	v4 =	vor.u32 s4, v4;
	s12 =	sadd.s32 $0x800, s15;
	s14 =	sadd.s32 s3, s14;
	s15 =	sadd.s32 $0x1E8D00, s15;
	v5 =	vpsel p0, $0xF4200, v5  }
.LBB2_1:
0x16: {  	[tilespmem:$0xA80] =	vst v4  }
0x17: {  	[tilespmem:$0x800] =	vst v6  }
0x18: {  	[tilespmem:$0xA90] =	vst v4  }
0x19: {  	[tilespmem:$0x810] =	vst v6  }
0x1a: {  	[tilespmem:$0xAA0] =	vst v4  }
0x1b: {  	[tilespmem:$0x820] =	vst v6  }
0x1c: {  	[tilespmem:$0xAB0] =	vst v4  }
0x1d: {  	[tilespmem:$0x830] =	vst v6  }
0x1e: {  	[tilespmem:$0xAC0] =	vst v4  }
0x1f: {  	[tilespmem:$0x840] =	vst v6  }
0x20: {  	[tilespmem:$0xAD0] =	vst v4  }
0x21: {  	[tilespmem:$0x850] =	vst v6  }
0x22: {  	[tilespmem:$0xAE0] =	vst v4  }
0x23: {  	[tilespmem:$0x860] =	vst v6  }
0x24: {  	[tilespmem:$0xAF0] =	vst v4  }
0x25: {  	[tilespmem:$0x870] =	vst v6  }
0x26: {  	[tilespmem:$0xB00] =	vst v4  }
0x27: {  	[tilespmem:$0x880] =	vst v6  }
0x28: {  	[tilespmem:$0xB10] =	vst v4  }
0x29: {  	[tilespmem:$0x890] =	vst v6  }
0x2a: {  	[tilespmem:$0xB20] =	vst v4  }
0x2b: {  	[tilespmem:$0x8A0] =	vst v6  }
0x2c: {  	[tilespmem:$0xB30] =	vst v4  }
0x2d: {  	[tilespmem:$0x8B0] =	vst v6  }
0x2e: {  	[tilespmem:$0xB40] =	vst v4  }
0x2f: {  	[tilespmem:$0x8C0] =	vst v6  }
0x30: {  	[tilespmem:$0xB50] =	vst v4  }
0x31: {  	[tilespmem:$0x8D0] =	vst v6  }
0x32: {  	[tilespmem:$0xB60] =	vst v4  }
0x33: {  	[tilespmem:$0x8E0] =	vst v6  }
0x34: {  	[tilespmem:$0xB70] =	vst v4  }
0x35: {  	[tilespmem:$0x8F0] =	vst v6  }
0x36: {  	[tilespmem:$0xB80] =	vst v4  }
0x37: {  	[tilespmem:$0x900] =	vst v6  }
0x38: {  	[tilespmem:$0xB90] =	vst v4  }
0x39: {  	[tilespmem:$0x910] =	vst v6  }
0x3a: {  	[tilespmem:$0xBA0] =	vst v4  }
0x3b: {  	[tilespmem:$0x920] =	vst v6  }
0x3c: {  	[tilespmem:$0xBB0] =	vst v4  }
0x3d: {  	[tilespmem:$0x930] =	vst v6  }
0x3e: {  	[tilespmem:$0xBC0] =	vst v4  }
0x3f: {  	[tilespmem:$0x940] =	vst v6  }
0x40: {  	[tilespmem:$0xBD0] =	vst v4  }
0x41: {  	[tilespmem:$0x950] =	vst v6  }
0x42: {  	[tilespmem:$0xBE0] =	vst v4  }
0x43: {  	[tilespmem:$0x960] =	vst v6  }
0x44: {  	[tilespmem:$0xBF0] =	vst v4  }
0x45: {  	[tilespmem:$0x970] =	vst v6  }
0x46: {  	[tilespmem:$0xC00] =	vst v4  }
0x47: {  	[tilespmem:$0x980] =	vst v6  }
0x48: {  	[tilespmem:$0xC10] =	vst v4  }
0x49: {  	[tilespmem:$0x990] =	vst v6  }
0x4a: {  	[tilespmem:$0xC20] =	vst v4  }
0x4b: {  	[tilespmem:$0x9A0] =	vst v6  }
0x4c: {  	[tilespmem:$0xC30] =	vst v4  }
0x4d: {  	[tilespmem:$0x9B0] =	vst v6  }
0x4e: {  	[tilespmem:$0xC40] =	vst v4  }
0x4f: {  	[tilespmem:$0x9C0] =	vst v6  }
0x50: {  	[tilespmem:$0xC50] =	vst v4  }
0x51: {  	[tilespmem:$0x9D0] =	vst v6  }
0x52: {  	[tilespmem:$0xC60] =	vst v4  }
0x53: {  	[tilespmem:$0x9E0] =	vst v6  }
0x54: {  	[tilespmem:$0xC70] =	vst v4  }
0x55: {  	[tilespmem:$0x9F0] =	vst v6  }
0x56: {  	[tilespmem:$0xC80] =	vst v4  }
0x57: {  	[tilespmem:$0xA00] =	vst v6  }
0x58: {  	[tilespmem:$0xC90] =	vst v4  }
0x59: {  	[tilespmem:$0xA10] =	vst v6  }
0x5a: {  	[tilespmem:$0xCA0] =	vst v4  }
0x5b: {  	[tilespmem:$0xA20] =	vst v6  }
0x5c: {  	[tilespmem:$0xCB0] =	vst v4  }
0x5d: {  	[tilespmem:$0xA30] =	vst v6  }
0x5e: {  	[tilespmem:$0xCC0] =	vst v4  }
0x5f: {  	[tilespmem:$0xA40] =	vst v6  }
0x60: {  	[tilespmem:$0xCD0] =	vst v4  }
0x61: {  	[tilespmem:$0xA50] =	vst v6  }
0x62: {  	[tilespmem:$0xCE0] =	vst v4  }
0x63: {  	[tilespmem:$0xA60] =	vst v6  }
0x64: {  	[tilespmem:$0xCF0] =	vst v4  }
0x65: {  	[tilespmem:$0xA70] =	vst v6;
	v11 =	vimm.s32 $0x0;
	s4 =	simm.s32 $0x0  }
.LBB2_2:
0x66: {  	s5 =	sshll.u32 s4, $0x7  }
0x67: {  	s0 =	simm.s32 $0x0;
	s7 =	sadd.s32 s1, s5  }
0x68: {  	[tilespmem:s0], [sflag:$0x3] =	stream.linear.gather [hbm4b:s7+s0], $0x400, $0x38;
	[tilespmem:$0x1F100] =	vst v63  }
0x69: {  	_ =	swait.ge [sflag:s17], $0x400  }
0x6a: {  	[sflag:s17] =	ssyncset.done $0x0  }
0x6b: {  	s13 =	sadd.s32 s2, s5;
	s5 =	simm.s32 $0x400;
	[sflag:s17] =	ssyncadd.s32 $0xFFFFFC00  }
0x6c: {  	[tilespmem:s5], [sflag:$0x3] =	stream.linear.gather [hbm4b:s13+s0], $0x400, $0x38;
	[tilespmem:$0x1F100] =	vst v63  }
0x6d: {  	_ =	swait.ge [sflag:s17], $0x400  }
0x6e: {  	[sflag:s17] =	ssyncset.done $0x0  }
0x6f: {  	[sflag:s17] =	ssyncadd.s32 $0xFFFFFC00  }
0x70: {  	v13 =	vld [tilespmem:s0+$0x0];
	_ =	sdelay $0x1  }
0x71: {  	s7 =	sshll.u32 s4, $0xA  }
0x72: {  	s11 =	sadd.s32 $0x0, s7  }
0x73: {  	v12 =	vor.u32 s11, v0  }
0x74: {  	vm0 =	vge.s32 v12, v2;
	vm1 =	vlt.s32 v12, v3;
	vm2 =	vgt.s32 v13, $0xF41FF  }
0x75: {  	vm3 =	vge.s32 v13, v1;
	vm4 =	vlt.s32 v13, v5;
	vm0 =	vmand vm0, vm2  }
0x76: {  	vm2 =	vmand vm3, vm4;
	vm0 =	vmand vm1, vm0  }
0x77: {  	vm0 =	vmor vm2, vm0  }
0x78: {  	v14 =	vsel vm0, $0x1, v7  }
0x79: {  	(xrf0) =	vadd.scan.msk.s32 $0xffff, v14;
	_ =	sdelay $0x5  }
0x7a: {  	v14, _, _ =	vpop (xrf0)  }
0x7b: {  	v14 =	vadd.s32 v14, v11  }
0x7c: {  	v15 =	vmpcnt.ones.xlane vm0;
	v14 =	vadd.s32 $0xFFFFFFFF, v14  }
0x7d: {  	vm1 =	vlt.s32 v14, $0x27E  }
0x7e: {  	s11 =	simm.s32 $0x10;
	v11 =	vadd.s32 v11, v15;
	v15 =	vld [tilespmem:s5+$0x0];
	v14 =	vnsel vm1, $0x27E, v14  }
.LBB2_3:
0x7f: {  	_ =	sdelay $0x3  }
0x80: {  	p0 =	sne.s32 s11, $0x3F0;
	[tilespmem:v14+s18+$0x0] =	vst.idx.msk vm0, v13;
	s0 =	sadd.s32 $0x10, s0;
	s5 =	sadd.s32 $0x10, s5;
	v16 =	vmov v11  }
0x81: {  	s13 =	smov.u32 s11;
	s11 =	sadd.s32 $0x10, s11;
	[tilespmem:v14+s19+$0x0] =	vst.idx.msk vm0, v15  }
0x82: {  	[tilespmem:v14+s20+$0x0] =	vst.idx.msk vm0, v12  }
0x83: {  	v13 =	vld [tilespmem:s0+$0x0]  }
0x84: {  	s13 =	sadd.s32 s7, s13  }
0x85: {  	v12 =	vor.u32 s13, v0;
	_ =	sdelay $0x1  }
0x86: {  	vm0 =	vge.s32 v12, v2;
	vm1 =	vlt.s32 v12, v3  }
0x87: {  	vm2 =	vge.s32 v13, v1;
	vm3 =	vlt.s32 v13, v5;
	vm4 =	vgt.s32 v13, $0xF41FF  }
0x88: {  	vm2 =	vmand vm2, vm3;
	vm0 =	vmand vm0, vm4  }
0x89: {  	vm0 =	vmand vm1, vm0  }
0x8a: {  	vm0 =	vmor vm2, vm0  }
0x8b: {  	v14 =	vsel vm0, $0x1, v7;
	v15 =	vmpcnt.ones.xlane vm0  }
0x8c: {  	(xrf0) =	vadd.scan.msk.s32 $0xffff, v14  }
0x8d: {  	v11 =	vadd.s32 v11, v15;
	_ =	sdelay $0x4  }
.Ltmp0:
0x8e: {  	v14, _, _ =	vpop (xrf0);
	(pc) =	sbr.rel @p0 .LBB2_3-.Ltmp0, $4  }
0x8f: {  	v14 =	vadd.s32 v14, v16  }
0x90: {  	v14 =	vadd.s32 $0xFFFFFFFF, v14  }
0x91: {  	v15 =	vld [tilespmem:s5+$0x0];
	vm1 =	vlt.s32 v14, $0x27E  }
0x92: {  	v14 =	vnsel vm1, $0x27E, v14  }
0x93: {  	_ = 	snop  }
0x94: {  	s4 =	sadd.s32 $0x1, s4  }
0x95: {  	p0 =	sne.s32 s4, $0x10  }
.Ltmp1:
0x96: {  	_ = 	snop;
	(pc) =	sbr.rel @p0 .LBB2_2-.Ltmp1, $4  }
0x97: {  	_ = 	snop  }
0x98: {  	[tilespmem:v14+s18+$0x0] =	vst.idx.msk vm0, v13  }
0x99: {  	[tilespmem:v14+s19+$0x0] =	vst.idx.msk vm0, v15  }
0x9a: {  	s0 =	simm.s32 $0x0;
	[tilespmem:v14+s20+$0x0] =	vst.idx.msk vm0, v12  }
0x9b: {  	s4 =	simm.s32 $0x200;
	s5 =	simm.s32 $0x0  }
.LBB2_6:
0x9c: {  	p0 =	sne.s32 s4, $0x3E00;
	[tilespmem:s5+$0x1E120] =	vst v8;
	s7 =	smov.u32 s4;
	s4 =	sadd.s32 $0x200, s4  }
.Ltmp2:
0x9d: {  	[tilespmem:s5+$0x1E100] =	vst v8;
	(pc) =	sbr.rel @p0 .LBB2_6-.Ltmp2, $2  }
0x9e: {  	[tilespmem:s5+$0x1E110] =	vst v8;
	_ =	sdelay $0x2  }
0x9f: {  	s5 =	sshra.s32 s7, $0x2  }
0xa0: {  	[tilespmem:s5+$0x1E120] =	vst v8  }
0xa1: {  	[tilespmem:s5+$0x1E100] =	vst v8  }
0xa2: {  	[tilespmem:s5+$0x1E110] =	vst v8  }
.LBB2_8:
0xa3: {  	s4 =	sshll.u32 s0, $0xA;
	v13 =	vmov s0;
	s5 =	simm.s32 $0x800;
	v15 =	vimm.s32 $0x0  }
0xa4: {  	s7 =	simm.s32 $0x10;
	v14 =	vimm.s32 $0x0;
	v11 =	vmov s4;
	v12 =	vshll.u32 v13, $0x7;
	s4 =	simm.s32 $0x0;
	v16 =	vld [tilespmem:s5+$0x0]  }
.LBB2_9:
0xa5: {  	p0 =	sne.s32 s7, $0x270;
	_ =	sdelay $0x3  }
0xa6: {  	v17 =	vsub.s32 v16, v1  }
0xa7: {  	v18 =	vshra.s32 v17, $0xA  }
0xa8: {  	vm1 =	vge.s32 v16, v1;
	vm0 =	veq.s32 v18, v13  }
0xa9: {  	vm0 =	vmand vm1, vm0;
	vm1 =	vlt.s32 v16, v5  }
0xaa: {  	vm0 =	vmand vm1, vm0  }
0xab: {  	v16 =	vsel vm0, $0x1, v7;
	v18 =	vmpcnt.ones.xlane vm0  }
0xac: {  	(xrf0) =	vadd.scan.msk.s32 $0xffff, v16  }
0xad: {  	v15 =	vadd.s32 v15, v18;
	_ =	sdelay $0x4  }
0xae: {  	v16, _, _ =	vpop (xrf0)  }
0xaf: {  	v16 =	vadd.s32 v16, v14;
	v14 =	vmov v15  }
0xb0: {  	v16 =	vadd.s32 $0xFFFFFFFF, v16  }
0xb1: {  	vm1 =	vlt.s32 v16, $0x2F  }
0xb2: {  	v16 =	vnsel vm1, $0x2F, v16  }
0xb3: {  	v18 =	vand.u32 $0xFFFFFF80, v16  }
0xb4: {  	v16 =	vand.u32 $0x7F, v16;
	v18 =	vadd.s32 v12, v18  }
0xb5: {  	v16 =	vor.u32 v16, v18  }
0xb6: {  	v18 =	vmov s4;
	s4 =	smov.u32 s7  }
.Ltmp3:
0xb7: {  	v18 =	vshll.u32 v18, $0xA;
	(pc) =	sbr.rel @p0 .LBB2_9-.Ltmp3, $4  }
0xb8: {  	v17 =	vsub.s32 v17, v11;
	v18 =	vor.u32 v9, v18  }
0xb9: {  	v17 =	vor.u32 v18, v17  }
0xba: {  	s5 =	sadd.s32 $0x10, s5;
	[tilespmem:v16+s21+$0x0] =	vst.idx.msk vm0, v17  }
0xbb: {  	s7 =	sadd.s32 $0x10, s7;
	v16 =	vld [tilespmem:s5+$0x0]  }
0xbc: {  	_ =	sdelay $0x3  }
0xbd: {  	v15 =	vsub.s32 v16, v1  }
0xbe: {  	v17 =	vshra.s32 v15, $0xA  }
0xbf: {  	vm1 =	vge.s32 v16, v1;
	vm0 =	veq.s32 v17, v13  }
0xc0: {  	vm14 =	vlt.s32 v16, v5;
	vm0 =	vmand vm1, vm0  }
0xc1: {  	vm0 =	vmand vm14, vm0  }
0xc2: {  	v61 =	vsel vm0, $0x1, v7  }
0xc3: {  	(xrf0) =	vadd.scan.msk.s32 $0xffff, v61;
	_ =	sdelay $0x5  }
0xc4: {  	v13, _, _ =	vpop (xrf0)  }
0xc5: {  	v13 =	vadd.s32 v13, v14  }
0xc6: {  	v13 =	vadd.s32 $0xFFFFFFFF, v13  }
0xc7: {  	vm15 =	vlt.s32 v13, $0x2F  }
0xc8: {  	v13 =	vnsel vm15, $0x2F, v13  }
0xc9: {  	v62 =	vand.u32 $0xFFFFFF80, v13  }
0xca: {  	s0 =	sadd.s32 $0x1, s0;
	v13 =	vand.u32 $0x7F, v13;
	v12 =	vadd.s32 v12, v62  }
0xcb: {  	p0 =	sne.s32 s0, $0x1F;
	v12 =	vor.u32 v13, v12  }
.Ltmp4:
0xcc: {  	v63 =	vmov s4;
	(pc) =	sbr.rel @p0 .LBB2_8-.Ltmp4, $4  }
0xcd: {  	v13 =	vshll.u32 v63, $0xA  }
0xce: {  	v11 =	vsub.s32 v15, v11;
	v13 =	vor.u32 v9, v13  }
0xcf: {  	v11 =	vor.u32 v13, v11  }
0xd0: {  	[tilespmem:v12+s21+$0x0] =	vst.idx.msk vm0, v11  }
0xd1: {  	s4 =	simm.s32 $0x800  }
0xd2: {  	v13 =	vimm.s32 $0x0;
	s0 =	simm.s32 $0x0;
	s5 =	simm.s32 $0x10;
	v12 =	vimm.s32 $0x0;
	v11 =	vld [tilespmem:s4+$0x0]  }
.LBB2_12:
0xd3: {  	p0 =	sne.s32 s5, $0x270;
	_ =	sdelay $0x3  }
0xd4: {  	vm0 =	vgt.s32 v11, $0xF41FF  }
0xd5: {  	v14 =	vsel vm0, $0x1, v7;
	v15 =	vmpcnt.ones.xlane vm0  }
0xd6: {  	(xrf0) =	vadd.scan.msk.s32 $0xffff, v14  }
0xd7: {  	v13 =	vadd.s32 v13, v15;
	_ =	sdelay $0x4  }
0xd8: {  	v14, _, _ =	vpop (xrf0)  }
0xd9: {  	v14 =	vadd.s32 v14, v12;
	v12 =	vmov v13  }
0xda: {  	v14 =	vadd.s32 $0xFFFFFFFF, v14  }
0xdb: {  	vm1 =	vlt.s32 v14, $0x2F  }
0xdc: {  	v14 =	vnsel vm1, $0x2F, v14  }
0xdd: {  	v14 =	vadd.s32 $0xF80, v14  }
0xde: {  	v15 =	vmov s0;
	s0 =	smov.u32 s5  }
.Ltmp5:
0xdf: {  	v15 =	vshll.u32 v15, $0xA;
	(pc) =	sbr.rel @p0 .LBB2_12-.Ltmp5, $4  }
0xe0: {  	v11 =	vadd.s32 $0xFFF0BE00, v11;
	v15 =	vor.u32 v9, v15  }
0xe1: {  	v11 =	vor.u32 v15, v11  }
0xe2: {  	s4 =	sadd.s32 $0x10, s4;
	[tilespmem:v14+s21+$0x0] =	vst.idx.msk vm0, v11  }
0xe3: {  	s5 =	sadd.s32 $0x10, s5;
	v11 =	vld [tilespmem:s4+$0x0]  }
0xe4: {  	_ =	sdelay $0x3  }
0xe5: {  	vm0 =	vgt.s32 v11, $0xF41FF  }
0xe6: {  	v13 =	vsel vm0, $0x1, v7  }
0xe7: {  	(xrf0) =	vadd.scan.msk.s32 $0xffff, v13;
	_ =	sdelay $0x5  }
0xe8: {  	v13, _, _ =	vpop (xrf0)  }
0xe9: {  	v12 =	vadd.s32 v13, v12  }
0xea: {  	v12 =	vadd.s32 $0xFFFFFFFF, v12  }
0xeb: {  	vm1 =	vlt.s32 v12, $0x2F  }
0xec: {  	v12 =	vnsel vm1, $0x2F, v12  }
0xed: {  	v12 =	vadd.s32 $0xF80, v12  }
0xee: {  	v13 =	vmov s0  }
0xef: {  	v13 =	vshll.u32 v13, $0xA  }
0xf0: {  	v11 =	vadd.s32 $0xFFF0BE00, v11;
	v13 =	vor.u32 v9, v13  }
0xf1: {  	v11 =	vor.u32 v13, v11  }
0xf2: {  	s11 =	simm.s32 $0x0;
	s4 =	rddreg [dreg:$0x6];
	[tilespmem:v12+s21+$0x0] =	vst.idx.msk vm0, v11  }
0xf3: {  	[tilespmem:s22], [sflag:$0x3] =	stream.linear.gather [hbm4b:s4+s11], $0x1000, $0x38;
	[tilespmem:$0x1F100] =	vst v63  }
0xf4: {  	_ =	swait.ge [sflag:s17], $0x1000  }
0xf5: {  	[sflag:s17] =	ssyncset.done $0x0  }
0xf6: {  	s13 =	simm.s32 $0x0;
	[sflag:s17] =	ssyncadd.s32 $0xFFFFF000  }
0xf7: {  	v11 =	vld [tilespmem:s13+$0x1F080];
	_ =	sdelay $0x4  }
0xf8: {  	v12 =	vand.u32 $0x3F, v11;
	_ =	sdelay $0x3  }
0xf9: {  	v11 =	vshra.s32 v11, $0x3  }
0xfa: {  	v14 =	vand.u32 $0xFFFFFF80, v11;
	v13 =	vld.idx.msk [tilespmem:v12+s22+$0x0], $0xffff  }
0xfb: {  	v11 =	vor.u32 $0x80, v12;
	_ =	sdelay $0x3  }
0xfc: {  	[tilespmem:v14+s23+$0x0] =	vst.idx.msk $0xffff, v13  }
0xfd: {  	v13 =	vor.u32 $0x1, v14;
	v11 =	vld.idx.msk [tilespmem:v11+s22+$0x0], $0xffff  }
0xfe: {  	v15 =	vor.u32 $0x100, v12;
	_ =	sdelay $0x3  }
0xff: {  	[tilespmem:v13+s23+$0x0] =	vst.idx.msk $0xffff, v11  }
0x100: {  	v13 =	vor.u32 $0x2, v14;
	v11 =	vld.idx.msk [tilespmem:v15+s22+$0x0], $0xffff  }
0x101: {  	v15 =	vor.u32 $0x180, v12;
	_ =	sdelay $0x3  }
0x102: {  	[tilespmem:v13+s23+$0x0] =	vst.idx.msk $0xffff, v11  }
0x103: {  	v13 =	vor.u32 $0x3, v14;
	v11 =	vld.idx.msk [tilespmem:v15+s22+$0x0], $0xffff  }
0x104: {  	v15 =	vor.u32 $0x200, v12;
	_ =	sdelay $0x3  }
0x105: {  	[tilespmem:v13+s23+$0x0] =	vst.idx.msk $0xffff, v11  }
0x106: {  	v13 =	vor.u32 $0x4, v14;
	v11 =	vld.idx.msk [tilespmem:v15+s22+$0x0], $0xffff  }
0x107: {  	v15 =	vor.u32 $0x280, v12;
	_ =	sdelay $0x3  }
0x108: {  	[tilespmem:v13+s23+$0x0] =	vst.idx.msk $0xffff, v11  }
0x109: {  	v13 =	vor.u32 $0x5, v14;
	v11 =	vld.idx.msk [tilespmem:v15+s22+$0x0], $0xffff  }
0x10a: {  	v15 =	vor.u32 $0x300, v12;
	_ =	sdelay $0x3  }
0x10b: {  	[tilespmem:v13+s23+$0x0] =	vst.idx.msk $0xffff, v11  }
0x10c: {  	v13 =	vor.u32 $0x6, v14;
	v11 =	vld.idx.msk [tilespmem:v15+s22+$0x0], $0xffff  }
0x10d: {  	v15 =	vor.u32 $0x380, v12;
	_ =	sdelay $0x3  }
0x10e: {  	[tilespmem:v13+s23+$0x0] =	vst.idx.msk $0xffff, v11  }
0x10f: {  	v13 =	vor.u32 $0x7, v14;
	v11 =	vld.idx.msk [tilespmem:v15+s22+$0x0], $0xffff  }
0x110: {  	v15 =	vor.u32 $0x400, v12;
	_ =	sdelay $0x3  }
0x111: {  	[tilespmem:v13+s23+$0x0] =	vst.idx.msk $0xffff, v11  }
0x112: {  	v13 =	vor.u32 $0x8, v14;
	v11 =	vld.idx.msk [tilespmem:v15+s22+$0x0], $0xffff  }
0x113: {  	v15 =	vor.u32 $0x480, v12;
	_ =	sdelay $0x3  }
0x114: {  	[tilespmem:v13+s23+$0x0] =	vst.idx.msk $0xffff, v11  }
0x115: {  	v13 =	vor.u32 $0x9, v14;
	v11 =	vld.idx.msk [tilespmem:v15+s22+$0x0], $0xffff  }
0x116: {  	v15 =	vor.u32 $0x500, v12;
	_ =	sdelay $0x3  }
0x117: {  	[tilespmem:v13+s23+$0x0] =	vst.idx.msk $0xffff, v11  }
0x118: {  	v13 =	vor.u32 $0xA, v14;
	v11 =	vld.idx.msk [tilespmem:v15+s22+$0x0], $0xffff  }
0x119: {  	v15 =	vor.u32 $0x580, v12;
	_ =	sdelay $0x3  }
0x11a: {  	[tilespmem:v13+s23+$0x0] =	vst.idx.msk $0xffff, v11  }
0x11b: {  	v13 =	vor.u32 $0xB, v14;
	v11 =	vld.idx.msk [tilespmem:v15+s22+$0x0], $0xffff  }
0x11c: {  	v15 =	vor.u32 $0x600, v12;
	_ =	sdelay $0x3  }
0x11d: {  	[tilespmem:v13+s23+$0x0] =	vst.idx.msk $0xffff, v11  }
0x11e: {  	v13 =	vor.u32 $0xC, v14;
	v11 =	vld.idx.msk [tilespmem:v15+s22+$0x0], $0xffff  }
0x11f: {  	v15 =	vor.u32 $0x680, v12;
	_ =	sdelay $0x3  }
0x120: {  	[tilespmem:v13+s23+$0x0] =	vst.idx.msk $0xffff, v11  }
0x121: {  	v13 =	vor.u32 $0xD, v14;
	v11 =	vld.idx.msk [tilespmem:v15+s22+$0x0], $0xffff  }
0x122: {  	v15 =	vor.u32 $0x700, v12;
	_ =	sdelay $0x3  }
0x123: {  	[tilespmem:v13+s23+$0x0] =	vst.idx.msk $0xffff, v11  }
0x124: {  	v13 =	vor.u32 $0xE, v14;
	v11 =	vld.idx.msk [tilespmem:v15+s22+$0x0], $0xffff  }
0x125: {  	v15 =	vor.u32 $0x780, v12;
	_ =	sdelay $0x3  }
0x126: {  	[tilespmem:v13+s23+$0x0] =	vst.idx.msk $0xffff, v11  }
0x127: {  	v13 =	vor.u32 $0xF, v14;
	v11 =	vld.idx.msk [tilespmem:v15+s22+$0x0], $0xffff  }
0x128: {  	v15 =	vor.u32 $0x800, v12;
	_ =	sdelay $0x3  }
0x129: {  	[tilespmem:v13+s23+$0x0] =	vst.idx.msk $0xffff, v11  }
0x12a: {  	v13 =	vor.u32 $0x10, v14;
	v11 =	vld.idx.msk [tilespmem:v15+s22+$0x0], $0xffff  }
0x12b: {  	v15 =	vor.u32 $0x880, v12;
	_ =	sdelay $0x3  }
0x12c: {  	[tilespmem:v13+s23+$0x0] =	vst.idx.msk $0xffff, v11  }
0x12d: {  	v13 =	vor.u32 $0x11, v14;
	v11 =	vld.idx.msk [tilespmem:v15+s22+$0x0], $0xffff  }
0x12e: {  	v15 =	vor.u32 $0x900, v12;
	_ =	sdelay $0x3  }
0x12f: {  	[tilespmem:v13+s23+$0x0] =	vst.idx.msk $0xffff, v11  }
0x130: {  	v13 =	vor.u32 $0x12, v14;
	v11 =	vld.idx.msk [tilespmem:v15+s22+$0x0], $0xffff  }
0x131: {  	v15 =	vor.u32 $0x980, v12;
	_ =	sdelay $0x3  }
0x132: {  	[tilespmem:v13+s23+$0x0] =	vst.idx.msk $0xffff, v11  }
0x133: {  	v13 =	vor.u32 $0x13, v14;
	v11 =	vld.idx.msk [tilespmem:v15+s22+$0x0], $0xffff  }
0x134: {  	v15 =	vor.u32 $0xA00, v12;
	_ =	sdelay $0x3  }
0x135: {  	[tilespmem:v13+s23+$0x0] =	vst.idx.msk $0xffff, v11  }
0x136: {  	v13 =	vor.u32 $0x14, v14;
	v11 =	vld.idx.msk [tilespmem:v15+s22+$0x0], $0xffff  }
0x137: {  	v15 =	vor.u32 $0xA80, v12;
	_ =	sdelay $0x3  }
0x138: {  	[tilespmem:v13+s23+$0x0] =	vst.idx.msk $0xffff, v11  }
0x139: {  	v13 =	vor.u32 $0x15, v14;
	v11 =	vld.idx.msk [tilespmem:v15+s22+$0x0], $0xffff  }
0x13a: {  	v15 =	vor.u32 $0xB00, v12;
	_ =	sdelay $0x3  }
0x13b: {  	[tilespmem:v13+s23+$0x0] =	vst.idx.msk $0xffff, v11  }
0x13c: {  	v13 =	vor.u32 $0x16, v14;
	v11 =	vld.idx.msk [tilespmem:v15+s22+$0x0], $0xffff  }
0x13d: {  	v15 =	vor.u32 $0xB80, v12;
	_ =	sdelay $0x3  }
0x13e: {  	[tilespmem:v13+s23+$0x0] =	vst.idx.msk $0xffff, v11  }
0x13f: {  	v13 =	vor.u32 $0x17, v14;
	v11 =	vld.idx.msk [tilespmem:v15+s22+$0x0], $0xffff  }
0x140: {  	v15 =	vor.u32 $0xC00, v12;
	_ =	sdelay $0x3  }
0x141: {  	[tilespmem:v13+s23+$0x0] =	vst.idx.msk $0xffff, v11  }
0x142: {  	v13 =	vor.u32 $0x18, v14;
	v11 =	vld.idx.msk [tilespmem:v15+s22+$0x0], $0xffff  }
0x143: {  	v15 =	vor.u32 $0xC80, v12;
	_ =	sdelay $0x3  }
0x144: {  	[tilespmem:v13+s23+$0x0] =	vst.idx.msk $0xffff, v11  }
0x145: {  	v13 =	vor.u32 $0x19, v14;
	v11 =	vld.idx.msk [tilespmem:v15+s22+$0x0], $0xffff  }
0x146: {  	v15 =	vor.u32 $0xD00, v12;
	_ =	sdelay $0x3  }
0x147: {  	[tilespmem:v13+s23+$0x0] =	vst.idx.msk $0xffff, v11  }
0x148: {  	v13 =	vor.u32 $0x1A, v14;
	v11 =	vld.idx.msk [tilespmem:v15+s22+$0x0], $0xffff  }
0x149: {  	v15 =	vor.u32 $0xD80, v12;
	_ =	sdelay $0x3  }
0x14a: {  	[tilespmem:v13+s23+$0x0] =	vst.idx.msk $0xffff, v11  }
0x14b: {  	v13 =	vor.u32 $0x1B, v14;
	v11 =	vld.idx.msk [tilespmem:v15+s22+$0x0], $0xffff  }
0x14c: {  	v15 =	vor.u32 $0xE00, v12;
	_ =	sdelay $0x3  }
0x14d: {  	[tilespmem:v13+s23+$0x0] =	vst.idx.msk $0xffff, v11  }
0x14e: {  	v13 =	vor.u32 $0x1C, v14;
	v11 =	vld.idx.msk [tilespmem:v15+s22+$0x0], $0xffff  }
0x14f: {  	v15 =	vor.u32 $0xE80, v12;
	_ =	sdelay $0x3  }
0x150: {  	[tilespmem:v13+s23+$0x0] =	vst.idx.msk $0xffff, v11  }
0x151: {  	v13 =	vor.u32 $0x1D, v14;
	v11 =	vld.idx.msk [tilespmem:v15+s22+$0x0], $0xffff  }
0x152: {  	v15 =	vor.u32 $0xF00, v12;
	_ =	sdelay $0x3  }
0x153: {  	[tilespmem:v13+s23+$0x0] =	vst.idx.msk $0xffff, v11  }
0x154: {  	v13 =	vor.u32 $0x1E, v14;
	v11 =	vld.idx.msk [tilespmem:v15+s22+$0x0], $0xffff  }
0x155: {  	v12 =	vor.u32 $0xF80, v12;
	_ =	sdelay $0x3  }
0x156: {  	[tilespmem:v13+s23+$0x0] =	vst.idx.msk $0xffff, v11  }
0x157: {  	s0 =	simm.s32 $0x40;
	v11 =	vld.idx.msk [tilespmem:v12+s22+$0x0], $0xffff;
	v12 =	vor.u32 $0x1F, v14  }
.LBB2_14:
0x158: {  	_ =	sdelay $0x3  }
0x159: {  	p0 =	sne.s32 s0, $0x80;
	s4 =	smov.u32 s0;
	s0 =	sadd.s32 $0x40, s0;
	[tilespmem:v12+s23+$0x0] =	vst.idx.msk $0xffff, v11  }
0x15a: {  	s4 =	sshra.s32 s4, $0x2  }
0x15b: {  	v12 =	vld [tilespmem:s4+$0x1F080];
	_ =	sdelay $0x4  }
0x15c: {  	v11 =	vand.u32 $0x3F, v12;
	v12 =	vshra.s32 v12, $0x3;
	_ =	sdelay $0x4  }
0x15d: {  	v13 =	vld.idx.msk [tilespmem:v11+s22+$0x0], $0xffff  }
0x15e: {  	v12 =	vand.u32 $0xFFFFFF80, v12  }
0x15f: {  	v14 =	vor.u32 $0x80, v11;
	_ =	sdelay $0x3  }
0x160: {  	[tilespmem:v12+s23+$0x0] =	vst.idx.msk $0xffff, v13  }
0x161: {  	v13 =	vld.idx.msk [tilespmem:v14+s22+$0x0], $0xffff  }
0x162: {  	v14 =	vor.u32 $0x1, v12  }
0x163: {  	v15 =	vor.u32 $0x100, v11;
	_ =	sdelay $0x3  }
0x164: {  	[tilespmem:v14+s23+$0x0] =	vst.idx.msk $0xffff, v13  }
0x165: {  	v13 =	vld.idx.msk [tilespmem:v15+s22+$0x0], $0xffff  }
0x166: {  	v14 =	vor.u32 $0x2, v12  }
0x167: {  	v15 =	vor.u32 $0x180, v11;
	_ =	sdelay $0x3  }
0x168: {  	[tilespmem:v14+s23+$0x0] =	vst.idx.msk $0xffff, v13  }
0x169: {  	v13 =	vld.idx.msk [tilespmem:v15+s22+$0x0], $0xffff  }
0x16a: {  	v14 =	vor.u32 $0x3, v12  }
0x16b: {  	v15 =	vor.u32 $0x200, v11;
	_ =	sdelay $0x3  }
0x16c: {  	[tilespmem:v14+s23+$0x0] =	vst.idx.msk $0xffff, v13  }
0x16d: {  	v13 =	vld.idx.msk [tilespmem:v15+s22+$0x0], $0xffff  }
0x16e: {  	v14 =	vor.u32 $0x4, v12  }
0x16f: {  	v15 =	vor.u32 $0x280, v11;
	_ =	sdelay $0x3  }
0x170: {  	[tilespmem:v14+s23+$0x0] =	vst.idx.msk $0xffff, v13  }
0x171: {  	v13 =	vld.idx.msk [tilespmem:v15+s22+$0x0], $0xffff  }
0x172: {  	v14 =	vor.u32 $0x5, v12  }
0x173: {  	v15 =	vor.u32 $0x300, v11;
	_ =	sdelay $0x3  }
0x174: {  	[tilespmem:v14+s23+$0x0] =	vst.idx.msk $0xffff, v13  }
0x175: {  	v13 =	vld.idx.msk [tilespmem:v15+s22+$0x0], $0xffff  }
0x176: {  	v14 =	vor.u32 $0x6, v12  }
0x177: {  	v15 =	vor.u32 $0x380, v11;
	_ =	sdelay $0x3  }
0x178: {  	[tilespmem:v14+s23+$0x0] =	vst.idx.msk $0xffff, v13  }
0x179: {  	v13 =	vld.idx.msk [tilespmem:v15+s22+$0x0], $0xffff  }
0x17a: {  	v14 =	vor.u32 $0x7, v12  }
0x17b: {  	v15 =	vor.u32 $0x400, v11;
	_ =	sdelay $0x3  }
0x17c: {  	[tilespmem:v14+s23+$0x0] =	vst.idx.msk $0xffff, v13  }
0x17d: {  	v13 =	vld.idx.msk [tilespmem:v15+s22+$0x0], $0xffff  }
0x17e: {  	v14 =	vor.u32 $0x8, v12  }
0x17f: {  	v15 =	vor.u32 $0x480, v11;
	_ =	sdelay $0x3  }
0x180: {  	[tilespmem:v14+s23+$0x0] =	vst.idx.msk $0xffff, v13  }
0x181: {  	v13 =	vld.idx.msk [tilespmem:v15+s22+$0x0], $0xffff  }
0x182: {  	v14 =	vor.u32 $0x9, v12  }
0x183: {  	v15 =	vor.u32 $0x500, v11;
	_ =	sdelay $0x3  }
0x184: {  	[tilespmem:v14+s23+$0x0] =	vst.idx.msk $0xffff, v13  }
0x185: {  	v13 =	vld.idx.msk [tilespmem:v15+s22+$0x0], $0xffff  }
0x186: {  	v14 =	vor.u32 $0xA, v12  }
0x187: {  	v15 =	vor.u32 $0x580, v11;
	_ =	sdelay $0x3  }
0x188: {  	[tilespmem:v14+s23+$0x0] =	vst.idx.msk $0xffff, v13  }
0x189: {  	v13 =	vld.idx.msk [tilespmem:v15+s22+$0x0], $0xffff  }
0x18a: {  	v14 =	vor.u32 $0xB, v12  }
0x18b: {  	v15 =	vor.u32 $0x600, v11;
	_ =	sdelay $0x3  }
0x18c: {  	[tilespmem:v14+s23+$0x0] =	vst.idx.msk $0xffff, v13  }
0x18d: {  	v13 =	vld.idx.msk [tilespmem:v15+s22+$0x0], $0xffff  }
0x18e: {  	v14 =	vor.u32 $0xC, v12  }
0x18f: {  	v15 =	vor.u32 $0x680, v11;
	_ =	sdelay $0x3  }
0x190: {  	[tilespmem:v14+s23+$0x0] =	vst.idx.msk $0xffff, v13  }
0x191: {  	v13 =	vld.idx.msk [tilespmem:v15+s22+$0x0], $0xffff  }
0x192: {  	v14 =	vor.u32 $0xD, v12  }
0x193: {  	v15 =	vor.u32 $0x700, v11;
	_ =	sdelay $0x3  }
0x194: {  	[tilespmem:v14+s23+$0x0] =	vst.idx.msk $0xffff, v13  }
0x195: {  	v13 =	vld.idx.msk [tilespmem:v15+s22+$0x0], $0xffff  }
0x196: {  	v14 =	vor.u32 $0xE, v12  }
0x197: {  	v15 =	vor.u32 $0x780, v11;
	_ =	sdelay $0x3  }
0x198: {  	[tilespmem:v14+s23+$0x0] =	vst.idx.msk $0xffff, v13  }
0x199: {  	v13 =	vld.idx.msk [tilespmem:v15+s22+$0x0], $0xffff  }
0x19a: {  	v14 =	vor.u32 $0xF, v12  }
0x19b: {  	v15 =	vor.u32 $0x800, v11;
	_ =	sdelay $0x3  }
0x19c: {  	[tilespmem:v14+s23+$0x0] =	vst.idx.msk $0xffff, v13  }
0x19d: {  	v13 =	vld.idx.msk [tilespmem:v15+s22+$0x0], $0xffff  }
0x19e: {  	v14 =	vor.u32 $0x10, v12  }
0x19f: {  	v15 =	vor.u32 $0x880, v11;
	_ =	sdelay $0x3  }
0x1a0: {  	[tilespmem:v14+s23+$0x0] =	vst.idx.msk $0xffff, v13  }
0x1a1: {  	v13 =	vld.idx.msk [tilespmem:v15+s22+$0x0], $0xffff  }
0x1a2: {  	v14 =	vor.u32 $0x11, v12  }
0x1a3: {  	v15 =	vor.u32 $0x900, v11;
	_ =	sdelay $0x3  }
0x1a4: {  	[tilespmem:v14+s23+$0x0] =	vst.idx.msk $0xffff, v13  }
0x1a5: {  	v13 =	vld.idx.msk [tilespmem:v15+s22+$0x0], $0xffff  }
0x1a6: {  	v14 =	vor.u32 $0x12, v12  }
0x1a7: {  	v15 =	vor.u32 $0x980, v11;
	_ =	sdelay $0x3  }
0x1a8: {  	[tilespmem:v14+s23+$0x0] =	vst.idx.msk $0xffff, v13  }
0x1a9: {  	v13 =	vld.idx.msk [tilespmem:v15+s22+$0x0], $0xffff  }
0x1aa: {  	v14 =	vor.u32 $0x13, v12  }
0x1ab: {  	v15 =	vor.u32 $0xA00, v11;
	_ =	sdelay $0x3  }
0x1ac: {  	[tilespmem:v14+s23+$0x0] =	vst.idx.msk $0xffff, v13  }
0x1ad: {  	v13 =	vld.idx.msk [tilespmem:v15+s22+$0x0], $0xffff  }
0x1ae: {  	v14 =	vor.u32 $0x14, v12  }
0x1af: {  	v15 =	vor.u32 $0xA80, v11;
	_ =	sdelay $0x3  }
0x1b0: {  	[tilespmem:v14+s23+$0x0] =	vst.idx.msk $0xffff, v13  }
0x1b1: {  	v13 =	vld.idx.msk [tilespmem:v15+s22+$0x0], $0xffff  }
0x1b2: {  	v14 =	vor.u32 $0x15, v12  }
0x1b3: {  	v15 =	vor.u32 $0xB00, v11;
	_ =	sdelay $0x3  }
0x1b4: {  	[tilespmem:v14+s23+$0x0] =	vst.idx.msk $0xffff, v13  }
0x1b5: {  	v13 =	vld.idx.msk [tilespmem:v15+s22+$0x0], $0xffff  }
0x1b6: {  	v14 =	vor.u32 $0x16, v12  }
0x1b7: {  	v15 =	vor.u32 $0xB80, v11;
	_ =	sdelay $0x3  }
0x1b8: {  	[tilespmem:v14+s23+$0x0] =	vst.idx.msk $0xffff, v13  }
0x1b9: {  	v13 =	vld.idx.msk [tilespmem:v15+s22+$0x0], $0xffff  }
0x1ba: {  	v14 =	vor.u32 $0x17, v12  }
0x1bb: {  	v15 =	vor.u32 $0xC00, v11;
	_ =	sdelay $0x3  }
0x1bc: {  	[tilespmem:v14+s23+$0x0] =	vst.idx.msk $0xffff, v13  }
0x1bd: {  	v13 =	vld.idx.msk [tilespmem:v15+s22+$0x0], $0xffff  }
0x1be: {  	v14 =	vor.u32 $0x18, v12  }
0x1bf: {  	v15 =	vor.u32 $0xC80, v11;
	_ =	sdelay $0x3  }
0x1c0: {  	[tilespmem:v14+s23+$0x0] =	vst.idx.msk $0xffff, v13  }
0x1c1: {  	v13 =	vld.idx.msk [tilespmem:v15+s22+$0x0], $0xffff  }
0x1c2: {  	v14 =	vor.u32 $0x19, v12  }
0x1c3: {  	v15 =	vor.u32 $0xD00, v11;
	_ =	sdelay $0x3  }
0x1c4: {  	[tilespmem:v14+s23+$0x0] =	vst.idx.msk $0xffff, v13  }
0x1c5: {  	v13 =	vld.idx.msk [tilespmem:v15+s22+$0x0], $0xffff  }
0x1c6: {  	v14 =	vor.u32 $0x1A, v12  }
0x1c7: {  	v15 =	vor.u32 $0xD80, v11;
	_ =	sdelay $0x3  }
0x1c8: {  	[tilespmem:v14+s23+$0x0] =	vst.idx.msk $0xffff, v13  }
0x1c9: {  	v13 =	vld.idx.msk [tilespmem:v15+s22+$0x0], $0xffff  }
0x1ca: {  	v14 =	vor.u32 $0x1B, v12  }
0x1cb: {  	v15 =	vor.u32 $0xE00, v11;
	_ =	sdelay $0x3  }
0x1cc: {  	[tilespmem:v14+s23+$0x0] =	vst.idx.msk $0xffff, v13  }
0x1cd: {  	v13 =	vld.idx.msk [tilespmem:v15+s22+$0x0], $0xffff  }
0x1ce: {  	v14 =	vor.u32 $0x1C, v12  }
0x1cf: {  	v15 =	vor.u32 $0xE80, v11;
	_ =	sdelay $0x3  }
0x1d0: {  	[tilespmem:v14+s23+$0x0] =	vst.idx.msk $0xffff, v13  }
0x1d1: {  	v13 =	vld.idx.msk [tilespmem:v15+s22+$0x0], $0xffff  }
0x1d2: {  	v14 =	vor.u32 $0x1D, v12  }
0x1d3: {  	v15 =	vor.u32 $0xF00, v11;
	_ =	sdelay $0x3  }
0x1d4: {  	[tilespmem:v14+s23+$0x0] =	vst.idx.msk $0xffff, v13  }
0x1d5: {  	v13 =	vld.idx.msk [tilespmem:v15+s22+$0x0], $0xffff  }
0x1d6: {  	v14 =	vor.u32 $0x1E, v12  }
0x1d7: {  	v11 =	vor.u32 $0xF80, v11;
	_ =	sdelay $0x1  }
.Ltmp6:
0x1d8: {  	(pc) =	sbr.rel @p0 .LBB2_14-.Ltmp6, $4  }
0x1d9: {  	_ = 	snop  }
0x1da: {  	[tilespmem:v14+s23+$0x0] =	vst.idx.msk $0xffff, v13  }
0x1db: {  	v11 =	vld.idx.msk [tilespmem:v11+s22+$0x0], $0xffff  }
0x1dc: {  	v12 =	vor.u32 $0x1F, v12  }
0x1dd: {  	_ =	sdelay $0x3  }
0x1de: {  	s4 =	simm.s32 $0x0;
	s0 =	rddreg [dreg:$0x3];
	[tilespmem:v12+s23+$0x0] =	vst.idx.msk $0xffff, v11  }
0x1df: {  	[tilespmem:s24], [sflag:$0x3] =	stream.linear.gather [hbm4b:s0+s4], $0x4000, $0x38;
	[tilespmem:$0x1F100] =	vst v63  }
0x1e0: {  	_ =	swait.ge [sflag:s17], $0x4000  }
0x1e1: {  	[sflag:s17] =	ssyncset.done $0x0  }
0x1e2: {  	s0 =	simm.s32 $0xE80;
	[sflag:s17] =	ssyncadd.s32 $0xFFFFC000  }
0x1e3: {  	v11 =	vld [tilespmem:s0+$0x0];
	_ =	sdelay $0x4  }
0x1e4: {  	vm0 =	vgt.s32 v11, $0x0  }
0x1e5: {  	v11 =	vnsel vm0, $0x0, v11  }
0x1e6: {  	v11 =	vmin.u32 v11, $0x3FF  }
0x1e7: {  	v12 =	vshll.u32 v11, $0x3  }
0x1e8: {  	v13 =	vand.u32 $0x7F, v11;
	v12 =	vand.u32 $0x1C00, v12  }
0x1e9: {  	v13 =	vor.u32 v13, v12;
	_ =	sdelay $0x1  }
0x1ea: {  	v14 =	vmov s4  }
0x1eb: {  	v14 =	vshll.u32 v14, $0x7  }
0x1ec: {  	v14 =	vor.u32 v10, v14  }
0x1ed: {  	v16 =	vor.u32 $0x20, v14;
	v15 =	vld.idx.msk [tilespmem:v13+s24+$0x0], $0xffff  }
0x1ee: {  	v17 =	vor.u32 $0x80, v13;
	_ =	sdelay $0x3  }
0x1ef: {  	[tilespmem:v16+s23+$0x0] =	vst.idx.msk $0xffff, v15  }
0x1f0: {  	v47 =	vor.u32 $0x21, v14;
	v15 =	vld.idx.msk [tilespmem:v17+s24+$0x0], $0xffff  }
0x1f1: {  	v48 =	vor.u32 $0x100, v13;
	_ =	sdelay $0x3  }
0x1f2: {  	[tilespmem:v47+s23+$0x0] =	vst.idx.msk $0xffff, v15  }
0x1f3: {  	v49 =	vor.u32 $0x22, v14;
	v15 =	vld.idx.msk [tilespmem:v48+s24+$0x0], $0xffff  }
0x1f4: {  	v50 =	vor.u32 $0x180, v13;
	_ =	sdelay $0x3  }
0x1f5: {  	[tilespmem:v49+s23+$0x0] =	vst.idx.msk $0xffff, v15  }
0x1f6: {  	v51 =	vor.u32 $0x23, v14;
	v15 =	vld.idx.msk [tilespmem:v50+s24+$0x0], $0xffff  }
0x1f7: {  	v52 =	vor.u32 $0x200, v13;
	_ =	sdelay $0x3  }
0x1f8: {  	[tilespmem:v51+s23+$0x0] =	vst.idx.msk $0xffff, v15  }
0x1f9: {  	v53 =	vor.u32 $0x24, v14;
	v15 =	vld.idx.msk [tilespmem:v52+s24+$0x0], $0xffff  }
0x1fa: {  	v54 =	vor.u32 $0x280, v13;
	_ =	sdelay $0x3  }
0x1fb: {  	[tilespmem:v53+s23+$0x0] =	vst.idx.msk $0xffff, v15  }
0x1fc: {  	v55 =	vor.u32 $0x25, v14;
	v15 =	vld.idx.msk [tilespmem:v54+s24+$0x0], $0xffff  }
0x1fd: {  	v56 =	vor.u32 $0x300, v13;
	_ =	sdelay $0x3  }
0x1fe: {  	[tilespmem:v55+s23+$0x0] =	vst.idx.msk $0xffff, v15  }
0x1ff: {  	v11 =	vor.u32 v11, v12;
	v15 =	vor.u32 $0x26, v14;
	v12 =	vld.idx.msk [tilespmem:v56+s24+$0x0], $0xffff  }
0x200: {  	v57 =	vor.u32 $0x380, v11;
	_ =	sdelay $0x3  }
0x201: {  	[tilespmem:v15+s23+$0x0] =	vst.idx.msk $0xffff, v12  }
0x202: {  	v15 =	vor.u32 $0x27, v14;
	v12 =	vld.idx.msk [tilespmem:v57+s24+$0x0], $0xffff  }
0x203: {  	v58 =	vor.u32 $0x2000, v13;
	_ =	sdelay $0x3  }
0x204: {  	[tilespmem:v15+s23+$0x0] =	vst.idx.msk $0xffff, v12  }
0x205: {  	v15 =	vor.u32 $0x28, v14;
	v12 =	vld.idx.msk [tilespmem:v58+s24+$0x0], $0xffff  }
0x206: {  	v59 =	vor.u32 $0x2080, v13;
	_ =	sdelay $0x3  }
0x207: {  	[tilespmem:v15+s23+$0x0] =	vst.idx.msk $0xffff, v12  }
0x208: {  	v15 =	vor.u32 $0x29, v14;
	v12 =	vld.idx.msk [tilespmem:v59+s24+$0x0], $0xffff  }
0x209: {  	v60 =	vor.u32 $0x2100, v13;
	_ =	sdelay $0x3  }
0x20a: {  	[tilespmem:v15+s23+$0x0] =	vst.idx.msk $0xffff, v12  }
0x20b: {  	v15 =	vor.u32 $0x2A, v14;
	v12 =	vld.idx.msk [tilespmem:v60+s24+$0x0], $0xffff  }
0x20c: {  	v61 =	vor.u32 $0x2180, v13;
	_ =	sdelay $0x3  }
0x20d: {  	[tilespmem:v15+s23+$0x0] =	vst.idx.msk $0xffff, v12  }
0x20e: {  	v15 =	vor.u32 $0x2B, v14;
	v12 =	vld.idx.msk [tilespmem:v61+s24+$0x0], $0xffff  }
0x20f: {  	v62 =	vor.u32 $0x2200, v13;
	_ =	sdelay $0x3  }
0x210: {  	[tilespmem:v15+s23+$0x0] =	vst.idx.msk $0xffff, v12  }
0x211: {  	v15 =	vor.u32 $0x2C, v14;
	v12 =	vld.idx.msk [tilespmem:v62+s24+$0x0], $0xffff  }
0x212: {  	v63 =	vor.u32 $0x2280, v13;
	_ =	sdelay $0x3  }
0x213: {  	[tilespmem:v15+s23+$0x0] =	vst.idx.msk $0xffff, v12  }
0x214: {  	v15 =	vor.u32 $0x2D, v14;
	v12 =	vld.idx.msk [tilespmem:v63+s24+$0x0], $0xffff  }
0x215: {  	v13 =	vor.u32 $0x2300, v13;
	_ =	sdelay $0x3  }
0x216: {  	[tilespmem:v15+s23+$0x0] =	vst.idx.msk $0xffff, v12  }
0x217: {  	v12 =	vld.idx.msk [tilespmem:v13+s24+$0x0], $0xffff;
	v13 =	vor.u32 $0x2E, v14  }
0x218: {  	v11 =	vor.u32 $0x2380, v11;
	_ =	sdelay $0x3  }
0x219: {  	[tilespmem:v13+s23+$0x0] =	vst.idx.msk $0xffff, v12  }
0x21a: {  	s4 =	simm.s32 $0x10;
	v12 =	vld.idx.msk [tilespmem:v11+s24+$0x0], $0xffff;
	v11 =	vor.u32 $0x2F, v14  }
.LBB2_16:
0x21b: {  	_ =	sdelay $0x2  }
0x21c: {  	p0 =	sne.s32 s4, $0x270  }
0x21d: {  	s0 =	sadd.s32 $0x10, s0;
	s5 =	smov.u32 s4;
	s4 =	sadd.s32 $0x10, s4;
	[tilespmem:v11+s23+$0x0] =	vst.idx.msk $0xffff, v12  }
0x21e: {  	v11 =	vld [tilespmem:s0+$0x0];
	_ =	sdelay $0x4  }
0x21f: {  	vm0 =	vgt.s32 v11, $0x0  }
0x220: {  	v11 =	vnsel vm0, $0x0, v11  }
0x221: {  	v11 =	vmin.u32 v11, $0x3FF  }
0x222: {  	v12 =	vshll.u32 v11, $0x3  }
0x223: {  	v13 =	vand.u32 $0x7F, v11;
	v12 =	vand.u32 $0x1C00, v12  }
0x224: {  	v13 =	vor.u32 v13, v12;
	v12 =	vor.u32 v11, v12;
	_ =	sdelay $0x2  }
0x225: {  	v11 =	vmov s5  }
0x226: {  	v11 =	vshll.u32 v11, $0x7  }
0x227: {  	v11 =	vor.u32 v10, v11;
	v14 =	vld.idx.msk [tilespmem:v13+s24+$0x0], $0xffff  }
0x228: {  	v15 =	vor.u32 $0x20, v11  }
0x229: {  	v16 =	vor.u32 $0x80, v13;
	_ =	sdelay $0x3  }
0x22a: {  	[tilespmem:v15+s23+$0x0] =	vst.idx.msk $0xffff, v14  }
0x22b: {  	v14 =	vld.idx.msk [tilespmem:v16+s24+$0x0], $0xffff  }
0x22c: {  	v15 =	vor.u32 $0x21, v11  }
0x22d: {  	v16 =	vor.u32 $0x100, v13;
	_ =	sdelay $0x3  }
0x22e: {  	[tilespmem:v15+s23+$0x0] =	vst.idx.msk $0xffff, v14  }
0x22f: {  	v14 =	vld.idx.msk [tilespmem:v16+s24+$0x0], $0xffff  }
0x230: {  	v15 =	vor.u32 $0x22, v11  }
0x231: {  	v16 =	vor.u32 $0x180, v13;
	_ =	sdelay $0x3  }
0x232: {  	[tilespmem:v15+s23+$0x0] =	vst.idx.msk $0xffff, v14  }
0x233: {  	v14 =	vld.idx.msk [tilespmem:v16+s24+$0x0], $0xffff  }
0x234: {  	v15 =	vor.u32 $0x23, v11  }
0x235: {  	v16 =	vor.u32 $0x200, v13;
	_ =	sdelay $0x3  }
0x236: {  	[tilespmem:v15+s23+$0x0] =	vst.idx.msk $0xffff, v14  }
0x237: {  	v14 =	vld.idx.msk [tilespmem:v16+s24+$0x0], $0xffff  }
0x238: {  	v15 =	vor.u32 $0x24, v11  }
0x239: {  	v16 =	vor.u32 $0x280, v13;
	_ =	sdelay $0x3  }
0x23a: {  	[tilespmem:v15+s23+$0x0] =	vst.idx.msk $0xffff, v14  }
0x23b: {  	v14 =	vld.idx.msk [tilespmem:v16+s24+$0x0], $0xffff  }
0x23c: {  	v15 =	vor.u32 $0x25, v11  }
0x23d: {  	v16 =	vor.u32 $0x300, v13;
	_ =	sdelay $0x3  }
0x23e: {  	[tilespmem:v15+s23+$0x0] =	vst.idx.msk $0xffff, v14  }
0x23f: {  	v14 =	vld.idx.msk [tilespmem:v16+s24+$0x0], $0xffff  }
0x240: {  	v15 =	vor.u32 $0x26, v11  }
0x241: {  	v16 =	vor.u32 $0x380, v12;
	_ =	sdelay $0x3  }
0x242: {  	[tilespmem:v15+s23+$0x0] =	vst.idx.msk $0xffff, v14  }
0x243: {  	v14 =	vld.idx.msk [tilespmem:v16+s24+$0x0], $0xffff  }
0x244: {  	v15 =	vor.u32 $0x27, v11  }
0x245: {  	v16 =	vor.u32 $0x2000, v13;
	_ =	sdelay $0x3  }
0x246: {  	[tilespmem:v15+s23+$0x0] =	vst.idx.msk $0xffff, v14  }
0x247: {  	v14 =	vld.idx.msk [tilespmem:v16+s24+$0x0], $0xffff  }
0x248: {  	v15 =	vor.u32 $0x28, v11  }
0x249: {  	v16 =	vor.u32 $0x2080, v13;
	_ =	sdelay $0x3  }
0x24a: {  	[tilespmem:v15+s23+$0x0] =	vst.idx.msk $0xffff, v14  }
0x24b: {  	v14 =	vld.idx.msk [tilespmem:v16+s24+$0x0], $0xffff  }
0x24c: {  	v15 =	vor.u32 $0x29, v11  }
0x24d: {  	v16 =	vor.u32 $0x2100, v13;
	_ =	sdelay $0x3  }
0x24e: {  	[tilespmem:v15+s23+$0x0] =	vst.idx.msk $0xffff, v14  }
0x24f: {  	v14 =	vld.idx.msk [tilespmem:v16+s24+$0x0], $0xffff  }
0x250: {  	v15 =	vor.u32 $0x2A, v11  }
0x251: {  	v16 =	vor.u32 $0x2180, v13;
	_ =	sdelay $0x3  }
0x252: {  	[tilespmem:v15+s23+$0x0] =	vst.idx.msk $0xffff, v14  }
0x253: {  	v14 =	vld.idx.msk [tilespmem:v16+s24+$0x0], $0xffff  }
0x254: {  	v15 =	vor.u32 $0x2B, v11  }
0x255: {  	v16 =	vor.u32 $0x2200, v13;
	_ =	sdelay $0x3  }
0x256: {  	[tilespmem:v15+s23+$0x0] =	vst.idx.msk $0xffff, v14  }
0x257: {  	v14 =	vld.idx.msk [tilespmem:v16+s24+$0x0], $0xffff  }
0x258: {  	v15 =	vor.u32 $0x2C, v11  }
0x259: {  	v16 =	vor.u32 $0x2280, v13;
	_ =	sdelay $0x3  }
0x25a: {  	[tilespmem:v15+s23+$0x0] =	vst.idx.msk $0xffff, v14  }
0x25b: {  	v14 =	vld.idx.msk [tilespmem:v16+s24+$0x0], $0xffff  }
0x25c: {  	v15 =	vor.u32 $0x2D, v11  }
0x25d: {  	v13 =	vor.u32 $0x2300, v13;
	_ =	sdelay $0x3  }
0x25e: {  	[tilespmem:v15+s23+$0x0] =	vst.idx.msk $0xffff, v14  }
0x25f: {  	v13 =	vld.idx.msk [tilespmem:v13+s24+$0x0], $0xffff  }
0x260: {  	v14 =	vor.u32 $0x2E, v11  }
0x261: {  	v12 =	vor.u32 $0x2380, v12;
	_ =	sdelay $0x1  }
.Ltmp7:
0x262: {  	(pc) =	sbr.rel @p0 .LBB2_16-.Ltmp7, $4  }
0x263: {  	_ = 	snop  }
0x264: {  	[tilespmem:v14+s23+$0x0] =	vst.idx.msk $0xffff, v13  }
0x265: {  	v12 =	vld.idx.msk [tilespmem:v12+s24+$0x0], $0xffff  }
0x266: {  	v11 =	vor.u32 $0x2F, v11  }
0x267: {  	_ =	sdelay $0x3  }
0x268: {  	s0 =	rddreg [dreg:$0x7];
	[tilespmem:v11+s23+$0x0] =	vst.idx.msk $0xffff, v12  }
0x269: {  	[tilespmem:s24], [sflag:$0x1] =	stream.strided.gather [hbm4b:s0+s25], $0x4000, s26, s25, $0x38;
	[tilespmem:$0x1F100] =	vst v63  }
0x26a: {  	s4 =	simm.s32 $0x1E100;
	s5 =	simm.s32 $0x1E180;
	s0 =	simm.s32 $0x0  }
.LBB2_18:
0x26b: {  	s7 =	sshll.u32 s0, $0xE  }
0x26c: {  	s7 =	sadd.s32 s7, s9  }
0x26d: {  	s7 =	sadd.s32 $0x2000, s7  }
0x26e: {  	s7 =	sshrl.u32 s7, $0x3  }
0x26f: {  	v11 =	vmov s4;
	s7 =	sadd.s32 s3, s7  }
0x270: {  	[tilespmem:s28], [sflag:$0x2] =	stream.strided.gather [hbm4b:s7+s25], $0x4000, s26, s25, $0x38;
	[tilespmem:$0x1F100] =	vst v63  }
0x271: {  	_ =	swait.ge [sflag:s29], $0x4000  }
0x272: {  	[sflag:s29] =	ssyncset.done $0x0  }
0x273: {  	s13 =	simm.s32 $0x0;
	[sflag:s29] =	ssyncadd.s32 $0xFFFFC000  }
0x274: {  	v12 =	vld.idx.msk [tilespmem:v11+s13+$0x0 ss:$0x1], $0xffff;
	_ =	sdelay $0x4  }
0x275: {  	v13 =	vshll.u32 v12, $0x3  }
0x276: {  	v14 =	vand.u32 $0x7F, v12;
	v13 =	vand.u32 $0x1C00, v13  }
0x277: {  	v13 =	vor.u32 v14, v13;
	_ =	sdelay $0x3  }
0x278: {  	v12 =	vshra.s32 v12, $0x3  }
0x279: {  	v12 =	vand.u32 $0xFFFFFF80, v12;
	v14 =	vld.idx.msk [tilespmem:v13+s24+$0x0], $0xffff  }
0x27a: {  	v15 =	vor.u32 $0x80, v13;
	_ =	sdelay $0x3  }
0x27b: {  	[tilespmem:v12+s23+$0x0] =	vst.idx.msk $0xffff, v14  }
0x27c: {  	v14 =	vld.idx.msk [tilespmem:v15+s24+$0x0], $0xffff;
	v15 =	vor.u32 $0x1, v12  }
0x27d: {  	v16 =	vor.u32 $0x100, v13;
	_ =	sdelay $0x3  }
0x27e: {  	[tilespmem:v15+s23+$0x0] =	vst.idx.msk $0xffff, v14  }
0x27f: {  	v15 =	vor.u32 $0x2, v12;
	v14 =	vld.idx.msk [tilespmem:v16+s24+$0x0], $0xffff  }
0x280: {  	v52 =	vor.u32 $0x180, v13;
	_ =	sdelay $0x3  }
0x281: {  	[tilespmem:v15+s23+$0x0] =	vst.idx.msk $0xffff, v14  }
0x282: {  	v15 =	vor.u32 $0x3, v12;
	v14 =	vld.idx.msk [tilespmem:v52+s24+$0x0], $0xffff  }
0x283: {  	v53 =	vor.u32 $0x200, v13;
	_ =	sdelay $0x3  }
0x284: {  	[tilespmem:v15+s23+$0x0] =	vst.idx.msk $0xffff, v14  }
0x285: {  	v15 =	vor.u32 $0x4, v12;
	v14 =	vld.idx.msk [tilespmem:v53+s24+$0x0], $0xffff  }
0x286: {  	v54 =	vor.u32 $0x280, v13;
	_ =	sdelay $0x3  }
0x287: {  	[tilespmem:v15+s23+$0x0] =	vst.idx.msk $0xffff, v14  }
0x288: {  	v15 =	vor.u32 $0x5, v12;
	v14 =	vld.idx.msk [tilespmem:v54+s24+$0x0], $0xffff  }
0x289: {  	v55 =	vor.u32 $0x300, v13;
	_ =	sdelay $0x3  }
0x28a: {  	[tilespmem:v15+s23+$0x0] =	vst.idx.msk $0xffff, v14  }
0x28b: {  	v15 =	vor.u32 $0x6, v12;
	v14 =	vld.idx.msk [tilespmem:v55+s24+$0x0], $0xffff  }
0x28c: {  	v56 =	vor.u32 $0x380, v13;
	_ =	sdelay $0x3  }
0x28d: {  	[tilespmem:v15+s23+$0x0] =	vst.idx.msk $0xffff, v14  }
0x28e: {  	v15 =	vor.u32 $0x7, v12;
	v14 =	vld.idx.msk [tilespmem:v56+s24+$0x0], $0xffff  }
0x28f: {  	v57 =	vor.u32 $0x2000, v13;
	_ =	sdelay $0x3  }
0x290: {  	[tilespmem:v15+s23+$0x0] =	vst.idx.msk $0xffff, v14  }
0x291: {  	v15 =	vor.u32 $0x8, v12;
	v14 =	vld.idx.msk [tilespmem:v57+s24+$0x0], $0xffff  }
0x292: {  	v58 =	vor.u32 $0x2080, v13;
	_ =	sdelay $0x3  }
0x293: {  	[tilespmem:v15+s23+$0x0] =	vst.idx.msk $0xffff, v14  }
0x294: {  	v15 =	vor.u32 $0x9, v12;
	v14 =	vld.idx.msk [tilespmem:v58+s24+$0x0], $0xffff  }
0x295: {  	v59 =	vor.u32 $0x2100, v13;
	_ =	sdelay $0x3  }
0x296: {  	[tilespmem:v15+s23+$0x0] =	vst.idx.msk $0xffff, v14  }
0x297: {  	v15 =	vor.u32 $0xA, v12;
	v14 =	vld.idx.msk [tilespmem:v59+s24+$0x0], $0xffff  }
0x298: {  	v60 =	vor.u32 $0x2180, v13;
	_ =	sdelay $0x3  }
0x299: {  	[tilespmem:v15+s23+$0x0] =	vst.idx.msk $0xffff, v14  }
0x29a: {  	v15 =	vor.u32 $0xB, v12;
	v14 =	vld.idx.msk [tilespmem:v60+s24+$0x0], $0xffff  }
0x29b: {  	v61 =	vor.u32 $0x2200, v13;
	_ =	sdelay $0x3  }
0x29c: {  	[tilespmem:v15+s23+$0x0] =	vst.idx.msk $0xffff, v14  }
0x29d: {  	v15 =	vor.u32 $0xC, v12;
	v14 =	vld.idx.msk [tilespmem:v61+s24+$0x0], $0xffff  }
0x29e: {  	v62 =	vor.u32 $0x2280, v13;
	_ =	sdelay $0x3  }
0x29f: {  	[tilespmem:v15+s23+$0x0] =	vst.idx.msk $0xffff, v14  }
0x2a0: {  	v15 =	vor.u32 $0xD, v12;
	v14 =	vld.idx.msk [tilespmem:v62+s24+$0x0], $0xffff  }
0x2a1: {  	v63 =	vor.u32 $0x2300, v13;
	_ =	sdelay $0x3  }
0x2a2: {  	[tilespmem:v15+s23+$0x0] =	vst.idx.msk $0xffff, v14  }
0x2a3: {  	v15 =	vor.u32 $0xE, v12;
	v14 =	vld.idx.msk [tilespmem:v63+s24+$0x0], $0xffff  }
0x2a4: {  	v13 =	vor.u32 $0x2380, v13;
	_ =	sdelay $0x3  }
0x2a5: {  	[tilespmem:v15+s23+$0x0] =	vst.idx.msk $0xffff, v14  }
0x2a6: {  	s7 =	simm.s32 $0x40;
	v12 =	vor.u32 $0xF, v12;
	v13 =	vld.idx.msk [tilespmem:v13+s24+$0x0], $0xffff  }
.LBB2_19:
0x2a7: {  	_ =	sdelay $0x3  }
0x2a8: {  	p0 =	sne.s32 s7, $0x80;
	s11 =	smov.u32 s7;
	s7 =	sadd.s32 $0x40, s7;
	[tilespmem:v12+s23+$0x0] =	vst.idx.msk $0xffff, v13  }
0x2a9: {  	s11 =	sshra.s32 s11, $0x2  }
0x2aa: {  	v12 =	vld.idx.msk [tilespmem:v11+s11+$0x0 ss:$0x1], $0xffff;
	_ =	sdelay $0x5  }
0x2ab: {  	v13 =	vshll.u32 v12, $0x3;
	v14 =	vshra.s32 v12, $0x3  }
0x2ac: {  	v12 =	vand.u32 $0x7F, v12;
	v13 =	vand.u32 $0x1C00, v13  }
0x2ad: {  	v13 =	vor.u32 v12, v13;
	_ =	sdelay $0x4  }
0x2ae: {  	v15 =	vld.idx.msk [tilespmem:v13+s24+$0x0], $0xffff  }
0x2af: {  	v12 =	vand.u32 $0xFFFFFF80, v14  }
0x2b0: {  	v14 =	vor.u32 $0x80, v13;
	_ =	sdelay $0x3  }
0x2b1: {  	[tilespmem:v12+s23+$0x0] =	vst.idx.msk $0xffff, v15  }
0x2b2: {  	v14 =	vld.idx.msk [tilespmem:v14+s24+$0x0], $0xffff  }
0x2b3: {  	v15 =	vor.u32 $0x1, v12  }
0x2b4: {  	v16 =	vor.u32 $0x100, v13;
	_ =	sdelay $0x3  }
0x2b5: {  	[tilespmem:v15+s23+$0x0] =	vst.idx.msk $0xffff, v14  }
0x2b6: {  	v14 =	vld.idx.msk [tilespmem:v16+s24+$0x0], $0xffff  }
0x2b7: {  	v15 =	vor.u32 $0x2, v12  }
0x2b8: {  	v16 =	vor.u32 $0x180, v13;
	_ =	sdelay $0x3  }
0x2b9: {  	[tilespmem:v15+s23+$0x0] =	vst.idx.msk $0xffff, v14  }
0x2ba: {  	v14 =	vld.idx.msk [tilespmem:v16+s24+$0x0], $0xffff  }
0x2bb: {  	v15 =	vor.u32 $0x3, v12  }
0x2bc: {  	v16 =	vor.u32 $0x200, v13;
	_ =	sdelay $0x3  }
0x2bd: {  	[tilespmem:v15+s23+$0x0] =	vst.idx.msk $0xffff, v14  }
0x2be: {  	v14 =	vld.idx.msk [tilespmem:v16+s24+$0x0], $0xffff  }
0x2bf: {  	v15 =	vor.u32 $0x4, v12  }
0x2c0: {  	v16 =	vor.u32 $0x280, v13;
	_ =	sdelay $0x3  }
0x2c1: {  	[tilespmem:v15+s23+$0x0] =	vst.idx.msk $0xffff, v14  }
0x2c2: {  	v14 =	vld.idx.msk [tilespmem:v16+s24+$0x0], $0xffff  }
0x2c3: {  	v15 =	vor.u32 $0x5, v12  }
0x2c4: {  	v16 =	vor.u32 $0x300, v13;
	_ =	sdelay $0x3  }
0x2c5: {  	[tilespmem:v15+s23+$0x0] =	vst.idx.msk $0xffff, v14  }
0x2c6: {  	v14 =	vld.idx.msk [tilespmem:v16+s24+$0x0], $0xffff  }
0x2c7: {  	v15 =	vor.u32 $0x6, v12  }
0x2c8: {  	v16 =	vor.u32 $0x380, v13;
	_ =	sdelay $0x3  }
0x2c9: {  	[tilespmem:v15+s23+$0x0] =	vst.idx.msk $0xffff, v14  }
0x2ca: {  	v14 =	vld.idx.msk [tilespmem:v16+s24+$0x0], $0xffff  }
0x2cb: {  	v15 =	vor.u32 $0x7, v12  }
0x2cc: {  	v16 =	vor.u32 $0x2000, v13;
	_ =	sdelay $0x3  }
0x2cd: {  	[tilespmem:v15+s23+$0x0] =	vst.idx.msk $0xffff, v14  }
0x2ce: {  	v14 =	vld.idx.msk [tilespmem:v16+s24+$0x0], $0xffff  }
0x2cf: {  	v15 =	vor.u32 $0x8, v12  }
0x2d0: {  	v16 =	vor.u32 $0x2080, v13;
	_ =	sdelay $0x3  }
0x2d1: {  	[tilespmem:v15+s23+$0x0] =	vst.idx.msk $0xffff, v14  }
0x2d2: {  	v14 =	vld.idx.msk [tilespmem:v16+s24+$0x0], $0xffff  }
0x2d3: {  	v15 =	vor.u32 $0x9, v12  }
0x2d4: {  	v16 =	vor.u32 $0x2100, v13;
	_ =	sdelay $0x3  }
0x2d5: {  	[tilespmem:v15+s23+$0x0] =	vst.idx.msk $0xffff, v14  }
0x2d6: {  	v14 =	vld.idx.msk [tilespmem:v16+s24+$0x0], $0xffff  }
0x2d7: {  	v15 =	vor.u32 $0xA, v12  }
0x2d8: {  	v16 =	vor.u32 $0x2180, v13;
	_ =	sdelay $0x3  }
0x2d9: {  	[tilespmem:v15+s23+$0x0] =	vst.idx.msk $0xffff, v14  }
0x2da: {  	v14 =	vld.idx.msk [tilespmem:v16+s24+$0x0], $0xffff  }
0x2db: {  	v15 =	vor.u32 $0xB, v12  }
0x2dc: {  	v16 =	vor.u32 $0x2200, v13;
	_ =	sdelay $0x3  }
0x2dd: {  	[tilespmem:v15+s23+$0x0] =	vst.idx.msk $0xffff, v14  }
0x2de: {  	v14 =	vld.idx.msk [tilespmem:v16+s24+$0x0], $0xffff  }
0x2df: {  	v15 =	vor.u32 $0xC, v12  }
0x2e0: {  	v16 =	vor.u32 $0x2280, v13;
	_ =	sdelay $0x3  }
0x2e1: {  	[tilespmem:v15+s23+$0x0] =	vst.idx.msk $0xffff, v14  }
0x2e2: {  	v14 =	vld.idx.msk [tilespmem:v16+s24+$0x0], $0xffff  }
0x2e3: {  	v15 =	vor.u32 $0xD, v12  }
0x2e4: {  	v16 =	vor.u32 $0x2300, v13;
	_ =	sdelay $0x3  }
0x2e5: {  	[tilespmem:v15+s23+$0x0] =	vst.idx.msk $0xffff, v14  }
0x2e6: {  	v14 =	vld.idx.msk [tilespmem:v16+s24+$0x0], $0xffff  }
0x2e7: {  	v15 =	vor.u32 $0xE, v12  }
0x2e8: {  	v13 =	vor.u32 $0x2380, v13;
	_ =	sdelay $0x1  }
.Ltmp8:
0x2e9: {  	(pc) =	sbr.rel @p0 .LBB2_19-.Ltmp8, $4  }
0x2ea: {  	_ = 	snop  }
0x2eb: {  	[tilespmem:v15+s23+$0x0] =	vst.idx.msk $0xffff, v14  }
0x2ec: {  	v13 =	vld.idx.msk [tilespmem:v13+s24+$0x0], $0xffff  }
0x2ed: {  	v12 =	vor.u32 $0xF, v12  }
0x2ee: {  	_ =	sdelay $0x2  }
0x2ef: {  	s7 =	sshll.u32 s0, $0xB  }
0x2f0: {  	v11 =	vmov s5;
	s7 =	sadd.s32 s7, s12;
	[tilespmem:v12+s23+$0x0] =	vst.idx.msk $0xffff, v13  }
0x2f1: {  	[tilespmem:s24], [sflag:$0x1] =	stream.strided.gather [hbm4b:s7+s25], $0x4000, s26, s25, $0x38;
	[tilespmem:$0x1F100] =	vst v63  }
0x2f2: {  	_ =	swait.ge [sflag:s30], $0x4000  }
0x2f3: {  	[sflag:s30] =	ssyncset.done $0x0  }
0x2f4: {  	s13 =	simm.s32 $0x0;
	[sflag:s30] =	ssyncadd.s32 $0xFFFFC000  }
0x2f5: {  	v12 =	vld.idx.msk [tilespmem:v11+s13+$0x0 ss:$0x1], $0xffff;
	_ =	sdelay $0x4  }
0x2f6: {  	v13 =	vshll.u32 v12, $0x3  }
0x2f7: {  	v14 =	vand.u32 $0x7F, v12;
	v13 =	vand.u32 $0x1C00, v13  }
0x2f8: {  	v13 =	vor.u32 v14, v13  }
0x2f9: {  	v14 =	vor.u32 $0x4000, v13;
	_ =	sdelay $0x3  }
0x2fa: {  	v12 =	vshra.s32 v12, $0x3  }
0x2fb: {  	v15 =	vand.u32 $0xFFFFFF80, v12;
	v14 =	vld.idx.msk [tilespmem:v14+s24+$0x0], $0xffff  }
0x2fc: {  	v12 =	vor.u32 $0x4080, v13;
	_ =	sdelay $0x3  }
0x2fd: {  	[tilespmem:v15+s23+$0x0] =	vst.idx.msk $0xffff, v14  }
0x2fe: {  	v14 =	vor.u32 $0x1, v15;
	v12 =	vld.idx.msk [tilespmem:v12+s24+$0x0], $0xffff  }
0x2ff: {  	v16 =	vor.u32 $0x4100, v13;
	_ =	sdelay $0x3  }
0x300: {  	[tilespmem:v14+s23+$0x0] =	vst.idx.msk $0xffff, v12  }
0x301: {  	v14 =	vor.u32 $0x2, v15;
	v12 =	vld.idx.msk [tilespmem:v16+s24+$0x0], $0xffff  }
0x302: {  	v52 =	vor.u32 $0x4180, v13;
	_ =	sdelay $0x3  }
0x303: {  	[tilespmem:v14+s23+$0x0] =	vst.idx.msk $0xffff, v12  }
0x304: {  	v14 =	vor.u32 $0x3, v15;
	v12 =	vld.idx.msk [tilespmem:v52+s24+$0x0], $0xffff  }
0x305: {  	v53 =	vor.u32 $0x4200, v13;
	_ =	sdelay $0x3  }
0x306: {  	[tilespmem:v14+s23+$0x0] =	vst.idx.msk $0xffff, v12  }
0x307: {  	v14 =	vor.u32 $0x4, v15;
	v12 =	vld.idx.msk [tilespmem:v53+s24+$0x0], $0xffff  }
0x308: {  	v54 =	vor.u32 $0x4280, v13;
	_ =	sdelay $0x3  }
0x309: {  	[tilespmem:v14+s23+$0x0] =	vst.idx.msk $0xffff, v12  }
0x30a: {  	v14 =	vor.u32 $0x5, v15;
	v12 =	vld.idx.msk [tilespmem:v54+s24+$0x0], $0xffff  }
0x30b: {  	v55 =	vor.u32 $0x4300, v13;
	_ =	sdelay $0x3  }
0x30c: {  	[tilespmem:v14+s23+$0x0] =	vst.idx.msk $0xffff, v12  }
0x30d: {  	v14 =	vor.u32 $0x6, v15;
	v12 =	vld.idx.msk [tilespmem:v55+s24+$0x0], $0xffff  }
0x30e: {  	v56 =	vor.u32 $0x4380, v13;
	_ =	sdelay $0x3  }
0x30f: {  	[tilespmem:v14+s23+$0x0] =	vst.idx.msk $0xffff, v12  }
0x310: {  	v14 =	vor.u32 $0x7, v15;
	v12 =	vld.idx.msk [tilespmem:v56+s24+$0x0], $0xffff  }
0x311: {  	v57 =	vor.u32 $0x6000, v13;
	_ =	sdelay $0x3  }
0x312: {  	[tilespmem:v14+s23+$0x0] =	vst.idx.msk $0xffff, v12  }
0x313: {  	v14 =	vor.u32 $0x8, v15;
	v12 =	vld.idx.msk [tilespmem:v57+s24+$0x0], $0xffff  }
0x314: {  	v58 =	vor.u32 $0x6080, v13;
	_ =	sdelay $0x3  }
0x315: {  	[tilespmem:v14+s23+$0x0] =	vst.idx.msk $0xffff, v12  }
0x316: {  	v14 =	vor.u32 $0x9, v15;
	v12 =	vld.idx.msk [tilespmem:v58+s24+$0x0], $0xffff  }
0x317: {  	v59 =	vor.u32 $0x6100, v13;
	_ =	sdelay $0x3  }
0x318: {  	[tilespmem:v14+s23+$0x0] =	vst.idx.msk $0xffff, v12  }
0x319: {  	v14 =	vor.u32 $0xA, v15;
	v12 =	vld.idx.msk [tilespmem:v59+s24+$0x0], $0xffff  }
0x31a: {  	v60 =	vor.u32 $0x6180, v13;
	_ =	sdelay $0x3  }
0x31b: {  	[tilespmem:v14+s23+$0x0] =	vst.idx.msk $0xffff, v12  }
0x31c: {  	v14 =	vor.u32 $0xB, v15;
	v12 =	vld.idx.msk [tilespmem:v60+s24+$0x0], $0xffff  }
0x31d: {  	v61 =	vor.u32 $0x6200, v13;
	_ =	sdelay $0x3  }
0x31e: {  	[tilespmem:v14+s23+$0x0] =	vst.idx.msk $0xffff, v12  }
0x31f: {  	v14 =	vor.u32 $0xC, v15;
	v12 =	vld.idx.msk [tilespmem:v61+s24+$0x0], $0xffff  }
0x320: {  	v62 =	vor.u32 $0x6280, v13;
	_ =	sdelay $0x3  }
0x321: {  	[tilespmem:v14+s23+$0x0] =	vst.idx.msk $0xffff, v12  }
0x322: {  	v14 =	vor.u32 $0xD, v15;
	v12 =	vld.idx.msk [tilespmem:v62+s24+$0x0], $0xffff  }
0x323: {  	v63 =	vor.u32 $0x6300, v13;
	_ =	sdelay $0x3  }
0x324: {  	[tilespmem:v14+s23+$0x0] =	vst.idx.msk $0xffff, v12  }
0x325: {  	v14 =	vor.u32 $0xE, v15;
	v12 =	vld.idx.msk [tilespmem:v63+s24+$0x0], $0xffff  }
0x326: {  	v13 =	vor.u32 $0x6380, v13;
	_ =	sdelay $0x3  }
0x327: {  	[tilespmem:v14+s23+$0x0] =	vst.idx.msk $0xffff, v12  }
0x328: {  	s7 =	simm.s32 $0x40;
	v12 =	vld.idx.msk [tilespmem:v13+s24+$0x0], $0xffff;
	v13 =	vor.u32 $0xF, v15  }
.LBB2_21:
0x329: {  	_ =	sdelay $0x3  }
0x32a: {  	p0 =	sne.s32 s7, $0x80;
	s11 =	smov.u32 s7;
	s7 =	sadd.s32 $0x40, s7;
	[tilespmem:v13+s23+$0x0] =	vst.idx.msk $0xffff, v12  }
0x32b: {  	s11 =	sshra.s32 s11, $0x2  }
0x32c: {  	v12 =	vld.idx.msk [tilespmem:v11+s11+$0x0 ss:$0x1], $0xffff;
	_ =	sdelay $0x5  }
0x32d: {  	v13 =	vshll.u32 v12, $0x3;
	v14 =	vshra.s32 v12, $0x3  }
0x32e: {  	v12 =	vand.u32 $0x7F, v12;
	v13 =	vand.u32 $0x1C00, v13  }
0x32f: {  	v12 =	vor.u32 v12, v13  }
0x330: {  	v13 =	vor.u32 $0x4000, v12;
	_ =	sdelay $0x4  }
0x331: {  	v15 =	vld.idx.msk [tilespmem:v13+s24+$0x0], $0xffff  }
0x332: {  	v13 =	vand.u32 $0xFFFFFF80, v14  }
0x333: {  	v14 =	vor.u32 $0x4080, v12;
	_ =	sdelay $0x3  }
0x334: {  	[tilespmem:v13+s23+$0x0] =	vst.idx.msk $0xffff, v15  }
0x335: {  	v14 =	vld.idx.msk [tilespmem:v14+s24+$0x0], $0xffff  }
0x336: {  	v15 =	vor.u32 $0x1, v13  }
0x337: {  	v16 =	vor.u32 $0x4100, v12;
	_ =	sdelay $0x3  }
0x338: {  	[tilespmem:v15+s23+$0x0] =	vst.idx.msk $0xffff, v14  }
0x339: {  	v14 =	vld.idx.msk [tilespmem:v16+s24+$0x0], $0xffff  }
0x33a: {  	v15 =	vor.u32 $0x2, v13  }
0x33b: {  	v16 =	vor.u32 $0x4180, v12;
	_ =	sdelay $0x3  }
0x33c: {  	[tilespmem:v15+s23+$0x0] =	vst.idx.msk $0xffff, v14  }
0x33d: {  	v14 =	vld.idx.msk [tilespmem:v16+s24+$0x0], $0xffff  }
0x33e: {  	v15 =	vor.u32 $0x3, v13  }
0x33f: {  	v16 =	vor.u32 $0x4200, v12;
	_ =	sdelay $0x3  }
0x340: {  	[tilespmem:v15+s23+$0x0] =	vst.idx.msk $0xffff, v14  }
0x341: {  	v14 =	vld.idx.msk [tilespmem:v16+s24+$0x0], $0xffff  }
0x342: {  	v15 =	vor.u32 $0x4, v13  }
0x343: {  	v16 =	vor.u32 $0x4280, v12;
	_ =	sdelay $0x3  }
0x344: {  	[tilespmem:v15+s23+$0x0] =	vst.idx.msk $0xffff, v14  }
0x345: {  	v14 =	vld.idx.msk [tilespmem:v16+s24+$0x0], $0xffff  }
0x346: {  	v15 =	vor.u32 $0x5, v13  }
0x347: {  	v16 =	vor.u32 $0x4300, v12;
	_ =	sdelay $0x3  }
0x348: {  	[tilespmem:v15+s23+$0x0] =	vst.idx.msk $0xffff, v14  }
0x349: {  	v14 =	vld.idx.msk [tilespmem:v16+s24+$0x0], $0xffff  }
0x34a: {  	v15 =	vor.u32 $0x6, v13  }
0x34b: {  	v16 =	vor.u32 $0x4380, v12;
	_ =	sdelay $0x3  }
0x34c: {  	[tilespmem:v15+s23+$0x0] =	vst.idx.msk $0xffff, v14  }
0x34d: {  	v14 =	vld.idx.msk [tilespmem:v16+s24+$0x0], $0xffff  }
0x34e: {  	v15 =	vor.u32 $0x7, v13  }
0x34f: {  	v16 =	vor.u32 $0x6000, v12;
	_ =	sdelay $0x3  }
0x350: {  	[tilespmem:v15+s23+$0x0] =	vst.idx.msk $0xffff, v14  }
0x351: {  	v14 =	vld.idx.msk [tilespmem:v16+s24+$0x0], $0xffff  }
0x352: {  	v15 =	vor.u32 $0x8, v13  }
0x353: {  	v16 =	vor.u32 $0x6080, v12;
	_ =	sdelay $0x3  }
0x354: {  	[tilespmem:v15+s23+$0x0] =	vst.idx.msk $0xffff, v14  }
0x355: {  	v14 =	vld.idx.msk [tilespmem:v16+s24+$0x0], $0xffff  }
0x356: {  	v15 =	vor.u32 $0x9, v13  }
0x357: {  	v16 =	vor.u32 $0x6100, v12;
	_ =	sdelay $0x3  }
0x358: {  	[tilespmem:v15+s23+$0x0] =	vst.idx.msk $0xffff, v14  }
0x359: {  	v14 =	vld.idx.msk [tilespmem:v16+s24+$0x0], $0xffff  }
0x35a: {  	v15 =	vor.u32 $0xA, v13  }
0x35b: {  	v16 =	vor.u32 $0x6180, v12;
	_ =	sdelay $0x3  }
0x35c: {  	[tilespmem:v15+s23+$0x0] =	vst.idx.msk $0xffff, v14  }
0x35d: {  	v14 =	vld.idx.msk [tilespmem:v16+s24+$0x0], $0xffff  }
0x35e: {  	v15 =	vor.u32 $0xB, v13  }
0x35f: {  	v16 =	vor.u32 $0x6200, v12;
	_ =	sdelay $0x3  }
0x360: {  	[tilespmem:v15+s23+$0x0] =	vst.idx.msk $0xffff, v14  }
0x361: {  	v14 =	vld.idx.msk [tilespmem:v16+s24+$0x0], $0xffff  }
0x362: {  	v15 =	vor.u32 $0xC, v13  }
0x363: {  	v16 =	vor.u32 $0x6280, v12;
	_ =	sdelay $0x3  }
0x364: {  	[tilespmem:v15+s23+$0x0] =	vst.idx.msk $0xffff, v14  }
0x365: {  	v14 =	vld.idx.msk [tilespmem:v16+s24+$0x0], $0xffff  }
0x366: {  	v15 =	vor.u32 $0xD, v13  }
0x367: {  	v16 =	vor.u32 $0x6300, v12;
	_ =	sdelay $0x3  }
0x368: {  	[tilespmem:v15+s23+$0x0] =	vst.idx.msk $0xffff, v14  }
0x369: {  	v14 =	vld.idx.msk [tilespmem:v16+s24+$0x0], $0xffff  }
0x36a: {  	v15 =	vor.u32 $0xE, v13  }
0x36b: {  	v12 =	vor.u32 $0x6380, v12;
	_ =	sdelay $0x1  }
.Ltmp9:
0x36c: {  	(pc) =	sbr.rel @p0 .LBB2_21-.Ltmp9, $4  }
0x36d: {  	_ = 	snop  }
0x36e: {  	[tilespmem:v15+s23+$0x0] =	vst.idx.msk $0xffff, v14  }
0x36f: {  	v12 =	vld.idx.msk [tilespmem:v12+s24+$0x0], $0xffff  }
0x370: {  	v13 =	vor.u32 $0xF, v13  }
0x371: {  	s0 =	sadd.s32 $0x1, s0  }
0x372: {  	p0 =	sne.s32 s0, $0xF  }
.Ltmp10:
0x373: {  	_ = 	snop;
	(pc) =	sbr.rel @p0 .LBB2_18-.Ltmp10, $2  }
0x374: {  	_ =	sdelay $0x2  }
0x375: {  	s4 =	sadd.s32 $0x100, s4;
	s5 =	sadd.s32 $0x100, s5;
	[tilespmem:v13+s23+$0x0] =	vst.idx.msk $0xffff, v12  }
0x376: {  	_ =	swait.ge [sflag:s29], $0x4000  }
0x377: {  	[sflag:s29] =	ssyncset.done $0x0  }
0x378: {  	s0 =	simm.s32 $0x0;
	[sflag:s29] =	ssyncadd.s32 $0xFFFFC000  }
0x379: {  	v11 =	vld [tilespmem:s0+$0x1F000];
	_ =	sdelay $0x4  }
0x37a: {  	v12 =	vshll.u32 v11, $0x3  }
0x37b: {  	v13 =	vand.u32 $0x7F, v11;
	v12 =	vand.u32 $0x1C00, v12  }
0x37c: {  	v12 =	vor.u32 v13, v12;
	_ =	sdelay $0x3  }
0x37d: {  	v11 =	vshra.s32 v11, $0x3  }
0x37e: {  	v11 =	vand.u32 $0xFFFFFF80, v11;
	v13 =	vld.idx.msk [tilespmem:v12+s24+$0x0], $0xffff  }
0x37f: {  	v14 =	vor.u32 $0x80, v12;
	_ =	sdelay $0x3  }
0x380: {  	[tilespmem:v11+s23+$0x0] =	vst.idx.msk $0xffff, v13  }
0x381: {  	v13 =	vld.idx.msk [tilespmem:v14+s24+$0x0], $0xffff;
	v14 =	vor.u32 $0x1, v11  }
0x382: {  	v15 =	vor.u32 $0x100, v12;
	_ =	sdelay $0x3  }
0x383: {  	[tilespmem:v14+s23+$0x0] =	vst.idx.msk $0xffff, v13  }
0x384: {  	v14 =	vor.u32 $0x2, v11;
	v13 =	vld.idx.msk [tilespmem:v15+s24+$0x0], $0xffff  }
0x385: {  	v15 =	vor.u32 $0x180, v12;
	_ =	sdelay $0x3  }
0x386: {  	[tilespmem:v14+s23+$0x0] =	vst.idx.msk $0xffff, v13  }
0x387: {  	v14 =	vor.u32 $0x3, v11;
	v13 =	vld.idx.msk [tilespmem:v15+s24+$0x0], $0xffff  }
0x388: {  	v15 =	vor.u32 $0x200, v12;
	_ =	sdelay $0x3  }
0x389: {  	[tilespmem:v14+s23+$0x0] =	vst.idx.msk $0xffff, v13  }
0x38a: {  	v14 =	vor.u32 $0x4, v11;
	v13 =	vld.idx.msk [tilespmem:v15+s24+$0x0], $0xffff  }
0x38b: {  	v15 =	vor.u32 $0x280, v12;
	_ =	sdelay $0x3  }
0x38c: {  	[tilespmem:v14+s23+$0x0] =	vst.idx.msk $0xffff, v13  }
0x38d: {  	v14 =	vor.u32 $0x5, v11;
	v13 =	vld.idx.msk [tilespmem:v15+s24+$0x0], $0xffff  }
0x38e: {  	v15 =	vor.u32 $0x300, v12;
	_ =	sdelay $0x3  }
0x38f: {  	[tilespmem:v14+s23+$0x0] =	vst.idx.msk $0xffff, v13  }
0x390: {  	v14 =	vor.u32 $0x6, v11;
	v13 =	vld.idx.msk [tilespmem:v15+s24+$0x0], $0xffff  }
0x391: {  	v15 =	vor.u32 $0x380, v12;
	_ =	sdelay $0x3  }
0x392: {  	[tilespmem:v14+s23+$0x0] =	vst.idx.msk $0xffff, v13  }
0x393: {  	v14 =	vor.u32 $0x7, v11;
	v13 =	vld.idx.msk [tilespmem:v15+s24+$0x0], $0xffff  }
0x394: {  	v15 =	vor.u32 $0x2000, v12;
	_ =	sdelay $0x3  }
0x395: {  	[tilespmem:v14+s23+$0x0] =	vst.idx.msk $0xffff, v13  }
0x396: {  	v14 =	vor.u32 $0x8, v11;
	v13 =	vld.idx.msk [tilespmem:v15+s24+$0x0], $0xffff  }
0x397: {  	v15 =	vor.u32 $0x2080, v12;
	_ =	sdelay $0x3  }
0x398: {  	[tilespmem:v14+s23+$0x0] =	vst.idx.msk $0xffff, v13  }
0x399: {  	v14 =	vor.u32 $0x9, v11;
	v13 =	vld.idx.msk [tilespmem:v15+s24+$0x0], $0xffff  }
0x39a: {  	v15 =	vor.u32 $0x2100, v12;
	_ =	sdelay $0x3  }
0x39b: {  	[tilespmem:v14+s23+$0x0] =	vst.idx.msk $0xffff, v13  }
0x39c: {  	v14 =	vor.u32 $0xA, v11;
	v13 =	vld.idx.msk [tilespmem:v15+s24+$0x0], $0xffff  }
0x39d: {  	v15 =	vor.u32 $0x2180, v12;
	_ =	sdelay $0x3  }
0x39e: {  	[tilespmem:v14+s23+$0x0] =	vst.idx.msk $0xffff, v13  }
0x39f: {  	v14 =	vor.u32 $0xB, v11;
	v13 =	vld.idx.msk [tilespmem:v15+s24+$0x0], $0xffff  }
0x3a0: {  	v15 =	vor.u32 $0x2200, v12;
	_ =	sdelay $0x3  }
0x3a1: {  	[tilespmem:v14+s23+$0x0] =	vst.idx.msk $0xffff, v13  }
0x3a2: {  	v14 =	vor.u32 $0xC, v11;
	v13 =	vld.idx.msk [tilespmem:v15+s24+$0x0], $0xffff  }
0x3a3: {  	v15 =	vor.u32 $0x2280, v12;
	_ =	sdelay $0x3  }
0x3a4: {  	[tilespmem:v14+s23+$0x0] =	vst.idx.msk $0xffff, v13  }
0x3a5: {  	v14 =	vor.u32 $0xD, v11;
	v13 =	vld.idx.msk [tilespmem:v15+s24+$0x0], $0xffff  }
0x3a6: {  	v15 =	vor.u32 $0x2300, v12;
	_ =	sdelay $0x3  }
0x3a7: {  	[tilespmem:v14+s23+$0x0] =	vst.idx.msk $0xffff, v13  }
0x3a8: {  	v14 =	vor.u32 $0xE, v11;
	v13 =	vld.idx.msk [tilespmem:v15+s24+$0x0], $0xffff  }
0x3a9: {  	v12 =	vor.u32 $0x2380, v12;
	_ =	sdelay $0x3  }
0x3aa: {  	[tilespmem:v14+s23+$0x0] =	vst.idx.msk $0xffff, v13  }
0x3ab: {  	s0 =	simm.s32 $0x40;
	v11 =	vor.u32 $0xF, v11;
	v12 =	vld.idx.msk [tilespmem:v12+s24+$0x0], $0xffff  }
.LBB2_24:
0x3ac: {  	_ =	sdelay $0x3  }
0x3ad: {  	p0 =	sne.s32 s0, $0x80;
	s4 =	smov.u32 s0;
	s0 =	sadd.s32 $0x40, s0;
	[tilespmem:v11+s23+$0x0] =	vst.idx.msk $0xffff, v12  }
0x3ae: {  	s4 =	sshra.s32 s4, $0x2  }
0x3af: {  	v11 =	vld [tilespmem:s4+$0x1F000];
	_ =	sdelay $0x4  }
0x3b0: {  	v12 =	vshll.u32 v11, $0x3;
	v13 =	vshra.s32 v11, $0x3  }
0x3b1: {  	v11 =	vand.u32 $0x7F, v11;
	v12 =	vand.u32 $0x1C00, v12  }
0x3b2: {  	v12 =	vor.u32 v11, v12;
	_ =	sdelay $0x4  }
0x3b3: {  	v14 =	vld.idx.msk [tilespmem:v12+s24+$0x0], $0xffff  }
0x3b4: {  	v11 =	vand.u32 $0xFFFFFF80, v13  }
0x3b5: {  	v13 =	vor.u32 $0x80, v12;
	_ =	sdelay $0x3  }
0x3b6: {  	[tilespmem:v11+s23+$0x0] =	vst.idx.msk $0xffff, v14  }
0x3b7: {  	v13 =	vld.idx.msk [tilespmem:v13+s24+$0x0], $0xffff  }
0x3b8: {  	v14 =	vor.u32 $0x1, v11  }
0x3b9: {  	v15 =	vor.u32 $0x100, v12;
	_ =	sdelay $0x3  }
0x3ba: {  	[tilespmem:v14+s23+$0x0] =	vst.idx.msk $0xffff, v13  }
0x3bb: {  	v13 =	vld.idx.msk [tilespmem:v15+s24+$0x0], $0xffff  }
0x3bc: {  	v14 =	vor.u32 $0x2, v11  }
0x3bd: {  	v15 =	vor.u32 $0x180, v12;
	_ =	sdelay $0x3  }
0x3be: {  	[tilespmem:v14+s23+$0x0] =	vst.idx.msk $0xffff, v13  }
0x3bf: {  	v13 =	vld.idx.msk [tilespmem:v15+s24+$0x0], $0xffff  }
0x3c0: {  	v14 =	vor.u32 $0x3, v11  }
0x3c1: {  	v15 =	vor.u32 $0x200, v12;
	_ =	sdelay $0x3  }
0x3c2: {  	[tilespmem:v14+s23+$0x0] =	vst.idx.msk $0xffff, v13  }
0x3c3: {  	v13 =	vld.idx.msk [tilespmem:v15+s24+$0x0], $0xffff  }
0x3c4: {  	v14 =	vor.u32 $0x4, v11  }
0x3c5: {  	v15 =	vor.u32 $0x280, v12;
	_ =	sdelay $0x3  }
0x3c6: {  	[tilespmem:v14+s23+$0x0] =	vst.idx.msk $0xffff, v13  }
0x3c7: {  	v13 =	vld.idx.msk [tilespmem:v15+s24+$0x0], $0xffff  }
0x3c8: {  	v14 =	vor.u32 $0x5, v11  }
0x3c9: {  	v15 =	vor.u32 $0x300, v12;
	_ =	sdelay $0x3  }
0x3ca: {  	[tilespmem:v14+s23+$0x0] =	vst.idx.msk $0xffff, v13  }
0x3cb: {  	v13 =	vld.idx.msk [tilespmem:v15+s24+$0x0], $0xffff  }
0x3cc: {  	v14 =	vor.u32 $0x6, v11  }
0x3cd: {  	v15 =	vor.u32 $0x380, v12;
	_ =	sdelay $0x3  }
0x3ce: {  	[tilespmem:v14+s23+$0x0] =	vst.idx.msk $0xffff, v13  }
0x3cf: {  	v13 =	vld.idx.msk [tilespmem:v15+s24+$0x0], $0xffff  }
0x3d0: {  	v14 =	vor.u32 $0x7, v11  }
0x3d1: {  	v15 =	vor.u32 $0x2000, v12;
	_ =	sdelay $0x3  }
0x3d2: {  	[tilespmem:v14+s23+$0x0] =	vst.idx.msk $0xffff, v13  }
0x3d3: {  	v13 =	vld.idx.msk [tilespmem:v15+s24+$0x0], $0xffff  }
0x3d4: {  	v14 =	vor.u32 $0x8, v11  }
0x3d5: {  	v15 =	vor.u32 $0x2080, v12;
	_ =	sdelay $0x3  }
0x3d6: {  	[tilespmem:v14+s23+$0x0] =	vst.idx.msk $0xffff, v13  }
0x3d7: {  	v13 =	vld.idx.msk [tilespmem:v15+s24+$0x0], $0xffff  }
0x3d8: {  	v14 =	vor.u32 $0x9, v11  }
0x3d9: {  	v15 =	vor.u32 $0x2100, v12;
	_ =	sdelay $0x3  }
0x3da: {  	[tilespmem:v14+s23+$0x0] =	vst.idx.msk $0xffff, v13  }
0x3db: {  	v13 =	vld.idx.msk [tilespmem:v15+s24+$0x0], $0xffff  }
0x3dc: {  	v14 =	vor.u32 $0xA, v11  }
0x3dd: {  	v15 =	vor.u32 $0x2180, v12;
	_ =	sdelay $0x3  }
0x3de: {  	[tilespmem:v14+s23+$0x0] =	vst.idx.msk $0xffff, v13  }
0x3df: {  	v13 =	vld.idx.msk [tilespmem:v15+s24+$0x0], $0xffff  }
0x3e0: {  	v14 =	vor.u32 $0xB, v11  }
0x3e1: {  	v15 =	vor.u32 $0x2200, v12;
	_ =	sdelay $0x3  }
0x3e2: {  	[tilespmem:v14+s23+$0x0] =	vst.idx.msk $0xffff, v13  }
0x3e3: {  	v13 =	vld.idx.msk [tilespmem:v15+s24+$0x0], $0xffff  }
0x3e4: {  	v14 =	vor.u32 $0xC, v11  }
0x3e5: {  	v15 =	vor.u32 $0x2280, v12;
	_ =	sdelay $0x3  }
0x3e6: {  	[tilespmem:v14+s23+$0x0] =	vst.idx.msk $0xffff, v13  }
0x3e7: {  	v13 =	vld.idx.msk [tilespmem:v15+s24+$0x0], $0xffff  }
0x3e8: {  	v14 =	vor.u32 $0xD, v11  }
0x3e9: {  	v15 =	vor.u32 $0x2300, v12;
	_ =	sdelay $0x3  }
0x3ea: {  	[tilespmem:v14+s23+$0x0] =	vst.idx.msk $0xffff, v13  }
0x3eb: {  	v13 =	vld.idx.msk [tilespmem:v15+s24+$0x0], $0xffff  }
0x3ec: {  	v14 =	vor.u32 $0xE, v11  }
0x3ed: {  	v12 =	vor.u32 $0x2380, v12;
	_ =	sdelay $0x1  }
.Ltmp11:
0x3ee: {  	(pc) =	sbr.rel @p0 .LBB2_24-.Ltmp11, $4  }
0x3ef: {  	_ = 	snop  }
0x3f0: {  	[tilespmem:v14+s23+$0x0] =	vst.idx.msk $0xffff, v13  }
0x3f1: {  	v12 =	vld.idx.msk [tilespmem:v12+s24+$0x0], $0xffff  }
0x3f2: {  	v11 =	vor.u32 $0xF, v11  }
0x3f3: {  	_ =	sdelay $0x3  }
0x3f4: {  	s4 =	simm.s32 $0x0;
	s0 =	rddreg [dreg:$0x8];
	[tilespmem:v11+s23+$0x0] =	vst.idx.msk $0xffff, v12  }
0x3f5: {  	[tilespmem:s24], [sflag:$0x3] =	stream.linear.gather [hbm4b:s0+s4], $0x4000, $0x38;
	[tilespmem:$0x1F100] =	vst v63  }
0x3f6: {  	_ =	swait.ge [sflag:s17], $0x4000  }
0x3f7: {  	[sflag:s17] =	ssyncset.done $0x0  }
0x3f8: {  	s0 =	simm.s32 $0xE80;
	[sflag:s17] =	ssyncadd.s32 $0xFFFFC000  }
0x3f9: {  	v11 =	vld [tilespmem:s0+$0x0];
	_ =	sdelay $0x4  }
0x3fa: {  	vm0 =	vgt.s32 v11, $0x0  }
0x3fb: {  	v11 =	vnsel vm0, $0x0, v11  }
0x3fc: {  	v11 =	vmin.u32 v11, $0x3FF  }
0x3fd: {  	v12 =	vshll.u32 v11, $0x3  }
0x3fe: {  	v13 =	vand.u32 $0x7F, v11;
	v12 =	vand.u32 $0x1C00, v12  }
0x3ff: {  	v13 =	vor.u32 v13, v12;
	_ =	sdelay $0x1  }
0x400: {  	v14 =	vmov s4  }
0x401: {  	v14 =	vshll.u32 v14, $0x7  }
0x402: {  	v14 =	vor.u32 v10, v14  }
0x403: {  	v16 =	vor.u32 $0x30, v14;
	v15 =	vld.idx.msk [tilespmem:v13+s24+$0x0], $0xffff  }
0x404: {  	v17 =	vor.u32 $0x80, v13;
	_ =	sdelay $0x3  }
0x405: {  	[tilespmem:v16+s23+$0x0] =	vst.idx.msk $0xffff, v15  }
0x406: {  	v47 =	vor.u32 $0x31, v14;
	v15 =	vld.idx.msk [tilespmem:v17+s24+$0x0], $0xffff  }
0x407: {  	v48 =	vor.u32 $0x100, v13;
	_ =	sdelay $0x3  }
0x408: {  	[tilespmem:v47+s23+$0x0] =	vst.idx.msk $0xffff, v15  }
0x409: {  	v49 =	vor.u32 $0x32, v14;
	v15 =	vld.idx.msk [tilespmem:v48+s24+$0x0], $0xffff  }
0x40a: {  	v50 =	vor.u32 $0x180, v13;
	_ =	sdelay $0x3  }
0x40b: {  	[tilespmem:v49+s23+$0x0] =	vst.idx.msk $0xffff, v15  }
0x40c: {  	v51 =	vor.u32 $0x33, v14;
	v15 =	vld.idx.msk [tilespmem:v50+s24+$0x0], $0xffff  }
0x40d: {  	v52 =	vor.u32 $0x200, v13;
	_ =	sdelay $0x3  }
0x40e: {  	[tilespmem:v51+s23+$0x0] =	vst.idx.msk $0xffff, v15  }
0x40f: {  	v53 =	vor.u32 $0x34, v14;
	v15 =	vld.idx.msk [tilespmem:v52+s24+$0x0], $0xffff  }
0x410: {  	v54 =	vor.u32 $0x280, v13;
	_ =	sdelay $0x3  }
0x411: {  	[tilespmem:v53+s23+$0x0] =	vst.idx.msk $0xffff, v15  }
0x412: {  	v55 =	vor.u32 $0x35, v14;
	v15 =	vld.idx.msk [tilespmem:v54+s24+$0x0], $0xffff  }
0x413: {  	v56 =	vor.u32 $0x300, v13;
	_ =	sdelay $0x3  }
0x414: {  	[tilespmem:v55+s23+$0x0] =	vst.idx.msk $0xffff, v15  }
0x415: {  	v11 =	vor.u32 v11, v12;
	v15 =	vor.u32 $0x36, v14;
	v12 =	vld.idx.msk [tilespmem:v56+s24+$0x0], $0xffff  }
0x416: {  	v57 =	vor.u32 $0x380, v11;
	_ =	sdelay $0x3  }
0x417: {  	[tilespmem:v15+s23+$0x0] =	vst.idx.msk $0xffff, v12  }
0x418: {  	v15 =	vor.u32 $0x37, v14;
	v12 =	vld.idx.msk [tilespmem:v57+s24+$0x0], $0xffff  }
0x419: {  	v58 =	vor.u32 $0x2000, v13;
	_ =	sdelay $0x3  }
0x41a: {  	[tilespmem:v15+s23+$0x0] =	vst.idx.msk $0xffff, v12  }
0x41b: {  	v15 =	vor.u32 $0x38, v14;
	v12 =	vld.idx.msk [tilespmem:v58+s24+$0x0], $0xffff  }
0x41c: {  	v59 =	vor.u32 $0x2080, v13;
	_ =	sdelay $0x3  }
0x41d: {  	[tilespmem:v15+s23+$0x0] =	vst.idx.msk $0xffff, v12  }
0x41e: {  	v15 =	vor.u32 $0x39, v14;
	v12 =	vld.idx.msk [tilespmem:v59+s24+$0x0], $0xffff  }
0x41f: {  	v60 =	vor.u32 $0x2100, v13;
	_ =	sdelay $0x3  }
0x420: {  	[tilespmem:v15+s23+$0x0] =	vst.idx.msk $0xffff, v12  }
0x421: {  	v15 =	vor.u32 $0x3A, v14;
	v12 =	vld.idx.msk [tilespmem:v60+s24+$0x0], $0xffff  }
0x422: {  	v61 =	vor.u32 $0x2180, v13;
	_ =	sdelay $0x3  }
0x423: {  	[tilespmem:v15+s23+$0x0] =	vst.idx.msk $0xffff, v12  }
0x424: {  	v15 =	vor.u32 $0x3B, v14;
	v12 =	vld.idx.msk [tilespmem:v61+s24+$0x0], $0xffff  }
0x425: {  	v62 =	vor.u32 $0x2200, v13;
	_ =	sdelay $0x3  }
0x426: {  	[tilespmem:v15+s23+$0x0] =	vst.idx.msk $0xffff, v12  }
0x427: {  	v15 =	vor.u32 $0x3C, v14;
	v12 =	vld.idx.msk [tilespmem:v62+s24+$0x0], $0xffff  }
0x428: {  	v63 =	vor.u32 $0x2280, v13;
	_ =	sdelay $0x3  }
0x429: {  	[tilespmem:v15+s23+$0x0] =	vst.idx.msk $0xffff, v12  }
0x42a: {  	v15 =	vor.u32 $0x3D, v14;
	v12 =	vld.idx.msk [tilespmem:v63+s24+$0x0], $0xffff  }
0x42b: {  	v13 =	vor.u32 $0x2300, v13;
	_ =	sdelay $0x3  }
0x42c: {  	[tilespmem:v15+s23+$0x0] =	vst.idx.msk $0xffff, v12  }
0x42d: {  	v12 =	vld.idx.msk [tilespmem:v13+s24+$0x0], $0xffff;
	v13 =	vor.u32 $0x3E, v14  }
0x42e: {  	v11 =	vor.u32 $0x2380, v11;
	_ =	sdelay $0x3  }
0x42f: {  	[tilespmem:v13+s23+$0x0] =	vst.idx.msk $0xffff, v12  }
0x430: {  	s4 =	simm.s32 $0x10;
	v12 =	vld.idx.msk [tilespmem:v11+s24+$0x0], $0xffff;
	v11 =	vor.u32 $0x3F, v14  }
.LBB2_26:
0x431: {  	_ =	sdelay $0x2  }
0x432: {  	p0 =	sne.s32 s4, $0x270  }
0x433: {  	s0 =	sadd.s32 $0x10, s0;
	s5 =	smov.u32 s4;
	s4 =	sadd.s32 $0x10, s4;
	[tilespmem:v11+s23+$0x0] =	vst.idx.msk $0xffff, v12  }
0x434: {  	v11 =	vld [tilespmem:s0+$0x0];
	_ =	sdelay $0x4  }
0x435: {  	vm0 =	vgt.s32 v11, $0x0  }
0x436: {  	v11 =	vnsel vm0, $0x0, v11  }
0x437: {  	v11 =	vmin.u32 v11, $0x3FF  }
0x438: {  	v12 =	vshll.u32 v11, $0x3  }
0x439: {  	v13 =	vand.u32 $0x7F, v11;
	v12 =	vand.u32 $0x1C00, v12  }
0x43a: {  	v13 =	vor.u32 v13, v12;
	v12 =	vor.u32 v11, v12;
	_ =	sdelay $0x2  }
0x43b: {  	v11 =	vmov s5  }
0x43c: {  	v11 =	vshll.u32 v11, $0x7  }
0x43d: {  	v11 =	vor.u32 v10, v11;
	v14 =	vld.idx.msk [tilespmem:v13+s24+$0x0], $0xffff  }
0x43e: {  	v15 =	vor.u32 $0x30, v11  }
0x43f: {  	v16 =	vor.u32 $0x80, v13;
	_ =	sdelay $0x3  }
0x440: {  	[tilespmem:v15+s23+$0x0] =	vst.idx.msk $0xffff, v14  }
0x441: {  	v14 =	vld.idx.msk [tilespmem:v16+s24+$0x0], $0xffff  }
0x442: {  	v15 =	vor.u32 $0x31, v11  }
0x443: {  	v16 =	vor.u32 $0x100, v13;
	_ =	sdelay $0x3  }
0x444: {  	[tilespmem:v15+s23+$0x0] =	vst.idx.msk $0xffff, v14  }
0x445: {  	v14 =	vld.idx.msk [tilespmem:v16+s24+$0x0], $0xffff  }
0x446: {  	v15 =	vor.u32 $0x32, v11  }
0x447: {  	v16 =	vor.u32 $0x180, v13;
	_ =	sdelay $0x3  }
0x448: {  	[tilespmem:v15+s23+$0x0] =	vst.idx.msk $0xffff, v14  }
0x449: {  	v14 =	vld.idx.msk [tilespmem:v16+s24+$0x0], $0xffff  }
0x44a: {  	v15 =	vor.u32 $0x33, v11  }
0x44b: {  	v16 =	vor.u32 $0x200, v13;
	_ =	sdelay $0x3  }
0x44c: {  	[tilespmem:v15+s23+$0x0] =	vst.idx.msk $0xffff, v14  }
0x44d: {  	v14 =	vld.idx.msk [tilespmem:v16+s24+$0x0], $0xffff  }
0x44e: {  	v15 =	vor.u32 $0x34, v11  }
0x44f: {  	v16 =	vor.u32 $0x280, v13;
	_ =	sdelay $0x3  }
0x450: {  	[tilespmem:v15+s23+$0x0] =	vst.idx.msk $0xffff, v14  }
0x451: {  	v14 =	vld.idx.msk [tilespmem:v16+s24+$0x0], $0xffff  }
0x452: {  	v15 =	vor.u32 $0x35, v11  }
0x453: {  	v16 =	vor.u32 $0x300, v13;
	_ =	sdelay $0x3  }
0x454: {  	[tilespmem:v15+s23+$0x0] =	vst.idx.msk $0xffff, v14  }
0x455: {  	v14 =	vld.idx.msk [tilespmem:v16+s24+$0x0], $0xffff  }
0x456: {  	v15 =	vor.u32 $0x36, v11  }
0x457: {  	v16 =	vor.u32 $0x380, v12;
	_ =	sdelay $0x3  }
0x458: {  	[tilespmem:v15+s23+$0x0] =	vst.idx.msk $0xffff, v14  }
0x459: {  	v14 =	vld.idx.msk [tilespmem:v16+s24+$0x0], $0xffff  }
0x45a: {  	v15 =	vor.u32 $0x37, v11  }
0x45b: {  	v16 =	vor.u32 $0x2000, v13;
	_ =	sdelay $0x3  }
0x45c: {  	[tilespmem:v15+s23+$0x0] =	vst.idx.msk $0xffff, v14  }
0x45d: {  	v14 =	vld.idx.msk [tilespmem:v16+s24+$0x0], $0xffff  }
0x45e: {  	v15 =	vor.u32 $0x38, v11  }
0x45f: {  	v16 =	vor.u32 $0x2080, v13;
	_ =	sdelay $0x3  }
0x460: {  	[tilespmem:v15+s23+$0x0] =	vst.idx.msk $0xffff, v14  }
0x461: {  	v14 =	vld.idx.msk [tilespmem:v16+s24+$0x0], $0xffff  }
0x462: {  	v15 =	vor.u32 $0x39, v11  }
0x463: {  	v16 =	vor.u32 $0x2100, v13;
	_ =	sdelay $0x3  }
0x464: {  	[tilespmem:v15+s23+$0x0] =	vst.idx.msk $0xffff, v14  }
0x465: {  	v14 =	vld.idx.msk [tilespmem:v16+s24+$0x0], $0xffff  }
0x466: {  	v15 =	vor.u32 $0x3A, v11  }
0x467: {  	v16 =	vor.u32 $0x2180, v13;
	_ =	sdelay $0x3  }
0x468: {  	[tilespmem:v15+s23+$0x0] =	vst.idx.msk $0xffff, v14  }
0x469: {  	v14 =	vld.idx.msk [tilespmem:v16+s24+$0x0], $0xffff  }
0x46a: {  	v15 =	vor.u32 $0x3B, v11  }
0x46b: {  	v16 =	vor.u32 $0x2200, v13;
	_ =	sdelay $0x3  }
0x46c: {  	[tilespmem:v15+s23+$0x0] =	vst.idx.msk $0xffff, v14  }
0x46d: {  	v14 =	vld.idx.msk [tilespmem:v16+s24+$0x0], $0xffff  }
0x46e: {  	v15 =	vor.u32 $0x3C, v11  }
0x46f: {  	v16 =	vor.u32 $0x2280, v13;
	_ =	sdelay $0x3  }
0x470: {  	[tilespmem:v15+s23+$0x0] =	vst.idx.msk $0xffff, v14  }
0x471: {  	v14 =	vld.idx.msk [tilespmem:v16+s24+$0x0], $0xffff  }
0x472: {  	v15 =	vor.u32 $0x3D, v11  }
0x473: {  	v13 =	vor.u32 $0x2300, v13;
	_ =	sdelay $0x3  }
0x474: {  	[tilespmem:v15+s23+$0x0] =	vst.idx.msk $0xffff, v14  }
0x475: {  	v13 =	vld.idx.msk [tilespmem:v13+s24+$0x0], $0xffff  }
0x476: {  	v14 =	vor.u32 $0x3E, v11  }
0x477: {  	v12 =	vor.u32 $0x2380, v12;
	_ =	sdelay $0x1  }
.Ltmp12:
0x478: {  	(pc) =	sbr.rel @p0 .LBB2_26-.Ltmp12, $4  }
0x479: {  	_ = 	snop  }
0x47a: {  	[tilespmem:v14+s23+$0x0] =	vst.idx.msk $0xffff, v13  }
0x47b: {  	v12 =	vld.idx.msk [tilespmem:v12+s24+$0x0], $0xffff  }
0x47c: {  	v11 =	vor.u32 $0x3F, v11  }
0x47d: {  	_ =	sdelay $0x3  }
0x47e: {  	s0 =	simm.s32 $0x0;
	s5 =	simm.s32 $0x1E100;
	s4 =	simm.s32 $0x1E180;
	[tilespmem:v11+s23+$0x0] =	vst.idx.msk $0xffff, v12  }
0x47f: {  	[tilespmem:s24], [sflag:$0x1] =	stream.strided.gather [hbm4b:s14+s25], $0x4000, s26, s25, $0x38;
	[tilespmem:$0x1F100] =	vst v63  }
.LBB2_28:
0x480: {  	s7 =	sshll.u32 s0, $0xE  }
0x481: {  	s7 =	sadd.s32 s7, s10  }
0x482: {  	s7 =	sadd.s32 $0x2000, s7  }
0x483: {  	s7 =	sshrl.u32 s7, $0x3  }
0x484: {  	v11 =	vmov s5;
	s7 =	sadd.s32 s3, s7  }
0x485: {  	[tilespmem:s28], [sflag:$0x2] =	stream.strided.gather [hbm4b:s7+s25], $0x4000, s26, s25, $0x38;
	[tilespmem:$0x1F100] =	vst v63  }
0x486: {  	_ =	swait.ge [sflag:s29], $0x4000  }
0x487: {  	[sflag:s29] =	ssyncset.done $0x0  }
0x488: {  	s13 =	simm.s32 $0x0;
	[sflag:s29] =	ssyncadd.s32 $0xFFFFC000  }
0x489: {  	v12 =	vld.idx.msk [tilespmem:v11+s13+$0x0 ss:$0x1], $0xffff;
	_ =	sdelay $0x4  }
0x48a: {  	v13 =	vshll.u32 v12, $0x3  }
0x48b: {  	v14 =	vand.u32 $0x7F, v12;
	v13 =	vand.u32 $0x1C00, v13  }
0x48c: {  	v13 =	vor.u32 v14, v13;
	_ =	sdelay $0x2  }
0x48d: {  	v12 =	vshra.s32 v12, $0x3  }
0x48e: {  	v12 =	vand.u32 $0xFFFFFF80, v12  }
0x48f: {  	v15 =	vor.u32 $0x10, v12;
	v14 =	vld.idx.msk [tilespmem:v13+s24+$0x0], $0xffff  }
0x490: {  	v16 =	vor.u32 $0x80, v13;
	_ =	sdelay $0x3  }
0x491: {  	[tilespmem:v15+s23+$0x0] =	vst.idx.msk $0xffff, v14  }
0x492: {  	v15 =	vor.u32 $0x11, v12;
	v14 =	vld.idx.msk [tilespmem:v16+s24+$0x0], $0xffff  }
0x493: {  	v51 =	vor.u32 $0x100, v13;
	_ =	sdelay $0x3  }
0x494: {  	[tilespmem:v15+s23+$0x0] =	vst.idx.msk $0xffff, v14  }
0x495: {  	v15 =	vor.u32 $0x12, v12;
	v14 =	vld.idx.msk [tilespmem:v51+s24+$0x0], $0xffff  }
0x496: {  	v52 =	vor.u32 $0x180, v13;
	_ =	sdelay $0x3  }
0x497: {  	[tilespmem:v15+s23+$0x0] =	vst.idx.msk $0xffff, v14  }
0x498: {  	v15 =	vor.u32 $0x13, v12;
	v14 =	vld.idx.msk [tilespmem:v52+s24+$0x0], $0xffff  }
0x499: {  	v53 =	vor.u32 $0x200, v13;
	_ =	sdelay $0x3  }
0x49a: {  	[tilespmem:v15+s23+$0x0] =	vst.idx.msk $0xffff, v14  }
0x49b: {  	v15 =	vor.u32 $0x14, v12;
	v14 =	vld.idx.msk [tilespmem:v53+s24+$0x0], $0xffff  }
0x49c: {  	v54 =	vor.u32 $0x280, v13;
	_ =	sdelay $0x3  }
0x49d: {  	[tilespmem:v15+s23+$0x0] =	vst.idx.msk $0xffff, v14  }
0x49e: {  	v15 =	vor.u32 $0x15, v12;
	v14 =	vld.idx.msk [tilespmem:v54+s24+$0x0], $0xffff  }
0x49f: {  	v55 =	vor.u32 $0x300, v13;
	_ =	sdelay $0x3  }
0x4a0: {  	[tilespmem:v15+s23+$0x0] =	vst.idx.msk $0xffff, v14  }
0x4a1: {  	v15 =	vor.u32 $0x16, v12;
	v14 =	vld.idx.msk [tilespmem:v55+s24+$0x0], $0xffff  }
0x4a2: {  	v56 =	vor.u32 $0x380, v13;
	_ =	sdelay $0x3  }
0x4a3: {  	[tilespmem:v15+s23+$0x0] =	vst.idx.msk $0xffff, v14  }
0x4a4: {  	v15 =	vor.u32 $0x17, v12;
	v14 =	vld.idx.msk [tilespmem:v56+s24+$0x0], $0xffff  }
0x4a5: {  	v57 =	vor.u32 $0x2000, v13;
	_ =	sdelay $0x3  }
0x4a6: {  	[tilespmem:v15+s23+$0x0] =	vst.idx.msk $0xffff, v14  }
0x4a7: {  	v15 =	vor.u32 $0x18, v12;
	v14 =	vld.idx.msk [tilespmem:v57+s24+$0x0], $0xffff  }
0x4a8: {  	v58 =	vor.u32 $0x2080, v13;
	_ =	sdelay $0x3  }
0x4a9: {  	[tilespmem:v15+s23+$0x0] =	vst.idx.msk $0xffff, v14  }
0x4aa: {  	v15 =	vor.u32 $0x19, v12;
	v14 =	vld.idx.msk [tilespmem:v58+s24+$0x0], $0xffff  }
0x4ab: {  	v59 =	vor.u32 $0x2100, v13;
	_ =	sdelay $0x3  }
0x4ac: {  	[tilespmem:v15+s23+$0x0] =	vst.idx.msk $0xffff, v14  }
0x4ad: {  	v15 =	vor.u32 $0x1A, v12;
	v14 =	vld.idx.msk [tilespmem:v59+s24+$0x0], $0xffff  }
0x4ae: {  	v60 =	vor.u32 $0x2180, v13;
	_ =	sdelay $0x3  }
0x4af: {  	[tilespmem:v15+s23+$0x0] =	vst.idx.msk $0xffff, v14  }
0x4b0: {  	v15 =	vor.u32 $0x1B, v12;
	v14 =	vld.idx.msk [tilespmem:v60+s24+$0x0], $0xffff  }
0x4b1: {  	v61 =	vor.u32 $0x2200, v13;
	_ =	sdelay $0x3  }
0x4b2: {  	[tilespmem:v15+s23+$0x0] =	vst.idx.msk $0xffff, v14  }
0x4b3: {  	v15 =	vor.u32 $0x1C, v12;
	v14 =	vld.idx.msk [tilespmem:v61+s24+$0x0], $0xffff  }
0x4b4: {  	v62 =	vor.u32 $0x2280, v13;
	_ =	sdelay $0x3  }
0x4b5: {  	[tilespmem:v15+s23+$0x0] =	vst.idx.msk $0xffff, v14  }
0x4b6: {  	v15 =	vor.u32 $0x1D, v12;
	v14 =	vld.idx.msk [tilespmem:v62+s24+$0x0], $0xffff  }
0x4b7: {  	v63 =	vor.u32 $0x2300, v13;
	_ =	sdelay $0x3  }
0x4b8: {  	[tilespmem:v15+s23+$0x0] =	vst.idx.msk $0xffff, v14  }
0x4b9: {  	v15 =	vor.u32 $0x1E, v12;
	v14 =	vld.idx.msk [tilespmem:v63+s24+$0x0], $0xffff  }
0x4ba: {  	v13 =	vor.u32 $0x2380, v13;
	_ =	sdelay $0x3  }
0x4bb: {  	[tilespmem:v15+s23+$0x0] =	vst.idx.msk $0xffff, v14  }
0x4bc: {  	s7 =	simm.s32 $0x40;
	v12 =	vor.u32 $0x1F, v12;
	v13 =	vld.idx.msk [tilespmem:v13+s24+$0x0], $0xffff  }
.LBB2_29:
0x4bd: {  	_ =	sdelay $0x3  }
0x4be: {  	p0 =	sne.s32 s7, $0x80;
	s11 =	smov.u32 s7;
	s7 =	sadd.s32 $0x40, s7;
	[tilespmem:v12+s23+$0x0] =	vst.idx.msk $0xffff, v13  }
0x4bf: {  	s11 =	sshra.s32 s11, $0x2  }
0x4c0: {  	v12 =	vld.idx.msk [tilespmem:v11+s11+$0x0 ss:$0x1], $0xffff;
	_ =	sdelay $0x5  }
0x4c1: {  	v13 =	vshll.u32 v12, $0x3;
	v14 =	vshra.s32 v12, $0x3  }
0x4c2: {  	v15 =	vand.u32 $0x7F, v12;
	v13 =	vand.u32 $0x1C00, v13;
	v12 =	vand.u32 $0xFFFFFF80, v14  }
0x4c3: {  	v13 =	vor.u32 v15, v13;
	_ =	sdelay $0x4  }
0x4c4: {  	v14 =	vld.idx.msk [tilespmem:v13+s24+$0x0], $0xffff  }
0x4c5: {  	v15 =	vor.u32 $0x10, v12  }
0x4c6: {  	v16 =	vor.u32 $0x80, v13;
	_ =	sdelay $0x3  }
0x4c7: {  	[tilespmem:v15+s23+$0x0] =	vst.idx.msk $0xffff, v14  }
0x4c8: {  	v14 =	vld.idx.msk [tilespmem:v16+s24+$0x0], $0xffff  }
0x4c9: {  	v15 =	vor.u32 $0x11, v12  }
0x4ca: {  	v16 =	vor.u32 $0x100, v13;
	_ =	sdelay $0x3  }
0x4cb: {  	[tilespmem:v15+s23+$0x0] =	vst.idx.msk $0xffff, v14  }
0x4cc: {  	v14 =	vld.idx.msk [tilespmem:v16+s24+$0x0], $0xffff  }
0x4cd: {  	v15 =	vor.u32 $0x12, v12  }
0x4ce: {  	v16 =	vor.u32 $0x180, v13;
	_ =	sdelay $0x3  }
0x4cf: {  	[tilespmem:v15+s23+$0x0] =	vst.idx.msk $0xffff, v14  }
0x4d0: {  	v14 =	vld.idx.msk [tilespmem:v16+s24+$0x0], $0xffff  }
0x4d1: {  	v15 =	vor.u32 $0x13, v12  }
0x4d2: {  	v16 =	vor.u32 $0x200, v13;
	_ =	sdelay $0x3  }
0x4d3: {  	[tilespmem:v15+s23+$0x0] =	vst.idx.msk $0xffff, v14  }
0x4d4: {  	v14 =	vld.idx.msk [tilespmem:v16+s24+$0x0], $0xffff  }
0x4d5: {  	v15 =	vor.u32 $0x14, v12  }
0x4d6: {  	v16 =	vor.u32 $0x280, v13;
	_ =	sdelay $0x3  }
0x4d7: {  	[tilespmem:v15+s23+$0x0] =	vst.idx.msk $0xffff, v14  }
0x4d8: {  	v14 =	vld.idx.msk [tilespmem:v16+s24+$0x0], $0xffff  }
0x4d9: {  	v15 =	vor.u32 $0x15, v12  }
0x4da: {  	v16 =	vor.u32 $0x300, v13;
	_ =	sdelay $0x3  }
0x4db: {  	[tilespmem:v15+s23+$0x0] =	vst.idx.msk $0xffff, v14  }
0x4dc: {  	v14 =	vld.idx.msk [tilespmem:v16+s24+$0x0], $0xffff  }
0x4dd: {  	v15 =	vor.u32 $0x16, v12  }
0x4de: {  	v16 =	vor.u32 $0x380, v13;
	_ =	sdelay $0x3  }
0x4df: {  	[tilespmem:v15+s23+$0x0] =	vst.idx.msk $0xffff, v14  }
0x4e0: {  	v14 =	vld.idx.msk [tilespmem:v16+s24+$0x0], $0xffff  }
0x4e1: {  	v15 =	vor.u32 $0x17, v12  }
0x4e2: {  	v16 =	vor.u32 $0x2000, v13;
	_ =	sdelay $0x3  }
0x4e3: {  	[tilespmem:v15+s23+$0x0] =	vst.idx.msk $0xffff, v14  }
0x4e4: {  	v14 =	vld.idx.msk [tilespmem:v16+s24+$0x0], $0xffff  }
0x4e5: {  	v15 =	vor.u32 $0x18, v12  }
0x4e6: {  	v16 =	vor.u32 $0x2080, v13;
	_ =	sdelay $0x3  }
0x4e7: {  	[tilespmem:v15+s23+$0x0] =	vst.idx.msk $0xffff, v14  }
0x4e8: {  	v14 =	vld.idx.msk [tilespmem:v16+s24+$0x0], $0xffff  }
0x4e9: {  	v15 =	vor.u32 $0x19, v12  }
0x4ea: {  	v16 =	vor.u32 $0x2100, v13;
	_ =	sdelay $0x3  }
0x4eb: {  	[tilespmem:v15+s23+$0x0] =	vst.idx.msk $0xffff, v14  }
0x4ec: {  	v14 =	vld.idx.msk [tilespmem:v16+s24+$0x0], $0xffff  }
0x4ed: {  	v15 =	vor.u32 $0x1A, v12  }
0x4ee: {  	v16 =	vor.u32 $0x2180, v13;
	_ =	sdelay $0x3  }
0x4ef: {  	[tilespmem:v15+s23+$0x0] =	vst.idx.msk $0xffff, v14  }
0x4f0: {  	v14 =	vld.idx.msk [tilespmem:v16+s24+$0x0], $0xffff  }
0x4f1: {  	v15 =	vor.u32 $0x1B, v12  }
0x4f2: {  	v16 =	vor.u32 $0x2200, v13;
	_ =	sdelay $0x3  }
0x4f3: {  	[tilespmem:v15+s23+$0x0] =	vst.idx.msk $0xffff, v14  }
0x4f4: {  	v14 =	vld.idx.msk [tilespmem:v16+s24+$0x0], $0xffff  }
0x4f5: {  	v15 =	vor.u32 $0x1C, v12  }
0x4f6: {  	v16 =	vor.u32 $0x2280, v13;
	_ =	sdelay $0x3  }
0x4f7: {  	[tilespmem:v15+s23+$0x0] =	vst.idx.msk $0xffff, v14  }
0x4f8: {  	v14 =	vld.idx.msk [tilespmem:v16+s24+$0x0], $0xffff  }
0x4f9: {  	v15 =	vor.u32 $0x1D, v12  }
0x4fa: {  	v16 =	vor.u32 $0x2300, v13;
	_ =	sdelay $0x3  }
0x4fb: {  	[tilespmem:v15+s23+$0x0] =	vst.idx.msk $0xffff, v14  }
0x4fc: {  	v14 =	vld.idx.msk [tilespmem:v16+s24+$0x0], $0xffff  }
0x4fd: {  	v15 =	vor.u32 $0x1E, v12  }
0x4fe: {  	v13 =	vor.u32 $0x2380, v13;
	_ =	sdelay $0x1  }
.Ltmp13:
0x4ff: {  	(pc) =	sbr.rel @p0 .LBB2_29-.Ltmp13, $4  }
0x500: {  	_ = 	snop  }
0x501: {  	[tilespmem:v15+s23+$0x0] =	vst.idx.msk $0xffff, v14  }
0x502: {  	v13 =	vld.idx.msk [tilespmem:v13+s24+$0x0], $0xffff  }
0x503: {  	v12 =	vor.u32 $0x1F, v12  }
0x504: {  	_ =	sdelay $0x2  }
0x505: {  	s7 =	sshll.u32 s0, $0xB  }
0x506: {  	v11 =	vmov s4;
	s7 =	sadd.s32 s7, s15;
	[tilespmem:v12+s23+$0x0] =	vst.idx.msk $0xffff, v13  }
0x507: {  	[tilespmem:s24], [sflag:$0x1] =	stream.strided.gather [hbm4b:s7+s25], $0x4000, s26, s25, $0x38;
	[tilespmem:$0x1F100] =	vst v63  }
0x508: {  	_ =	swait.ge [sflag:s30], $0x4000  }
0x509: {  	[sflag:s30] =	ssyncset.done $0x0  }
0x50a: {  	s13 =	simm.s32 $0x0;
	[sflag:s30] =	ssyncadd.s32 $0xFFFFC000  }
0x50b: {  	v12 =	vld.idx.msk [tilespmem:v11+s13+$0x0 ss:$0x1], $0xffff;
	_ =	sdelay $0x4  }
0x50c: {  	v13 =	vshll.u32 v12, $0x3  }
0x50d: {  	v14 =	vand.u32 $0x7F, v12;
	v13 =	vand.u32 $0x1C00, v13  }
0x50e: {  	v13 =	vor.u32 v14, v13  }
0x50f: {  	v14 =	vor.u32 $0x4000, v13;
	_ =	sdelay $0x2  }
0x510: {  	v12 =	vshra.s32 v12, $0x3  }
0x511: {  	v12 =	vand.u32 $0xFFFFFF80, v12  }
0x512: {  	v15 =	vor.u32 $0x10, v12;
	v14 =	vld.idx.msk [tilespmem:v14+s24+$0x0], $0xffff  }
0x513: {  	v16 =	vor.u32 $0x4080, v13;
	_ =	sdelay $0x3  }
0x514: {  	[tilespmem:v15+s23+$0x0] =	vst.idx.msk $0xffff, v14  }
0x515: {  	v15 =	vor.u32 $0x11, v12;
	v14 =	vld.idx.msk [tilespmem:v16+s24+$0x0], $0xffff  }
0x516: {  	v51 =	vor.u32 $0x4100, v13;
	_ =	sdelay $0x3  }
0x517: {  	[tilespmem:v15+s23+$0x0] =	vst.idx.msk $0xffff, v14  }
0x518: {  	v15 =	vor.u32 $0x12, v12;
	v14 =	vld.idx.msk [tilespmem:v51+s24+$0x0], $0xffff  }
0x519: {  	v52 =	vor.u32 $0x4180, v13;
	_ =	sdelay $0x3  }
0x51a: {  	[tilespmem:v15+s23+$0x0] =	vst.idx.msk $0xffff, v14  }
0x51b: {  	v15 =	vor.u32 $0x13, v12;
	v14 =	vld.idx.msk [tilespmem:v52+s24+$0x0], $0xffff  }
0x51c: {  	v53 =	vor.u32 $0x4200, v13;
	_ =	sdelay $0x3  }
0x51d: {  	[tilespmem:v15+s23+$0x0] =	vst.idx.msk $0xffff, v14  }
0x51e: {  	v15 =	vor.u32 $0x14, v12;
	v14 =	vld.idx.msk [tilespmem:v53+s24+$0x0], $0xffff  }
0x51f: {  	v54 =	vor.u32 $0x4280, v13;
	_ =	sdelay $0x3  }
0x520: {  	[tilespmem:v15+s23+$0x0] =	vst.idx.msk $0xffff, v14  }
0x521: {  	v15 =	vor.u32 $0x15, v12;
	v14 =	vld.idx.msk [tilespmem:v54+s24+$0x0], $0xffff  }
0x522: {  	v55 =	vor.u32 $0x4300, v13;
	_ =	sdelay $0x3  }
0x523: {  	[tilespmem:v15+s23+$0x0] =	vst.idx.msk $0xffff, v14  }
0x524: {  	v15 =	vor.u32 $0x16, v12;
	v14 =	vld.idx.msk [tilespmem:v55+s24+$0x0], $0xffff  }
0x525: {  	v56 =	vor.u32 $0x4380, v13;
	_ =	sdelay $0x3  }
0x526: {  	[tilespmem:v15+s23+$0x0] =	vst.idx.msk $0xffff, v14  }
0x527: {  	v15 =	vor.u32 $0x17, v12;
	v14 =	vld.idx.msk [tilespmem:v56+s24+$0x0], $0xffff  }
0x528: {  	v57 =	vor.u32 $0x6000, v13;
	_ =	sdelay $0x3  }
0x529: {  	[tilespmem:v15+s23+$0x0] =	vst.idx.msk $0xffff, v14  }
0x52a: {  	v15 =	vor.u32 $0x18, v12;
	v14 =	vld.idx.msk [tilespmem:v57+s24+$0x0], $0xffff  }
0x52b: {  	v58 =	vor.u32 $0x6080, v13;
	_ =	sdelay $0x3  }
0x52c: {  	[tilespmem:v15+s23+$0x0] =	vst.idx.msk $0xffff, v14  }
0x52d: {  	v15 =	vor.u32 $0x19, v12;
	v14 =	vld.idx.msk [tilespmem:v58+s24+$0x0], $0xffff  }
0x52e: {  	v59 =	vor.u32 $0x6100, v13;
	_ =	sdelay $0x3  }
0x52f: {  	[tilespmem:v15+s23+$0x0] =	vst.idx.msk $0xffff, v14  }
0x530: {  	v15 =	vor.u32 $0x1A, v12;
	v14 =	vld.idx.msk [tilespmem:v59+s24+$0x0], $0xffff  }
0x531: {  	v60 =	vor.u32 $0x6180, v13;
	_ =	sdelay $0x3  }
0x532: {  	[tilespmem:v15+s23+$0x0] =	vst.idx.msk $0xffff, v14  }
0x533: {  	v15 =	vor.u32 $0x1B, v12;
	v14 =	vld.idx.msk [tilespmem:v60+s24+$0x0], $0xffff  }
0x534: {  	v61 =	vor.u32 $0x6200, v13;
	_ =	sdelay $0x3  }
0x535: {  	[tilespmem:v15+s23+$0x0] =	vst.idx.msk $0xffff, v14  }
0x536: {  	v15 =	vor.u32 $0x1C, v12;
	v14 =	vld.idx.msk [tilespmem:v61+s24+$0x0], $0xffff  }
0x537: {  	v62 =	vor.u32 $0x6280, v13;
	_ =	sdelay $0x3  }
0x538: {  	[tilespmem:v15+s23+$0x0] =	vst.idx.msk $0xffff, v14  }
0x539: {  	v15 =	vor.u32 $0x1D, v12;
	v14 =	vld.idx.msk [tilespmem:v62+s24+$0x0], $0xffff  }
0x53a: {  	v63 =	vor.u32 $0x6300, v13;
	_ =	sdelay $0x3  }
0x53b: {  	[tilespmem:v15+s23+$0x0] =	vst.idx.msk $0xffff, v14  }
0x53c: {  	v15 =	vor.u32 $0x1E, v12;
	v14 =	vld.idx.msk [tilespmem:v63+s24+$0x0], $0xffff  }
0x53d: {  	v13 =	vor.u32 $0x6380, v13;
	_ =	sdelay $0x3  }
0x53e: {  	[tilespmem:v15+s23+$0x0] =	vst.idx.msk $0xffff, v14  }
0x53f: {  	s7 =	simm.s32 $0x40;
	v12 =	vor.u32 $0x1F, v12;
	v13 =	vld.idx.msk [tilespmem:v13+s24+$0x0], $0xffff  }
.LBB2_31:
0x540: {  	_ =	sdelay $0x3  }
0x541: {  	p0 =	sne.s32 s7, $0x80;
	s11 =	smov.u32 s7;
	s7 =	sadd.s32 $0x40, s7;
	[tilespmem:v12+s23+$0x0] =	vst.idx.msk $0xffff, v13  }
0x542: {  	s11 =	sshra.s32 s11, $0x2  }
0x543: {  	v12 =	vld.idx.msk [tilespmem:v11+s11+$0x0 ss:$0x1], $0xffff;
	_ =	sdelay $0x5  }
0x544: {  	v13 =	vshll.u32 v12, $0x3;
	v14 =	vshra.s32 v12, $0x3  }
0x545: {  	v15 =	vand.u32 $0x7F, v12;
	v13 =	vand.u32 $0x1C00, v13;
	v12 =	vand.u32 $0xFFFFFF80, v14  }
0x546: {  	v13 =	vor.u32 v15, v13  }
0x547: {  	v14 =	vor.u32 $0x4000, v13;
	_ =	sdelay $0x4  }
0x548: {  	v14 =	vld.idx.msk [tilespmem:v14+s24+$0x0], $0xffff  }
0x549: {  	v15 =	vor.u32 $0x10, v12  }
0x54a: {  	v16 =	vor.u32 $0x4080, v13;
	_ =	sdelay $0x3  }
0x54b: {  	[tilespmem:v15+s23+$0x0] =	vst.idx.msk $0xffff, v14  }
0x54c: {  	v14 =	vld.idx.msk [tilespmem:v16+s24+$0x0], $0xffff  }
0x54d: {  	v15 =	vor.u32 $0x11, v12  }
0x54e: {  	v16 =	vor.u32 $0x4100, v13;
	_ =	sdelay $0x3  }
0x54f: {  	[tilespmem:v15+s23+$0x0] =	vst.idx.msk $0xffff, v14  }
0x550: {  	v14 =	vld.idx.msk [tilespmem:v16+s24+$0x0], $0xffff  }
0x551: {  	v15 =	vor.u32 $0x12, v12  }
0x552: {  	v16 =	vor.u32 $0x4180, v13;
	_ =	sdelay $0x3  }
0x553: {  	[tilespmem:v15+s23+$0x0] =	vst.idx.msk $0xffff, v14  }
0x554: {  	v14 =	vld.idx.msk [tilespmem:v16+s24+$0x0], $0xffff  }
0x555: {  	v15 =	vor.u32 $0x13, v12  }
0x556: {  	v16 =	vor.u32 $0x4200, v13;
	_ =	sdelay $0x3  }
0x557: {  	[tilespmem:v15+s23+$0x0] =	vst.idx.msk $0xffff, v14  }
0x558: {  	v14 =	vld.idx.msk [tilespmem:v16+s24+$0x0], $0xffff  }
0x559: {  	v15 =	vor.u32 $0x14, v12  }
0x55a: {  	v16 =	vor.u32 $0x4280, v13;
	_ =	sdelay $0x3  }
0x55b: {  	[tilespmem:v15+s23+$0x0] =	vst.idx.msk $0xffff, v14  }
0x55c: {  	v14 =	vld.idx.msk [tilespmem:v16+s24+$0x0], $0xffff  }
0x55d: {  	v15 =	vor.u32 $0x15, v12  }
0x55e: {  	v16 =	vor.u32 $0x4300, v13;
	_ =	sdelay $0x3  }
0x55f: {  	[tilespmem:v15+s23+$0x0] =	vst.idx.msk $0xffff, v14  }
0x560: {  	v14 =	vld.idx.msk [tilespmem:v16+s24+$0x0], $0xffff  }
0x561: {  	v15 =	vor.u32 $0x16, v12  }
0x562: {  	v16 =	vor.u32 $0x4380, v13;
	_ =	sdelay $0x3  }
0x563: {  	[tilespmem:v15+s23+$0x0] =	vst.idx.msk $0xffff, v14  }
0x564: {  	v14 =	vld.idx.msk [tilespmem:v16+s24+$0x0], $0xffff  }
0x565: {  	v15 =	vor.u32 $0x17, v12  }
0x566: {  	v16 =	vor.u32 $0x6000, v13;
	_ =	sdelay $0x3  }
0x567: {  	[tilespmem:v15+s23+$0x0] =	vst.idx.msk $0xffff, v14  }
0x568: {  	v14 =	vld.idx.msk [tilespmem:v16+s24+$0x0], $0xffff  }
0x569: {  	v15 =	vor.u32 $0x18, v12  }
0x56a: {  	v16 =	vor.u32 $0x6080, v13;
	_ =	sdelay $0x3  }
0x56b: {  	[tilespmem:v15+s23+$0x0] =	vst.idx.msk $0xffff, v14  }
0x56c: {  	v14 =	vld.idx.msk [tilespmem:v16+s24+$0x0], $0xffff  }
0x56d: {  	v15 =	vor.u32 $0x19, v12  }
0x56e: {  	v16 =	vor.u32 $0x6100, v13;
	_ =	sdelay $0x3  }
0x56f: {  	[tilespmem:v15+s23+$0x0] =	vst.idx.msk $0xffff, v14  }
0x570: {  	v14 =	vld.idx.msk [tilespmem:v16+s24+$0x0], $0xffff  }
0x571: {  	v15 =	vor.u32 $0x1A, v12  }
0x572: {  	v16 =	vor.u32 $0x6180, v13;
	_ =	sdelay $0x3  }
0x573: {  	[tilespmem:v15+s23+$0x0] =	vst.idx.msk $0xffff, v14  }
0x574: {  	v14 =	vld.idx.msk [tilespmem:v16+s24+$0x0], $0xffff  }
0x575: {  	v15 =	vor.u32 $0x1B, v12  }
0x576: {  	v16 =	vor.u32 $0x6200, v13;
	_ =	sdelay $0x3  }
0x577: {  	[tilespmem:v15+s23+$0x0] =	vst.idx.msk $0xffff, v14  }
0x578: {  	v14 =	vld.idx.msk [tilespmem:v16+s24+$0x0], $0xffff  }
0x579: {  	v15 =	vor.u32 $0x1C, v12  }
0x57a: {  	v16 =	vor.u32 $0x6280, v13;
	_ =	sdelay $0x3  }
0x57b: {  	[tilespmem:v15+s23+$0x0] =	vst.idx.msk $0xffff, v14  }
0x57c: {  	v14 =	vld.idx.msk [tilespmem:v16+s24+$0x0], $0xffff  }
0x57d: {  	v15 =	vor.u32 $0x1D, v12  }
0x57e: {  	v16 =	vor.u32 $0x6300, v13;
	_ =	sdelay $0x3  }
0x57f: {  	[tilespmem:v15+s23+$0x0] =	vst.idx.msk $0xffff, v14  }
0x580: {  	v14 =	vld.idx.msk [tilespmem:v16+s24+$0x0], $0xffff  }
0x581: {  	v15 =	vor.u32 $0x1E, v12  }
0x582: {  	v13 =	vor.u32 $0x6380, v13;
	_ =	sdelay $0x1  }
.Ltmp14:
0x583: {  	(pc) =	sbr.rel @p0 .LBB2_31-.Ltmp14, $4  }
0x584: {  	_ = 	snop  }
0x585: {  	[tilespmem:v15+s23+$0x0] =	vst.idx.msk $0xffff, v14  }
0x586: {  	v13 =	vld.idx.msk [tilespmem:v13+s24+$0x0], $0xffff  }
0x587: {  	v12 =	vor.u32 $0x1F, v12  }
0x588: {  	s0 =	sadd.s32 $0x1, s0  }
0x589: {  	p0 =	sne.s32 s0, $0xF  }
.Ltmp15:
0x58a: {  	_ = 	snop;
	(pc) =	sbr.rel @p0 .LBB2_28-.Ltmp15, $2  }
0x58b: {  	_ =	sdelay $0x2  }
0x58c: {  	s5 =	sadd.s32 $0x100, s5;
	s4 =	sadd.s32 $0x100, s4;
	[tilespmem:v12+s23+$0x0] =	vst.idx.msk $0xffff, v13  }
0x58d: {  	_ =	swait.ge [sflag:s29], $0x4000  }
0x58e: {  	[sflag:s29] =	ssyncset.done $0x0  }
0x58f: {  	s0 =	simm.s32 $0x0;
	[sflag:s29] =	ssyncadd.s32 $0xFFFFC000  }
0x590: {  	v11 =	vld [tilespmem:s0+$0x1F000];
	_ =	sdelay $0x4  }
0x591: {  	v12 =	vshll.u32 v11, $0x3  }
0x592: {  	v13 =	vand.u32 $0x7F, v11;
	v12 =	vand.u32 $0x1C00, v12  }
0x593: {  	v12 =	vor.u32 v13, v12;
	_ =	sdelay $0x2  }
0x594: {  	v11 =	vshra.s32 v11, $0x3  }
0x595: {  	v11 =	vand.u32 $0xFFFFFF80, v11  }
0x596: {  	v14 =	vor.u32 $0x10, v11;
	v13 =	vld.idx.msk [tilespmem:v12+s24+$0x0], $0xffff  }
0x597: {  	v15 =	vor.u32 $0x80, v12;
	_ =	sdelay $0x3  }
0x598: {  	[tilespmem:v14+s23+$0x0] =	vst.idx.msk $0xffff, v13  }
0x599: {  	v14 =	vor.u32 $0x11, v11;
	v13 =	vld.idx.msk [tilespmem:v15+s24+$0x0], $0xffff  }
0x59a: {  	v15 =	vor.u32 $0x100, v12;
	_ =	sdelay $0x3  }
0x59b: {  	[tilespmem:v14+s23+$0x0] =	vst.idx.msk $0xffff, v13  }
0x59c: {  	v14 =	vor.u32 $0x12, v11;
	v13 =	vld.idx.msk [tilespmem:v15+s24+$0x0], $0xffff  }
0x59d: {  	v15 =	vor.u32 $0x180, v12;
	_ =	sdelay $0x3  }
0x59e: {  	[tilespmem:v14+s23+$0x0] =	vst.idx.msk $0xffff, v13  }
0x59f: {  	v14 =	vor.u32 $0x13, v11;
	v13 =	vld.idx.msk [tilespmem:v15+s24+$0x0], $0xffff  }
0x5a0: {  	v15 =	vor.u32 $0x200, v12;
	_ =	sdelay $0x3  }
0x5a1: {  	[tilespmem:v14+s23+$0x0] =	vst.idx.msk $0xffff, v13  }
0x5a2: {  	v14 =	vor.u32 $0x14, v11;
	v13 =	vld.idx.msk [tilespmem:v15+s24+$0x0], $0xffff  }
0x5a3: {  	v15 =	vor.u32 $0x280, v12;
	_ =	sdelay $0x3  }
0x5a4: {  	[tilespmem:v14+s23+$0x0] =	vst.idx.msk $0xffff, v13  }
0x5a5: {  	v14 =	vor.u32 $0x15, v11;
	v13 =	vld.idx.msk [tilespmem:v15+s24+$0x0], $0xffff  }
0x5a6: {  	v15 =	vor.u32 $0x300, v12;
	_ =	sdelay $0x3  }
0x5a7: {  	[tilespmem:v14+s23+$0x0] =	vst.idx.msk $0xffff, v13  }
0x5a8: {  	v14 =	vor.u32 $0x16, v11;
	v13 =	vld.idx.msk [tilespmem:v15+s24+$0x0], $0xffff  }
0x5a9: {  	v15 =	vor.u32 $0x380, v12;
	_ =	sdelay $0x3  }
0x5aa: {  	[tilespmem:v14+s23+$0x0] =	vst.idx.msk $0xffff, v13  }
0x5ab: {  	v14 =	vor.u32 $0x17, v11;
	v13 =	vld.idx.msk [tilespmem:v15+s24+$0x0], $0xffff  }
0x5ac: {  	v15 =	vor.u32 $0x2000, v12;
	_ =	sdelay $0x3  }
0x5ad: {  	[tilespmem:v14+s23+$0x0] =	vst.idx.msk $0xffff, v13  }
0x5ae: {  	v14 =	vor.u32 $0x18, v11;
	v13 =	vld.idx.msk [tilespmem:v15+s24+$0x0], $0xffff  }
0x5af: {  	v15 =	vor.u32 $0x2080, v12;
	_ =	sdelay $0x3  }
0x5b0: {  	[tilespmem:v14+s23+$0x0] =	vst.idx.msk $0xffff, v13  }
0x5b1: {  	v14 =	vor.u32 $0x19, v11;
	v13 =	vld.idx.msk [tilespmem:v15+s24+$0x0], $0xffff  }
0x5b2: {  	v15 =	vor.u32 $0x2100, v12;
	_ =	sdelay $0x3  }
0x5b3: {  	[tilespmem:v14+s23+$0x0] =	vst.idx.msk $0xffff, v13  }
0x5b4: {  	v14 =	vor.u32 $0x1A, v11;
	v13 =	vld.idx.msk [tilespmem:v15+s24+$0x0], $0xffff  }
0x5b5: {  	v15 =	vor.u32 $0x2180, v12;
	_ =	sdelay $0x3  }
0x5b6: {  	[tilespmem:v14+s23+$0x0] =	vst.idx.msk $0xffff, v13  }
0x5b7: {  	v14 =	vor.u32 $0x1B, v11;
	v13 =	vld.idx.msk [tilespmem:v15+s24+$0x0], $0xffff  }
0x5b8: {  	v15 =	vor.u32 $0x2200, v12;
	_ =	sdelay $0x3  }
0x5b9: {  	[tilespmem:v14+s23+$0x0] =	vst.idx.msk $0xffff, v13  }
0x5ba: {  	v14 =	vor.u32 $0x1C, v11;
	v13 =	vld.idx.msk [tilespmem:v15+s24+$0x0], $0xffff  }
0x5bb: {  	v15 =	vor.u32 $0x2280, v12;
	_ =	sdelay $0x3  }
0x5bc: {  	[tilespmem:v14+s23+$0x0] =	vst.idx.msk $0xffff, v13  }
0x5bd: {  	v14 =	vor.u32 $0x1D, v11;
	v13 =	vld.idx.msk [tilespmem:v15+s24+$0x0], $0xffff  }
0x5be: {  	v15 =	vor.u32 $0x2300, v12;
	_ =	sdelay $0x3  }
0x5bf: {  	[tilespmem:v14+s23+$0x0] =	vst.idx.msk $0xffff, v13  }
0x5c0: {  	v14 =	vor.u32 $0x1E, v11;
	v13 =	vld.idx.msk [tilespmem:v15+s24+$0x0], $0xffff  }
0x5c1: {  	v12 =	vor.u32 $0x2380, v12;
	_ =	sdelay $0x3  }
0x5c2: {  	[tilespmem:v14+s23+$0x0] =	vst.idx.msk $0xffff, v13  }
0x5c3: {  	s0 =	simm.s32 $0x40;
	v11 =	vor.u32 $0x1F, v11;
	v12 =	vld.idx.msk [tilespmem:v12+s24+$0x0], $0xffff  }
.LBB2_34:
0x5c4: {  	_ =	sdelay $0x3  }
0x5c5: {  	p0 =	sne.s32 s0, $0x80;
	s4 =	smov.u32 s0;
	s0 =	sadd.s32 $0x40, s0;
	[tilespmem:v11+s23+$0x0] =	vst.idx.msk $0xffff, v12  }
0x5c6: {  	s4 =	sshra.s32 s4, $0x2  }
0x5c7: {  	v11 =	vld [tilespmem:s4+$0x1F000];
	_ =	sdelay $0x4  }
0x5c8: {  	v12 =	vshll.u32 v11, $0x3;
	v13 =	vshra.s32 v11, $0x3  }
0x5c9: {  	v14 =	vand.u32 $0x7F, v11;
	v12 =	vand.u32 $0x1C00, v12;
	v11 =	vand.u32 $0xFFFFFF80, v13  }
0x5ca: {  	v12 =	vor.u32 v14, v12;
	_ =	sdelay $0x4  }
0x5cb: {  	v13 =	vld.idx.msk [tilespmem:v12+s24+$0x0], $0xffff  }
0x5cc: {  	v14 =	vor.u32 $0x10, v11  }
0x5cd: {  	v15 =	vor.u32 $0x80, v12;
	_ =	sdelay $0x3  }
0x5ce: {  	[tilespmem:v14+s23+$0x0] =	vst.idx.msk $0xffff, v13  }
0x5cf: {  	v13 =	vld.idx.msk [tilespmem:v15+s24+$0x0], $0xffff  }
0x5d0: {  	v14 =	vor.u32 $0x11, v11  }
0x5d1: {  	v15 =	vor.u32 $0x100, v12;
	_ =	sdelay $0x3  }
0x5d2: {  	[tilespmem:v14+s23+$0x0] =	vst.idx.msk $0xffff, v13  }
0x5d3: {  	v13 =	vld.idx.msk [tilespmem:v15+s24+$0x0], $0xffff  }
0x5d4: {  	v14 =	vor.u32 $0x12, v11  }
0x5d5: {  	v15 =	vor.u32 $0x180, v12;
	_ =	sdelay $0x3  }
0x5d6: {  	[tilespmem:v14+s23+$0x0] =	vst.idx.msk $0xffff, v13  }
0x5d7: {  	v13 =	vld.idx.msk [tilespmem:v15+s24+$0x0], $0xffff  }
0x5d8: {  	v14 =	vor.u32 $0x13, v11  }
0x5d9: {  	v15 =	vor.u32 $0x200, v12;
	_ =	sdelay $0x3  }
0x5da: {  	[tilespmem:v14+s23+$0x0] =	vst.idx.msk $0xffff, v13  }
0x5db: {  	v13 =	vld.idx.msk [tilespmem:v15+s24+$0x0], $0xffff  }
0x5dc: {  	v14 =	vor.u32 $0x14, v11  }
0x5dd: {  	v15 =	vor.u32 $0x280, v12;
	_ =	sdelay $0x3  }
0x5de: {  	[tilespmem:v14+s23+$0x0] =	vst.idx.msk $0xffff, v13  }
0x5df: {  	v13 =	vld.idx.msk [tilespmem:v15+s24+$0x0], $0xffff  }
0x5e0: {  	v14 =	vor.u32 $0x15, v11  }
0x5e1: {  	v15 =	vor.u32 $0x300, v12;
	_ =	sdelay $0x3  }
0x5e2: {  	[tilespmem:v14+s23+$0x0] =	vst.idx.msk $0xffff, v13  }
0x5e3: {  	v13 =	vld.idx.msk [tilespmem:v15+s24+$0x0], $0xffff  }
0x5e4: {  	v14 =	vor.u32 $0x16, v11  }
0x5e5: {  	v15 =	vor.u32 $0x380, v12;
	_ =	sdelay $0x3  }
0x5e6: {  	[tilespmem:v14+s23+$0x0] =	vst.idx.msk $0xffff, v13  }
0x5e7: {  	v13 =	vld.idx.msk [tilespmem:v15+s24+$0x0], $0xffff  }
0x5e8: {  	v14 =	vor.u32 $0x17, v11  }
0x5e9: {  	v15 =	vor.u32 $0x2000, v12;
	_ =	sdelay $0x3  }
0x5ea: {  	[tilespmem:v14+s23+$0x0] =	vst.idx.msk $0xffff, v13  }
0x5eb: {  	v13 =	vld.idx.msk [tilespmem:v15+s24+$0x0], $0xffff  }
0x5ec: {  	v14 =	vor.u32 $0x18, v11  }
0x5ed: {  	v15 =	vor.u32 $0x2080, v12;
	_ =	sdelay $0x3  }
0x5ee: {  	[tilespmem:v14+s23+$0x0] =	vst.idx.msk $0xffff, v13  }
0x5ef: {  	v13 =	vld.idx.msk [tilespmem:v15+s24+$0x0], $0xffff  }
0x5f0: {  	v14 =	vor.u32 $0x19, v11  }
0x5f1: {  	v15 =	vor.u32 $0x2100, v12;
	_ =	sdelay $0x3  }
0x5f2: {  	[tilespmem:v14+s23+$0x0] =	vst.idx.msk $0xffff, v13  }
0x5f3: {  	v13 =	vld.idx.msk [tilespmem:v15+s24+$0x0], $0xffff  }
0x5f4: {  	v14 =	vor.u32 $0x1A, v11  }
0x5f5: {  	v15 =	vor.u32 $0x2180, v12;
	_ =	sdelay $0x3  }
0x5f6: {  	[tilespmem:v14+s23+$0x0] =	vst.idx.msk $0xffff, v13  }
0x5f7: {  	v13 =	vld.idx.msk [tilespmem:v15+s24+$0x0], $0xffff  }
0x5f8: {  	v14 =	vor.u32 $0x1B, v11  }
0x5f9: {  	v15 =	vor.u32 $0x2200, v12;
	_ =	sdelay $0x3  }
0x5fa: {  	[tilespmem:v14+s23+$0x0] =	vst.idx.msk $0xffff, v13  }
0x5fb: {  	v13 =	vld.idx.msk [tilespmem:v15+s24+$0x0], $0xffff  }
0x5fc: {  	v14 =	vor.u32 $0x1C, v11  }
0x5fd: {  	v15 =	vor.u32 $0x2280, v12;
	_ =	sdelay $0x3  }
0x5fe: {  	[tilespmem:v14+s23+$0x0] =	vst.idx.msk $0xffff, v13  }
0x5ff: {  	v13 =	vld.idx.msk [tilespmem:v15+s24+$0x0], $0xffff  }
0x600: {  	v14 =	vor.u32 $0x1D, v11  }
0x601: {  	v15 =	vor.u32 $0x2300, v12;
	_ =	sdelay $0x3  }
0x602: {  	[tilespmem:v14+s23+$0x0] =	vst.idx.msk $0xffff, v13  }
0x603: {  	v13 =	vld.idx.msk [tilespmem:v15+s24+$0x0], $0xffff  }
0x604: {  	v14 =	vor.u32 $0x1E, v11  }
0x605: {  	v12 =	vor.u32 $0x2380, v12;
	_ =	sdelay $0x1  }
.Ltmp16:
0x606: {  	(pc) =	sbr.rel @p0 .LBB2_34-.Ltmp16, $4  }
0x607: {  	_ = 	snop  }
0x608: {  	[tilespmem:v14+s23+$0x0] =	vst.idx.msk $0xffff, v13  }
0x609: {  	v12 =	vld.idx.msk [tilespmem:v12+s24+$0x0], $0xffff  }
0x60a: {  	v11 =	vor.u32 $0x1F, v11  }
0x60b: {  	_ =	sdelay $0x3  }
0x60c: {  	[tilespmem:v11+s23+$0x0] =	vst.idx.msk $0xffff, v12  }
0x60d: {  	[hbm4b:s8+s31] =	stream.indirect.scatter [tilespmem:s23], [sflag:$0x1], $0x80, s20, s31, $0xb8;
	[tilespmem:$0x1F100] =	vst v63  }
0x60e: {  	s0 =	simm.s32 $0xB00;
	s4 =	simm.s32 $0xE100  }
0x60f: {  	[hbm4b:s8+s31] =	stream.indirect.scatter [tilespmem:s4], [sflag:$0x1], $0x80, s0, s31, $0xb8;
	[tilespmem:$0x1F100] =	vst v63  }
0x610: {  	s11 =	simm.s32 $0xB80;
	s13 =	simm.s32 $0x12100  }
0x611: {  	[hbm4b:s8+s31] =	stream.indirect.scatter [tilespmem:s13], [sflag:$0x1], $0x80, s11, s31, $0xb8;
	[tilespmem:$0x1F100] =	vst v63  }
0x612: {  	s5 =	simm.s32 $0xC00;
	s7 =	simm.s32 $0x16100  }
0x613: {  	[hbm4b:s8+s31] =	stream.indirect.scatter [tilespmem:s7], [sflag:$0x1], $0x80, s5, s31, $0xb8;
	[tilespmem:$0x1F100] =	vst v63  }
0x614: {  	s11 =	simm.s32 $0xC80;
	s13 =	simm.s32 $0x1A100  }
0x615: {  	[hbm4b:s8+s31] =	stream.indirect.scatter [tilespmem:s13], [sflag:$0x1], $0x80, s11, s31, $0xb8;
	[tilespmem:$0x1F100] =	vst v63  }
0x616: {  	_ =	swait.ge [sflag:s29], $0x4000  }
0x617: {  	[sflag:s29] =	ssyncset.done $0x0  }
0x618: {  	[sflag:s29] =	ssyncadd.s32 $0xFFFFC000  }
0x619: {  	_ =	swait.ge [sflag:s29], $0x4000  }
0x61a: {  	[sflag:s29] =	ssyncset.done $0x0  }
0x61b: {  	[sflag:s29] =	ssyncadd.s32 $0xFFFFC000  }
0x61c: {  	_ =	swait.ge [sflag:s29], $0x4000  }
0x61d: {  	[sflag:s29] =	ssyncset.done $0x0  }
0x61e: {  	s6 =	sadd.s32 $0x1, s6;
	[sflag:s29] =	ssyncadd.s32 $0xFFFFC000  }
0x61f: {  	p0 =	sne.s32 s6, s16;
	_ =	swait.ge [sflag:s29], $0x4000  }
.Ltmp17:
0x620: {  	[sflag:s29] =	ssyncset.done $0x0;
	(pc) =	sbr.rel @p0 .LBB2_1-.Ltmp17, $4  }
0x621: {  	[sflag:s29] =	ssyncadd.s32 $0xFFFFC000  }
0x622: {  	_ =	swait.ge [sflag:s29], $0x4000  }
0x623: {  	[sflag:s29] =	ssyncset.done $0x0  }
0x624: {  	[sflag:s29] =	ssyncadd.s32 $0xFFFFC000  }
0x625: {  	_ =	sfence.sel $0x180000  }
0x626: {  	[bflag:$0x0] =	sbarrier.arrive $0xFFFF  }
0x627: {  	_ =	strace $0x90000047  }
0x628: {  	s0 =	stileid.u32;
	[bflag:$0x2] =	sbarrier.arrive $0xFFFF  }
0x629: {  	p0 =	sne.s32 s0, $0x0;
	s0 =	rddreg [dreg:$0x5]  }
0x62a: {  	s0 =	sadd.s32 @!p0 $0x100000, s0  }
0x62b: {  	[sflag:s0] =	ssyncadd.tile.s32 @!p0 $0x1;
	_ =	shalt  }
.Lfunc_end2:
_tile_overlayer_lowered:
.L_overlay_start_2:
0x62c: {  	(tag) =	ssettag $0x2  }
0x62d: {  	s0 =	rddreg [dreg:$0x0];
	s2 =	stileid.u32  }
0x62e: {  	s1 =	rddreg [dreg:$0x1];
	p0 =	sne.s32 s2, $0x0  }
0x62f: {  	s3 =	rddreg [dreg:$0x2];
	[bflag:$0x3] =	sbarrier.arrive $0xFFFF;
	s2 =	simm.s32 @!p0 $0x1C03  }
0x630: {  	[timem:s3], [sflag:s2] =	dma.local @!p0 [hbm:s0], s1  }
0x631: {  	s0 =	simm.s32 @!p0 $0x3  }
0x632: {  	_ =	swait.ge @!p0 [sflag:s0], s1  }
0x633: {  	s1 =	ssub.s32 @!p0 $0x0, s1;
	[sflag:s0] =	ssyncset.done @!p0 $0x0  }
0x634: {  	[sflag:s0] =	ssyncadd.s32 @!p0 s1  }
0x635: {  	[bflag:$0x3] =	sbarrier.arrive $0xFFFF  }
0x636: {  	_ =	shalt  }

</sc_bundles>
